<compile_context>
chip_gen: v7x
topology: tpu7x:2x2x1
jax: 0.10.2.dev20260603
libtpu: 0.0.44.dev20260713+nightly
codegen_flags: <defaults>
</compile_context>

<pallas_src>
import functools

import jax
import jax.numpy as jnp
from jax import lax
from jax.experimental import pallas as pl
from jax.experimental.pallas import tpu as pltpu
from jax.experimental.pallas import tpu_sc as plsc

INST = 32
THR = 0.01


_S = 72
_PW = 66 * _S + 2


def _conv_body(x, w1, w2, b1, b2, o, xp):
    xb = x[0].astype(jnp.bfloat16)
    xp[...] = jnp.zeros((256, _PW), jnp.bfloat16)
    for y in range(64):
        xp[:, pl.ds((y + 1) * _S + 1, 64)] = xb[:, y * 64:(y + 1) * 64]
    acc = None
    for dy in range(3):
        for dx in range(3):
            w = w1[pl.ds((dy * 3 + dx) * 512, 512), :]
            xs = xp[:, pl.ds(dy * _S + dx, 64 * _S)]
            t = lax.dot_general(w, xs, (((1,), (0,)), ((), ())),
                                preferred_element_type=jnp.float32)
            acc = t if acc is None else acc + t
    r = jnp.maximum(acc + b1[...], 0.0).astype(jnp.bfloat16)
    logits = lax.dot_general(w2[...], r, (((1,), (0,)), ((), ())),
                             preferred_element_type=jnp.float32) + b2[...]
    o[0] = jax.nn.sigmoid(logits)


def _conv_heads(x, w1, w2, b1, b2, B):
    return pl.pallas_call(
        _conv_body,
        grid=(B,),
        in_specs=[
            pl.BlockSpec((1, 256, 4096), lambda b: (b, 0, 0)),
            pl.BlockSpec((9 * 512, 256), lambda b: (0, 0)),
            pl.BlockSpec((8, 512), lambda b: (0, 0)),
            pl.BlockSpec((512, 1), lambda b: (0, 0)),
            pl.BlockSpec((8, 1), lambda b: (0, 0)),
        ],
        out_specs=pl.BlockSpec((1, 8, 64 * _S), lambda b: (b, 0, 0)),
        out_shape=jax.ShapeDtypeStruct((B, 8, 64 * _S), jnp.float32),
        scratch_shapes=[pltpu.VMEM((256, _PW), jnp.bfloat16)],
    )(x, w1, w2, b1, b2)


def _sc_tail(out):
    B = out.shape[0] // 8
    W = 64
    S = 72
    CAP = 8 * W + 16
    MX = 64 * W + 16
    mesh = plsc.VectorSubcoreMesh(core_axis_name="c", subcore_axis_name="s")

    @functools.partial(
        pl.kernel,
        out_type=[jax.ShapeDtypeStruct((B, INST), jnp.float32),
                  jax.ShapeDtypeStruct((B, 2 * INST), jnp.float32),
                  jax.ShapeDtypeStruct((4 * 8, CAP), jnp.float32),
                  jax.ShapeDtypeStruct((4 * 8, CAP), jnp.int32),
                  jax.ShapeDtypeStruct((4 * 8, 16), jnp.int32)],
        mesh=mesh,
        compiler_params=pltpu.CompilerParams(needs_layout_passes=False),
        scratch_types=[
            pltpu.VMEM((4608,), jnp.float32),
            pltpu.VMEM((8 * W,), jnp.float32),
            pltpu.VMEM((CAP,), jnp.float32),
            pltpu.VMEM((CAP,), jnp.int32),
            pltpu.VMEM((16,), jnp.int32),
            pltpu.VMEM((8, CAP), jnp.float32),
            pltpu.VMEM((8, CAP), jnp.int32),
            pltpu.VMEM((8, 16), jnp.int32),
            pltpu.VMEM((MX,), jnp.float32),
            pltpu.VMEM((MX,), jnp.int32),
            pltpu.VMEM((4608,), jnp.float32),
            pltpu.VMEM((4608,), jnp.float32),
            pltpu.VMEM((16,), jnp.float32),
            pltpu.VMEM((16,), jnp.int32),
            pltpu.VMEM((16,), jnp.int32),
            pltpu.VMEM((INST,), jnp.float32),
            pltpu.VMEM((INST,), jnp.int32),
            pltpu.VMEM((INST,), jnp.float32),
            pltpu.VMEM((2 * INST,), jnp.float32),
        ],
    )
    def tail(out_h, conf_h, pp_h, shs, shp, shc,
             hm_v, vm_v, cs_v, cp_v, cnt_v, ms_v, mp_v, cnts_v, gs_v, gp_v,
             o0_v, o1_v, bfv_v, bfp_v, bfs_v, wv_v, wp_v, conf_v, pp_v):
        c = lax.axis_index("c")
        s = lax.axis_index("s")
        b = c * 2 + s // 8
        t = s % 8
        li = s // 8
        lanes = lax.iota(jnp.int32, 16)

        y0 = t * 8
        pltpu.sync_copy(out_h.at[b * 8], hm_v)

        for r in range(8):
            y = y0 + r
            up = jnp.where(y == 0, y, y - 1)
            dn = jnp.where(y == 63, y, y + 1)
            for j in range(4):
                o = j * 16
                v = jnp.maximum(hm_v[pl.ds(up * S + o, 16)],
                                hm_v[pl.ds(y * S + o, 16)])
                vm_v[pl.ds(r * W + o, 16)] = jnp.maximum(
                    v, hm_v[pl.ds(dn * S + o, 16)])

        nl = 0
        for r in range(8):
            lr = y0 + r
            row = r * W
            for j in range(4):
                o = j * 16
                sv = hm_v[pl.ds(lr * S + o, 16)]
                cv = vm_v[pl.ds(row + o, 16)]
                xidx = row + o + lanes
                left = plsc.load_gather(vm_v, [jnp.maximum(xidx - 1, row)])
                right = plsc.load_gather(
                    vm_v, [jnp.minimum(xidx + 1, row + W - 1)])
                hmax = jnp.maximum(jnp.maximum(left, cv), right)
                pk = (sv == hmax) & (sv > THR)
                pix = (y0 + r) * W + o + lanes
                plsc.store_compressed(cs_v.at[pl.ds(nl, 16)], sv, mask=pk)
                plsc.store_compressed(cp_v.at[pl.ds(nl, 16)], pix, mask=pk)
                nl = nl + plsc.all_reduce_population_count(pk)[0]

        cnt_v[...] = jnp.zeros((16,), jnp.int32) + nl
        gt = b * 8 + t
        pltpu.sync_copy(cs_v, shs.at[gt])
        pltpu.sync_copy(cp_v, shp.at[gt])
        pltpu.sync_copy(cnt_v, shc.at[gt])
        plsc.subcore_barrier()

        @pl.when(t == 0)
        def _():
            pltpu.sync_copy(out_h.at[b * 8 + 1], o0_v)
            pltpu.sync_copy(out_h.at[b * 8 + 2], o1_v)

            pltpu.sync_copy(shc.at[pl.ds(b * 8, 8)], cnts_v)
            pltpu.sync_copy(shs.at[pl.ds(b * 8, 8)], ms_v)
            pltpu.sync_copy(shp.at[pl.ds(b * 8, 8)], mp_v)
            n = 0
            for t2 in range(8):
                ct = cnts_v[t2, pl.ds(0, 16)][0]

                def mblk(bi, nn):
                    rem = ct - bi * 16
                    msk = lanes < rem
                    plsc.store_compressed(gs_v.at[pl.ds(nn, 16)],
                                          ms_v[t2, pl.ds(bi * 16, 16)],
                                          mask=msk)
                    plsc.store_compressed(gp_v.at[pl.ds(nn, 16)],
                                          mp_v[t2, pl.ds(bi * 16, 16)],
                                          mask=msk)
                    return nn + jnp.minimum(rem, 16)
                n = lax.fori_loop(0, (ct + 15) // 16, mblk, n)

            gs_v[pl.ds(n, 16)] = jnp.zeros((16,), jnp.float32)

            nb = (n + 15) // 16
            big = jnp.full((16,), 1 << 30, jnp.int32)

            def pick(kk, carry):
                def scan_block(bi, st):
                    bv, bp, bs = st
                    v = gs_v[pl.ds(bi * 16, 16)]
                    pix = gp_v[pl.ds(bi * 16, 16)]
                    slot = bi * 16 + lanes
                    better = (v > bv) | ((v == bv) & (pix < bp))
                    return (jnp.where(better, v, bv),
                            jnp.where(better, pix, bp),
                            jnp.where(better, slot, bs))
                bv, bp, bs = lax.fori_loop(
                    0, nb, scan_block,
                    (jnp.zeros((16,), jnp.float32), big,
                     jnp.zeros((16,), jnp.int32)))
                for sh in (8, 4, 2, 1):
                    bfv_v[...] = bv
                    bfp_v[...] = bp
                    bfs_v[...] = bs
                    pidx = lanes ^ sh
                    ov = plsc.load_gather(bfv_v, [pidx])
                    op = plsc.load_gather(bfp_v, [pidx])
                    osl = plsc.load_gather(bfs_v, [pidx])
                    better = (ov > bv) | ((ov == bv) & (op < bp))
                    bv = jnp.where(better, ov, bv)
                    bp = jnp.where(better, op, bp)
                    bs = jnp.where(better, osl, bs)
                lane0 = lanes == 0
                kvec = jnp.zeros((16,), jnp.int32) + kk
                plsc.store_scatter(wv_v, [kvec], bv, mask=lane0)
                plsc.store_scatter(wp_v, [kvec], bp, mask=lane0)
                plsc.store_scatter(gs_v, [bs],
                                   jnp.zeros((16,), jnp.float32), mask=lane0)
                return carry
            lax.fori_loop(0, INST, pick, 0)

            for h in range(2):
                wv = wv_v[pl.ds(h * 16, 16)]
                wp = wp_v[pl.ds(h * 16, 16)]
                valid = wv > 0.0
                pix = jnp.where(valid, wp, 0)
                ysi = pix // W
                q = pix + ysi * (S - W)
                ysf = ysi.astype(jnp.float32)
                xsf = (pix - ysi * W).astype(jnp.float32)
                g0 = plsc.load_gather(o0_v, [q])
                g1 = plsc.load_gather(o1_v, [q])
                conf_v[pl.ds(h * 16, 16)] = wv
                ei = (h * 16 + lanes) * 2
                plsc.store_scatter(pp_v, [ei], (ysf + g0) / 63.0)
                plsc.store_scatter(pp_v, [ei + 1], (xsf + g1) / 63.0)

            pltpu.sync_copy(conf_v, conf_h.at[b])
            pltpu.sync_copy(pp_v, pp_h.at[b])

    return tail(out)[:2]


def kernel(features, W1h, b1h, W2h, b2h, W1o, b1o, W2o, b2o):
    B, C, H, W = features.shape
    HEAD = W1h.shape[0]
    x = features.reshape(B, C, H * W)
    w1 = jnp.concatenate([W1h, W1o], axis=0).transpose(2, 3, 0, 1) \
        .reshape(9 * 2 * HEAD, C).astype(jnp.bfloat16)
    w2 = jnp.zeros((8, 2 * HEAD), jnp.float32)
    w2 = w2.at[0, :HEAD].set(W2h.reshape(HEAD))
    w2 = w2.at[1, HEAD:].set(W2o.reshape(2, HEAD)[0])
    w2 = w2.at[2, HEAD:].set(W2o.reshape(2, HEAD)[1]).astype(jnp.bfloat16)
    b1 = jnp.concatenate([b1h, b1o]).reshape(2 * HEAD, 1)
    b2 = jnp.zeros((8, 1), jnp.float32).at[0, 0].set(b2h[0]) \
        .at[1, 0].set(b2o[0]).at[2, 0].set(b2o[1])

    out = _conv_heads(x, w1, w2, b1, b2, B)
    outs = out.reshape(B, 8, H, _S)[:, :, :, :W]

    pred_hm = outs[:, 0:1]
    pred_offset = outs[:, 1:3]

    conf, pp = _sc_tail(out.reshape(B * 8, 64 * _S))
    return pred_hm, pred_offset, conf, pp.reshape(B, INST, 2)

# --- scband reference (transcript-rebuilt; emitter-appended) ---
"""Pipeline reference for scband-heatmap-detector-36326833390193 (READ-ONLY COPY).

The authoritative reference and input builder live on the scoring server;
editing this copy changes nothing except your own understanding.
"""

import jax, jax.numpy as jnp
import numpy as np

INST_NUM = 32
SCORE_THRESHOLD = 0.01
PRIOR_PROB = 0.01


def conv2d(x, w, b):
    out = jax.lax.conv_general_dilated(
        x, w, window_strides=(1, 1), padding='SAME',
        dimension_numbers=('NCHW', 'OIHW', 'NCHW'))
    return out + b[None, :, None, None]


def maxpool3x3(x):
    return jax.lax.reduce_window(
        x, -jnp.inf, jax.lax.max,
        window_dimensions=(1, 1, 3, 3), window_strides=(1, 1, 1, 1),
        padding=[(0, 0), (0, 0), (1, 1), (1, 1)])


def setup_inputs(seed: int = 0) -> dict:
    key = jax.random.key(seed)
    ks = [jax.random.fold_in(key, i) for i in range(10)]
    B, C, H, W = 4, 256, 64, 64
    HEAD = 256
    features = jax.random.normal(ks[0], (B, C, H, W), dtype=jnp.float32)
    # hm head: ReLUBlock (3x3 conv + ReLU) -> FocalConv (1x1, focal bias init) -> sigmoid
    W1h = jax.random.normal(ks[1], (HEAD, C, 3, 3), dtype=jnp.float32) * 0.02
    b1h = jnp.zeros((HEAD,), dtype=jnp.float32)
    W2h = jax.random.normal(ks[2], (1, HEAD, 1, 1), dtype=jnp.float32) * 0.05
    b2h = jnp.full((1,), -float(np.log((1.0 - PRIOR_PROB) / PRIOR_PROB)), dtype=jnp.float32)
    # offset head: ReLUBlock -> XavierConv (1x1) -> sigmoid
    W1o = jax.random.normal(ks[3], (HEAD, C, 3, 3), dtype=jnp.float32) * 0.02
    b1o = jnp.zeros((HEAD,), dtype=jnp.float32)
    W2o = jax.random.normal(ks[4], (2, HEAD, 1, 1), dtype=jnp.float32) * 0.05
    b2o = jnp.zeros((2,), dtype=jnp.float32)
    return {
        'features': features,
        'W1h': W1h, 'b1h': b1h, 'W2h': W2h, 'b2h': b2h,
        'W1o': W1o, 'b1o': b1o, 'W2o': W2o, 'b2o': b2o,
    }


def reference(features, W1h, b1h, W2h, b2h, W1o, b1o, W2o, b2o):
    B, C, H, W = features.shape
    # heads
    h = jax.nn.relu(conv2d(features, W1h, b1h))
    pred_hm = jax.nn.sigmoid(conv2d(h, W2h, b2h))  # [B,1,H,W]
    o = jax.nn.relu(conv2d(features, W1o, b1o))
    pred_offset = jax.nn.sigmoid(conv2d(o, W2o, b2o))  # [B,2,H,W]

    # extract_heatmap_peak: 3x3 max-pool NMS + threshold
    hmax = maxpool3x3(pred_hm)
    peak_mask = (pred_hm == hmax) & (pred_hm > SCORE_THRESHOLD)
    scores_flat = jnp.where(peak_mask, pred_hm, 0.0).reshape(B, H * W)

    # per-image topk over peaks (zeros pad when fewer than inst_num peaks)
    top_scr, top_idx = jax.lax.top_k(scores_flat, INST_NUM)  # [B, inst]
    valid = top_scr > 0.0
    ys = (top_idx // W).astype(jnp.float32)
    xs = (top_idx % W).astype(jnp.float32)
    peak_indices = jnp.where(valid[..., None], jnp.stack([ys, xs], axis=-1), 0.0)  # [B, inst, 2]
    bs_confidence = top_scr  # invalid entries already zero

    # gather offsets at peak locations
    sampling = (peak_indices[..., 0] * W + peak_indices[..., 1]).astype(jnp.int32)  # [B, inst]
    off_flat = pred_offset.reshape(B, 2, H * W)
    gather_idx = jnp.broadcast_to(sampling[:, None, :], (B, 2, INST_NUM))
    peak_offsets = jnp.take_along_axis(off_flat, gather_idx, axis=2)  # [B,2,inst]
    peak_offsets = jnp.transpose(peak_offsets, (0, 2, 1))  # [B,inst,2]

    peak_point = peak_indices + peak_offsets
    norm = jnp.array([H - 1, W - 1], dtype=jnp.float32)
    peak_point = peak_point / norm

    return pred_hm, pred_offset, bs_confidence, peak_point

if __name__ == "__main__":
    import jax
    _d = setup_inputs()
    print(jax.jit(kernel)(*tuple(_d.values())))

</pallas_src>

<mosaic_0001>
#map = affine_map<(d0, d1) -> (0, 0)>
module attributes {stable_mosaic.version = 14 : i64} {
  func.func @tail(%arg0: i32, %arg1: i32, %arg2: memref<32x4608xf32, #tpu.memory_space<hbm>>, %arg3: memref<4x32xf32, #tpu.memory_space<hbm>>, %arg4: memref<4x64xf32, #tpu.memory_space<hbm>>, %arg5: memref<32x528xf32, #tpu.memory_space<hbm>>, %arg6: memref<32x528xi32, #tpu.memory_space<hbm>>, %arg7: memref<32x16xi32, #tpu.memory_space<hbm>>, %arg8: memref<4608xf32, #tpu.memory_space<vmem>>, %arg9: memref<512xf32, #tpu.memory_space<vmem>>, %arg10: memref<528xf32, #tpu.memory_space<vmem>>, %arg11: memref<528xi32, #tpu.memory_space<vmem>>, %arg12: memref<16xi32, #tpu.memory_space<vmem>>, %arg13: memref<8x528xf32, #tpu.memory_space<vmem>>, %arg14: memref<8x528xi32, #tpu.memory_space<vmem>>, %arg15: memref<8x16xi32, #tpu.memory_space<vmem>>, %arg16: memref<4112xf32, #tpu.memory_space<vmem>>, %arg17: memref<4112xi32, #tpu.memory_space<vmem>>, %arg18: memref<4608xf32, #tpu.memory_space<vmem>>, %arg19: memref<4608xf32, #tpu.memory_space<vmem>>, %arg20: memref<16xf32, #tpu.memory_space<vmem>>, %arg21: memref<16xi32, #tpu.memory_space<vmem>>, %arg22: memref<16xi32, #tpu.memory_space<vmem>>, %arg23: memref<32xf32, #tpu.memory_space<vmem>>, %arg24: memref<32xi32, #tpu.memory_space<vmem>>, %arg25: memref<32xf32, #tpu.memory_space<vmem>>, %arg26: memref<64xf32, #tpu.memory_space<vmem>>) attributes {dimension_semantics = [#tpu.dimension_semantics<core_parallel>, #tpu.dimension_semantics<subcore_parallel>], iteration_bounds = array<i64: 2, 16>, scalar_prefetch = 0 : i64, scratch_operands = 19 : i64, tpu.core_type = #tpu.core_type<sc_vector_subcore>, window_params = [{transform_indices = #map}, {transform_indices = #map}, {transform_indices = #map}, {transform_indices = #map}, {transform_indices = #map}, {transform_indices = #map}]} {
    %mul3A = arith.constant 2 : i32
    %mul3A_0 = arith.muli %arg0, %mul3A : i32
    %jit3A = arith.constant 8 : i32
    %div3A = arith.divsi %arg1, %jit3A : i32
    %sign3A = arith.constant 0 : i32
    %sign3A_1 = arith.cmpi sgt, %arg1, %sign3A : i32
    %sign3A_2 = arith.extui %sign3A_1 : i1 to i32
    %sign3A_3 = arith.constant 0 : i32
    %sign3A_4 = arith.cmpi slt, %arg1, %sign3A_3 : i32
    %sign3A_5 = arith.extui %sign3A_4 : i1 to i32
    %sign3A_6 = arith.subi %sign3A_2, %sign3A_5 : i32
    %sign3A_7 = arith.constant 0 : i32
    %sign3A_8 = arith.cmpi sgt, %jit3A, %sign3A_7 : i32
    %sign3A_9 = arith.extui %sign3A_8 : i1 to i32
    %sign3A_10 = arith.constant 0 : i32
    %sign3A_11 = arith.cmpi slt, %jit3A, %sign3A_10 : i32
    %sign3A_12 = arith.extui %sign3A_11 : i1 to i32
    %sign3A_13 = arith.subi %sign3A_9, %sign3A_12 : i32
    %ne3A = arith.cmpi ne, %sign3A_6, %sign3A_13 : i32
    %rem3A = arith.remsi %arg1, %jit3A : i32
    %ne3A_14 = arith.constant 0 : i32
    %ne3A_15 = arith.cmpi ne, %rem3A, %ne3A_14 : i32
    %and3A = arith.andi %ne3A, %ne3A_15 : i1
    %sub3A = arith.constant 1 : i32
    %sub3A_16 = arith.subi %div3A, %sub3A : i32
    %select_n3A = arith.select %and3A, %sub3A_16, %div3A : i32
    %add3A = arith.addi %mul3A_0, %select_n3A : i32
    %jit3A_17 = arith.constant 8 : i32
    %eq3A = arith.constant 0 : i32
    %eq3A_18 = arith.cmpi eq, %jit3A_17, %eq3A : i32
    %jit3A_19 = arith.constant 1 : i32
    %select_n3A_20 = arith.select %eq3A_18, %jit3A_19, %jit3A_17 : i32
    %rem3A_21 = arith.remsi %arg1, %select_n3A_20 : i32
    %ne3A_22 = arith.constant 0 : i32
    %ne3A_23 = arith.cmpi ne, %rem3A_21, %ne3A_22 : i32
    %lt3A = arith.constant 0 : i32
    %lt3A_24 = arith.cmpi slt, %rem3A_21, %lt3A : i32
    %lt3A_25 = arith.constant 0 : i32
    %lt3A_26 = arith.cmpi slt, %select_n3A_20, %lt3A_25 : i32
    %ne3A_27 = arith.xori %lt3A_24, %lt3A_26 : i1
    %and3A_28 = arith.andi %ne3A_27, %ne3A_23 : i1
    %add3A_29 = arith.addi %rem3A_21, %select_n3A_20 : i32
    %select_n3A_30 = arith.select %and3A_28, %add3A_29, %rem3A_21 : i32
    %jit3A_31 = arith.constant 8 : i32
    %div3A_32 = arith.divsi %arg1, %jit3A_31 : i32
    %sign3A_33 = arith.constant 0 : i32
    %sign3A_34 = arith.cmpi sgt, %arg1, %sign3A_33 : i32
    %sign3A_35 = arith.extui %sign3A_34 : i1 to i32
    %sign3A_36 = arith.constant 0 : i32
    %sign3A_37 = arith.cmpi slt, %arg1, %sign3A_36 : i32
    %sign3A_38 = arith.extui %sign3A_37 : i1 to i32
    %sign3A_39 = arith.subi %sign3A_35, %sign3A_38 : i32
    %sign3A_40 = arith.constant 0 : i32
    %sign3A_41 = arith.cmpi sgt, %jit3A_31, %sign3A_40 : i32
    %sign3A_42 = arith.extui %sign3A_41 : i1 to i32
    %sign3A_43 = arith.constant 0 : i32
    %sign3A_44 = arith.cmpi slt, %jit3A_31, %sign3A_43 : i32
    %sign3A_45 = arith.extui %sign3A_44 : i1 to i32
    %sign3A_46 = arith.subi %sign3A_42, %sign3A_45 : i32
    %ne3A_47 = arith.cmpi ne, %sign3A_39, %sign3A_46 : i32
    %rem3A_48 = arith.remsi %arg1, %jit3A_31 : i32
    %ne3A_49 = arith.constant 0 : i32
    %ne3A_50 = arith.cmpi ne, %rem3A_48, %ne3A_49 : i32
    %and3A_51 = arith.andi %ne3A_47, %ne3A_50 : i1
    %sub3A_52 = arith.constant 1 : i32
    %sub3A_53 = arith.subi %div3A_32, %sub3A_52 : i32
    %select_n3A_54 = arith.select %and3A_51, %sub3A_53, %div3A_32 : i32
    %iota3A = tpu.iota {dimensions = array<i32: 0>} : vector<16xi32>
    %mul3A_55 = arith.constant 8 : i32
    %mul3A_56 = arith.muli %select_n3A_30, %mul3A_55 : i32
    %mul3A_57 = arith.constant 8 : i32
    %mul3A_58 = arith.muli %add3A, %mul3A_57 : i32
    "tpu.region"() ({
      %run_scoped3A = tpu.sem_alloc : memref<!tpu.dma_semaphore, #tpu.memory_space<semaphore_mem>>
      %dma_start3A = arith.constant 0 : i32
      %dma_start3A_2414 = tpu.memref_slice %arg2[%mul3A_58, %dma_start3A] : memref<32x4608xf32, #tpu.memory_space<hbm>> -> memref<1x4608xf32, #tpu.memory_space<hbm>>
      %dma_start3A_2415 = tpu.memref_squeeze %dma_start3A_2414 : memref<1x4608xf32, #tpu.memory_space<hbm>> -> memref<4608xf32, #tpu.memory_space<hbm>>
      %dma_start3A_2416 = arith.constant 0 : i32
      %dma_start3A_2417 = tpu.memref_slice %arg2[%mul3A_58, %dma_start3A_2416] : memref<32x4608xf32, #tpu.memory_space<hbm>> -> memref<1x4608xf32, #tpu.memory_space<hbm>>
      %dma_start3A_2418 = tpu.memref_squeeze %dma_start3A_2417 : memref<1x4608xf32, #tpu.memory_space<hbm>> -> memref<4608xf32, #tpu.memory_space<hbm>>
      tpu.enqueue_dma source(%dma_start3A_2418 : memref<4608xf32, #tpu.memory_space<hbm>>) target(%arg8 : memref<4608xf32, #tpu.memory_space<vmem>>) target_semaphore(%run_scoped3A : memref<!tpu.dma_semaphore, #tpu.memory_space<semaphore_mem>>)
      %dma_wait3A = arith.constant 0 : i32
      %dma_wait3A_2419 = tpu.memref_slice %arg2[%mul3A_58, %dma_wait3A] : memref<32x4608xf32, #tpu.memory_space<hbm>> -> memref<1x4608xf32, #tpu.memory_space<hbm>>
      %dma_wait3A_2420 = tpu.memref_squeeze %dma_wait3A_2419 : memref<1x4608xf32, #tpu.memory_space<hbm>> -> memref<4608xf32, #tpu.memory_space<hbm>>
      %dma_wait3A_2421 = arith.constant 0 : i32
      %dma_wait3A_2422 = tpu.memref_slice %arg2[%mul3A_58, %dma_wait3A_2421] : memref<32x4608xf32, #tpu.memory_space<hbm>> -> memref<1x4608xf32, #tpu.memory_space<hbm>>
      %dma_wait3A_2423 = tpu.memref_squeeze %dma_wait3A_2422 : memref<1x4608xf32, #tpu.memory_space<hbm>> -> memref<4608xf32, #tpu.memory_space<hbm>>
      tpu.wait_dma2 semaphore(%run_scoped3A : memref<!tpu.dma_semaphore, #tpu.memory_space<semaphore_mem>>) src(%dma_wait3A_2423 : memref<4608xf32, #tpu.memory_space<hbm>>) dst(%arg8 : memref<4608xf32, #tpu.memory_space<vmem>>)
      tpu.yield
    }) : () -> ()
    %add3A_59 = arith.constant 0 : i32
    %add3A_60 = arith.addi %mul3A_56, %add3A_59 : i32
    %eq3A_61 = arith.constant 0 : i32
    %eq3A_62 = arith.cmpi eq, %add3A_60, %eq3A_61 : i32
    %sub3A_63 = arith.constant 1 : i32
    %sub3A_64 = arith.subi %add3A_60, %sub3A_63 : i32
    %select_n3A_65 = arith.select %eq3A_62, %add3A_60, %sub3A_64 : i32
    %eq3A_66 = arith.constant 63 : i32
    %eq3A_67 = arith.cmpi eq, %add3A_60, %eq3A_66 : i32
    %add3A_68 = arith.constant 1 : i32
    %add3A_69 = arith.addi %add3A_60, %add3A_68 : i32
    %select_n3A_70 = arith.select %eq3A_67, %add3A_60, %add3A_69 : i32
    %mul3A_71 = arith.constant 72 : i32
    %mul3A_72 = arith.muli %select_n3A_65, %mul3A_71 : i32
    %add3A_73 = arith.constant 0 : i32
    %add3A_74 = arith.addi %mul3A_72, %add3A_73 : i32
    %get3A = arith.index_cast %add3A_74 : i32 to index
    %get3A_75 = tpu.vector_load %arg8[%get3A] {strides = array<i32>} : memref<4608xf32, #tpu.memory_space<vmem>>, vector<16xf32>,
    %mul3A_76 = arith.constant 72 : i32
    %mul3A_77 = arith.muli %add3A_60, %mul3A_76 : i32
    %add3A_78 = arith.constant 0 : i32
    %add3A_79 = arith.addi %mul3A_77, %add3A_78 : i32
    %get3A_80 = arith.index_cast %add3A_79 : i32 to index
    %get3A_81 = tpu.vector_load %arg8[%get3A_80] {strides = array<i32>} : memref<4608xf32, #tpu.memory_space<vmem>>, vector<16xf32>,
    %max3A = arith.maximumf %get3A_75, %get3A_81 : vector<16xf32>
    %mul3A_82 = arith.constant 72 : i32
    %mul3A_83 = arith.muli %select_n3A_70, %mul3A_82 : i32
    %add3A_84 = arith.constant 0 : i32
    %add3A_85 = arith.addi %mul3A_83, %add3A_84 : i32
    %get3A_86 = arith.index_cast %add3A_85 : i32 to index
    %get3A_87 = tpu.vector_load %arg8[%get3A_86] {strides = array<i32>} : memref<4608xf32, #tpu.memory_space<vmem>>, vector<16xf32>,
    %max3A_88 = arith.maximumf %max3A, %get3A_87 : vector<16xf32>
    %swap3A = arith.constant 0 : index
    %swap3A_89 = tpu.vector_load %arg9[%swap3A] {strides = array<i32>} : memref<512xf32, #tpu.memory_space<vmem>>, vector<16xf32>,
    tpu.vector_store %arg9[%swap3A], %max3A_88 {strides = array<i32>} : memref<512xf32, #tpu.memory_space<vmem>>, vector<16xf32>,
    %mul3A_90 = arith.constant 72 : i32
    %mul3A_91 = arith.muli %select_n3A_65, %mul3A_90 : i32
    %add3A_92 = arith.constant 16 : i32
    %add3A_93 = arith.addi %mul3A_91, %add3A_92 : i32
    %get3A_94 = arith.index_cast %add3A_93 : i32 to index
    %get3A_95 = tpu.vector_load %arg8[%get3A_94] {strides = array<i32>} : memref<4608xf32, #tpu.memory_space<vmem>>, vector<16xf32>,
    %mul3A_96 = arith.constant 72 : i32
    %mul3A_97 = arith.muli %add3A_60, %mul3A_96 : i32
    %add3A_98 = arith.constant 16 : i32
    %add3A_99 = arith.addi %mul3A_97, %add3A_98 : i32
    %get3A_100 = arith.index_cast %add3A_99 : i32 to index
    %get3A_101 = tpu.vector_load %arg8[%get3A_100] {strides = array<i32>} : memref<4608xf32, #tpu.memory_space<vmem>>, vector<16xf32>,
    %max3A_102 = arith.maximumf %get3A_95, %get3A_101 : vector<16xf32>
    %mul3A_103 = arith.constant 72 : i32
    %mul3A_104 = arith.muli %select_n3A_70, %mul3A_103 : i32
    %add3A_105 = arith.constant 16 : i32
    %add3A_106 = arith.addi %mul3A_104, %add3A_105 : i32
    %get3A_107 = arith.index_cast %add3A_106 : i32 to index
    %get3A_108 = tpu.vector_load %arg8[%get3A_107] {strides = array<i32>} : memref<4608xf32, #tpu.memory_space<vmem>>, vector<16xf32>,
    %max3A_109 = arith.maximumf %max3A_102, %get3A_108 : vector<16xf32>
    %swap3A_110 = arith.constant 16 : index
    %swap3A_111 = tpu.vector_load %arg9[%swap3A_110] {strides = array<i32>} : memref<512xf32, #tpu.memory_space<vmem>>, vector<16xf32>,
    tpu.vector_store %arg9[%swap3A_110], %max3A_109 {strides = array<i32>} : memref<512xf32, #tpu.memory_space<vmem>>, vector<16xf32>,
    %mul3A_112 = arith.constant 72 : i32
    %mul3A_113 = arith.muli %select_n3A_65, %mul3A_112 : i32
    %add3A_114 = arith.constant 32 : i32
    %add3A_115 = arith.addi %mul3A_113, %add3A_114 : i32
    %get3A_116 = arith.index_cast %add3A_115 : i32 to index
    %get3A_117 = tpu.vector_load %arg8[%get3A_116] {strides = array<i32>} : memref<4608xf32, #tpu.memory_space<vmem>>, vector<16xf32>,
    %mul3A_118 = arith.constant 72 : i32
    %mul3A_119 = arith.muli %add3A_60, %mul3A_118 : i32
    %add3A_120 = arith.constant 32 : i32
    %add3A_121 = arith.addi %mul3A_119, %add3A_120 : i32
    %get3A_122 = arith.index_cast %add3A_121 : i32 to index
    %get3A_123 = tpu.vector_load %arg8[%get3A_122] {strides = array<i32>} : memref<4608xf32, #tpu.memory_space<vmem>>, vector<16xf32>,
    %max3A_124 = arith.maximumf %get3A_117, %get3A_123 : vector<16xf32>
    %mul3A_125 = arith.constant 72 : i32
    %mul3A_126 = arith.muli %select_n3A_70, %mul3A_125 : i32
    %add3A_127 = arith.constant 32 : i32
    %add3A_128 = arith.addi %mul3A_126, %add3A_127 : i32
    %get3A_129 = arith.index_cast %add3A_128 : i32 to index
    %get3A_130 = tpu.vector_load %arg8[%get3A_129] {strides = array<i32>} : memref<4608xf32, #tpu.memory_space<vmem>>, vector<16xf32>,
    %max3A_131 = arith.maximumf %max3A_124, %get3A_130 : vector<16xf32>
    %swap3A_132 = arith.constant 32 : index
    %swap3A_133 = tpu.vector_load %arg9[%swap3A_132] {strides = array<i32>} : memref<512xf32, #tpu.memory_space<vmem>>, vector<16xf32>,
    tpu.vector_store %arg9[%swap3A_132], %max3A_131 {strides = array<i32>} : memref<512xf32, #tpu.memory_space<vmem>>, vector<16xf32>,
    %mul3A_134 = arith.constant 72 : i32
    %mul3A_135 = arith.muli %select_n3A_65, %mul3A_134 : i32
    %add3A_136 = arith.constant 48 : i32
    %add3A_137 = arith.addi %mul3A_135, %add3A_136 : i32
    %get3A_138 = arith.index_cast %add3A_137 : i32 to index
    %get3A_139 = tpu.vector_load %arg8[%get3A_138] {strides = array<i32>} : memref<4608xf32, #tpu.memory_space<vmem>>, vector<16xf32>,
    %mul3A_140 = arith.constant 72 : i32
    %mul3A_141 = arith.muli %add3A_60, %mul3A_140 : i32
    %add3A_142 = arith.constant 48 : i32
    %add3A_143 = arith.addi %mul3A_141, %add3A_142 : i32
    %get3A_144 = arith.index_cast %add3A_143 : i32 to index
    %get3A_145 = tpu.vector_load %arg8[%get3A_144] {strides = array<i32>} : memref<4608xf32, #tpu.memory_space<vmem>>, vector<16xf32>,
    %max3A_146 = arith.maximumf %get3A_139, %get3A_145 : vector<16xf32>
    %mul3A_147 = arith.constant 72 : i32
    %mul3A_148 = arith.muli %select_n3A_70, %mul3A_147 : i32
    %add3A_149 = arith.constant 48 : i32
    %add3A_150 = arith.addi %mul3A_148, %add3A_149 : i32
    %get3A_151 = arith.index_cast %add3A_150 : i32 to index
    %get3A_152 = tpu.vector_load %arg8[%get3A_151] {strides = array<i32>} : memref<4608xf32, #tpu.memory_space<vmem>>, vector<16xf32>,
    %max3A_153 = arith.maximumf %max3A_146, %get3A_152 : vector<16xf32>
    %swap3A_154 = arith.constant 48 : index
    %swap3A_155 = tpu.vector_load %arg9[%swap3A_154] {strides = array<i32>} : memref<512xf32, #tpu.memory_space<vmem>>, vector<16xf32>,
    tpu.vector_store %arg9[%swap3A_154], %max3A_153 {strides = array<i32>} : memref<512xf32, #tpu.memory_space<vmem>>, vector<16xf32>,
    %add3A_156 = arith.constant 1 : i32
    %add3A_157 = arith.addi %mul3A_56, %add3A_156 : i32
    %eq3A_158 = arith.constant 0 : i32
    %eq3A_159 = arith.cmpi eq, %add3A_157, %eq3A_158 : i32
    %sub3A_160 = arith.constant 1 : i32
    %sub3A_161 = arith.subi %add3A_157, %sub3A_160 : i32
    %select_n3A_162 = arith.select %eq3A_159, %add3A_157, %sub3A_161 : i32
    %eq3A_163 = arith.constant 63 : i32
    %eq3A_164 = arith.cmpi eq, %add3A_157, %eq3A_163 : i32
    %add3A_165 = arith.constant 1 : i32
    %add3A_166 = arith.addi %add3A_157, %add3A_165 : i32
    %select_n3A_167 = arith.select %eq3A_164, %add3A_157, %add3A_166 : i32
    %mul3A_168 = arith.constant 72 : i32
    %mul3A_169 = arith.muli %select_n3A_162, %mul3A_168 : i32
    %add3A_170 = arith.constant 0 : i32
    %add3A_171 = arith.addi %mul3A_169, %add3A_170 : i32
    %get3A_172 = arith.index_cast %add3A_171 : i32 to index
    %get3A_173 = tpu.vector_load %arg8[%get3A_172] {strides = array<i32>} : memref<4608xf32, #tpu.memory_space<vmem>>, vector<16xf32>,
    %mul3A_174 = arith.constant 72 : i32
    %mul3A_175 = arith.muli %add3A_157, %mul3A_174 : i32
    %add3A_176 = arith.constant 0 : i32
    %add3A_177 = arith.addi %mul3A_175, %add3A_176 : i32
    %get3A_178 = arith.index_cast %add3A_177 : i32 to index
    %get3A_179 = tpu.vector_load %arg8[%get3A_178] {strides = array<i32>} : memref<4608xf32, #tpu.memory_space<vmem>>, vector<16xf32>,
    %max3A_180 = arith.maximumf %get3A_173, %get3A_179 : vector<16xf32>
    %mul3A_181 = arith.constant 72 : i32
    %mul3A_182 = arith.muli %select_n3A_167, %mul3A_181 : i32
    %add3A_183 = arith.constant 0 : i32
    %add3A_184 = arith.addi %mul3A_182, %add3A_183 : i32
    %get3A_185 = arith.index_cast %add3A_184 : i32 to index
    %get3A_186 = tpu.vector_load %arg8[%get3A_185] {strides = array<i32>} : memref<4608xf32, #tpu.memory_space<vmem>>, vector<16xf32>,
    %max3A_187 = arith.maximumf %max3A_180, %get3A_186 : vector<16xf32>
    %swap3A_188 = arith.constant 64 : index
    %swap3A_189 = tpu.vector_load %arg9[%swap3A_188] {strides = array<i32>} : memref<512xf32, #tpu.memory_space<vmem>>, vector<16xf32>,
    tpu.vector_store %arg9[%swap3A_188], %max3A_187 {strides = array<i32>} : memref<512xf32, #tpu.memory_space<vmem>>, vector<16xf32>,
    %mul3A_190 = arith.constant 72 : i32
    %mul3A_191 = arith.muli %select_n3A_162, %mul3A_190 : i32
    %add3A_192 = arith.constant 16 : i32
    %add3A_193 = arith.addi %mul3A_191, %add3A_192 : i32
    %get3A_194 = arith.index_cast %add3A_193 : i32 to index
    %get3A_195 = tpu.vector_load %arg8[%get3A_194] {strides = array<i32>} : memref<4608xf32, #tpu.memory_space<vmem>>, vector<16xf32>,
    %mul3A_196 = arith.constant 72 : i32
    %mul3A_197 = arith.muli %add3A_157, %mul3A_196 : i32
    %add3A_198 = arith.constant 16 : i32
    %add3A_199 = arith.addi %mul3A_197, %add3A_198 : i32
    %get3A_200 = arith.index_cast %add3A_199 : i32 to index
    %get3A_201 = tpu.vector_load %arg8[%get3A_200] {strides = array<i32>} : memref<4608xf32, #tpu.memory_space<vmem>>, vector<16xf32>,
    %max3A_202 = arith.maximumf %get3A_195, %get3A_201 : vector<16xf32>
    %mul3A_203 = arith.constant 72 : i32
    %mul3A_204 = arith.muli %select_n3A_167, %mul3A_203 : i32
    %add3A_205 = arith.constant 16 : i32
    %add3A_206 = arith.addi %mul3A_204, %add3A_205 : i32
    %get3A_207 = arith.index_cast %add3A_206 : i32 to index
    %get3A_208 = tpu.vector_load %arg8[%get3A_207] {strides = array<i32>} : memref<4608xf32, #tpu.memory_space<vmem>>, vector<16xf32>,
    %max3A_209 = arith.maximumf %max3A_202, %get3A_208 : vector<16xf32>
    %swap3A_210 = arith.constant 80 : index
    %swap3A_211 = tpu.vector_load %arg9[%swap3A_210] {strides = array<i32>} : memref<512xf32, #tpu.memory_space<vmem>>, vector<16xf32>,
    tpu.vector_store %arg9[%swap3A_210], %max3A_209 {strides = array<i32>} : memref<512xf32, #tpu.memory_space<vmem>>, vector<16xf32>,
    %mul3A_212 = arith.constant 72 : i32
    %mul3A_213 = arith.muli %select_n3A_162, %mul3A_212 : i32
    %add3A_214 = arith.constant 32 : i32
    %add3A_215 = arith.addi %mul3A_213, %add3A_214 : i32
    %get3A_216 = arith.index_cast %add3A_215 : i32 to index
    %get3A_217 = tpu.vector_load %arg8[%get3A_216] {strides = array<i32>} : memref<4608xf32, #tpu.memory_space<vmem>>, vector<16xf32>,
    %mul3A_218 = arith.constant 72 : i32
    %mul3A_219 = arith.muli %add3A_157, %mul3A_218 : i32
    %add3A_220 = arith.constant 32 : i32
    %add3A_221 = arith.addi %mul3A_219, %add3A_220 : i32
    %get3A_222 = arith.index_cast %add3A_221 : i32 to index
    %get3A_223 = tpu.vector_load %arg8[%get3A_222] {strides = array<i32>} : memref<4608xf32, #tpu.memory_space<vmem>>, vector<16xf32>,
    %max3A_224 = arith.maximumf %get3A_217, %get3A_223 : vector<16xf32>
    %mul3A_225 = arith.constant 72 : i32
    %mul3A_226 = arith.muli %select_n3A_167, %mul3A_225 : i32
    %add3A_227 = arith.constant 32 : i32
    %add3A_228 = arith.addi %mul3A_226, %add3A_227 : i32
    %get3A_229 = arith.index_cast %add3A_228 : i32 to index
    %get3A_230 = tpu.vector_load %arg8[%get3A_229] {strides = array<i32>} : memref<4608xf32, #tpu.memory_space<vmem>>, vector<16xf32>,
    %max3A_231 = arith.maximumf %max3A_224, %get3A_230 : vector<16xf32>
    %swap3A_232 = arith.constant 96 : index
    %swap3A_233 = tpu.vector_load %arg9[%swap3A_232] {strides = array<i32>} : memref<512xf32, #tpu.memory_space<vmem>>, vector<16xf32>,
    tpu.vector_store %arg9[%swap3A_232], %max3A_231 {strides = array<i32>} : memref<512xf32, #tpu.memory_space<vmem>>, vector<16xf32>,
    %mul3A_234 = arith.constant 72 : i32
    %mul3A_235 = arith.muli %select_n3A_162, %mul3A_234 : i32
    %add3A_236 = arith.constant 48 : i32
    %add3A_237 = arith.addi %mul3A_235, %add3A_236 : i32
    %get3A_238 = arith.index_cast %add3A_237 : i32 to index
    %get3A_239 = tpu.vector_load %arg8[%get3A_238] {strides = array<i32>} : memref<4608xf32, #tpu.memory_space<vmem>>, vector<16xf32>,
    %mul3A_240 = arith.constant 72 : i32
    %mul3A_241 = arith.muli %add3A_157, %mul3A_240 : i32
    %add3A_242 = arith.constant 48 : i32
    %add3A_243 = arith.addi %mul3A_241, %add3A_242 : i32
    %get3A_244 = arith.index_cast %add3A_243 : i32 to index
    %get3A_245 = tpu.vector_load %arg8[%get3A_244] {strides = array<i32>} : memref<4608xf32, #tpu.memory_space<vmem>>, vector<16xf32>,
    %max3A_246 = arith.maximumf %get3A_239, %get3A_245 : vector<16xf32>
    %mul3A_247 = arith.constant 72 : i32
    %mul3A_248 = arith.muli %select_n3A_167, %mul3A_247 : i32
    %add3A_249 = arith.constant 48 : i32
    %add3A_250 = arith.addi %mul3A_248, %add3A_249 : i32
    %get3A_251 = arith.index_cast %add3A_250 : i32 to index
    %get3A_252 = tpu.vector_load %arg8[%get3A_251] {strides = array<i32>} : memref<4608xf32, #tpu.memory_space<vmem>>, vector<16xf32>,
    %max3A_253 = arith.maximumf %max3A_246, %get3A_252 : vector<16xf32>
    %swap3A_254 = arith.constant 112 : index
    %swap3A_255 = tpu.vector_load %arg9[%swap3A_254] {strides = array<i32>} : memref<512xf32, #tpu.memory_space<vmem>>, vector<16xf32>,
    tpu.vector_store %arg9[%swap3A_254], %max3A_253 {strides = array<i32>} : memref<512xf32, #tpu.memory_space<vmem>>, vector<16xf32>,
    %add3A_256 = arith.constant 2 : i32
    %add3A_257 = arith.addi %mul3A_56, %add3A_256 : i32
    %eq3A_258 = arith.constant 0 : i32
    %eq3A_259 = arith.cmpi eq, %add3A_257, %eq3A_258 : i32
    %sub3A_260 = arith.constant 1 : i32
    %sub3A_261 = arith.subi %add3A_257, %sub3A_260 : i32
    %select_n3A_262 = arith.select %eq3A_259, %add3A_257, %sub3A_261 : i32
    %eq3A_263 = arith.constant 63 : i32
    %eq3A_264 = arith.cmpi eq, %add3A_257, %eq3A_263 : i32
    %add3A_265 = arith.constant 1 : i32
    %add3A_266 = arith.addi %add3A_257, %add3A_265 : i32
    %select_n3A_267 = arith.select %eq3A_264, %add3A_257, %add3A_266 : i32
    %mul3A_268 = arith.constant 72 : i32
    %mul3A_269 = arith.muli %select_n3A_262, %mul3A_268 : i32
    %add3A_270 = arith.constant 0 : i32
    %add3A_271 = arith.addi %mul3A_269, %add3A_270 : i32
    %get3A_272 = arith.index_cast %add3A_271 : i32 to index
    %get3A_273 = tpu.vector_load %arg8[%get3A_272] {strides = array<i32>} : memref<4608xf32, #tpu.memory_space<vmem>>, vector<16xf32>,
    %mul3A_274 = arith.constant 72 : i32
    %mul3A_275 = arith.muli %add3A_257, %mul3A_274 : i32
    %add3A_276 = arith.constant 0 : i32
    %add3A_277 = arith.addi %mul3A_275, %add3A_276 : i32
    %get3A_278 = arith.index_cast %add3A_277 : i32 to index
    %get3A_279 = tpu.vector_load %arg8[%get3A_278] {strides = array<i32>} : memref<4608xf32, #tpu.memory_space<vmem>>, vector<16xf32>,
    %max3A_280 = arith.maximumf %get3A_273, %get3A_279 : vector<16xf32>
    %mul3A_281 = arith.constant 72 : i32
    %mul3A_282 = arith.muli %select_n3A_267, %mul3A_281 : i32
    %add3A_283 = arith.constant 0 : i32
    %add3A_284 = arith.addi %mul3A_282, %add3A_283 : i32
    %get3A_285 = arith.index_cast %add3A_284 : i32 to index
    %get3A_286 = tpu.vector_load %arg8[%get3A_285] {strides = array<i32>} : memref<4608xf32, #tpu.memory_space<vmem>>, vector<16xf32>,
    %max3A_287 = arith.maximumf %max3A_280, %get3A_286 : vector<16xf32>
    %swap3A_288 = arith.constant 128 : index
    %swap3A_289 = tpu.vector_load %arg9[%swap3A_288] {strides = array<i32>} : memref<512xf32, #tpu.memory_space<vmem>>, vector<16xf32>,
    tpu.vector_store %arg9[%swap3A_288], %max3A_287 {strides = array<i32>} : memref<512xf32, #tpu.memory_space<vmem>>, vector<16xf32>,
    %mul3A_290 = arith.constant 72 : i32
    %mul3A_291 = arith.muli %select_n3A_262, %mul3A_290 : i32
    %add3A_292 = arith.constant 16 : i32
    %add3A_293 = arith.addi %mul3A_291, %add3A_292 : i32
    %get3A_294 = arith.index_cast %add3A_293 : i32 to index
    %get3A_295 = tpu.vector_load %arg8[%get3A_294] {strides = array<i32>} : memref<4608xf32, #tpu.memory_space<vmem>>, vector<16xf32>,
    %mul3A_296 = arith.constant 72 : i32
    %mul3A_297 = arith.muli %add3A_257, %mul3A_296 : i32
    %add3A_298 = arith.constant 16 : i32
    %add3A_299 = arith.addi %mul3A_297, %add3A_298 : i32
    %get3A_300 = arith.index_cast %add3A_299 : i32 to index
    %get3A_301 = tpu.vector_load %arg8[%get3A_300] {strides = array<i32>} : memref<4608xf32, #tpu.memory_space<vmem>>, vector<16xf32>,
    %max3A_302 = arith.maximumf %get3A_295, %get3A_301 : vector<16xf32>
    %mul3A_303 = arith.constant 72 : i32
    %mul3A_304 = arith.muli %select_n3A_267, %mul3A_303 : i32
    %add3A_305 = arith.constant 16 : i32
    %add3A_306 = arith.addi %mul3A_304, %add3A_305 : i32
    %get3A_307 = arith.index_cast %add3A_306 : i32 to index
    %get3A_308 = tpu.vector_load %arg8[%get3A_307] {strides = array<i32>} : memref<4608xf32, #tpu.memory_space<vmem>>, vector<16xf32>,
    %max3A_309 = arith.maximumf %max3A_302, %get3A_308 : vector<16xf32>
    %swap3A_310 = arith.constant 144 : index
    %swap3A_311 = tpu.vector_load %arg9[%swap3A_310] {strides = array<i32>} : memref<512xf32, #tpu.memory_space<vmem>>, vector<16xf32>,
    tpu.vector_store %arg9[%swap3A_310], %max3A_309 {strides = array<i32>} : memref<512xf32, #tpu.memory_space<vmem>>, vector<16xf32>,
    %mul3A_312 = arith.constant 72 : i32
    %mul3A_313 = arith.muli %select_n3A_262, %mul3A_312 : i32
    %add3A_314 = arith.constant 32 : i32
    %add3A_315 = arith.addi %mul3A_313, %add3A_314 : i32
    %get3A_316 = arith.index_cast %add3A_315 : i32 to index
    %get3A_317 = tpu.vector_load %arg8[%get3A_316] {strides = array<i32>} : memref<4608xf32, #tpu.memory_space<vmem>>, vector<16xf32>,
    %mul3A_318 = arith.constant 72 : i32
    %mul3A_319 = arith.muli %add3A_257, %mul3A_318 : i32
    %add3A_320 = arith.constant 32 : i32
    %add3A_321 = arith.addi %mul3A_319, %add3A_320 : i32
    %get3A_322 = arith.index_cast %add3A_321 : i32 to index
    %get3A_323 = tpu.vector_load %arg8[%get3A_322] {strides = array<i32>} : memref<4608xf32, #tpu.memory_space<vmem>>, vector<16xf32>,
    %max3A_324 = arith.maximumf %get3A_317, %get3A_323 : vector<16xf32>
    %mul3A_325 = arith.constant 72 : i32
    %mul3A_326 = arith.muli %select_n3A_267, %mul3A_325 : i32
    %add3A_327 = arith.constant 32 : i32
    %add3A_328 = arith.addi %mul3A_326, %add3A_327 : i32
    %get3A_329 = arith.index_cast %add3A_328 : i32 to index
    %get3A_330 = tpu.vector_load %arg8[%get3A_329] {strides = array<i32>} : memref<4608xf32, #tpu.memory_space<vmem>>, vector<16xf32>,
    %max3A_331 = arith.maximumf %max3A_324, %get3A_330 : vector<16xf32>
    %swap3A_332 = arith.constant 160 : index
    %swap3A_333 = tpu.vector_load %arg9[%swap3A_332] {strides = array<i32>} : memref<512xf32, #tpu.memory_space<vmem>>, vector<16xf32>,
    tpu.vector_store %arg9[%swap3A_332], %max3A_331 {strides = array<i32>} : memref<512xf32, #tpu.memory_space<vmem>>, vector<16xf32>,
    %mul3A_334 = arith.constant 72 : i32
    %mul3A_335 = arith.muli %select_n3A_262, %mul3A_334 : i32
    %add3A_336 = arith.constant 48 : i32
    %add3A_337 = arith.addi %mul3A_335, %add3A_336 : i32
    %get3A_338 = arith.index_cast %add3A_337 : i32 to index
    %get3A_339 = tpu.vector_load %arg8[%get3A_338] {strides = array<i32>} : memref<4608xf32, #tpu.memory_space<vmem>>, vector<16xf32>,
    %mul3A_340 = arith.constant 72 : i32
    %mul3A_341 = arith.muli %add3A_257, %mul3A_340 : i32
    %add3A_342 = arith.constant 48 : i32
    %add3A_343 = arith.addi %mul3A_341, %add3A_342 : i32
    %get3A_344 = arith.index_cast %add3A_343 : i32 to index
    %get3A_345 = tpu.vector_load %arg8[%get3A_344] {strides = array<i32>} : memref<4608xf32, #tpu.memory_space<vmem>>, vector<16xf32>,
    %max3A_346 = arith.maximumf %get3A_339, %get3A_345 : vector<16xf32>
    %mul3A_347 = arith.constant 72 : i32
    %mul3A_348 = arith.muli %select_n3A_267, %mul3A_347 : i32
    %add3A_349 = arith.constant 48 : i32
    %add3A_350 = arith.addi %mul3A_348, %add3A_349 : i32
    %get3A_351 = arith.index_cast %add3A_350 : i32 to index
    %get3A_352 = tpu.vector_load %arg8[%get3A_351] {strides = array<i32>} : memref<4608xf32, #tpu.memory_space<vmem>>, vector<16xf32>,
    %max3A_353 = arith.maximumf %max3A_346, %get3A_352 : vector<16xf32>
    %swap3A_354 = arith.constant 176 : index
    %swap3A_355 = tpu.vector_load %arg9[%swap3A_354] {strides = array<i32>} : memref<512xf32, #tpu.memory_space<vmem>>, vector<16xf32>,
    tpu.vector_store %arg9[%swap3A_354], %max3A_353 {strides = array<i32>} : memref<512xf32, #tpu.memory_space<vmem>>, vector<16xf32>,
    %add3A_356 = arith.constant 3 : i32
    %add3A_357 = arith.addi %mul3A_56, %add3A_356 : i32
    %eq3A_358 = arith.constant 0 : i32
    %eq3A_359 = arith.cmpi eq, %add3A_357, %eq3A_358 : i32
    %sub3A_360 = arith.constant 1 : i32
    %sub3A_361 = arith.subi %add3A_357, %sub3A_360 : i32
    %select_n3A_362 = arith.select %eq3A_359, %add3A_357, %sub3A_361 : i32
    %eq3A_363 = arith.constant 63 : i32
    %eq3A_364 = arith.cmpi eq, %add3A_357, %eq3A_363 : i32
    %add3A_365 = arith.constant 1 : i32
    %add3A_366 = arith.addi %add3A_357, %add3A_365 : i32
    %select_n3A_367 = arith.select %eq3A_364, %add3A_357, %add3A_366 : i32
    %mul3A_368 = arith.constant 72 : i32
    %mul3A_369 = arith.muli %select_n3A_362, %mul3A_368 : i32
    %add3A_370 = arith.constant 0 : i32
    %add3A_371 = arith.addi %mul3A_369, %add3A_370 : i32
    %get3A_372 = arith.index_cast %add3A_371 : i32 to index
    %get3A_373 = tpu.vector_load %arg8[%get3A_372] {strides = array<i32>} : memref<4608xf32, #tpu.memory_space<vmem>>, vector<16xf32>,
    %mul3A_374 = arith.constant 72 : i32
    %mul3A_375 = arith.muli %add3A_357, %mul3A_374 : i32
    %add3A_376 = arith.constant 0 : i32
    %add3A_377 = arith.addi %mul3A_375, %add3A_376 : i32
    %get3A_378 = arith.index_cast %add3A_377 : i32 to index
    %get3A_379 = tpu.vector_load %arg8[%get3A_378] {strides = array<i32>} : memref<4608xf32, #tpu.memory_space<vmem>>, vector<16xf32>,
    %max3A_380 = arith.maximumf %get3A_373, %get3A_379 : vector<16xf32>
    %mul3A_381 = arith.constant 72 : i32
    %mul3A_382 = arith.muli %select_n3A_367, %mul3A_381 : i32
    %add3A_383 = arith.constant 0 : i32
    %add3A_384 = arith.addi %mul3A_382, %add3A_383 : i32
    %get3A_385 = arith.index_cast %add3A_384 : i32 to index
    %get3A_386 = tpu.vector_load %arg8[%get3A_385] {strides = array<i32>} : memref<4608xf32, #tpu.memory_space<vmem>>, vector<16xf32>,
    %max3A_387 = arith.maximumf %max3A_380, %get3A_386 : vector<16xf32>
    %swap3A_388 = arith.constant 192 : index
    %swap3A_389 = tpu.vector_load %arg9[%swap3A_388] {strides = array<i32>} : memref<512xf32, #tpu.memory_space<vmem>>, vector<16xf32>,
    tpu.vector_store %arg9[%swap3A_388], %max3A_387 {strides = array<i32>} : memref<512xf32, #tpu.memory_space<vmem>>, vector<16xf32>,
    %mul3A_390 = arith.constant 72 : i32
    %mul3A_391 = arith.muli %select_n3A_362, %mul3A_390 : i32
    %add3A_392 = arith.constant 16 : i32
    %add3A_393 = arith.addi %mul3A_391, %add3A_392 : i32
    %get3A_394 = arith.index_cast %add3A_393 : i32 to index
    %get3A_395 = tpu.vector_load %arg8[%get3A_394] {strides = array<i32>} : memref<4608xf32, #tpu.memory_space<vmem>>, vector<16xf32>,
    %mul3A_396 = arith.constant 72 : i32
    %mul3A_397 = arith.muli %add3A_357, %mul3A_396 : i32
    %add3A_398 = arith.constant 16 : i32
    %add3A_399 = arith.addi %mul3A_397, %add3A_398 : i32
    %get3A_400 = arith.index_cast %add3A_399 : i32 to index
    %get3A_401 = tpu.vector_load %arg8[%get3A_400] {strides = array<i32>} : memref<4608xf32, #tpu.memory_space<vmem>>, vector<16xf32>,
    %max3A_402 = arith.maximumf %get3A_395, %get3A_401 : vector<16xf32>
    %mul3A_403 = arith.constant 72 : i32
    %mul3A_404 = arith.muli %select_n3A_367, %mul3A_403 : i32
    %add3A_405 = arith.constant 16 : i32
    %add3A_406 = arith.addi %mul3A_404, %add3A_405 : i32
    %get3A_407 = arith.index_cast %add3A_406 : i32 to index
    %get3A_408 = tpu.vector_load %arg8[%get3A_407] {strides = array<i32>} : memref<4608xf32, #tpu.memory_space<vmem>>, vector<16xf32>,
    %max3A_409 = arith.maximumf %max3A_402, %get3A_408 : vector<16xf32>
    %swap3A_410 = arith.constant 208 : index
    %swap3A_411 = tpu.vector_load %arg9[%swap3A_410] {strides = array<i32>} : memref<512xf32, #tpu.memory_space<vmem>>, vector<16xf32>,
    tpu.vector_store %arg9[%swap3A_410], %max3A_409 {strides = array<i32>} : memref<512xf32, #tpu.memory_space<vmem>>, vector<16xf32>,
    %mul3A_412 = arith.constant 72 : i32
    %mul3A_413 = arith.muli %select_n3A_362, %mul3A_412 : i32
    %add3A_414 = arith.constant 32 : i32
    %add3A_415 = arith.addi %mul3A_413, %add3A_414 : i32
    %get3A_416 = arith.index_cast %add3A_415 : i32 to index
    %get3A_417 = tpu.vector_load %arg8[%get3A_416] {strides = array<i32>} : memref<4608xf32, #tpu.memory_space<vmem>>, vector<16xf32>,
    %mul3A_418 = arith.constant 72 : i32
    %mul3A_419 = arith.muli %add3A_357, %mul3A_418 : i32
    %add3A_420 = arith.constant 32 : i32
    %add3A_421 = arith.addi %mul3A_419, %add3A_420 : i32
    %get3A_422 = arith.index_cast %add3A_421 : i32 to index
    %get3A_423 = tpu.vector_load %arg8[%get3A_422] {strides = array<i32>} : memref<4608xf32, #tpu.memory_space<vmem>>, vector<16xf32>,
    %max3A_424 = arith.maximumf %get3A_417, %get3A_423 : vector<16xf32>
    %mul3A_425 = arith.constant 72 : i32
    %mul3A_426 = arith.muli %select_n3A_367, %mul3A_425 : i32
    %add3A_427 = arith.constant 32 : i32
    %add3A_428 = arith.addi %mul3A_426, %add3A_427 : i32
    %get3A_429 = arith.index_cast %add3A_428 : i32 to index
    %get3A_430 = tpu.vector_load %arg8[%get3A_429] {strides = array<i32>} : memref<4608xf32, #tpu.memory_space<vmem>>, vector<16xf32>,
    %max3A_431 = arith.maximumf %max3A_424, %get3A_430 : vector<16xf32>
    %swap3A_432 = arith.constant 224 : index
    %swap3A_433 = tpu.vector_load %arg9[%swap3A_432] {strides = array<i32>} : memref<512xf32, #tpu.memory_space<vmem>>, vector<16xf32>,
    tpu.vector_store %arg9[%swap3A_432], %max3A_431 {strides = array<i32>} : memref<512xf32, #tpu.memory_space<vmem>>, vector<16xf32>,
    %mul3A_434 = arith.constant 72 : i32
    %mul3A_435 = arith.muli %select_n3A_362, %mul3A_434 : i32
    %add3A_436 = arith.constant 48 : i32
    %add3A_437 = arith.addi %mul3A_435, %add3A_436 : i32
    %get3A_438 = arith.index_cast %add3A_437 : i32 to index
    %get3A_439 = tpu.vector_load %arg8[%get3A_438] {strides = array<i32>} : memref<4608xf32, #tpu.memory_space<vmem>>, vector<16xf32>,
    %mul3A_440 = arith.constant 72 : i32
    %mul3A_441 = arith.muli %add3A_357, %mul3A_440 : i32
    %add3A_442 = arith.constant 48 : i32
    %add3A_443 = arith.addi %mul3A_441, %add3A_442 : i32
    %get3A_444 = arith.index_cast %add3A_443 : i32 to index
    %get3A_445 = tpu.vector_load %arg8[%get3A_444] {strides = array<i32>} : memref<4608xf32, #tpu.memory_space<vmem>>, vector<16xf32>,
    %max3A_446 = arith.maximumf %get3A_439, %get3A_445 : vector<16xf32>
    %mul3A_447 = arith.constant 72 : i32
    %mul3A_448 = arith.muli %select_n3A_367, %mul3A_447 : i32
    %add3A_449 = arith.constant 48 : i32
    %add3A_450 = arith.addi %mul3A_448, %add3A_449 : i32
    %get3A_451 = arith.index_cast %add3A_450 : i32 to index
    %get3A_452 = tpu.vector_load %arg8[%get3A_451] {strides = array<i32>} : memref<4608xf32, #tpu.memory_space<vmem>>, vector<16xf32>,
    %max3A_453 = arith.maximumf %max3A_446, %get3A_452 : vector<16xf32>
    %swap3A_454 = arith.constant 240 : index
    %swap3A_455 = tpu.vector_load %arg9[%swap3A_454] {strides = array<i32>} : memref<512xf32, #tpu.memory_space<vmem>>, vector<16xf32>,
    tpu.vector_store %arg9[%swap3A_454], %max3A_453 {strides = array<i32>} : memref<512xf32, #tpu.memory_space<vmem>>, vector<16xf32>,
    %add3A_456 = arith.constant 4 : i32
    %add3A_457 = arith.addi %mul3A_56, %add3A_456 : i32
    %eq3A_458 = arith.constant 0 : i32
    %eq3A_459 = arith.cmpi eq, %add3A_457, %eq3A_458 : i32
    %sub3A_460 = arith.constant 1 : i32
    %sub3A_461 = arith.subi %add3A_457, %sub3A_460 : i32
    %select_n3A_462 = arith.select %eq3A_459, %add3A_457, %sub3A_461 : i32
    %eq3A_463 = arith.constant 63 : i32
    %eq3A_464 = arith.cmpi eq, %add3A_457, %eq3A_463 : i32
    %add3A_465 = arith.constant 1 : i32
    %add3A_466 = arith.addi %add3A_457, %add3A_465 : i32
    %select_n3A_467 = arith.select %eq3A_464, %add3A_457, %add3A_466 : i32
    %mul3A_468 = arith.constant 72 : i32
    %mul3A_469 = arith.muli %select_n3A_462, %mul3A_468 : i32
    %add3A_470 = arith.constant 0 : i32
    %add3A_471 = arith.addi %mul3A_469, %add3A_470 : i32
    %get3A_472 = arith.index_cast %add3A_471 : i32 to index
    %get3A_473 = tpu.vector_load %arg8[%get3A_472] {strides = array<i32>} : memref<4608xf32, #tpu.memory_space<vmem>>, vector<16xf32>,
    %mul3A_474 = arith.constant 72 : i32
    %mul3A_475 = arith.muli %add3A_457, %mul3A_474 : i32
    %add3A_476 = arith.constant 0 : i32
    %add3A_477 = arith.addi %mul3A_475, %add3A_476 : i32
    %get3A_478 = arith.index_cast %add3A_477 : i32 to index
    %get3A_479 = tpu.vector_load %arg8[%get3A_478] {strides = array<i32>} : memref<4608xf32, #tpu.memory_space<vmem>>, vector<16xf32>,
    %max3A_480 = arith.maximumf %get3A_473, %get3A_479 : vector<16xf32>
    %mul3A_481 = arith.constant 72 : i32
    %mul3A_482 = arith.muli %select_n3A_467, %mul3A_481 : i32
    %add3A_483 = arith.constant 0 : i32
    %add3A_484 = arith.addi %mul3A_482, %add3A_483 : i32
    %get3A_485 = arith.index_cast %add3A_484 : i32 to index
    %get3A_486 = tpu.vector_load %arg8[%get3A_485] {strides = array<i32>} : memref<4608xf32, #tpu.memory_space<vmem>>, vector<16xf32>,
    %max3A_487 = arith.maximumf %max3A_480, %get3A_486 : vector<16xf32>
    %swap3A_488 = arith.constant 256 : index
    %swap3A_489 = tpu.vector_load %arg9[%swap3A_488] {strides = array<i32>} : memref<512xf32, #tpu.memory_space<vmem>>, vector<16xf32>,
    tpu.vector_store %arg9[%swap3A_488], %max3A_487 {strides = array<i32>} : memref<512xf32, #tpu.memory_space<vmem>>, vector<16xf32>,
    %mul3A_490 = arith.constant 72 : i32
    %mul3A_491 = arith.muli %select_n3A_462, %mul3A_490 : i32
    %add3A_492 = arith.constant 16 : i32
    %add3A_493 = arith.addi %mul3A_491, %add3A_492 : i32
    %get3A_494 = arith.index_cast %add3A_493 : i32 to index
    %get3A_495 = tpu.vector_load %arg8[%get3A_494] {strides = array<i32>} : memref<4608xf32, #tpu.memory_space<vmem>>, vector<16xf32>,
    %mul3A_496 = arith.constant 72 : i32
    %mul3A_497 = arith.muli %add3A_457, %mul3A_496 : i32
    %add3A_498 = arith.constant 16 : i32
    %add3A_499 = arith.addi %mul3A_497, %add3A_498 : i32
    %get3A_500 = arith.index_cast %add3A_499 : i32 to index
    %get3A_501 = tpu.vector_load %arg8[%get3A_500] {strides = array<i32>} : memref<4608xf32, #tpu.memory_space<vmem>>, vector<16xf32>,
    %max3A_502 = arith.maximumf %get3A_495, %get3A_501 : vector<16xf32>
    %mul3A_503 = arith.constant 72 : i32
    %mul3A_504 = arith.muli %select_n3A_467, %mul3A_503 : i32
    %add3A_505 = arith.constant 16 : i32
    %add3A_506 = arith.addi %mul3A_504, %add3A_505 : i32
    %get3A_507 = arith.index_cast %add3A_506 : i32 to index
    %get3A_508 = tpu.vector_load %arg8[%get3A_507] {strides = array<i32>} : memref<4608xf32, #tpu.memory_space<vmem>>, vector<16xf32>,
    %max3A_509 = arith.maximumf %max3A_502, %get3A_508 : vector<16xf32>
    %swap3A_510 = arith.constant 272 : index
    %swap3A_511 = tpu.vector_load %arg9[%swap3A_510] {strides = array<i32>} : memref<512xf32, #tpu.memory_space<vmem>>, vector<16xf32>,
    tpu.vector_store %arg9[%swap3A_510], %max3A_509 {strides = array<i32>} : memref<512xf32, #tpu.memory_space<vmem>>, vector<16xf32>,
    %mul3A_512 = arith.constant 72 : i32
    %mul3A_513 = arith.muli %select_n3A_462, %mul3A_512 : i32
    %add3A_514 = arith.constant 32 : i32
    %add3A_515 = arith.addi %mul3A_513, %add3A_514 : i32
    %get3A_516 = arith.index_cast %add3A_515 : i32 to index
    %get3A_517 = tpu.vector_load %arg8[%get3A_516] {strides = array<i32>} : memref<4608xf32, #tpu.memory_space<vmem>>, vector<16xf32>,
    %mul3A_518 = arith.constant 72 : i32
    %mul3A_519 = arith.muli %add3A_457, %mul3A_518 : i32
    %add3A_520 = arith.constant 32 : i32
    %add3A_521 = arith.addi %mul3A_519, %add3A_520 : i32
    %get3A_522 = arith.index_cast %add3A_521 : i32 to index
    %get3A_523 = tpu.vector_load %arg8[%get3A_522] {strides = array<i32>} : memref<4608xf32, #tpu.memory_space<vmem>>, vector<16xf32>,
    %max3A_524 = arith.maximumf %get3A_517, %get3A_523 : vector<16xf32>
    %mul3A_525 = arith.constant 72 : i32
    %mul3A_526 = arith.muli %select_n3A_467, %mul3A_525 : i32
    %add3A_527 = arith.constant 32 : i32
    %add3A_528 = arith.addi %mul3A_526, %add3A_527 : i32
    %get3A_529 = arith.index_cast %add3A_528 : i32 to index
    %get3A_530 = tpu.vector_load %arg8[%get3A_529] {strides = array<i32>} : memref<4608xf32, #tpu.memory_space<vmem>>, vector<16xf32>,
    %max3A_531 = arith.maximumf %max3A_524, %get3A_530 : vector<16xf32>
    %swap3A_532 = arith.constant 288 : index
    %swap3A_533 = tpu.vector_load %arg9[%swap3A_532] {strides = array<i32>} : memref<512xf32, #tpu.memory_space<vmem>>, vector<16xf32>,
    tpu.vector_store %arg9[%swap3A_532], %max3A_531 {strides = array<i32>} : memref<512xf32, #tpu.memory_space<vmem>>, vector<16xf32>,
    %mul3A_534 = arith.constant 72 : i32
    %mul3A_535 = arith.muli %select_n3A_462, %mul3A_534 : i32
    %add3A_536 = arith.constant 48 : i32
    %add3A_537 = arith.addi %mul3A_535, %add3A_536 : i32
    %get3A_538 = arith.index_cast %add3A_537 : i32 to index
    %get3A_539 = tpu.vector_load %arg8[%get3A_538] {strides = array<i32>} : memref<4608xf32, #tpu.memory_space<vmem>>, vector<16xf32>,
    %mul3A_540 = arith.constant 72 : i32
    %mul3A_541 = arith.muli %add3A_457, %mul3A_540 : i32
    %add3A_542 = arith.constant 48 : i32
    %add3A_543 = arith.addi %mul3A_541, %add3A_542 : i32
    %get3A_544 = arith.index_cast %add3A_543 : i32 to index
    %get3A_545 = tpu.vector_load %arg8[%get3A_544] {strides = array<i32>} : memref<4608xf32, #tpu.memory_space<vmem>>, vector<16xf32>,
    %max3A_546 = arith.maximumf %get3A_539, %get3A_545 : vector<16xf32>
    %mul3A_547 = arith.constant 72 : i32
    %mul3A_548 = arith.muli %select_n3A_467, %mul3A_547 : i32
    %add3A_549 = arith.constant 48 : i32
    %add3A_550 = arith.addi %mul3A_548, %add3A_549 : i32
    %get3A_551 = arith.index_cast %add3A_550 : i32 to index
    %get3A_552 = tpu.vector_load %arg8[%get3A_551] {strides = array<i32>} : memref<4608xf32, #tpu.memory_space<vmem>>, vector<16xf32>,
    %max3A_553 = arith.maximumf %max3A_546, %get3A_552 : vector<16xf32>
    %swap3A_554 = arith.constant 304 : index
    %swap3A_555 = tpu.vector_load %arg9[%swap3A_554] {strides = array<i32>} : memref<512xf32, #tpu.memory_space<vmem>>, vector<16xf32>,
    tpu.vector_store %arg9[%swap3A_554], %max3A_553 {strides = array<i32>} : memref<512xf32, #tpu.memory_space<vmem>>, vector<16xf32>,
    %add3A_556 = arith.constant 5 : i32
    %add3A_557 = arith.addi %mul3A_56, %add3A_556 : i32
    %eq3A_558 = arith.constant 0 : i32
    %eq3A_559 = arith.cmpi eq, %add3A_557, %eq3A_558 : i32
    %sub3A_560 = arith.constant 1 : i32
    %sub3A_561 = arith.subi %add3A_557, %sub3A_560 : i32
    %select_n3A_562 = arith.select %eq3A_559, %add3A_557, %sub3A_561 : i32
    %eq3A_563 = arith.constant 63 : i32
    %eq3A_564 = arith.cmpi eq, %add3A_557, %eq3A_563 : i32
    %add3A_565 = arith.constant 1 : i32
    %add3A_566 = arith.addi %add3A_557, %add3A_565 : i32
    %select_n3A_567 = arith.select %eq3A_564, %add3A_557, %add3A_566 : i32
    %mul3A_568 = arith.constant 72 : i32
    %mul3A_569 = arith.muli %select_n3A_562, %mul3A_568 : i32
    %add3A_570 = arith.constant 0 : i32
    %add3A_571 = arith.addi %mul3A_569, %add3A_570 : i32
    %get3A_572 = arith.index_cast %add3A_571 : i32 to index
    %get3A_573 = tpu.vector_load %arg8[%get3A_572] {strides = array<i32>} : memref<4608xf32, #tpu.memory_space<vmem>>, vector<16xf32>,
    %mul3A_574 = arith.constant 72 : i32
    %mul3A_575 = arith.muli %add3A_557, %mul3A_574 : i32
    %add3A_576 = arith.constant 0 : i32
    %add3A_577 = arith.addi %mul3A_575, %add3A_576 : i32
    %get3A_578 = arith.index_cast %add3A_577 : i32 to index
    %get3A_579 = tpu.vector_load %arg8[%get3A_578] {strides = array<i32>} : memref<4608xf32, #tpu.memory_space<vmem>>, vector<16xf32>,
    %max3A_580 = arith.maximumf %get3A_573, %get3A_579 : vector<16xf32>
    %mul3A_581 = arith.constant 72 : i32
    %mul3A_582 = arith.muli %select_n3A_567, %mul3A_581 : i32
    %add3A_583 = arith.constant 0 : i32
    %add3A_584 = arith.addi %mul3A_582, %add3A_583 : i32
    %get3A_585 = arith.index_cast %add3A_584 : i32 to index
    %get3A_586 = tpu.vector_load %arg8[%get3A_585] {strides = array<i32>} : memref<4608xf32, #tpu.memory_space<vmem>>, vector<16xf32>,
    %max3A_587 = arith.maximumf %max3A_580, %get3A_586 : vector<16xf32>
    %swap3A_588 = arith.constant 320 : index
    %swap3A_589 = tpu.vector_load %arg9[%swap3A_588] {strides = array<i32>} : memref<512xf32, #tpu.memory_space<vmem>>, vector<16xf32>,
    tpu.vector_store %arg9[%swap3A_588], %max3A_587 {strides = array<i32>} : memref<512xf32, #tpu.memory_space<vmem>>, vector<16xf32>,
    %mul3A_590 = arith.constant 72 : i32
    %mul3A_591 = arith.muli %select_n3A_562, %mul3A_590 : i32
    %add3A_592 = arith.constant 16 : i32
    %add3A_593 = arith.addi %mul3A_591, %add3A_592 : i32
    %get3A_594 = arith.index_cast %add3A_593 : i32 to index
    %get3A_595 = tpu.vector_load %arg8[%get3A_594] {strides = array<i32>} : memref<4608xf32, #tpu.memory_space<vmem>>, vector<16xf32>,
    %mul3A_596 = arith.constant 72 : i32
    %mul3A_597 = arith.muli %add3A_557, %mul3A_596 : i32
    %add3A_598 = arith.constant 16 : i32
    %add3A_599 = arith.addi %mul3A_597, %add3A_598 : i32
    %get3A_600 = arith.index_cast %add3A_599 : i32 to index
    %get3A_601 = tpu.vector_load %arg8[%get3A_600] {strides = array<i32>} : memref<4608xf32, #tpu.memory_space<vmem>>, vector<16xf32>,
    %max3A_602 = arith.maximumf %get3A_595, %get3A_601 : vector<16xf32>
    %mul3A_603 = arith.constant 72 : i32
    %mul3A_604 = arith.muli %select_n3A_567, %mul3A_603 : i32
    %add3A_605 = arith.constant 16 : i32
    %add3A_606 = arith.addi %mul3A_604, %add3A_605 : i32
    %get3A_607 = arith.index_cast %add3A_606 : i32 to index
    %get3A_608 = tpu.vector_load %arg8[%get3A_607] {strides = array<i32>} : memref<4608xf32, #tpu.memory_space<vmem>>, vector<16xf32>,
    %max3A_609 = arith.maximumf %max3A_602, %get3A_608 : vector<16xf32>
    %swap3A_610 = arith.constant 336 : index
    %swap3A_611 = tpu.vector_load %arg9[%swap3A_610] {strides = array<i32>} : memref<512xf32, #tpu.memory_space<vmem>>, vector<16xf32>,
    tpu.vector_store %arg9[%swap3A_610], %max3A_609 {strides = array<i32>} : memref<512xf32, #tpu.memory_space<vmem>>, vector<16xf32>,
    %mul3A_612 = arith.constant 72 : i32
    %mul3A_613 = arith.muli %select_n3A_562, %mul3A_612 : i32
    %add3A_614 = arith.constant 32 : i32
    %add3A_615 = arith.addi %mul3A_613, %add3A_614 : i32
    %get3A_616 = arith.index_cast %add3A_615 : i32 to index
    %get3A_617 = tpu.vector_load %arg8[%get3A_616] {strides = array<i32>} : memref<4608xf32, #tpu.memory_space<vmem>>, vector<16xf32>,
    %mul3A_618 = arith.constant 72 : i32
    %mul3A_619 = arith.muli %add3A_557, %mul3A_618 : i32
    %add3A_620 = arith.constant 32 : i32
    %add3A_621 = arith.addi %mul3A_619, %add3A_620 : i32
    %get3A_622 = arith.index_cast %add3A_621 : i32 to index
    %get3A_623 = tpu.vector_load %arg8[%get3A_622] {strides = array<i32>} : memref<4608xf32, #tpu.memory_space<vmem>>, vector<16xf32>,
    %max3A_624 = arith.maximumf %get3A_617, %get3A_623 : vector<16xf32>
    %mul3A_625 = arith.constant 72 : i32
    %mul3A_626 = arith.muli %select_n3A_567, %mul3A_625 : i32
    %add3A_627 = arith.constant 32 : i32
    %add3A_628 = arith.addi %mul3A_626, %add3A_627 : i32
    %get3A_629 = arith.index_cast %add3A_628 : i32 to index
    %get3A_630 = tpu.vector_load %arg8[%get3A_629] {strides = array<i32>} : memref<4608xf32, #tpu.memory_space<vmem>>, vector<16xf32>,
    %max3A_631 = arith.maximumf %max3A_624, %get3A_630 : vector<16xf32>
    %swap3A_632 = arith.constant 352 : index
    %swap3A_633 = tpu.vector_load %arg9[%swap3A_632] {strides = array<i32>} : memref<512xf32, #tpu.memory_space<vmem>>, vector<16xf32>,
    tpu.vector_store %arg9[%swap3A_632], %max3A_631 {strides = array<i32>} : memref<512xf32, #tpu.memory_space<vmem>>, vector<16xf32>,
    %mul3A_634 = arith.constant 72 : i32
    %mul3A_635 = arith.muli %select_n3A_562, %mul3A_634 : i32
    %add3A_636 = arith.constant 48 : i32
    %add3A_637 = arith.addi %mul3A_635, %add3A_636 : i32
    %get3A_638 = arith.index_cast %add3A_637 : i32 to index
    %get3A_639 = tpu.vector_load %arg8[%get3A_638] {strides = array<i32>} : memref<4608xf32, #tpu.memory_space<vmem>>, vector<16xf32>,
    %mul3A_640 = arith.constant 72 : i32
    %mul3A_641 = arith.muli %add3A_557, %mul3A_640 : i32
    %add3A_642 = arith.constant 48 : i32
    %add3A_643 = arith.addi %mul3A_641, %add3A_642 : i32
    %get3A_644 = arith.index_cast %add3A_643 : i32 to index
    %get3A_645 = tpu.vector_load %arg8[%get3A_644] {strides = array<i32>} : memref<4608xf32, #tpu.memory_space<vmem>>, vector<16xf32>,
    %max3A_646 = arith.maximumf %get3A_639, %get3A_645 : vector<16xf32>
    %mul3A_647 = arith.constant 72 : i32
    %mul3A_648 = arith.muli %select_n3A_567, %mul3A_647 : i32
    %add3A_649 = arith.constant 48 : i32
    %add3A_650 = arith.addi %mul3A_648, %add3A_649 : i32
    %get3A_651 = arith.index_cast %add3A_650 : i32 to index
    %get3A_652 = tpu.vector_load %arg8[%get3A_651] {strides = array<i32>} : memref<4608xf32, #tpu.memory_space<vmem>>, vector<16xf32>,
    %max3A_653 = arith.maximumf %max3A_646, %get3A_652 : vector<16xf32>
    %swap3A_654 = arith.constant 368 : index
    %swap3A_655 = tpu.vector_load %arg9[%swap3A_654] {strides = array<i32>} : memref<512xf32, #tpu.memory_space<vmem>>, vector<16xf32>,
    tpu.vector_store %arg9[%swap3A_654], %max3A_653 {strides = array<i32>} : memref<512xf32, #tpu.memory_space<vmem>>, vector<16xf32>,
    %add3A_656 = arith.constant 6 : i32
    %add3A_657 = arith.addi %mul3A_56, %add3A_656 : i32
    %eq3A_658 = arith.constant 0 : i32
    %eq3A_659 = arith.cmpi eq, %add3A_657, %eq3A_658 : i32
    %sub3A_660 = arith.constant 1 : i32
    %sub3A_661 = arith.subi %add3A_657, %sub3A_660 : i32
    %select_n3A_662 = arith.select %eq3A_659, %add3A_657, %sub3A_661 : i32
    %eq3A_663 = arith.constant 63 : i32
    %eq3A_664 = arith.cmpi eq, %add3A_657, %eq3A_663 : i32
    %add3A_665 = arith.constant 1 : i32
    %add3A_666 = arith.addi %add3A_657, %add3A_665 : i32
    %select_n3A_667 = arith.select %eq3A_664, %add3A_657, %add3A_666 : i32
    %mul3A_668 = arith.constant 72 : i32
    %mul3A_669 = arith.muli %select_n3A_662, %mul3A_668 : i32
    %add3A_670 = arith.constant 0 : i32
    %add3A_671 = arith.addi %mul3A_669, %add3A_670 : i32
    %get3A_672 = arith.index_cast %add3A_671 : i32 to index
    %get3A_673 = tpu.vector_load %arg8[%get3A_672] {strides = array<i32>} : memref<4608xf32, #tpu.memory_space<vmem>>, vector<16xf32>,
    %mul3A_674 = arith.constant 72 : i32
    %mul3A_675 = arith.muli %add3A_657, %mul3A_674 : i32
    %add3A_676 = arith.constant 0 : i32
    %add3A_677 = arith.addi %mul3A_675, %add3A_676 : i32
    %get3A_678 = arith.index_cast %add3A_677 : i32 to index
    %get3A_679 = tpu.vector_load %arg8[%get3A_678] {strides = array<i32>} : memref<4608xf32, #tpu.memory_space<vmem>>, vector<16xf32>,
    %max3A_680 = arith.maximumf %get3A_673, %get3A_679 : vector<16xf32>
    %mul3A_681 = arith.constant 72 : i32
    %mul3A_682 = arith.muli %select_n3A_667, %mul3A_681 : i32
    %add3A_683 = arith.constant 0 : i32
    %add3A_684 = arith.addi %mul3A_682, %add3A_683 : i32
    %get3A_685 = arith.index_cast %add3A_684 : i32 to index
    %get3A_686 = tpu.vector_load %arg8[%get3A_685] {strides = array<i32>} : memref<4608xf32, #tpu.memory_space<vmem>>, vector<16xf32>,
    %max3A_687 = arith.maximumf %max3A_680, %get3A_686 : vector<16xf32>
    %swap3A_688 = arith.constant 384 : index
    %swap3A_689 = tpu.vector_load %arg9[%swap3A_688] {strides = array<i32>} : memref<512xf32, #tpu.memory_space<vmem>>, vector<16xf32>,
    tpu.vector_store %arg9[%swap3A_688], %max3A_687 {strides = array<i32>} : memref<512xf32, #tpu.memory_space<vmem>>, vector<16xf32>,
    %mul3A_690 = arith.constant 72 : i32
    %mul3A_691 = arith.muli %select_n3A_662, %mul3A_690 : i32
    %add3A_692 = arith.constant 16 : i32
    %add3A_693 = arith.addi %mul3A_691, %add3A_692 : i32
    %get3A_694 = arith.index_cast %add3A_693 : i32 to index
    %get3A_695 = tpu.vector_load %arg8[%get3A_694] {strides = array<i32>} : memref<4608xf32, #tpu.memory_space<vmem>>, vector<16xf32>,
    %mul3A_696 = arith.constant 72 : i32
    %mul3A_697 = arith.muli %add3A_657, %mul3A_696 : i32
    %add3A_698 = arith.constant 16 : i32
    %add3A_699 = arith.addi %mul3A_697, %add3A_698 : i32
    %get3A_700 = arith.index_cast %add3A_699 : i32 to index
    %get3A_701 = tpu.vector_load %arg8[%get3A_700] {strides = array<i32>} : memref<4608xf32, #tpu.memory_space<vmem>>, vector<16xf32>,
    %max3A_702 = arith.maximumf %get3A_695, %get3A_701 : vector<16xf32>
    %mul3A_703 = arith.constant 72 : i32
    %mul3A_704 = arith.muli %select_n3A_667, %mul3A_703 : i32
    %add3A_705 = arith.constant 16 : i32
    %add3A_706 = arith.addi %mul3A_704, %add3A_705 : i32
    %get3A_707 = arith.index_cast %add3A_706 : i32 to index
    %get3A_708 = tpu.vector_load %arg8[%get3A_707] {strides = array<i32>} : memref<4608xf32, #tpu.memory_space<vmem>>, vector<16xf32>,
    %max3A_709 = arith.maximumf %max3A_702, %get3A_708 : vector<16xf32>
    %swap3A_710 = arith.constant 400 : index
    %swap3A_711 = tpu.vector_load %arg9[%swap3A_710] {strides = array<i32>} : memref<512xf32, #tpu.memory_space<vmem>>, vector<16xf32>,
    tpu.vector_store %arg9[%swap3A_710], %max3A_709 {strides = array<i32>} : memref<512xf32, #tpu.memory_space<vmem>>, vector<16xf32>,
    %mul3A_712 = arith.constant 72 : i32
    %mul3A_713 = arith.muli %select_n3A_662, %mul3A_712 : i32
    %add3A_714 = arith.constant 32 : i32
    %add3A_715 = arith.addi %mul3A_713, %add3A_714 : i32
    %get3A_716 = arith.index_cast %add3A_715 : i32 to index
    %get3A_717 = tpu.vector_load %arg8[%get3A_716] {strides = array<i32>} : memref<4608xf32, #tpu.memory_space<vmem>>, vector<16xf32>,
    %mul3A_718 = arith.constant 72 : i32
    %mul3A_719 = arith.muli %add3A_657, %mul3A_718 : i32
    %add3A_720 = arith.constant 32 : i32
    %add3A_721 = arith.addi %mul3A_719, %add3A_720 : i32
    %get3A_722 = arith.index_cast %add3A_721 : i32 to index
    %get3A_723 = tpu.vector_load %arg8[%get3A_722] {strides = array<i32>} : memref<4608xf32, #tpu.memory_space<vmem>>, vector<16xf32>,
    %max3A_724 = arith.maximumf %get3A_717, %get3A_723 : vector<16xf32>
    %mul3A_725 = arith.constant 72 : i32
    %mul3A_726 = arith.muli %select_n3A_667, %mul3A_725 : i32
    %add3A_727 = arith.constant 32 : i32
    %add3A_728 = arith.addi %mul3A_726, %add3A_727 : i32
    %get3A_729 = arith.index_cast %add3A_728 : i32 to index
    %get3A_730 = tpu.vector_load %arg8[%get3A_729] {strides = array<i32>} : memref<4608xf32, #tpu.memory_space<vmem>>, vector<16xf32>,
    %max3A_731 = arith.maximumf %max3A_724, %get3A_730 : vector<16xf32>
    %swap3A_732 = arith.constant 416 : index
    %swap3A_733 = tpu.vector_load %arg9[%swap3A_732] {strides = array<i32>} : memref<512xf32, #tpu.memory_space<vmem>>, vector<16xf32>,
    tpu.vector_store %arg9[%swap3A_732], %max3A_731 {strides = array<i32>} : memref<512xf32, #tpu.memory_space<vmem>>, vector<16xf32>,
    %mul3A_734 = arith.constant 72 : i32
    %mul3A_735 = arith.muli %select_n3A_662, %mul3A_734 : i32
    %add3A_736 = arith.constant 48 : i32
    %add3A_737 = arith.addi %mul3A_735, %add3A_736 : i32
    %get3A_738 = arith.index_cast %add3A_737 : i32 to index
    %get3A_739 = tpu.vector_load %arg8[%get3A_738] {strides = array<i32>} : memref<4608xf32, #tpu.memory_space<vmem>>, vector<16xf32>,
    %mul3A_740 = arith.constant 72 : i32
    %mul3A_741 = arith.muli %add3A_657, %mul3A_740 : i32
    %add3A_742 = arith.constant 48 : i32
    %add3A_743 = arith.addi %mul3A_741, %add3A_742 : i32
    %get3A_744 = arith.index_cast %add3A_743 : i32 to index
    %get3A_745 = tpu.vector_load %arg8[%get3A_744] {strides = array<i32>} : memref<4608xf32, #tpu.memory_space<vmem>>, vector<16xf32>,
    %max3A_746 = arith.maximumf %get3A_739, %get3A_745 : vector<16xf32>
    %mul3A_747 = arith.constant 72 : i32
    %mul3A_748 = arith.muli %select_n3A_667, %mul3A_747 : i32
    %add3A_749 = arith.constant 48 : i32
    %add3A_750 = arith.addi %mul3A_748, %add3A_749 : i32
    %get3A_751 = arith.index_cast %add3A_750 : i32 to index
    %get3A_752 = tpu.vector_load %arg8[%get3A_751] {strides = array<i32>} : memref<4608xf32, #tpu.memory_space<vmem>>, vector<16xf32>,
    %max3A_753 = arith.maximumf %max3A_746, %get3A_752 : vector<16xf32>
    %swap3A_754 = arith.constant 432 : index
    %swap3A_755 = tpu.vector_load %arg9[%swap3A_754] {strides = array<i32>} : memref<512xf32, #tpu.memory_space<vmem>>, vector<16xf32>,
    tpu.vector_store %arg9[%swap3A_754], %max3A_753 {strides = array<i32>} : memref<512xf32, #tpu.memory_space<vmem>>, vector<16xf32>,
    %add3A_756 = arith.constant 7 : i32
    %add3A_757 = arith.addi %mul3A_56, %add3A_756 : i32
    %eq3A_758 = arith.constant 0 : i32
    %eq3A_759 = arith.cmpi eq, %add3A_757, %eq3A_758 : i32
    %sub3A_760 = arith.constant 1 : i32
    %sub3A_761 = arith.subi %add3A_757, %sub3A_760 : i32
    %select_n3A_762 = arith.select %eq3A_759, %add3A_757, %sub3A_761 : i32
    %eq3A_763 = arith.constant 63 : i32
    %eq3A_764 = arith.cmpi eq, %add3A_757, %eq3A_763 : i32
    %add3A_765 = arith.constant 1 : i32
    %add3A_766 = arith.addi %add3A_757, %add3A_765 : i32
    %select_n3A_767 = arith.select %eq3A_764, %add3A_757, %add3A_766 : i32
    %mul3A_768 = arith.constant 72 : i32
    %mul3A_769 = arith.muli %select_n3A_762, %mul3A_768 : i32
    %add3A_770 = arith.constant 0 : i32
    %add3A_771 = arith.addi %mul3A_769, %add3A_770 : i32
    %get3A_772 = arith.index_cast %add3A_771 : i32 to index
    %get3A_773 = tpu.vector_load %arg8[%get3A_772] {strides = array<i32>} : memref<4608xf32, #tpu.memory_space<vmem>>, vector<16xf32>,
    %mul3A_774 = arith.constant 72 : i32
    %mul3A_775 = arith.muli %add3A_757, %mul3A_774 : i32
    %add3A_776 = arith.constant 0 : i32
    %add3A_777 = arith.addi %mul3A_775, %add3A_776 : i32
    %get3A_778 = arith.index_cast %add3A_777 : i32 to index
    %get3A_779 = tpu.vector_load %arg8[%get3A_778] {strides = array<i32>} : memref<4608xf32, #tpu.memory_space<vmem>>, vector<16xf32>,
    %max3A_780 = arith.maximumf %get3A_773, %get3A_779 : vector<16xf32>
    %mul3A_781 = arith.constant 72 : i32
    %mul3A_782 = arith.muli %select_n3A_767, %mul3A_781 : i32
    %add3A_783 = arith.constant 0 : i32
    %add3A_784 = arith.addi %mul3A_782, %add3A_783 : i32
    %get3A_785 = arith.index_cast %add3A_784 : i32 to index
    %get3A_786 = tpu.vector_load %arg8[%get3A_785] {strides = array<i32>} : memref<4608xf32, #tpu.memory_space<vmem>>, vector<16xf32>,
    %max3A_787 = arith.maximumf %max3A_780, %get3A_786 : vector<16xf32>
    %swap3A_788 = arith.constant 448 : index
    %swap3A_789 = tpu.vector_load %arg9[%swap3A_788] {strides = array<i32>} : memref<512xf32, #tpu.memory_space<vmem>>, vector<16xf32>,
    tpu.vector_store %arg9[%swap3A_788], %max3A_787 {strides = array<i32>} : memref<512xf32, #tpu.memory_space<vmem>>, vector<16xf32>,
    %mul3A_790 = arith.constant 72 : i32
    %mul3A_791 = arith.muli %select_n3A_762, %mul3A_790 : i32
    %add3A_792 = arith.constant 16 : i32
    %add3A_793 = arith.addi %mul3A_791, %add3A_792 : i32
    %get3A_794 = arith.index_cast %add3A_793 : i32 to index
    %get3A_795 = tpu.vector_load %arg8[%get3A_794] {strides = array<i32>} : memref<4608xf32, #tpu.memory_space<vmem>>, vector<16xf32>,
    %mul3A_796 = arith.constant 72 : i32
    %mul3A_797 = arith.muli %add3A_757, %mul3A_796 : i32
    %add3A_798 = arith.constant 16 : i32
    %add3A_799 = arith.addi %mul3A_797, %add3A_798 : i32
    %get3A_800 = arith.index_cast %add3A_799 : i32 to index
    %get3A_801 = tpu.vector_load %arg8[%get3A_800] {strides = array<i32>} : memref<4608xf32, #tpu.memory_space<vmem>>, vector<16xf32>,
    %max3A_802 = arith.maximumf %get3A_795, %get3A_801 : vector<16xf32>
    %mul3A_803 = arith.constant 72 : i32
    %mul3A_804 = arith.muli %select_n3A_767, %mul3A_803 : i32
    %add3A_805 = arith.constant 16 : i32
    %add3A_806 = arith.addi %mul3A_804, %add3A_805 : i32
    %get3A_807 = arith.index_cast %add3A_806 : i32 to index
    %get3A_808 = tpu.vector_load %arg8[%get3A_807] {strides = array<i32>} : memref<4608xf32, #tpu.memory_space<vmem>>, vector<16xf32>,
    %max3A_809 = arith.maximumf %max3A_802, %get3A_808 : vector<16xf32>
    %swap3A_810 = arith.constant 464 : index
    %swap3A_811 = tpu.vector_load %arg9[%swap3A_810] {strides = array<i32>} : memref<512xf32, #tpu.memory_space<vmem>>, vector<16xf32>,
    tpu.vector_store %arg9[%swap3A_810], %max3A_809 {strides = array<i32>} : memref<512xf32, #tpu.memory_space<vmem>>, vector<16xf32>,
    %mul3A_812 = arith.constant 72 : i32
    %mul3A_813 = arith.muli %select_n3A_762, %mul3A_812 : i32
    %add3A_814 = arith.constant 32 : i32
    %add3A_815 = arith.addi %mul3A_813, %add3A_814 : i32
    %get3A_816 = arith.index_cast %add3A_815 : i32 to index
    %get3A_817 = tpu.vector_load %arg8[%get3A_816] {strides = array<i32>} : memref<4608xf32, #tpu.memory_space<vmem>>, vector<16xf32>,
    %mul3A_818 = arith.constant 72 : i32
    %mul3A_819 = arith.muli %add3A_757, %mul3A_818 : i32
    %add3A_820 = arith.constant 32 : i32
    %add3A_821 = arith.addi %mul3A_819, %add3A_820 : i32
    %get3A_822 = arith.index_cast %add3A_821 : i32 to index
    %get3A_823 = tpu.vector_load %arg8[%get3A_822] {strides = array<i32>} : memref<4608xf32, #tpu.memory_space<vmem>>, vector<16xf32>,
    %max3A_824 = arith.maximumf %get3A_817, %get3A_823 : vector<16xf32>
    %mul3A_825 = arith.constant 72 : i32
    %mul3A_826 = arith.muli %select_n3A_767, %mul3A_825 : i32
    %add3A_827 = arith.constant 32 : i32
    %add3A_828 = arith.addi %mul3A_826, %add3A_827 : i32
    %get3A_829 = arith.index_cast %add3A_828 : i32 to index
    %get3A_830 = tpu.vector_load %arg8[%get3A_829] {strides = array<i32>} : memref<4608xf32, #tpu.memory_space<vmem>>, vector<16xf32>,
    %max3A_831 = arith.maximumf %max3A_824, %get3A_830 : vector<16xf32>
    %swap3A_832 = arith.constant 480 : index
    %swap3A_833 = tpu.vector_load %arg9[%swap3A_832] {strides = array<i32>} : memref<512xf32, #tpu.memory_space<vmem>>, vector<16xf32>,
    tpu.vector_store %arg9[%swap3A_832], %max3A_831 {strides = array<i32>} : memref<512xf32, #tpu.memory_space<vmem>>, vector<16xf32>,
    %mul3A_834 = arith.constant 72 : i32
    %mul3A_835 = arith.muli %select_n3A_762, %mul3A_834 : i32
    %add3A_836 = arith.constant 48 : i32
    %add3A_837 = arith.addi %mul3A_835, %add3A_836 : i32
    %get3A_838 = arith.index_cast %add3A_837 : i32 to index
    %get3A_839 = tpu.vector_load %arg8[%get3A_838] {strides = array<i32>} : memref<4608xf32, #tpu.memory_space<vmem>>, vector<16xf32>,
    %mul3A_840 = arith.constant 72 : i32
    %mul3A_841 = arith.muli %add3A_757, %mul3A_840 : i32
    %add3A_842 = arith.constant 48 : i32
    %add3A_843 = arith.addi %mul3A_841, %add3A_842 : i32
    %get3A_844 = arith.index_cast %add3A_843 : i32 to index
    %get3A_845 = tpu.vector_load %arg8[%get3A_844] {strides = array<i32>} : memref<4608xf32, #tpu.memory_space<vmem>>, vector<16xf32>,
    %max3A_846 = arith.maximumf %get3A_839, %get3A_845 : vector<16xf32>
    %mul3A_847 = arith.constant 72 : i32
    %mul3A_848 = arith.muli %select_n3A_767, %mul3A_847 : i32
    %add3A_849 = arith.constant 48 : i32
    %add3A_850 = arith.addi %mul3A_848, %add3A_849 : i32
    %get3A_851 = arith.index_cast %add3A_850 : i32 to index
    %get3A_852 = tpu.vector_load %arg8[%get3A_851] {strides = array<i32>} : memref<4608xf32, #tpu.memory_space<vmem>>, vector<16xf32>,
    %max3A_853 = arith.maximumf %max3A_846, %get3A_852 : vector<16xf32>
    %swap3A_854 = arith.constant 496 : index
    %swap3A_855 = tpu.vector_load %arg9[%swap3A_854] {strides = array<i32>} : memref<512xf32, #tpu.memory_space<vmem>>, vector<16xf32>,
    tpu.vector_store %arg9[%swap3A_854], %max3A_853 {strides = array<i32>} : memref<512xf32, #tpu.memory_space<vmem>>, vector<16xf32>,
    %add3A_856 = arith.constant 0 : i32
    %add3A_857 = arith.addi %mul3A_56, %add3A_856 : i32
    %mul3A_858 = arith.constant 72 : i32
    %mul3A_859 = arith.muli %add3A_857, %mul3A_858 : i32
    %add3A_860 = arith.constant 0 : i32
    %add3A_861 = arith.addi %mul3A_859, %add3A_860 : i32
    %get3A_862 = arith.index_cast %add3A_861 : i32 to index
    %get3A_863 = tpu.vector_load %arg8[%get3A_862] {strides = array<i32>} : memref<4608xf32, #tpu.memory_space<vmem>>, vector<16xf32>,
    %get3A_864 = arith.constant 0 : index
    %get3A_865 = tpu.vector_load %arg9[%get3A_864] {strides = array<i32>} : memref<512xf32, #tpu.memory_space<vmem>>, vector<16xf32>,
    %add3A_866 = arith.constant 0 : i32
    %add3A_867 = vector.broadcast %add3A_866 : i32 to vector<16xi32>
    %add3A_868 = arith.addi %add3A_867, %iota3A : vector<16xi32>
    %sub3A_869 = arith.constant 1 : i32
    %sub3A_870 = vector.broadcast %sub3A_869 : i32 to vector<16xi32>
    %sub3A_871 = arith.subi %add3A_868, %sub3A_870 : vector<16xi32>
    %max3A_872 = arith.constant 0 : i32
    %max3A_873 = vector.broadcast %max3A_872 : i32 to vector<16xi32>
    %max3A_874 = arith.maxsi %sub3A_871, %max3A_873 : vector<16xi32>
    %gather3A = tpu.vector_load_idx %arg9[%max3A_874] : memref<512xf32, #tpu.memory_space<vmem>>[vector<16xi32>], vector<16xf32>,
    %add3A_875 = arith.constant 1 : i32
    %add3A_876 = vector.broadcast %add3A_875 : i32 to vector<16xi32>
    %add3A_877 = arith.addi %add3A_868, %add3A_876 : vector<16xi32>
    %min3A = arith.constant 63 : i32
    %min3A_878 = vector.broadcast %min3A : i32 to vector<16xi32>
    %min3A_879 = arith.minsi %add3A_877, %min3A_878 : vector<16xi32>
    %gather3A_880 = tpu.vector_load_idx %arg9[%min3A_879] : memref<512xf32, #tpu.memory_space<vmem>>[vector<16xi32>], vector<16xf32>,
    %max3A_881 = arith.maximumf %gather3A, %get3A_865 : vector<16xf32>
    %max3A_882 = arith.maximumf %max3A_881, %gather3A_880 : vector<16xf32>
    %eq3A_883 = arith.cmpf oeq, %get3A_863, %max3A_882 : vector<16xf32>
    %gt3A = arith.constant 0.00999999977 : f32
    %gt3A_884 = vector.broadcast %gt3A : f32 to vector<16xf32>
    %gt3A_885 = arith.cmpf ogt, %get3A_863, %gt3A_884 : vector<16xf32>
    %and3A_886 = arith.andi %eq3A_883, %gt3A_885 : vector<16xi1>
    %add3A_887 = arith.constant 0 : i32
    %add3A_888 = arith.addi %mul3A_56, %add3A_887 : i32
    %mul3A_889 = arith.constant 64 : i32
    %mul3A_890 = arith.muli %add3A_888, %mul3A_889 : i32
    %add3A_891 = arith.constant 0 : i32
    %add3A_892 = arith.addi %mul3A_890, %add3A_891 : i32
    %add3A_893 = vector.broadcast %add3A_892 : i32 to vector<16xi32>
    %add3A_894 = arith.addi %add3A_893, %iota3A : vector<16xi32>
    %swap3A_895 = arith.constant 0 : index
    %swap3A_896 = tpu.vector_load %arg10[%swap3A_895] masked %and3A_886 {strides = array<i32>} : memref<528xf32, #tpu.memory_space<vmem>>, vector<16xf32>, vector<16xi1>
    tpu.vector_store %arg10[%swap3A_895], %get3A_863 masked %and3A_886 {strides = array<i32>} : memref<528xf32, #tpu.memory_space<vmem>>, vector<16xf32>, vector<16xi1>
    %swap3A_897 = arith.constant 0 : index
    %swap3A_898 = tpu.vector_load %arg11[%swap3A_897] masked %and3A_886 {strides = array<i32>} : memref<528xi32, #tpu.memory_space<vmem>>, vector<16xi32>, vector<16xi1>
    tpu.vector_store %arg11[%swap3A_897], %add3A_894 masked %and3A_886 {strides = array<i32>} : memref<528xi32, #tpu.memory_space<vmem>>, vector<16xi32>, vector<16xi1>
    %all_reduce_population_count3A = tpu.all_reduce %and3A_886 {dim = 0 : i64, kind = #tpu.reduction_kind<sum>} : vector<16xi1> -> vector<16xi32>
    %slice3A = vector.extract_strided_slice %all_reduce_population_count3A {offsets = [0], sizes = [1], strides = [1]} : vector<16xi32> to vector<1xi32>
    %squeeze3A = vector.extract %slice3A[0] : i32 from vector<1xi32>
    %add3A_899 = arith.constant 0 : i32
    %add3A_900 = arith.addi %add3A_899, %squeeze3A : i32
    %mul3A_901 = arith.constant 72 : i32
    %mul3A_902 = arith.muli %add3A_857, %mul3A_901 : i32
    %add3A_903 = arith.constant 16 : i32
    %add3A_904 = arith.addi %mul3A_902, %add3A_903 : i32
    %get3A_905 = arith.index_cast %add3A_904 : i32 to index
    %get3A_906 = tpu.vector_load %arg8[%get3A_905] {strides = array<i32>} : memref<4608xf32, #tpu.memory_space<vmem>>, vector<16xf32>,
    %get3A_907 = arith.constant 16 : index
    %get3A_908 = tpu.vector_load %arg9[%get3A_907] {strides = array<i32>} : memref<512xf32, #tpu.memory_space<vmem>>, vector<16xf32>,
    %add3A_909 = arith.constant 16 : i32
    %add3A_910 = vector.broadcast %add3A_909 : i32 to vector<16xi32>
    %add3A_911 = arith.addi %add3A_910, %iota3A : vector<16xi32>
    %sub3A_912 = arith.constant 1 : i32
    %sub3A_913 = vector.broadcast %sub3A_912 : i32 to vector<16xi32>
    %sub3A_914 = arith.subi %add3A_911, %sub3A_913 : vector<16xi32>
    %max3A_915 = arith.constant 0 : i32
    %max3A_916 = vector.broadcast %max3A_915 : i32 to vector<16xi32>
    %max3A_917 = arith.maxsi %sub3A_914, %max3A_916 : vector<16xi32>
    %gather3A_918 = tpu.vector_load_idx %arg9[%max3A_917] : memref<512xf32, #tpu.memory_space<vmem>>[vector<16xi32>], vector<16xf32>,
    %add3A_919 = arith.constant 1 : i32
    %add3A_920 = vector.broadcast %add3A_919 : i32 to vector<16xi32>
    %add3A_921 = arith.addi %add3A_911, %add3A_920 : vector<16xi32>
    %min3A_922 = arith.constant 63 : i32
    %min3A_923 = vector.broadcast %min3A_922 : i32 to vector<16xi32>
    %min3A_924 = arith.minsi %add3A_921, %min3A_923 : vector<16xi32>
    %gather3A_925 = tpu.vector_load_idx %arg9[%min3A_924] : memref<512xf32, #tpu.memory_space<vmem>>[vector<16xi32>], vector<16xf32>,
    %max3A_926 = arith.maximumf %gather3A_918, %get3A_908 : vector<16xf32>
    %max3A_927 = arith.maximumf %max3A_926, %gather3A_925 : vector<16xf32>
    %eq3A_928 = arith.cmpf oeq, %get3A_906, %max3A_927 : vector<16xf32>
    %gt3A_929 = arith.constant 0.00999999977 : f32
    %gt3A_930 = vector.broadcast %gt3A_929 : f32 to vector<16xf32>
    %gt3A_931 = arith.cmpf ogt, %get3A_906, %gt3A_930 : vector<16xf32>
    %and3A_932 = arith.andi %eq3A_928, %gt3A_931 : vector<16xi1>
    %add3A_933 = arith.constant 0 : i32
    %add3A_934 = arith.addi %mul3A_56, %add3A_933 : i32
    %mul3A_935 = arith.constant 64 : i32
    %mul3A_936 = arith.muli %add3A_934, %mul3A_935 : i32
    %add3A_937 = arith.constant 16 : i32
    %add3A_938 = arith.addi %mul3A_936, %add3A_937 : i32
    %add3A_939 = vector.broadcast %add3A_938 : i32 to vector<16xi32>
    %add3A_940 = arith.addi %add3A_939, %iota3A : vector<16xi32>
    %swap3A_941 = arith.index_cast %add3A_900 : i32 to index
    %swap3A_942 = tpu.vector_load %arg10[%swap3A_941] masked %and3A_932 {strides = array<i32>} : memref<528xf32, #tpu.memory_space<vmem>>, vector<16xf32>, vector<16xi1>
    tpu.vector_store %arg10[%swap3A_941], %get3A_906 masked %and3A_932 {strides = array<i32>} : memref<528xf32, #tpu.memory_space<vmem>>, vector<16xf32>, vector<16xi1>
    %swap3A_943 = arith.index_cast %add3A_900 : i32 to index
    %swap3A_944 = tpu.vector_load %arg11[%swap3A_943] masked %and3A_932 {strides = array<i32>} : memref<528xi32, #tpu.memory_space<vmem>>, vector<16xi32>, vector<16xi1>
    tpu.vector_store %arg11[%swap3A_943], %add3A_940 masked %and3A_932 {strides = array<i32>} : memref<528xi32, #tpu.memory_space<vmem>>, vector<16xi32>, vector<16xi1>
    %all_reduce_population_count3A_945 = tpu.all_reduce %and3A_932 {dim = 0 : i64, kind = #tpu.reduction_kind<sum>} : vector<16xi1> -> vector<16xi32>
    %slice3A_946 = vector.extract_strided_slice %all_reduce_population_count3A_945 {offsets = [0], sizes = [1], strides = [1]} : vector<16xi32> to vector<1xi32>
    %squeeze3A_947 = vector.extract %slice3A_946[0] : i32 from vector<1xi32>
    %add3A_948 = arith.addi %add3A_900, %squeeze3A_947 : i32
    %mul3A_949 = arith.constant 72 : i32
    %mul3A_950 = arith.muli %add3A_857, %mul3A_949 : i32
    %add3A_951 = arith.constant 32 : i32
    %add3A_952 = arith.addi %mul3A_950, %add3A_951 : i32
    %get3A_953 = arith.index_cast %add3A_952 : i32 to index
    %get3A_954 = tpu.vector_load %arg8[%get3A_953] {strides = array<i32>} : memref<4608xf32, #tpu.memory_space<vmem>>, vector<16xf32>,
    %get3A_955 = arith.constant 32 : index
    %get3A_956 = tpu.vector_load %arg9[%get3A_955] {strides = array<i32>} : memref<512xf32, #tpu.memory_space<vmem>>, vector<16xf32>,
    %add3A_957 = arith.constant 32 : i32
    %add3A_958 = vector.broadcast %add3A_957 : i32 to vector<16xi32>
    %add3A_959 = arith.addi %add3A_958, %iota3A : vector<16xi32>
    %sub3A_960 = arith.constant 1 : i32
    %sub3A_961 = vector.broadcast %sub3A_960 : i32 to vector<16xi32>
    %sub3A_962 = arith.subi %add3A_959, %sub3A_961 : vector<16xi32>
    %max3A_963 = arith.constant 0 : i32
    %max3A_964 = vector.broadcast %max3A_963 : i32 to vector<16xi32>
    %max3A_965 = arith.maxsi %sub3A_962, %max3A_964 : vector<16xi32>
    %gather3A_966 = tpu.vector_load_idx %arg9[%max3A_965] : memref<512xf32, #tpu.memory_space<vmem>>[vector<16xi32>], vector<16xf32>,
    %add3A_967 = arith.constant 1 : i32
    %add3A_968 = vector.broadcast %add3A_967 : i32 to vector<16xi32>
    %add3A_969 = arith.addi %add3A_959, %add3A_968 : vector<16xi32>
    %min3A_970 = arith.constant 63 : i32
    %min3A_971 = vector.broadcast %min3A_970 : i32 to vector<16xi32>
    %min3A_972 = arith.minsi %add3A_969, %min3A_971 : vector<16xi32>
    %gather3A_973 = tpu.vector_load_idx %arg9[%min3A_972] : memref<512xf32, #tpu.memory_space<vmem>>[vector<16xi32>], vector<16xf32>,
    %max3A_974 = arith.maximumf %gather3A_966, %get3A_956 : vector<16xf32>
    %max3A_975 = arith.maximumf %max3A_974, %gather3A_973 : vector<16xf32>
    %eq3A_976 = arith.cmpf oeq, %get3A_954, %max3A_975 : vector<16xf32>
    %gt3A_977 = arith.constant 0.00999999977 : f32
    %gt3A_978 = vector.broadcast %gt3A_977 : f32 to vector<16xf32>
    %gt3A_979 = arith.cmpf ogt, %get3A_954, %gt3A_978 : vector<16xf32>
    %and3A_980 = arith.andi %eq3A_976, %gt3A_979 : vector<16xi1>
    %add3A_981 = arith.constant 0 : i32
    %add3A_982 = arith.addi %mul3A_56, %add3A_981 : i32
    %mul3A_983 = arith.constant 64 : i32
    %mul3A_984 = arith.muli %add3A_982, %mul3A_983 : i32
    %add3A_985 = arith.constant 32 : i32
    %add3A_986 = arith.addi %mul3A_984, %add3A_985 : i32
    %add3A_987 = vector.broadcast %add3A_986 : i32 to vector<16xi32>
    %add3A_988 = arith.addi %add3A_987, %iota3A : vector<16xi32>
    %swap3A_989 = arith.index_cast %add3A_948 : i32 to index
    %swap3A_990 = tpu.vector_load %arg10[%swap3A_989] masked %and3A_980 {strides = array<i32>} : memref<528xf32, #tpu.memory_space<vmem>>, vector<16xf32>, vector<16xi1>
    tpu.vector_store %arg10[%swap3A_989], %get3A_954 masked %and3A_980 {strides = array<i32>} : memref<528xf32, #tpu.memory_space<vmem>>, vector<16xf32>, vector<16xi1>
    %swap3A_991 = arith.index_cast %add3A_948 : i32 to index
    %swap3A_992 = tpu.vector_load %arg11[%swap3A_991] masked %and3A_980 {strides = array<i32>} : memref<528xi32, #tpu.memory_space<vmem>>, vector<16xi32>, vector<16xi1>
    tpu.vector_store %arg11[%swap3A_991], %add3A_988 masked %and3A_980 {strides = array<i32>} : memref<528xi32, #tpu.memory_space<vmem>>, vector<16xi32>, vector<16xi1>
    %all_reduce_population_count3A_993 = tpu.all_reduce %and3A_980 {dim = 0 : i64, kind = #tpu.reduction_kind<sum>} : vector<16xi1> -> vector<16xi32>
    %slice3A_994 = vector.extract_strided_slice %all_reduce_population_count3A_993 {offsets = [0], sizes = [1], strides = [1]} : vector<16xi32> to vector<1xi32>
    %squeeze3A_995 = vector.extract %slice3A_994[0] : i32 from vector<1xi32>
    %add3A_996 = arith.addi %add3A_948, %squeeze3A_995 : i32
    %mul3A_997 = arith.constant 72 : i32
    %mul3A_998 = arith.muli %add3A_857, %mul3A_997 : i32
    %add3A_999 = arith.constant 48 : i32
    %add3A_1000 = arith.addi %mul3A_998, %add3A_999 : i32
    %get3A_1001 = arith.index_cast %add3A_1000 : i32 to index
    %get3A_1002 = tpu.vector_load %arg8[%get3A_1001] {strides = array<i32>} : memref<4608xf32, #tpu.memory_space<vmem>>, vector<16xf32>,
    %get3A_1003 = arith.constant 48 : index
    %get3A_1004 = tpu.vector_load %arg9[%get3A_1003] {strides = array<i32>} : memref<512xf32, #tpu.memory_space<vmem>>, vector<16xf32>,
    %add3A_1005 = arith.constant 48 : i32
    %add3A_1006 = vector.broadcast %add3A_1005 : i32 to vector<16xi32>
    %add3A_1007 = arith.addi %add3A_1006, %iota3A : vector<16xi32>
    %sub3A_1008 = arith.constant 1 : i32
    %sub3A_1009 = vector.broadcast %sub3A_1008 : i32 to vector<16xi32>
    %sub3A_1010 = arith.subi %add3A_1007, %sub3A_1009 : vector<16xi32>
    %max3A_1011 = arith.constant 0 : i32
    %max3A_1012 = vector.broadcast %max3A_1011 : i32 to vector<16xi32>
    %max3A_1013 = arith.maxsi %sub3A_1010, %max3A_1012 : vector<16xi32>
    %gather3A_1014 = tpu.vector_load_idx %arg9[%max3A_1013] : memref<512xf32, #tpu.memory_space<vmem>>[vector<16xi32>], vector<16xf32>,
    %add3A_1015 = arith.constant 1 : i32
    %add3A_1016 = vector.broadcast %add3A_1015 : i32 to vector<16xi32>
    %add3A_1017 = arith.addi %add3A_1007, %add3A_1016 : vector<16xi32>
    %min3A_1018 = arith.constant 63 : i32
    %min3A_1019 = vector.broadcast %min3A_1018 : i32 to vector<16xi32>
    %min3A_1020 = arith.minsi %add3A_1017, %min3A_1019 : vector<16xi32>
    %gather3A_1021 = tpu.vector_load_idx %arg9[%min3A_1020] : memref<512xf32, #tpu.memory_space<vmem>>[vector<16xi32>], vector<16xf32>,
    %max3A_1022 = arith.maximumf %gather3A_1014, %get3A_1004 : vector<16xf32>
    %max3A_1023 = arith.maximumf %max3A_1022, %gather3A_1021 : vector<16xf32>
    %eq3A_1024 = arith.cmpf oeq, %get3A_1002, %max3A_1023 : vector<16xf32>
    %gt3A_1025 = arith.constant 0.00999999977 : f32
    %gt3A_1026 = vector.broadcast %gt3A_1025 : f32 to vector<16xf32>
    %gt3A_1027 = arith.cmpf ogt, %get3A_1002, %gt3A_1026 : vector<16xf32>
    %and3A_1028 = arith.andi %eq3A_1024, %gt3A_1027 : vector<16xi1>
    %add3A_1029 = arith.constant 0 : i32
    %add3A_1030 = arith.addi %mul3A_56, %add3A_1029 : i32
    %mul3A_1031 = arith.constant 64 : i32
    %mul3A_1032 = arith.muli %add3A_1030, %mul3A_1031 : i32
    %add3A_1033 = arith.constant 48 : i32
    %add3A_1034 = arith.addi %mul3A_1032, %add3A_1033 : i32
    %add3A_1035 = vector.broadcast %add3A_1034 : i32 to vector<16xi32>
    %add3A_1036 = arith.addi %add3A_1035, %iota3A : vector<16xi32>
    %swap3A_1037 = arith.index_cast %add3A_996 : i32 to index
    %swap3A_1038 = tpu.vector_load %arg10[%swap3A_1037] masked %and3A_1028 {strides = array<i32>} : memref<528xf32, #tpu.memory_space<vmem>>, vector<16xf32>, vector<16xi1>
    tpu.vector_store %arg10[%swap3A_1037], %get3A_1002 masked %and3A_1028 {strides = array<i32>} : memref<528xf32, #tpu.memory_space<vmem>>, vector<16xf32>, vector<16xi1>
    %swap3A_1039 = arith.index_cast %add3A_996 : i32 to index
    %swap3A_1040 = tpu.vector_load %arg11[%swap3A_1039] masked %and3A_1028 {strides = array<i32>} : memref<528xi32, #tpu.memory_space<vmem>>, vector<16xi32>, vector<16xi1>
    tpu.vector_store %arg11[%swap3A_1039], %add3A_1036 masked %and3A_1028 {strides = array<i32>} : memref<528xi32, #tpu.memory_space<vmem>>, vector<16xi32>, vector<16xi1>
    %all_reduce_population_count3A_1041 = tpu.all_reduce %and3A_1028 {dim = 0 : i64, kind = #tpu.reduction_kind<sum>} : vector<16xi1> -> vector<16xi32>
    %slice3A_1042 = vector.extract_strided_slice %all_reduce_population_count3A_1041 {offsets = [0], sizes = [1], strides = [1]} : vector<16xi32> to vector<1xi32>
    %squeeze3A_1043 = vector.extract %slice3A_1042[0] : i32 from vector<1xi32>
    %add3A_1044 = arith.addi %add3A_996, %squeeze3A_1043 : i32
    %add3A_1045 = arith.constant 1 : i32
    %add3A_1046 = arith.addi %mul3A_56, %add3A_1045 : i32
    %mul3A_1047 = arith.constant 72 : i32
    %mul3A_1048 = arith.muli %add3A_1046, %mul3A_1047 : i32
    %add3A_1049 = arith.constant 0 : i32
    %add3A_1050 = arith.addi %mul3A_1048, %add3A_1049 : i32
    %get3A_1051 = arith.index_cast %add3A_1050 : i32 to index
    %get3A_1052 = tpu.vector_load %arg8[%get3A_1051] {strides = array<i32>} : memref<4608xf32, #tpu.memory_space<vmem>>, vector<16xf32>,
    %get3A_1053 = arith.constant 64 : index
    %get3A_1054 = tpu.vector_load %arg9[%get3A_1053] {strides = array<i32>} : memref<512xf32, #tpu.memory_space<vmem>>, vector<16xf32>,
    %add3A_1055 = arith.constant 64 : i32
    %add3A_1056 = vector.broadcast %add3A_1055 : i32 to vector<16xi32>
    %add3A_1057 = arith.addi %add3A_1056, %iota3A : vector<16xi32>
    %sub3A_1058 = arith.constant 1 : i32
    %sub3A_1059 = vector.broadcast %sub3A_1058 : i32 to vector<16xi32>
    %sub3A_1060 = arith.subi %add3A_1057, %sub3A_1059 : vector<16xi32>
    %max3A_1061 = arith.constant 64 : i32
    %max3A_1062 = vector.broadcast %max3A_1061 : i32 to vector<16xi32>
    %max3A_1063 = arith.maxsi %sub3A_1060, %max3A_1062 : vector<16xi32>
    %gather3A_1064 = tpu.vector_load_idx %arg9[%max3A_1063] : memref<512xf32, #tpu.memory_space<vmem>>[vector<16xi32>], vector<16xf32>,
    %add3A_1065 = arith.constant 1 : i32
    %add3A_1066 = vector.broadcast %add3A_1065 : i32 to vector<16xi32>
    %add3A_1067 = arith.addi %add3A_1057, %add3A_1066 : vector<16xi32>
    %min3A_1068 = arith.constant 127 : i32
    %min3A_1069 = vector.broadcast %min3A_1068 : i32 to vector<16xi32>
    %min3A_1070 = arith.minsi %add3A_1067, %min3A_1069 : vector<16xi32>
    %gather3A_1071 = tpu.vector_load_idx %arg9[%min3A_1070] : memref<512xf32, #tpu.memory_space<vmem>>[vector<16xi32>], vector<16xf32>,
    %max3A_1072 = arith.maximumf %gather3A_1064, %get3A_1054 : vector<16xf32>
    %max3A_1073 = arith.maximumf %max3A_1072, %gather3A_1071 : vector<16xf32>
    %eq3A_1074 = arith.cmpf oeq, %get3A_1052, %max3A_1073 : vector<16xf32>
    %gt3A_1075 = arith.constant 0.00999999977 : f32
    %gt3A_1076 = vector.broadcast %gt3A_1075 : f32 to vector<16xf32>
    %gt3A_1077 = arith.cmpf ogt, %get3A_1052, %gt3A_1076 : vector<16xf32>
    %and3A_1078 = arith.andi %eq3A_1074, %gt3A_1077 : vector<16xi1>
    %add3A_1079 = arith.constant 1 : i32
    %add3A_1080 = arith.addi %mul3A_56, %add3A_1079 : i32
    %mul3A_1081 = arith.constant 64 : i32
    %mul3A_1082 = arith.muli %add3A_1080, %mul3A_1081 : i32
    %add3A_1083 = arith.constant 0 : i32
    %add3A_1084 = arith.addi %mul3A_1082, %add3A_1083 : i32
    %add3A_1085 = vector.broadcast %add3A_1084 : i32 to vector<16xi32>
    %add3A_1086 = arith.addi %add3A_1085, %iota3A : vector<16xi32>
    %swap3A_1087 = arith.index_cast %add3A_1044 : i32 to index
    %swap3A_1088 = tpu.vector_load %arg10[%swap3A_1087] masked %and3A_1078 {strides = array<i32>} : memref<528xf32, #tpu.memory_space<vmem>>, vector<16xf32>, vector<16xi1>
    tpu.vector_store %arg10[%swap3A_1087], %get3A_1052 masked %and3A_1078 {strides = array<i32>} : memref<528xf32, #tpu.memory_space<vmem>>, vector<16xf32>, vector<16xi1>
    %swap3A_1089 = arith.index_cast %add3A_1044 : i32 to index
    %swap3A_1090 = tpu.vector_load %arg11[%swap3A_1089] masked %and3A_1078 {strides = array<i32>} : memref<528xi32, #tpu.memory_space<vmem>>, vector<16xi32>, vector<16xi1>
    tpu.vector_store %arg11[%swap3A_1089], %add3A_1086 masked %and3A_1078 {strides = array<i32>} : memref<528xi32, #tpu.memory_space<vmem>>, vector<16xi32>, vector<16xi1>
    %all_reduce_population_count3A_1091 = tpu.all_reduce %and3A_1078 {dim = 0 : i64, kind = #tpu.reduction_kind<sum>} : vector<16xi1> -> vector<16xi32>
    %slice3A_1092 = vector.extract_strided_slice %all_reduce_population_count3A_1091 {offsets = [0], sizes = [1], strides = [1]} : vector<16xi32> to vector<1xi32>
    %squeeze3A_1093 = vector.extract %slice3A_1092[0] : i32 from vector<1xi32>
    %add3A_1094 = arith.addi %add3A_1044, %squeeze3A_1093 : i32
    %mul3A_1095 = arith.constant 72 : i32
    %mul3A_1096 = arith.muli %add3A_1046, %mul3A_1095 : i32
    %add3A_1097 = arith.constant 16 : i32
    %add3A_1098 = arith.addi %mul3A_1096, %add3A_1097 : i32
    %get3A_1099 = arith.index_cast %add3A_1098 : i32 to index
    %get3A_1100 = tpu.vector_load %arg8[%get3A_1099] {strides = array<i32>} : memref<4608xf32, #tpu.memory_space<vmem>>, vector<16xf32>,
    %get3A_1101 = arith.constant 80 : index
    %get3A_1102 = tpu.vector_load %arg9[%get3A_1101] {strides = array<i32>} : memref<512xf32, #tpu.memory_space<vmem>>, vector<16xf32>,
    %add3A_1103 = arith.constant 80 : i32
    %add3A_1104 = vector.broadcast %add3A_1103 : i32 to vector<16xi32>
    %add3A_1105 = arith.addi %add3A_1104, %iota3A : vector<16xi32>
    %sub3A_1106 = arith.constant 1 : i32
    %sub3A_1107 = vector.broadcast %sub3A_1106 : i32 to vector<16xi32>
    %sub3A_1108 = arith.subi %add3A_1105, %sub3A_1107 : vector<16xi32>
    %max3A_1109 = arith.constant 64 : i32
    %max3A_1110 = vector.broadcast %max3A_1109 : i32 to vector<16xi32>
    %max3A_1111 = arith.maxsi %sub3A_1108, %max3A_1110 : vector<16xi32>
    %gather3A_1112 = tpu.vector_load_idx %arg9[%max3A_1111] : memref<512xf32, #tpu.memory_space<vmem>>[vector<16xi32>], vector<16xf32>,
    %add3A_1113 = arith.constant 1 : i32
    %add3A_1114 = vector.broadcast %add3A_1113 : i32 to vector<16xi32>
    %add3A_1115 = arith.addi %add3A_1105, %add3A_1114 : vector<16xi32>
    %min3A_1116 = arith.constant 127 : i32
    %min3A_1117 = vector.broadcast %min3A_1116 : i32 to vector<16xi32>
    %min3A_1118 = arith.minsi %add3A_1115, %min3A_1117 : vector<16xi32>
    %gather3A_1119 = tpu.vector_load_idx %arg9[%min3A_1118] : memref<512xf32, #tpu.memory_space<vmem>>[vector<16xi32>], vector<16xf32>,
    %max3A_1120 = arith.maximumf %gather3A_1112, %get3A_1102 : vector<16xf32>
    %max3A_1121 = arith.maximumf %max3A_1120, %gather3A_1119 : vector<16xf32>
    %eq3A_1122 = arith.cmpf oeq, %get3A_1100, %max3A_1121 : vector<16xf32>
    %gt3A_1123 = arith.constant 0.00999999977 : f32
    %gt3A_1124 = vector.broadcast %gt3A_1123 : f32 to vector<16xf32>
    %gt3A_1125 = arith.cmpf ogt, %get3A_1100, %gt3A_1124 : vector<16xf32>
    %and3A_1126 = arith.andi %eq3A_1122, %gt3A_1125 : vector<16xi1>
    %add3A_1127 = arith.constant 1 : i32
    %add3A_1128 = arith.addi %mul3A_56, %add3A_1127 : i32
    %mul3A_1129 = arith.constant 64 : i32
    %mul3A_1130 = arith.muli %add3A_1128, %mul3A_1129 : i32
    %add3A_1131 = arith.constant 16 : i32
    %add3A_1132 = arith.addi %mul3A_1130, %add3A_1131 : i32
    %add3A_1133 = vector.broadcast %add3A_1132 : i32 to vector<16xi32>
    %add3A_1134 = arith.addi %add3A_1133, %iota3A : vector<16xi32>
    %swap3A_1135 = arith.index_cast %add3A_1094 : i32 to index
    %swap3A_1136 = tpu.vector_load %arg10[%swap3A_1135] masked %and3A_1126 {strides = array<i32>} : memref<528xf32, #tpu.memory_space<vmem>>, vector<16xf32>, vector<16xi1>
    tpu.vector_store %arg10[%swap3A_1135], %get3A_1100 masked %and3A_1126 {strides = array<i32>} : memref<528xf32, #tpu.memory_space<vmem>>, vector<16xf32>, vector<16xi1>
    %swap3A_1137 = arith.index_cast %add3A_1094 : i32 to index
    %swap3A_1138 = tpu.vector_load %arg11[%swap3A_1137] masked %and3A_1126 {strides = array<i32>} : memref<528xi32, #tpu.memory_space<vmem>>, vector<16xi32>, vector<16xi1>
    tpu.vector_store %arg11[%swap3A_1137], %add3A_1134 masked %and3A_1126 {strides = array<i32>} : memref<528xi32, #tpu.memory_space<vmem>>, vector<16xi32>, vector<16xi1>
    %all_reduce_population_count3A_1139 = tpu.all_reduce %and3A_1126 {dim = 0 : i64, kind = #tpu.reduction_kind<sum>} : vector<16xi1> -> vector<16xi32>
    %slice3A_1140 = vector.extract_strided_slice %all_reduce_population_count3A_1139 {offsets = [0], sizes = [1], strides = [1]} : vector<16xi32> to vector<1xi32>
    %squeeze3A_1141 = vector.extract %slice3A_1140[0] : i32 from vector<1xi32>
    %add3A_1142 = arith.addi %add3A_1094, %squeeze3A_1141 : i32
    %mul3A_1143 = arith.constant 72 : i32
    %mul3A_1144 = arith.muli %add3A_1046, %mul3A_1143 : i32
    %add3A_1145 = arith.constant 32 : i32
    %add3A_1146 = arith.addi %mul3A_1144, %add3A_1145 : i32
    %get3A_1147 = arith.index_cast %add3A_1146 : i32 to index
    %get3A_1148 = tpu.vector_load %arg8[%get3A_1147] {strides = array<i32>} : memref<4608xf32, #tpu.memory_space<vmem>>, vector<16xf32>,
    %get3A_1149 = arith.constant 96 : index
    %get3A_1150 = tpu.vector_load %arg9[%get3A_1149] {strides = array<i32>} : memref<512xf32, #tpu.memory_space<vmem>>, vector<16xf32>,
    %add3A_1151 = arith.constant 96 : i32
    %add3A_1152 = vector.broadcast %add3A_1151 : i32 to vector<16xi32>
    %add3A_1153 = arith.addi %add3A_1152, %iota3A : vector<16xi32>
    %sub3A_1154 = arith.constant 1 : i32
    %sub3A_1155 = vector.broadcast %sub3A_1154 : i32 to vector<16xi32>
    %sub3A_1156 = arith.subi %add3A_1153, %sub3A_1155 : vector<16xi32>
    %max3A_1157 = arith.constant 64 : i32
    %max3A_1158 = vector.broadcast %max3A_1157 : i32 to vector<16xi32>
    %max3A_1159 = arith.maxsi %sub3A_1156, %max3A_1158 : vector<16xi32>
    %gather3A_1160 = tpu.vector_load_idx %arg9[%max3A_1159] : memref<512xf32, #tpu.memory_space<vmem>>[vector<16xi32>], vector<16xf32>,
    %add3A_1161 = arith.constant 1 : i32
    %add3A_1162 = vector.broadcast %add3A_1161 : i32 to vector<16xi32>
    %add3A_1163 = arith.addi %add3A_1153, %add3A_1162 : vector<16xi32>
    %min3A_1164 = arith.constant 127 : i32
    %min3A_1165 = vector.broadcast %min3A_1164 : i32 to vector<16xi32>
    %min3A_1166 = arith.minsi %add3A_1163, %min3A_1165 : vector<16xi32>
    %gather3A_1167 = tpu.vector_load_idx %arg9[%min3A_1166] : memref<512xf32, #tpu.memory_space<vmem>>[vector<16xi32>], vector<16xf32>,
    %max3A_1168 = arith.maximumf %gather3A_1160, %get3A_1150 : vector<16xf32>
    %max3A_1169 = arith.maximumf %max3A_1168, %gather3A_1167 : vector<16xf32>
    %eq3A_1170 = arith.cmpf oeq, %get3A_1148, %max3A_1169 : vector<16xf32>
    %gt3A_1171 = arith.constant 0.00999999977 : f32
    %gt3A_1172 = vector.broadcast %gt3A_1171 : f32 to vector<16xf32>
    %gt3A_1173 = arith.cmpf ogt, %get3A_1148, %gt3A_1172 : vector<16xf32>
    %and3A_1174 = arith.andi %eq3A_1170, %gt3A_1173 : vector<16xi1>
    %add3A_1175 = arith.constant 1 : i32
    %add3A_1176 = arith.addi %mul3A_56, %add3A_1175 : i32
    %mul3A_1177 = arith.constant 64 : i32
    %mul3A_1178 = arith.muli %add3A_1176, %mul3A_1177 : i32
    %add3A_1179 = arith.constant 32 : i32
    %add3A_1180 = arith.addi %mul3A_1178, %add3A_1179 : i32
    %add3A_1181 = vector.broadcast %add3A_1180 : i32 to vector<16xi32>
    %add3A_1182 = arith.addi %add3A_1181, %iota3A : vector<16xi32>
    %swap3A_1183 = arith.index_cast %add3A_1142 : i32 to index
    %swap3A_1184 = tpu.vector_load %arg10[%swap3A_1183] masked %and3A_1174 {strides = array<i32>} : memref<528xf32, #tpu.memory_space<vmem>>, vector<16xf32>, vector<16xi1>
    tpu.vector_store %arg10[%swap3A_1183], %get3A_1148 masked %and3A_1174 {strides = array<i32>} : memref<528xf32, #tpu.memory_space<vmem>>, vector<16xf32>, vector<16xi1>
    %swap3A_1185 = arith.index_cast %add3A_1142 : i32 to index
    %swap3A_1186 = tpu.vector_load %arg11[%swap3A_1185] masked %and3A_1174 {strides = array<i32>} : memref<528xi32, #tpu.memory_space<vmem>>, vector<16xi32>, vector<16xi1>
    tpu.vector_store %arg11[%swap3A_1185], %add3A_1182 masked %and3A_1174 {strides = array<i32>} : memref<528xi32, #tpu.memory_space<vmem>>, vector<16xi32>, vector<16xi1>
    %all_reduce_population_count3A_1187 = tpu.all_reduce %and3A_1174 {dim = 0 : i64, kind = #tpu.reduction_kind<sum>} : vector<16xi1> -> vector<16xi32>
    %slice3A_1188 = vector.extract_strided_slice %all_reduce_population_count3A_1187 {offsets = [0], sizes = [1], strides = [1]} : vector<16xi32> to vector<1xi32>
    %squeeze3A_1189 = vector.extract %slice3A_1188[0] : i32 from vector<1xi32>
    %add3A_1190 = arith.addi %add3A_1142, %squeeze3A_1189 : i32
    %mul3A_1191 = arith.constant 72 : i32
    %mul3A_1192 = arith.muli %add3A_1046, %mul3A_1191 : i32
    %add3A_1193 = arith.constant 48 : i32
    %add3A_1194 = arith.addi %mul3A_1192, %add3A_1193 : i32
    %get3A_1195 = arith.index_cast %add3A_1194 : i32 to index
    %get3A_1196 = tpu.vector_load %arg8[%get3A_1195] {strides = array<i32>} : memref<4608xf32, #tpu.memory_space<vmem>>, vector<16xf32>,
    %get3A_1197 = arith.constant 112 : index
    %get3A_1198 = tpu.vector_load %arg9[%get3A_1197] {strides = array<i32>} : memref<512xf32, #tpu.memory_space<vmem>>, vector<16xf32>,
    %add3A_1199 = arith.constant 112 : i32
    %add3A_1200 = vector.broadcast %add3A_1199 : i32 to vector<16xi32>
    %add3A_1201 = arith.addi %add3A_1200, %iota3A : vector<16xi32>
    %sub3A_1202 = arith.constant 1 : i32
    %sub3A_1203 = vector.broadcast %sub3A_1202 : i32 to vector<16xi32>
    %sub3A_1204 = arith.subi %add3A_1201, %sub3A_1203 : vector<16xi32>
    %max3A_1205 = arith.constant 64 : i32
    %max3A_1206 = vector.broadcast %max3A_1205 : i32 to vector<16xi32>
    %max3A_1207 = arith.maxsi %sub3A_1204, %max3A_1206 : vector<16xi32>
    %gather3A_1208 = tpu.vector_load_idx %arg9[%max3A_1207] : memref<512xf32, #tpu.memory_space<vmem>>[vector<16xi32>], vector<16xf32>,
    %add3A_1209 = arith.constant 1 : i32
    %add3A_1210 = vector.broadcast %add3A_1209 : i32 to vector<16xi32>
    %add3A_1211 = arith.addi %add3A_1201, %add3A_1210 : vector<16xi32>
    %min3A_1212 = arith.constant 127 : i32
    %min3A_1213 = vector.broadcast %min3A_1212 : i32 to vector<16xi32>
    %min3A_1214 = arith.minsi %add3A_1211, %min3A_1213 : vector<16xi32>
    %gather3A_1215 = tpu.vector_load_idx %arg9[%min3A_1214] : memref<512xf32, #tpu.memory_space<vmem>>[vector<16xi32>], vector<16xf32>,
    %max3A_1216 = arith.maximumf %gather3A_1208, %get3A_1198 : vector<16xf32>
    %max3A_1217 = arith.maximumf %max3A_1216, %gather3A_1215 : vector<16xf32>
    %eq3A_1218 = arith.cmpf oeq, %get3A_1196, %max3A_1217 : vector<16xf32>
    %gt3A_1219 = arith.constant 0.00999999977 : f32
    %gt3A_1220 = vector.broadcast %gt3A_1219 : f32 to vector<16xf32>
    %gt3A_1221 = arith.cmpf ogt, %get3A_1196, %gt3A_1220 : vector<16xf32>
    %and3A_1222 = arith.andi %eq3A_1218, %gt3A_1221 : vector<16xi1>
    %add3A_1223 = arith.constant 1 : i32
    %add3A_1224 = arith.addi %mul3A_56, %add3A_1223 : i32
    %mul3A_1225 = arith.constant 64 : i32
    %mul3A_1226 = arith.muli %add3A_1224, %mul3A_1225 : i32
    %add3A_1227 = arith.constant 48 : i32
    %add3A_1228 = arith.addi %mul3A_1226, %add3A_1227 : i32
    %add3A_1229 = vector.broadcast %add3A_1228 : i32 to vector<16xi32>
    %add3A_1230 = arith.addi %add3A_1229, %iota3A : vector<16xi32>
    %swap3A_1231 = arith.index_cast %add3A_1190 : i32 to index
    %swap3A_1232 = tpu.vector_load %arg10[%swap3A_1231] masked %and3A_1222 {strides = array<i32>} : memref<528xf32, #tpu.memory_space<vmem>>, vector<16xf32>, vector<16xi1>
    tpu.vector_store %arg10[%swap3A_1231], %get3A_1196 masked %and3A_1222 {strides = array<i32>} : memref<528xf32, #tpu.memory_space<vmem>>, vector<16xf32>, vector<16xi1>
    %swap3A_1233 = arith.index_cast %add3A_1190 : i32 to index
    %swap3A_1234 = tpu.vector_load %arg11[%swap3A_1233] masked %and3A_1222 {strides = array<i32>} : memref<528xi32, #tpu.memory_space<vmem>>, vector<16xi32>, vector<16xi1>
    tpu.vector_store %arg11[%swap3A_1233], %add3A_1230 masked %and3A_1222 {strides = array<i32>} : memref<528xi32, #tpu.memory_space<vmem>>, vector<16xi32>, vector<16xi1>
    %all_reduce_population_count3A_1235 = tpu.all_reduce %and3A_1222 {dim = 0 : i64, kind = #tpu.reduction_kind<sum>} : vector<16xi1> -> vector<16xi32>
    %slice3A_1236 = vector.extract_strided_slice %all_reduce_population_count3A_1235 {offsets = [0], sizes = [1], strides = [1]} : vector<16xi32> to vector<1xi32>
    %squeeze3A_1237 = vector.extract %slice3A_1236[0] : i32 from vector<1xi32>
    %add3A_1238 = arith.addi %add3A_1190, %squeeze3A_1237 : i32
    %add3A_1239 = arith.constant 2 : i32
    %add3A_1240 = arith.addi %mul3A_56, %add3A_1239 : i32
    %mul3A_1241 = arith.constant 72 : i32
    %mul3A_1242 = arith.muli %add3A_1240, %mul3A_1241 : i32
    %add3A_1243 = arith.constant 0 : i32
    %add3A_1244 = arith.addi %mul3A_1242, %add3A_1243 : i32
    %get3A_1245 = arith.index_cast %add3A_1244 : i32 to index
    %get3A_1246 = tpu.vector_load %arg8[%get3A_1245] {strides = array<i32>} : memref<4608xf32, #tpu.memory_space<vmem>>, vector<16xf32>,
    %get3A_1247 = arith.constant 128 : index
    %get3A_1248 = tpu.vector_load %arg9[%get3A_1247] {strides = array<i32>} : memref<512xf32, #tpu.memory_space<vmem>>, vector<16xf32>,
    %add3A_1249 = arith.constant 128 : i32
    %add3A_1250 = vector.broadcast %add3A_1249 : i32 to vector<16xi32>
    %add3A_1251 = arith.addi %add3A_1250, %iota3A : vector<16xi32>
    %sub3A_1252 = arith.constant 1 : i32
    %sub3A_1253 = vector.broadcast %sub3A_1252 : i32 to vector<16xi32>
    %sub3A_1254 = arith.subi %add3A_1251, %sub3A_1253 : vector<16xi32>
    %max3A_1255 = arith.constant 128 : i32
    %max3A_1256 = vector.broadcast %max3A_1255 : i32 to vector<16xi32>
    %max3A_1257 = arith.maxsi %sub3A_1254, %max3A_1256 : vector<16xi32>
    %gather3A_1258 = tpu.vector_load_idx %arg9[%max3A_1257] : memref<512xf32, #tpu.memory_space<vmem>>[vector<16xi32>], vector<16xf32>,
    %add3A_1259 = arith.constant 1 : i32
    %add3A_1260 = vector.broadcast %add3A_1259 : i32 to vector<16xi32>
    %add3A_1261 = arith.addi %add3A_1251, %add3A_1260 : vector<16xi32>
    %min3A_1262 = arith.constant 191 : i32
    %min3A_1263 = vector.broadcast %min3A_1262 : i32 to vector<16xi32>
    %min3A_1264 = arith.minsi %add3A_1261, %min3A_1263 : vector<16xi32>
    %gather3A_1265 = tpu.vector_load_idx %arg9[%min3A_1264] : memref<512xf32, #tpu.memory_space<vmem>>[vector<16xi32>], vector<16xf32>,
    %max3A_1266 = arith.maximumf %gather3A_1258, %get3A_1248 : vector<16xf32>
    %max3A_1267 = arith.maximumf %max3A_1266, %gather3A_1265 : vector<16xf32>
    %eq3A_1268 = arith.cmpf oeq, %get3A_1246, %max3A_1267 : vector<16xf32>
    %gt3A_1269 = arith.constant 0.00999999977 : f32
    %gt3A_1270 = vector.broadcast %gt3A_1269 : f32 to vector<16xf32>
    %gt3A_1271 = arith.cmpf ogt, %get3A_1246, %gt3A_1270 : vector<16xf32>
    %and3A_1272 = arith.andi %eq3A_1268, %gt3A_1271 : vector<16xi1>
    %add3A_1273 = arith.constant 2 : i32
    %add3A_1274 = arith.addi %mul3A_56, %add3A_1273 : i32
    %mul3A_1275 = arith.constant 64 : i32
    %mul3A_1276 = arith.muli %add3A_1274, %mul3A_1275 : i32
    %add3A_1277 = arith.constant 0 : i32
    %add3A_1278 = arith.addi %mul3A_1276, %add3A_1277 : i32
    %add3A_1279 = vector.broadcast %add3A_1278 : i32 to vector<16xi32>
    %add3A_1280 = arith.addi %add3A_1279, %iota3A : vector<16xi32>
    %swap3A_1281 = arith.index_cast %add3A_1238 : i32 to index
    %swap3A_1282 = tpu.vector_load %arg10[%swap3A_1281] masked %and3A_1272 {strides = array<i32>} : memref<528xf32, #tpu.memory_space<vmem>>, vector<16xf32>, vector<16xi1>
    tpu.vector_store %arg10[%swap3A_1281], %get3A_1246 masked %and3A_1272 {strides = array<i32>} : memref<528xf32, #tpu.memory_space<vmem>>, vector<16xf32>, vector<16xi1>
    %swap3A_1283 = arith.index_cast %add3A_1238 : i32 to index
    %swap3A_1284 = tpu.vector_load %arg11[%swap3A_1283] masked %and3A_1272 {strides = array<i32>} : memref<528xi32, #tpu.memory_space<vmem>>, vector<16xi32>, vector<16xi1>
    tpu.vector_store %arg11[%swap3A_1283], %add3A_1280 masked %and3A_1272 {strides = array<i32>} : memref<528xi32, #tpu.memory_space<vmem>>, vector<16xi32>, vector<16xi1>
    %all_reduce_population_count3A_1285 = tpu.all_reduce %and3A_1272 {dim = 0 : i64, kind = #tpu.reduction_kind<sum>} : vector<16xi1> -> vector<16xi32>
    %slice3A_1286 = vector.extract_strided_slice %all_reduce_population_count3A_1285 {offsets = [0], sizes = [1], strides = [1]} : vector<16xi32> to vector<1xi32>
    %squeeze3A_1287 = vector.extract %slice3A_1286[0] : i32 from vector<1xi32>
    %add3A_1288 = arith.addi %add3A_1238, %squeeze3A_1287 : i32
    %mul3A_1289 = arith.constant 72 : i32
    %mul3A_1290 = arith.muli %add3A_1240, %mul3A_1289 : i32
    %add3A_1291 = arith.constant 16 : i32
    %add3A_1292 = arith.addi %mul3A_1290, %add3A_1291 : i32
    %get3A_1293 = arith.index_cast %add3A_1292 : i32 to index
    %get3A_1294 = tpu.vector_load %arg8[%get3A_1293] {strides = array<i32>} : memref<4608xf32, #tpu.memory_space<vmem>>, vector<16xf32>,
    %get3A_1295 = arith.constant 144 : index
    %get3A_1296 = tpu.vector_load %arg9[%get3A_1295] {strides = array<i32>} : memref<512xf32, #tpu.memory_space<vmem>>, vector<16xf32>,
    %add3A_1297 = arith.constant 144 : i32
    %add3A_1298 = vector.broadcast %add3A_1297 : i32 to vector<16xi32>
    %add3A_1299 = arith.addi %add3A_1298, %iota3A : vector<16xi32>
    %sub3A_1300 = arith.constant 1 : i32
    %sub3A_1301 = vector.broadcast %sub3A_1300 : i32 to vector<16xi32>
    %sub3A_1302 = arith.subi %add3A_1299, %sub3A_1301 : vector<16xi32>
    %max3A_1303 = arith.constant 128 : i32
    %max3A_1304 = vector.broadcast %max3A_1303 : i32 to vector<16xi32>
    %max3A_1305 = arith.maxsi %sub3A_1302, %max3A_1304 : vector<16xi32>
    %gather3A_1306 = tpu.vector_load_idx %arg9[%max3A_1305] : memref<512xf32, #tpu.memory_space<vmem>>[vector<16xi32>], vector<16xf32>,
    %add3A_1307 = arith.constant 1 : i32
    %add3A_1308 = vector.broadcast %add3A_1307 : i32 to vector<16xi32>
    %add3A_1309 = arith.addi %add3A_1299, %add3A_1308 : vector<16xi32>
    %min3A_1310 = arith.constant 191 : i32
    %min3A_1311 = vector.broadcast %min3A_1310 : i32 to vector<16xi32>
    %min3A_1312 = arith.minsi %add3A_1309, %min3A_1311 : vector<16xi32>
    %gather3A_1313 = tpu.vector_load_idx %arg9[%min3A_1312] : memref<512xf32, #tpu.memory_space<vmem>>[vector<16xi32>], vector<16xf32>,
    %max3A_1314 = arith.maximumf %gather3A_1306, %get3A_1296 : vector<16xf32>
    %max3A_1315 = arith.maximumf %max3A_1314, %gather3A_1313 : vector<16xf32>
    %eq3A_1316 = arith.cmpf oeq, %get3A_1294, %max3A_1315 : vector<16xf32>
    %gt3A_1317 = arith.constant 0.00999999977 : f32
    %gt3A_1318 = vector.broadcast %gt3A_1317 : f32 to vector<16xf32>
    %gt3A_1319 = arith.cmpf ogt, %get3A_1294, %gt3A_1318 : vector<16xf32>
    %and3A_1320 = arith.andi %eq3A_1316, %gt3A_1319 : vector<16xi1>
    %add3A_1321 = arith.constant 2 : i32
    %add3A_1322 = arith.addi %mul3A_56, %add3A_1321 : i32
    %mul3A_1323 = arith.constant 64 : i32
    %mul3A_1324 = arith.muli %add3A_1322, %mul3A_1323 : i32
    %add3A_1325 = arith.constant 16 : i32
    %add3A_1326 = arith.addi %mul3A_1324, %add3A_1325 : i32
    %add3A_1327 = vector.broadcast %add3A_1326 : i32 to vector<16xi32>
    %add3A_1328 = arith.addi %add3A_1327, %iota3A : vector<16xi32>
    %swap3A_1329 = arith.index_cast %add3A_1288 : i32 to index
    %swap3A_1330 = tpu.vector_load %arg10[%swap3A_1329] masked %and3A_1320 {strides = array<i32>} : memref<528xf32, #tpu.memory_space<vmem>>, vector<16xf32>, vector<16xi1>
    tpu.vector_store %arg10[%swap3A_1329], %get3A_1294 masked %and3A_1320 {strides = array<i32>} : memref<528xf32, #tpu.memory_space<vmem>>, vector<16xf32>, vector<16xi1>
    %swap3A_1331 = arith.index_cast %add3A_1288 : i32 to index
    %swap3A_1332 = tpu.vector_load %arg11[%swap3A_1331] masked %and3A_1320 {strides = array<i32>} : memref<528xi32, #tpu.memory_space<vmem>>, vector<16xi32>, vector<16xi1>
    tpu.vector_store %arg11[%swap3A_1331], %add3A_1328 masked %and3A_1320 {strides = array<i32>} : memref<528xi32, #tpu.memory_space<vmem>>, vector<16xi32>, vector<16xi1>
    %all_reduce_population_count3A_1333 = tpu.all_reduce %and3A_1320 {dim = 0 : i64, kind = #tpu.reduction_kind<sum>} : vector<16xi1> -> vector<16xi32>
    %slice3A_1334 = vector.extract_strided_slice %all_reduce_population_count3A_1333 {offsets = [0], sizes = [1], strides = [1]} : vector<16xi32> to vector<1xi32>
    %squeeze3A_1335 = vector.extract %slice3A_1334[0] : i32 from vector<1xi32>
    %add3A_1336 = arith.addi %add3A_1288, %squeeze3A_1335 : i32
    %mul3A_1337 = arith.constant 72 : i32
    %mul3A_1338 = arith.muli %add3A_1240, %mul3A_1337 : i32
    %add3A_1339 = arith.constant 32 : i32
    %add3A_1340 = arith.addi %mul3A_1338, %add3A_1339 : i32
    %get3A_1341 = arith.index_cast %add3A_1340 : i32 to index
    %get3A_1342 = tpu.vector_load %arg8[%get3A_1341] {strides = array<i32>} : memref<4608xf32, #tpu.memory_space<vmem>>, vector<16xf32>,
    %get3A_1343 = arith.constant 160 : index
    %get3A_1344 = tpu.vector_load %arg9[%get3A_1343] {strides = array<i32>} : memref<512xf32, #tpu.memory_space<vmem>>, vector<16xf32>,
    %add3A_1345 = arith.constant 160 : i32
    %add3A_1346 = vector.broadcast %add3A_1345 : i32 to vector<16xi32>
    %add3A_1347 = arith.addi %add3A_1346, %iota3A : vector<16xi32>
    %sub3A_1348 = arith.constant 1 : i32
    %sub3A_1349 = vector.broadcast %sub3A_1348 : i32 to vector<16xi32>
    %sub3A_1350 = arith.subi %add3A_1347, %sub3A_1349 : vector<16xi32>
    %max3A_1351 = arith.constant 128 : i32
    %max3A_1352 = vector.broadcast %max3A_1351 : i32 to vector<16xi32>
    %max3A_1353 = arith.maxsi %sub3A_1350, %max3A_1352 : vector<16xi32>
    %gather3A_1354 = tpu.vector_load_idx %arg9[%max3A_1353] : memref<512xf32, #tpu.memory_space<vmem>>[vector<16xi32>], vector<16xf32>,
    %add3A_1355 = arith.constant 1 : i32
    %add3A_1356 = vector.broadcast %add3A_1355 : i32 to vector<16xi32>
    %add3A_1357 = arith.addi %add3A_1347, %add3A_1356 : vector<16xi32>
    %min3A_1358 = arith.constant 191 : i32
    %min3A_1359 = vector.broadcast %min3A_1358 : i32 to vector<16xi32>
    %min3A_1360 = arith.minsi %add3A_1357, %min3A_1359 : vector<16xi32>
    %gather3A_1361 = tpu.vector_load_idx %arg9[%min3A_1360] : memref<512xf32, #tpu.memory_space<vmem>>[vector<16xi32>], vector<16xf32>,
    %max3A_1362 = arith.maximumf %gather3A_1354, %get3A_1344 : vector<16xf32>
    %max3A_1363 = arith.maximumf %max3A_1362, %gather3A_1361 : vector<16xf32>
    %eq3A_1364 = arith.cmpf oeq, %get3A_1342, %max3A_1363 : vector<16xf32>
    %gt3A_1365 = arith.constant 0.00999999977 : f32
    %gt3A_1366 = vector.broadcast %gt3A_1365 : f32 to vector<16xf32>
    %gt3A_1367 = arith.cmpf ogt, %get3A_1342, %gt3A_1366 : vector<16xf32>
    %and3A_1368 = arith.andi %eq3A_1364, %gt3A_1367 : vector<16xi1>
    %add3A_1369 = arith.constant 2 : i32
    %add3A_1370 = arith.addi %mul3A_56, %add3A_1369 : i32
    %mul3A_1371 = arith.constant 64 : i32
    %mul3A_1372 = arith.muli %add3A_1370, %mul3A_1371 : i32
    %add3A_1373 = arith.constant 32 : i32
    %add3A_1374 = arith.addi %mul3A_1372, %add3A_1373 : i32
    %add3A_1375 = vector.broadcast %add3A_1374 : i32 to vector<16xi32>
    %add3A_1376 = arith.addi %add3A_1375, %iota3A : vector<16xi32>
    %swap3A_1377 = arith.index_cast %add3A_1336 : i32 to index
    %swap3A_1378 = tpu.vector_load %arg10[%swap3A_1377] masked %and3A_1368 {strides = array<i32>} : memref<528xf32, #tpu.memory_space<vmem>>, vector<16xf32>, vector<16xi1>
    tpu.vector_store %arg10[%swap3A_1377], %get3A_1342 masked %and3A_1368 {strides = array<i32>} : memref<528xf32, #tpu.memory_space<vmem>>, vector<16xf32>, vector<16xi1>
    %swap3A_1379 = arith.index_cast %add3A_1336 : i32 to index
    %swap3A_1380 = tpu.vector_load %arg11[%swap3A_1379] masked %and3A_1368 {strides = array<i32>} : memref<528xi32, #tpu.memory_space<vmem>>, vector<16xi32>, vector<16xi1>
    tpu.vector_store %arg11[%swap3A_1379], %add3A_1376 masked %and3A_1368 {strides = array<i32>} : memref<528xi32, #tpu.memory_space<vmem>>, vector<16xi32>, vector<16xi1>
    %all_reduce_population_count3A_1381 = tpu.all_reduce %and3A_1368 {dim = 0 : i64, kind = #tpu.reduction_kind<sum>} : vector<16xi1> -> vector<16xi32>
    %slice3A_1382 = vector.extract_strided_slice %all_reduce_population_count3A_1381 {offsets = [0], sizes = [1], strides = [1]} : vector<16xi32> to vector<1xi32>
    %squeeze3A_1383 = vector.extract %slice3A_1382[0] : i32 from vector<1xi32>
    %add3A_1384 = arith.addi %add3A_1336, %squeeze3A_1383 : i32
    %mul3A_1385 = arith.constant 72 : i32
    %mul3A_1386 = arith.muli %add3A_1240, %mul3A_1385 : i32
    %add3A_1387 = arith.constant 48 : i32
    %add3A_1388 = arith.addi %mul3A_1386, %add3A_1387 : i32
    %get3A_1389 = arith.index_cast %add3A_1388 : i32 to index
    %get3A_1390 = tpu.vector_load %arg8[%get3A_1389] {strides = array<i32>} : memref<4608xf32, #tpu.memory_space<vmem>>, vector<16xf32>,
    %get3A_1391 = arith.constant 176 : index
    %get3A_1392 = tpu.vector_load %arg9[%get3A_1391] {strides = array<i32>} : memref<512xf32, #tpu.memory_space<vmem>>, vector<16xf32>,
    %add3A_1393 = arith.constant 176 : i32
    %add3A_1394 = vector.broadcast %add3A_1393 : i32 to vector<16xi32>
    %add3A_1395 = arith.addi %add3A_1394, %iota3A : vector<16xi32>
    %sub3A_1396 = arith.constant 1 : i32
    %sub3A_1397 = vector.broadcast %sub3A_1396 : i32 to vector<16xi32>
    %sub3A_1398 = arith.subi %add3A_1395, %sub3A_1397 : vector<16xi32>
    %max3A_1399 = arith.constant 128 : i32
    %max3A_1400 = vector.broadcast %max3A_1399 : i32 to vector<16xi32>
    %max3A_1401 = arith.maxsi %sub3A_1398, %max3A_1400 : vector<16xi32>
    %gather3A_1402 = tpu.vector_load_idx %arg9[%max3A_1401] : memref<512xf32, #tpu.memory_space<vmem>>[vector<16xi32>], vector<16xf32>,
    %add3A_1403 = arith.constant 1 : i32
    %add3A_1404 = vector.broadcast %add3A_1403 : i32 to vector<16xi32>
    %add3A_1405 = arith.addi %add3A_1395, %add3A_1404 : vector<16xi32>
    %min3A_1406 = arith.constant 191 : i32
    %min3A_1407 = vector.broadcast %min3A_1406 : i32 to vector<16xi32>
    %min3A_1408 = arith.minsi %add3A_1405, %min3A_1407 : vector<16xi32>
    %gather3A_1409 = tpu.vector_load_idx %arg9[%min3A_1408] : memref<512xf32, #tpu.memory_space<vmem>>[vector<16xi32>], vector<16xf32>,
    %max3A_1410 = arith.maximumf %gather3A_1402, %get3A_1392 : vector<16xf32>
    %max3A_1411 = arith.maximumf %max3A_1410, %gather3A_1409 : vector<16xf32>
    %eq3A_1412 = arith.cmpf oeq, %get3A_1390, %max3A_1411 : vector<16xf32>
    %gt3A_1413 = arith.constant 0.00999999977 : f32
    %gt3A_1414 = vector.broadcast %gt3A_1413 : f32 to vector<16xf32>
    %gt3A_1415 = arith.cmpf ogt, %get3A_1390, %gt3A_1414 : vector<16xf32>
    %and3A_1416 = arith.andi %eq3A_1412, %gt3A_1415 : vector<16xi1>
    %add3A_1417 = arith.constant 2 : i32
    %add3A_1418 = arith.addi %mul3A_56, %add3A_1417 : i32
    %mul3A_1419 = arith.constant 64 : i32
    %mul3A_1420 = arith.muli %add3A_1418, %mul3A_1419 : i32
    %add3A_1421 = arith.constant 48 : i32
    %add3A_1422 = arith.addi %mul3A_1420, %add3A_1421 : i32
    %add3A_1423 = vector.broadcast %add3A_1422 : i32 to vector<16xi32>
    %add3A_1424 = arith.addi %add3A_1423, %iota3A : vector<16xi32>
    %swap3A_1425 = arith.index_cast %add3A_1384 : i32 to index
    %swap3A_1426 = tpu.vector_load %arg10[%swap3A_1425] masked %and3A_1416 {strides = array<i32>} : memref<528xf32, #tpu.memory_space<vmem>>, vector<16xf32>, vector<16xi1>
    tpu.vector_store %arg10[%swap3A_1425], %get3A_1390 masked %and3A_1416 {strides = array<i32>} : memref<528xf32, #tpu.memory_space<vmem>>, vector<16xf32>, vector<16xi1>
    %swap3A_1427 = arith.index_cast %add3A_1384 : i32 to index
    %swap3A_1428 = tpu.vector_load %arg11[%swap3A_1427] masked %and3A_1416 {strides = array<i32>} : memref<528xi32, #tpu.memory_space<vmem>>, vector<16xi32>, vector<16xi1>
    tpu.vector_store %arg11[%swap3A_1427], %add3A_1424 masked %and3A_1416 {strides = array<i32>} : memref<528xi32, #tpu.memory_space<vmem>>, vector<16xi32>, vector<16xi1>
    %all_reduce_population_count3A_1429 = tpu.all_reduce %and3A_1416 {dim = 0 : i64, kind = #tpu.reduction_kind<sum>} : vector<16xi1> -> vector<16xi32>
    %slice3A_1430 = vector.extract_strided_slice %all_reduce_population_count3A_1429 {offsets = [0], sizes = [1], strides = [1]} : vector<16xi32> to vector<1xi32>
    %squeeze3A_1431 = vector.extract %slice3A_1430[0] : i32 from vector<1xi32>
    %add3A_1432 = arith.addi %add3A_1384, %squeeze3A_1431 : i32
    %add3A_1433 = arith.constant 3 : i32
    %add3A_1434 = arith.addi %mul3A_56, %add3A_1433 : i32
    %mul3A_1435 = arith.constant 72 : i32
    %mul3A_1436 = arith.muli %add3A_1434, %mul3A_1435 : i32
    %add3A_1437 = arith.constant 0 : i32
    %add3A_1438 = arith.addi %mul3A_1436, %add3A_1437 : i32
    %get3A_1439 = arith.index_cast %add3A_1438 : i32 to index
    %get3A_1440 = tpu.vector_load %arg8[%get3A_1439] {strides = array<i32>} : memref<4608xf32, #tpu.memory_space<vmem>>, vector<16xf32>,
    %get3A_1441 = arith.constant 192 : index
    %get3A_1442 = tpu.vector_load %arg9[%get3A_1441] {strides = array<i32>} : memref<512xf32, #tpu.memory_space<vmem>>, vector<16xf32>,
    %add3A_1443 = arith.constant 192 : i32
    %add3A_1444 = vector.broadcast %add3A_1443 : i32 to vector<16xi32>
    %add3A_1445 = arith.addi %add3A_1444, %iota3A : vector<16xi32>
    %sub3A_1446 = arith.constant 1 : i32
    %sub3A_1447 = vector.broadcast %sub3A_1446 : i32 to vector<16xi32>
    %sub3A_1448 = arith.subi %add3A_1445, %sub3A_1447 : vector<16xi32>
    %max3A_1449 = arith.constant 192 : i32
    %max3A_1450 = vector.broadcast %max3A_1449 : i32 to vector<16xi32>
    %max3A_1451 = arith.maxsi %sub3A_1448, %max3A_1450 : vector<16xi32>
    %gather3A_1452 = tpu.vector_load_idx %arg9[%max3A_1451] : memref<512xf32, #tpu.memory_space<vmem>>[vector<16xi32>], vector<16xf32>,
    %add3A_1453 = arith.constant 1 : i32
    %add3A_1454 = vector.broadcast %add3A_1453 : i32 to vector<16xi32>
    %add3A_1455 = arith.addi %add3A_1445, %add3A_1454 : vector<16xi32>
    %min3A_1456 = arith.constant 255 : i32
    %min3A_1457 = vector.broadcast %min3A_1456 : i32 to vector<16xi32>
    %min3A_1458 = arith.minsi %add3A_1455, %min3A_1457 : vector<16xi32>
    %gather3A_1459 = tpu.vector_load_idx %arg9[%min3A_1458] : memref<512xf32, #tpu.memory_space<vmem>>[vector<16xi32>], vector<16xf32>,
    %max3A_1460 = arith.maximumf %gather3A_1452, %get3A_1442 : vector<16xf32>
    %max3A_1461 = arith.maximumf %max3A_1460, %gather3A_1459 : vector<16xf32>
    %eq3A_1462 = arith.cmpf oeq, %get3A_1440, %max3A_1461 : vector<16xf32>
    %gt3A_1463 = arith.constant 0.00999999977 : f32
    %gt3A_1464 = vector.broadcast %gt3A_1463 : f32 to vector<16xf32>
    %gt3A_1465 = arith.cmpf ogt, %get3A_1440, %gt3A_1464 : vector<16xf32>
    %and3A_1466 = arith.andi %eq3A_1462, %gt3A_1465 : vector<16xi1>
    %add3A_1467 = arith.constant 3 : i32
    %add3A_1468 = arith.addi %mul3A_56, %add3A_1467 : i32
    %mul3A_1469 = arith.constant 64 : i32
    %mul3A_1470 = arith.muli %add3A_1468, %mul3A_1469 : i32
    %add3A_1471 = arith.constant 0 : i32
    %add3A_1472 = arith.addi %mul3A_1470, %add3A_1471 : i32
    %add3A_1473 = vector.broadcast %add3A_1472 : i32 to vector<16xi32>
    %add3A_1474 = arith.addi %add3A_1473, %iota3A : vector<16xi32>
    %swap3A_1475 = arith.index_cast %add3A_1432 : i32 to index
    %swap3A_1476 = tpu.vector_load %arg10[%swap3A_1475] masked %and3A_1466 {strides = array<i32>} : memref<528xf32, #tpu.memory_space<vmem>>, vector<16xf32>, vector<16xi1>
    tpu.vector_store %arg10[%swap3A_1475], %get3A_1440 masked %and3A_1466 {strides = array<i32>} : memref<528xf32, #tpu.memory_space<vmem>>, vector<16xf32>, vector<16xi1>
    %swap3A_1477 = arith.index_cast %add3A_1432 : i32 to index
    %swap3A_1478 = tpu.vector_load %arg11[%swap3A_1477] masked %and3A_1466 {strides = array<i32>} : memref<528xi32, #tpu.memory_space<vmem>>, vector<16xi32>, vector<16xi1>
    tpu.vector_store %arg11[%swap3A_1477], %add3A_1474 masked %and3A_1466 {strides = array<i32>} : memref<528xi32, #tpu.memory_space<vmem>>, vector<16xi32>, vector<16xi1>
    %all_reduce_population_count3A_1479 = tpu.all_reduce %and3A_1466 {dim = 0 : i64, kind = #tpu.reduction_kind<sum>} : vector<16xi1> -> vector<16xi32>
    %slice3A_1480 = vector.extract_strided_slice %all_reduce_population_count3A_1479 {offsets = [0], sizes = [1], strides = [1]} : vector<16xi32> to vector<1xi32>
    %squeeze3A_1481 = vector.extract %slice3A_1480[0] : i32 from vector<1xi32>
    %add3A_1482 = arith.addi %add3A_1432, %squeeze3A_1481 : i32
    %mul3A_1483 = arith.constant 72 : i32
    %mul3A_1484 = arith.muli %add3A_1434, %mul3A_1483 : i32
    %add3A_1485 = arith.constant 16 : i32
    %add3A_1486 = arith.addi %mul3A_1484, %add3A_1485 : i32
    %get3A_1487 = arith.index_cast %add3A_1486 : i32 to index
    %get3A_1488 = tpu.vector_load %arg8[%get3A_1487] {strides = array<i32>} : memref<4608xf32, #tpu.memory_space<vmem>>, vector<16xf32>,
    %get3A_1489 = arith.constant 208 : index
    %get3A_1490 = tpu.vector_load %arg9[%get3A_1489] {strides = array<i32>} : memref<512xf32, #tpu.memory_space<vmem>>, vector<16xf32>,
    %add3A_1491 = arith.constant 208 : i32
    %add3A_1492 = vector.broadcast %add3A_1491 : i32 to vector<16xi32>
    %add3A_1493 = arith.addi %add3A_1492, %iota3A : vector<16xi32>
    %sub3A_1494 = arith.constant 1 : i32
    %sub3A_1495 = vector.broadcast %sub3A_1494 : i32 to vector<16xi32>
    %sub3A_1496 = arith.subi %add3A_1493, %sub3A_1495 : vector<16xi32>
    %max3A_1497 = arith.constant 192 : i32
    %max3A_1498 = vector.broadcast %max3A_1497 : i32 to vector<16xi32>
    %max3A_1499 = arith.maxsi %sub3A_1496, %max3A_1498 : vector<16xi32>
    %gather3A_1500 = tpu.vector_load_idx %arg9[%max3A_1499] : memref<512xf32, #tpu.memory_space<vmem>>[vector<16xi32>], vector<16xf32>,
    %add3A_1501 = arith.constant 1 : i32
    %add3A_1502 = vector.broadcast %add3A_1501 : i32 to vector<16xi32>
    %add3A_1503 = arith.addi %add3A_1493, %add3A_1502 : vector<16xi32>
    %min3A_1504 = arith.constant 255 : i32
    %min3A_1505 = vector.broadcast %min3A_1504 : i32 to vector<16xi32>
    %min3A_1506 = arith.minsi %add3A_1503, %min3A_1505 : vector<16xi32>
    %gather3A_1507 = tpu.vector_load_idx %arg9[%min3A_1506] : memref<512xf32, #tpu.memory_space<vmem>>[vector<16xi32>], vector<16xf32>,
    %max3A_1508 = arith.maximumf %gather3A_1500, %get3A_1490 : vector<16xf32>
    %max3A_1509 = arith.maximumf %max3A_1508, %gather3A_1507 : vector<16xf32>
    %eq3A_1510 = arith.cmpf oeq, %get3A_1488, %max3A_1509 : vector<16xf32>
    %gt3A_1511 = arith.constant 0.00999999977 : f32
    %gt3A_1512 = vector.broadcast %gt3A_1511 : f32 to vector<16xf32>
    %gt3A_1513 = arith.cmpf ogt, %get3A_1488, %gt3A_1512 : vector<16xf32>
    %and3A_1514 = arith.andi %eq3A_1510, %gt3A_1513 : vector<16xi1>
    %add3A_1515 = arith.constant 3 : i32
    %add3A_1516 = arith.addi %mul3A_56, %add3A_1515 : i32
    %mul3A_1517 = arith.constant 64 : i32
    %mul3A_1518 = arith.muli %add3A_1516, %mul3A_1517 : i32
    %add3A_1519 = arith.constant 16 : i32
    %add3A_1520 = arith.addi %mul3A_1518, %add3A_1519 : i32
    %add3A_1521 = vector.broadcast %add3A_1520 : i32 to vector<16xi32>
    %add3A_1522 = arith.addi %add3A_1521, %iota3A : vector<16xi32>
    %swap3A_1523 = arith.index_cast %add3A_1482 : i32 to index
    %swap3A_1524 = tpu.vector_load %arg10[%swap3A_1523] masked %and3A_1514 {strides = array<i32>} : memref<528xf32, #tpu.memory_space<vmem>>, vector<16xf32>, vector<16xi1>
    tpu.vector_store %arg10[%swap3A_1523], %get3A_1488 masked %and3A_1514 {strides = array<i32>} : memref<528xf32, #tpu.memory_space<vmem>>, vector<16xf32>, vector<16xi1>
    %swap3A_1525 = arith.index_cast %add3A_1482 : i32 to index
    %swap3A_1526 = tpu.vector_load %arg11[%swap3A_1525] masked %and3A_1514 {strides = array<i32>} : memref<528xi32, #tpu.memory_space<vmem>>, vector<16xi32>, vector<16xi1>
    tpu.vector_store %arg11[%swap3A_1525], %add3A_1522 masked %and3A_1514 {strides = array<i32>} : memref<528xi32, #tpu.memory_space<vmem>>, vector<16xi32>, vector<16xi1>
    %all_reduce_population_count3A_1527 = tpu.all_reduce %and3A_1514 {dim = 0 : i64, kind = #tpu.reduction_kind<sum>} : vector<16xi1> -> vector<16xi32>
    %slice3A_1528 = vector.extract_strided_slice %all_reduce_population_count3A_1527 {offsets = [0], sizes = [1], strides = [1]} : vector<16xi32> to vector<1xi32>
    %squeeze3A_1529 = vector.extract %slice3A_1528[0] : i32 from vector<1xi32>
    %add3A_1530 = arith.addi %add3A_1482, %squeeze3A_1529 : i32
    %mul3A_1531 = arith.constant 72 : i32
    %mul3A_1532 = arith.muli %add3A_1434, %mul3A_1531 : i32
    %add3A_1533 = arith.constant 32 : i32
    %add3A_1534 = arith.addi %mul3A_1532, %add3A_1533 : i32
    %get3A_1535 = arith.index_cast %add3A_1534 : i32 to index
    %get3A_1536 = tpu.vector_load %arg8[%get3A_1535] {strides = array<i32>} : memref<4608xf32, #tpu.memory_space<vmem>>, vector<16xf32>,
    %get3A_1537 = arith.constant 224 : index
    %get3A_1538 = tpu.vector_load %arg9[%get3A_1537] {strides = array<i32>} : memref<512xf32, #tpu.memory_space<vmem>>, vector<16xf32>,
    %add3A_1539 = arith.constant 224 : i32
    %add3A_1540 = vector.broadcast %add3A_1539 : i32 to vector<16xi32>
    %add3A_1541 = arith.addi %add3A_1540, %iota3A : vector<16xi32>
    %sub3A_1542 = arith.constant 1 : i32
    %sub3A_1543 = vector.broadcast %sub3A_1542 : i32 to vector<16xi32>
    %sub3A_1544 = arith.subi %add3A_1541, %sub3A_1543 : vector<16xi32>
    %max3A_1545 = arith.constant 192 : i32
    %max3A_1546 = vector.broadcast %max3A_1545 : i32 to vector<16xi32>
    %max3A_1547 = arith.maxsi %sub3A_1544, %max3A_1546 : vector<16xi32>
    %gather3A_1548 = tpu.vector_load_idx %arg9[%max3A_1547] : memref<512xf32, #tpu.memory_space<vmem>>[vector<16xi32>], vector<16xf32>,
    %add3A_1549 = arith.constant 1 : i32
    %add3A_1550 = vector.broadcast %add3A_1549 : i32 to vector<16xi32>
    %add3A_1551 = arith.addi %add3A_1541, %add3A_1550 : vector<16xi32>
    %min3A_1552 = arith.constant 255 : i32
    %min3A_1553 = vector.broadcast %min3A_1552 : i32 to vector<16xi32>
    %min3A_1554 = arith.minsi %add3A_1551, %min3A_1553 : vector<16xi32>
    %gather3A_1555 = tpu.vector_load_idx %arg9[%min3A_1554] : memref<512xf32, #tpu.memory_space<vmem>>[vector<16xi32>], vector<16xf32>,
    %max3A_1556 = arith.maximumf %gather3A_1548, %get3A_1538 : vector<16xf32>
    %max3A_1557 = arith.maximumf %max3A_1556, %gather3A_1555 : vector<16xf32>
    %eq3A_1558 = arith.cmpf oeq, %get3A_1536, %max3A_1557 : vector<16xf32>
    %gt3A_1559 = arith.constant 0.00999999977 : f32
    %gt3A_1560 = vector.broadcast %gt3A_1559 : f32 to vector<16xf32>
    %gt3A_1561 = arith.cmpf ogt, %get3A_1536, %gt3A_1560 : vector<16xf32>
    %and3A_1562 = arith.andi %eq3A_1558, %gt3A_1561 : vector<16xi1>
    %add3A_1563 = arith.constant 3 : i32
    %add3A_1564 = arith.addi %mul3A_56, %add3A_1563 : i32
    %mul3A_1565 = arith.constant 64 : i32
    %mul3A_1566 = arith.muli %add3A_1564, %mul3A_1565 : i32
    %add3A_1567 = arith.constant 32 : i32
    %add3A_1568 = arith.addi %mul3A_1566, %add3A_1567 : i32
    %add3A_1569 = vector.broadcast %add3A_1568 : i32 to vector<16xi32>
    %add3A_1570 = arith.addi %add3A_1569, %iota3A : vector<16xi32>
    %swap3A_1571 = arith.index_cast %add3A_1530 : i32 to index
    %swap3A_1572 = tpu.vector_load %arg10[%swap3A_1571] masked %and3A_1562 {strides = array<i32>} : memref<528xf32, #tpu.memory_space<vmem>>, vector<16xf32>, vector<16xi1>
    tpu.vector_store %arg10[%swap3A_1571], %get3A_1536 masked %and3A_1562 {strides = array<i32>} : memref<528xf32, #tpu.memory_space<vmem>>, vector<16xf32>, vector<16xi1>
    %swap3A_1573 = arith.index_cast %add3A_1530 : i32 to index
    %swap3A_1574 = tpu.vector_load %arg11[%swap3A_1573] masked %and3A_1562 {strides = array<i32>} : memref<528xi32, #tpu.memory_space<vmem>>, vector<16xi32>, vector<16xi1>
    tpu.vector_store %arg11[%swap3A_1573], %add3A_1570 masked %and3A_1562 {strides = array<i32>} : memref<528xi32, #tpu.memory_space<vmem>>, vector<16xi32>, vector<16xi1>
    %all_reduce_population_count3A_1575 = tpu.all_reduce %and3A_1562 {dim = 0 : i64, kind = #tpu.reduction_kind<sum>} : vector<16xi1> -> vector<16xi32>
    %slice3A_1576 = vector.extract_strided_slice %all_reduce_population_count3A_1575 {offsets = [0], sizes = [1], strides = [1]} : vector<16xi32> to vector<1xi32>
    %squeeze3A_1577 = vector.extract %slice3A_1576[0] : i32 from vector<1xi32>
    %add3A_1578 = arith.addi %add3A_1530, %squeeze3A_1577 : i32
    %mul3A_1579 = arith.constant 72 : i32
    %mul3A_1580 = arith.muli %add3A_1434, %mul3A_1579 : i32
    %add3A_1581 = arith.constant 48 : i32
    %add3A_1582 = arith.addi %mul3A_1580, %add3A_1581 : i32
    %get3A_1583 = arith.index_cast %add3A_1582 : i32 to index
    %get3A_1584 = tpu.vector_load %arg8[%get3A_1583] {strides = array<i32>} : memref<4608xf32, #tpu.memory_space<vmem>>, vector<16xf32>,
    %get3A_1585 = arith.constant 240 : index
    %get3A_1586 = tpu.vector_load %arg9[%get3A_1585] {strides = array<i32>} : memref<512xf32, #tpu.memory_space<vmem>>, vector<16xf32>,
    %add3A_1587 = arith.constant 240 : i32
    %add3A_1588 = vector.broadcast %add3A_1587 : i32 to vector<16xi32>
    %add3A_1589 = arith.addi %add3A_1588, %iota3A : vector<16xi32>
    %sub3A_1590 = arith.constant 1 : i32
    %sub3A_1591 = vector.broadcast %sub3A_1590 : i32 to vector<16xi32>
    %sub3A_1592 = arith.subi %add3A_1589, %sub3A_1591 : vector<16xi32>
    %max3A_1593 = arith.constant 192 : i32
    %max3A_1594 = vector.broadcast %max3A_1593 : i32 to vector<16xi32>
    %max3A_1595 = arith.maxsi %sub3A_1592, %max3A_1594 : vector<16xi32>
    %gather3A_1596 = tpu.vector_load_idx %arg9[%max3A_1595] : memref<512xf32, #tpu.memory_space<vmem>>[vector<16xi32>], vector<16xf32>,
    %add3A_1597 = arith.constant 1 : i32
    %add3A_1598 = vector.broadcast %add3A_1597 : i32 to vector<16xi32>
    %add3A_1599 = arith.addi %add3A_1589, %add3A_1598 : vector<16xi32>
    %min3A_1600 = arith.constant 255 : i32
    %min3A_1601 = vector.broadcast %min3A_1600 : i32 to vector<16xi32>
    %min3A_1602 = arith.minsi %add3A_1599, %min3A_1601 : vector<16xi32>
    %gather3A_1603 = tpu.vector_load_idx %arg9[%min3A_1602] : memref<512xf32, #tpu.memory_space<vmem>>[vector<16xi32>], vector<16xf32>,
    %max3A_1604 = arith.maximumf %gather3A_1596, %get3A_1586 : vector<16xf32>
    %max3A_1605 = arith.maximumf %max3A_1604, %gather3A_1603 : vector<16xf32>
    %eq3A_1606 = arith.cmpf oeq, %get3A_1584, %max3A_1605 : vector<16xf32>
    %gt3A_1607 = arith.constant 0.00999999977 : f32
    %gt3A_1608 = vector.broadcast %gt3A_1607 : f32 to vector<16xf32>
    %gt3A_1609 = arith.cmpf ogt, %get3A_1584, %gt3A_1608 : vector<16xf32>
    %and3A_1610 = arith.andi %eq3A_1606, %gt3A_1609 : vector<16xi1>
    %add3A_1611 = arith.constant 3 : i32
    %add3A_1612 = arith.addi %mul3A_56, %add3A_1611 : i32
    %mul3A_1613 = arith.constant 64 : i32
    %mul3A_1614 = arith.muli %add3A_1612, %mul3A_1613 : i32
    %add3A_1615 = arith.constant 48 : i32
    %add3A_1616 = arith.addi %mul3A_1614, %add3A_1615 : i32
    %add3A_1617 = vector.broadcast %add3A_1616 : i32 to vector<16xi32>
    %add3A_1618 = arith.addi %add3A_1617, %iota3A : vector<16xi32>
    %swap3A_1619 = arith.index_cast %add3A_1578 : i32 to index
    %swap3A_1620 = tpu.vector_load %arg10[%swap3A_1619] masked %and3A_1610 {strides = array<i32>} : memref<528xf32, #tpu.memory_space<vmem>>, vector<16xf32>, vector<16xi1>
    tpu.vector_store %arg10[%swap3A_1619], %get3A_1584 masked %and3A_1610 {strides = array<i32>} : memref<528xf32, #tpu.memory_space<vmem>>, vector<16xf32>, vector<16xi1>
    %swap3A_1621 = arith.index_cast %add3A_1578 : i32 to index
    %swap3A_1622 = tpu.vector_load %arg11[%swap3A_1621] masked %and3A_1610 {strides = array<i32>} : memref<528xi32, #tpu.memory_space<vmem>>, vector<16xi32>, vector<16xi1>
    tpu.vector_store %arg11[%swap3A_1621], %add3A_1618 masked %and3A_1610 {strides = array<i32>} : memref<528xi32, #tpu.memory_space<vmem>>, vector<16xi32>, vector<16xi1>
    %all_reduce_population_count3A_1623 = tpu.all_reduce %and3A_1610 {dim = 0 : i64, kind = #tpu.reduction_kind<sum>} : vector<16xi1> -> vector<16xi32>
    %slice3A_1624 = vector.extract_strided_slice %all_reduce_population_count3A_1623 {offsets = [0], sizes = [1], strides = [1]} : vector<16xi32> to vector<1xi32>
    %squeeze3A_1625 = vector.extract %slice3A_1624[0] : i32 from vector<1xi32>
    %add3A_1626 = arith.addi %add3A_1578, %squeeze3A_1625 : i32
    %add3A_1627 = arith.constant 4 : i32
    %add3A_1628 = arith.addi %mul3A_56, %add3A_1627 : i32
    %mul3A_1629 = arith.constant 72 : i32
    %mul3A_1630 = arith.muli %add3A_1628, %mul3A_1629 : i32
    %add3A_1631 = arith.constant 0 : i32
    %add3A_1632 = arith.addi %mul3A_1630, %add3A_1631 : i32
    %get3A_1633 = arith.index_cast %add3A_1632 : i32 to index
    %get3A_1634 = tpu.vector_load %arg8[%get3A_1633] {strides = array<i32>} : memref<4608xf32, #tpu.memory_space<vmem>>, vector<16xf32>,
    %get3A_1635 = arith.constant 256 : index
    %get3A_1636 = tpu.vector_load %arg9[%get3A_1635] {strides = array<i32>} : memref<512xf32, #tpu.memory_space<vmem>>, vector<16xf32>,
    %add3A_1637 = arith.constant 256 : i32
    %add3A_1638 = vector.broadcast %add3A_1637 : i32 to vector<16xi32>
    %add3A_1639 = arith.addi %add3A_1638, %iota3A : vector<16xi32>
    %sub3A_1640 = arith.constant 1 : i32
    %sub3A_1641 = vector.broadcast %sub3A_1640 : i32 to vector<16xi32>
    %sub3A_1642 = arith.subi %add3A_1639, %sub3A_1641 : vector<16xi32>
    %max3A_1643 = arith.constant 256 : i32
    %max3A_1644 = vector.broadcast %max3A_1643 : i32 to vector<16xi32>
    %max3A_1645 = arith.maxsi %sub3A_1642, %max3A_1644 : vector<16xi32>
    %gather3A_1646 = tpu.vector_load_idx %arg9[%max3A_1645] : memref<512xf32, #tpu.memory_space<vmem>>[vector<16xi32>], vector<16xf32>,
    %add3A_1647 = arith.constant 1 : i32
    %add3A_1648 = vector.broadcast %add3A_1647 : i32 to vector<16xi32>
    %add3A_1649 = arith.addi %add3A_1639, %add3A_1648 : vector<16xi32>
    %min3A_1650 = arith.constant 319 : i32
    %min3A_1651 = vector.broadcast %min3A_1650 : i32 to vector<16xi32>
    %min3A_1652 = arith.minsi %add3A_1649, %min3A_1651 : vector<16xi32>
    %gather3A_1653 = tpu.vector_load_idx %arg9[%min3A_1652] : memref<512xf32, #tpu.memory_space<vmem>>[vector<16xi32>], vector<16xf32>,
    %max3A_1654 = arith.maximumf %gather3A_1646, %get3A_1636 : vector<16xf32>
    %max3A_1655 = arith.maximumf %max3A_1654, %gather3A_1653 : vector<16xf32>
    %eq3A_1656 = arith.cmpf oeq, %get3A_1634, %max3A_1655 : vector<16xf32>
    %gt3A_1657 = arith.constant 0.00999999977 : f32
    %gt3A_1658 = vector.broadcast %gt3A_1657 : f32 to vector<16xf32>
    %gt3A_1659 = arith.cmpf ogt, %get3A_1634, %gt3A_1658 : vector<16xf32>
    %and3A_1660 = arith.andi %eq3A_1656, %gt3A_1659 : vector<16xi1>
    %add3A_1661 = arith.constant 4 : i32
    %add3A_1662 = arith.addi %mul3A_56, %add3A_1661 : i32
    %mul3A_1663 = arith.constant 64 : i32
    %mul3A_1664 = arith.muli %add3A_1662, %mul3A_1663 : i32
    %add3A_1665 = arith.constant 0 : i32
    %add3A_1666 = arith.addi %mul3A_1664, %add3A_1665 : i32
    %add3A_1667 = vector.broadcast %add3A_1666 : i32 to vector<16xi32>
    %add3A_1668 = arith.addi %add3A_1667, %iota3A : vector<16xi32>
    %swap3A_1669 = arith.index_cast %add3A_1626 : i32 to index
    %swap3A_1670 = tpu.vector_load %arg10[%swap3A_1669] masked %and3A_1660 {strides = array<i32>} : memref<528xf32, #tpu.memory_space<vmem>>, vector<16xf32>, vector<16xi1>
    tpu.vector_store %arg10[%swap3A_1669], %get3A_1634 masked %and3A_1660 {strides = array<i32>} : memref<528xf32, #tpu.memory_space<vmem>>, vector<16xf32>, vector<16xi1>
    %swap3A_1671 = arith.index_cast %add3A_1626 : i32 to index
    %swap3A_1672 = tpu.vector_load %arg11[%swap3A_1671] masked %and3A_1660 {strides = array<i32>} : memref<528xi32, #tpu.memory_space<vmem>>, vector<16xi32>, vector<16xi1>
    tpu.vector_store %arg11[%swap3A_1671], %add3A_1668 masked %and3A_1660 {strides = array<i32>} : memref<528xi32, #tpu.memory_space<vmem>>, vector<16xi32>, vector<16xi1>
    %all_reduce_population_count3A_1673 = tpu.all_reduce %and3A_1660 {dim = 0 : i64, kind = #tpu.reduction_kind<sum>} : vector<16xi1> -> vector<16xi32>
    %slice3A_1674 = vector.extract_strided_slice %all_reduce_population_count3A_1673 {offsets = [0], sizes = [1], strides = [1]} : vector<16xi32> to vector<1xi32>
    %squeeze3A_1675 = vector.extract %slice3A_1674[0] : i32 from vector<1xi32>
    %add3A_1676 = arith.addi %add3A_1626, %squeeze3A_1675 : i32
    %mul3A_1677 = arith.constant 72 : i32
    %mul3A_1678 = arith.muli %add3A_1628, %mul3A_1677 : i32
    %add3A_1679 = arith.constant 16 : i32
    %add3A_1680 = arith.addi %mul3A_1678, %add3A_1679 : i32
    %get3A_1681 = arith.index_cast %add3A_1680 : i32 to index
    %get3A_1682 = tpu.vector_load %arg8[%get3A_1681] {strides = array<i32>} : memref<4608xf32, #tpu.memory_space<vmem>>, vector<16xf32>,
    %get3A_1683 = arith.constant 272 : index
    %get3A_1684 = tpu.vector_load %arg9[%get3A_1683] {strides = array<i32>} : memref<512xf32, #tpu.memory_space<vmem>>, vector<16xf32>,
    %add3A_1685 = arith.constant 272 : i32
    %add3A_1686 = vector.broadcast %add3A_1685 : i32 to vector<16xi32>
    %add3A_1687 = arith.addi %add3A_1686, %iota3A : vector<16xi32>
    %sub3A_1688 = arith.constant 1 : i32
    %sub3A_1689 = vector.broadcast %sub3A_1688 : i32 to vector<16xi32>
    %sub3A_1690 = arith.subi %add3A_1687, %sub3A_1689 : vector<16xi32>
    %max3A_1691 = arith.constant 256 : i32
    %max3A_1692 = vector.broadcast %max3A_1691 : i32 to vector<16xi32>
    %max3A_1693 = arith.maxsi %sub3A_1690, %max3A_1692 : vector<16xi32>
    %gather3A_1694 = tpu.vector_load_idx %arg9[%max3A_1693] : memref<512xf32, #tpu.memory_space<vmem>>[vector<16xi32>], vector<16xf32>,
    %add3A_1695 = arith.constant 1 : i32
    %add3A_1696 = vector.broadcast %add3A_1695 : i32 to vector<16xi32>
    %add3A_1697 = arith.addi %add3A_1687, %add3A_1696 : vector<16xi32>
    %min3A_1698 = arith.constant 319 : i32
    %min3A_1699 = vector.broadcast %min3A_1698 : i32 to vector<16xi32>
    %min3A_1700 = arith.minsi %add3A_1697, %min3A_1699 : vector<16xi32>
    %gather3A_1701 = tpu.vector_load_idx %arg9[%min3A_1700] : memref<512xf32, #tpu.memory_space<vmem>>[vector<16xi32>], vector<16xf32>,
    %max3A_1702 = arith.maximumf %gather3A_1694, %get3A_1684 : vector<16xf32>
    %max3A_1703 = arith.maximumf %max3A_1702, %gather3A_1701 : vector<16xf32>
    %eq3A_1704 = arith.cmpf oeq, %get3A_1682, %max3A_1703 : vector<16xf32>
    %gt3A_1705 = arith.constant 0.00999999977 : f32
    %gt3A_1706 = vector.broadcast %gt3A_1705 : f32 to vector<16xf32>
    %gt3A_1707 = arith.cmpf ogt, %get3A_1682, %gt3A_1706 : vector<16xf32>
    %and3A_1708 = arith.andi %eq3A_1704, %gt3A_1707 : vector<16xi1>
    %add3A_1709 = arith.constant 4 : i32
    %add3A_1710 = arith.addi %mul3A_56, %add3A_1709 : i32
    %mul3A_1711 = arith.constant 64 : i32
    %mul3A_1712 = arith.muli %add3A_1710, %mul3A_1711 : i32
    %add3A_1713 = arith.constant 16 : i32
    %add3A_1714 = arith.addi %mul3A_1712, %add3A_1713 : i32
    %add3A_1715 = vector.broadcast %add3A_1714 : i32 to vector<16xi32>
    %add3A_1716 = arith.addi %add3A_1715, %iota3A : vector<16xi32>
    %swap3A_1717 = arith.index_cast %add3A_1676 : i32 to index
    %swap3A_1718 = tpu.vector_load %arg10[%swap3A_1717] masked %and3A_1708 {strides = array<i32>} : memref<528xf32, #tpu.memory_space<vmem>>, vector<16xf32>, vector<16xi1>
    tpu.vector_store %arg10[%swap3A_1717], %get3A_1682 masked %and3A_1708 {strides = array<i32>} : memref<528xf32, #tpu.memory_space<vmem>>, vector<16xf32>, vector<16xi1>
    %swap3A_1719 = arith.index_cast %add3A_1676 : i32 to index
    %swap3A_1720 = tpu.vector_load %arg11[%swap3A_1719] masked %and3A_1708 {strides = array<i32>} : memref<528xi32, #tpu.memory_space<vmem>>, vector<16xi32>, vector<16xi1>
    tpu.vector_store %arg11[%swap3A_1719], %add3A_1716 masked %and3A_1708 {strides = array<i32>} : memref<528xi32, #tpu.memory_space<vmem>>, vector<16xi32>, vector<16xi1>
    %all_reduce_population_count3A_1721 = tpu.all_reduce %and3A_1708 {dim = 0 : i64, kind = #tpu.reduction_kind<sum>} : vector<16xi1> -> vector<16xi32>
    %slice3A_1722 = vector.extract_strided_slice %all_reduce_population_count3A_1721 {offsets = [0], sizes = [1], strides = [1]} : vector<16xi32> to vector<1xi32>
    %squeeze3A_1723 = vector.extract %slice3A_1722[0] : i32 from vector<1xi32>
    %add3A_1724 = arith.addi %add3A_1676, %squeeze3A_1723 : i32
    %mul3A_1725 = arith.constant 72 : i32
    %mul3A_1726 = arith.muli %add3A_1628, %mul3A_1725 : i32
    %add3A_1727 = arith.constant 32 : i32
    %add3A_1728 = arith.addi %mul3A_1726, %add3A_1727 : i32
    %get3A_1729 = arith.index_cast %add3A_1728 : i32 to index
    %get3A_1730 = tpu.vector_load %arg8[%get3A_1729] {strides = array<i32>} : memref<4608xf32, #tpu.memory_space<vmem>>, vector<16xf32>,
    %get3A_1731 = arith.constant 288 : index
    %get3A_1732 = tpu.vector_load %arg9[%get3A_1731] {strides = array<i32>} : memref<512xf32, #tpu.memory_space<vmem>>, vector<16xf32>,
    %add3A_1733 = arith.constant 288 : i32
    %add3A_1734 = vector.broadcast %add3A_1733 : i32 to vector<16xi32>
    %add3A_1735 = arith.addi %add3A_1734, %iota3A : vector<16xi32>
    %sub3A_1736 = arith.constant 1 : i32
    %sub3A_1737 = vector.broadcast %sub3A_1736 : i32 to vector<16xi32>
    %sub3A_1738 = arith.subi %add3A_1735, %sub3A_1737 : vector<16xi32>
    %max3A_1739 = arith.constant 256 : i32
    %max3A_1740 = vector.broadcast %max3A_1739 : i32 to vector<16xi32>
    %max3A_1741 = arith.maxsi %sub3A_1738, %max3A_1740 : vector<16xi32>
    %gather3A_1742 = tpu.vector_load_idx %arg9[%max3A_1741] : memref<512xf32, #tpu.memory_space<vmem>>[vector<16xi32>], vector<16xf32>,
    %add3A_1743 = arith.constant 1 : i32
    %add3A_1744 = vector.broadcast %add3A_1743 : i32 to vector<16xi32>
    %add3A_1745 = arith.addi %add3A_1735, %add3A_1744 : vector<16xi32>
    %min3A_1746 = arith.constant 319 : i32
    %min3A_1747 = vector.broadcast %min3A_1746 : i32 to vector<16xi32>
    %min3A_1748 = arith.minsi %add3A_1745, %min3A_1747 : vector<16xi32>
    %gather3A_1749 = tpu.vector_load_idx %arg9[%min3A_1748] : memref<512xf32, #tpu.memory_space<vmem>>[vector<16xi32>], vector<16xf32>,
    %max3A_1750 = arith.maximumf %gather3A_1742, %get3A_1732 : vector<16xf32>
    %max3A_1751 = arith.maximumf %max3A_1750, %gather3A_1749 : vector<16xf32>
    %eq3A_1752 = arith.cmpf oeq, %get3A_1730, %max3A_1751 : vector<16xf32>
    %gt3A_1753 = arith.constant 0.00999999977 : f32
    %gt3A_1754 = vector.broadcast %gt3A_1753 : f32 to vector<16xf32>
    %gt3A_1755 = arith.cmpf ogt, %get3A_1730, %gt3A_1754 : vector<16xf32>
    %and3A_1756 = arith.andi %eq3A_1752, %gt3A_1755 : vector<16xi1>
    %add3A_1757 = arith.constant 4 : i32
    %add3A_1758 = arith.addi %mul3A_56, %add3A_1757 : i32
    %mul3A_1759 = arith.constant 64 : i32
    %mul3A_1760 = arith.muli %add3A_1758, %mul3A_1759 : i32
    %add3A_1761 = arith.constant 32 : i32
    %add3A_1762 = arith.addi %mul3A_1760, %add3A_1761 : i32
    %add3A_1763 = vector.broadcast %add3A_1762 : i32 to vector<16xi32>
    %add3A_1764 = arith.addi %add3A_1763, %iota3A : vector<16xi32>
    %swap3A_1765 = arith.index_cast %add3A_1724 : i32 to index
    %swap3A_1766 = tpu.vector_load %arg10[%swap3A_1765] masked %and3A_1756 {strides = array<i32>} : memref<528xf32, #tpu.memory_space<vmem>>, vector<16xf32>, vector<16xi1>
    tpu.vector_store %arg10[%swap3A_1765], %get3A_1730 masked %and3A_1756 {strides = array<i32>} : memref<528xf32, #tpu.memory_space<vmem>>, vector<16xf32>, vector<16xi1>
    %swap3A_1767 = arith.index_cast %add3A_1724 : i32 to index
    %swap3A_1768 = tpu.vector_load %arg11[%swap3A_1767] masked %and3A_1756 {strides = array<i32>} : memref<528xi32, #tpu.memory_space<vmem>>, vector<16xi32>, vector<16xi1>
    tpu.vector_store %arg11[%swap3A_1767], %add3A_1764 masked %and3A_1756 {strides = array<i32>} : memref<528xi32, #tpu.memory_space<vmem>>, vector<16xi32>, vector<16xi1>
    %all_reduce_population_count3A_1769 = tpu.all_reduce %and3A_1756 {dim = 0 : i64, kind = #tpu.reduction_kind<sum>} : vector<16xi1> -> vector<16xi32>
    %slice3A_1770 = vector.extract_strided_slice %all_reduce_population_count3A_1769 {offsets = [0], sizes = [1], strides = [1]} : vector<16xi32> to vector<1xi32>
    %squeeze3A_1771 = vector.extract %slice3A_1770[0] : i32 from vector<1xi32>
    %add3A_1772 = arith.addi %add3A_1724, %squeeze3A_1771 : i32
    %mul3A_1773 = arith.constant 72 : i32
    %mul3A_1774 = arith.muli %add3A_1628, %mul3A_1773 : i32
    %add3A_1775 = arith.constant 48 : i32
    %add3A_1776 = arith.addi %mul3A_1774, %add3A_1775 : i32
    %get3A_1777 = arith.index_cast %add3A_1776 : i32 to index
    %get3A_1778 = tpu.vector_load %arg8[%get3A_1777] {strides = array<i32>} : memref<4608xf32, #tpu.memory_space<vmem>>, vector<16xf32>,
    %get3A_1779 = arith.constant 304 : index
    %get3A_1780 = tpu.vector_load %arg9[%get3A_1779] {strides = array<i32>} : memref<512xf32, #tpu.memory_space<vmem>>, vector<16xf32>,
    %add3A_1781 = arith.constant 304 : i32
    %add3A_1782 = vector.broadcast %add3A_1781 : i32 to vector<16xi32>
    %add3A_1783 = arith.addi %add3A_1782, %iota3A : vector<16xi32>
    %sub3A_1784 = arith.constant 1 : i32
    %sub3A_1785 = vector.broadcast %sub3A_1784 : i32 to vector<16xi32>
    %sub3A_1786 = arith.subi %add3A_1783, %sub3A_1785 : vector<16xi32>
    %max3A_1787 = arith.constant 256 : i32
    %max3A_1788 = vector.broadcast %max3A_1787 : i32 to vector<16xi32>
    %max3A_1789 = arith.maxsi %sub3A_1786, %max3A_1788 : vector<16xi32>
    %gather3A_1790 = tpu.vector_load_idx %arg9[%max3A_1789] : memref<512xf32, #tpu.memory_space<vmem>>[vector<16xi32>], vector<16xf32>,
    %add3A_1791 = arith.constant 1 : i32
    %add3A_1792 = vector.broadcast %add3A_1791 : i32 to vector<16xi32>
    %add3A_1793 = arith.addi %add3A_1783, %add3A_1792 : vector<16xi32>
    %min3A_1794 = arith.constant 319 : i32
    %min3A_1795 = vector.broadcast %min3A_1794 : i32 to vector<16xi32>
    %min3A_1796 = arith.minsi %add3A_1793, %min3A_1795 : vector<16xi32>
    %gather3A_1797 = tpu.vector_load_idx %arg9[%min3A_1796] : memref<512xf32, #tpu.memory_space<vmem>>[vector<16xi32>], vector<16xf32>,
    %max3A_1798 = arith.maximumf %gather3A_1790, %get3A_1780 : vector<16xf32>
    %max3A_1799 = arith.maximumf %max3A_1798, %gather3A_1797 : vector<16xf32>
    %eq3A_1800 = arith.cmpf oeq, %get3A_1778, %max3A_1799 : vector<16xf32>
    %gt3A_1801 = arith.constant 0.00999999977 : f32
    %gt3A_1802 = vector.broadcast %gt3A_1801 : f32 to vector<16xf32>
    %gt3A_1803 = arith.cmpf ogt, %get3A_1778, %gt3A_1802 : vector<16xf32>
    %and3A_1804 = arith.andi %eq3A_1800, %gt3A_1803 : vector<16xi1>
    %add3A_1805 = arith.constant 4 : i32
    %add3A_1806 = arith.addi %mul3A_56, %add3A_1805 : i32
    %mul3A_1807 = arith.constant 64 : i32
    %mul3A_1808 = arith.muli %add3A_1806, %mul3A_1807 : i32
    %add3A_1809 = arith.constant 48 : i32
    %add3A_1810 = arith.addi %mul3A_1808, %add3A_1809 : i32
    %add3A_1811 = vector.broadcast %add3A_1810 : i32 to vector<16xi32>
    %add3A_1812 = arith.addi %add3A_1811, %iota3A : vector<16xi32>
    %swap3A_1813 = arith.index_cast %add3A_1772 : i32 to index
    %swap3A_1814 = tpu.vector_load %arg10[%swap3A_1813] masked %and3A_1804 {strides = array<i32>} : memref<528xf32, #tpu.memory_space<vmem>>, vector<16xf32>, vector<16xi1>
    tpu.vector_store %arg10[%swap3A_1813], %get3A_1778 masked %and3A_1804 {strides = array<i32>} : memref<528xf32, #tpu.memory_space<vmem>>, vector<16xf32>, vector<16xi1>
    %swap3A_1815 = arith.index_cast %add3A_1772 : i32 to index
    %swap3A_1816 = tpu.vector_load %arg11[%swap3A_1815] masked %and3A_1804 {strides = array<i32>} : memref<528xi32, #tpu.memory_space<vmem>>, vector<16xi32>, vector<16xi1>
    tpu.vector_store %arg11[%swap3A_1815], %add3A_1812 masked %and3A_1804 {strides = array<i32>} : memref<528xi32, #tpu.memory_space<vmem>>, vector<16xi32>, vector<16xi1>
    %all_reduce_population_count3A_1817 = tpu.all_reduce %and3A_1804 {dim = 0 : i64, kind = #tpu.reduction_kind<sum>} : vector<16xi1> -> vector<16xi32>
    %slice3A_1818 = vector.extract_strided_slice %all_reduce_population_count3A_1817 {offsets = [0], sizes = [1], strides = [1]} : vector<16xi32> to vector<1xi32>
    %squeeze3A_1819 = vector.extract %slice3A_1818[0] : i32 from vector<1xi32>
    %add3A_1820 = arith.addi %add3A_1772, %squeeze3A_1819 : i32
    %add3A_1821 = arith.constant 5 : i32
    %add3A_1822 = arith.addi %mul3A_56, %add3A_1821 : i32
    %mul3A_1823 = arith.constant 72 : i32
    %mul3A_1824 = arith.muli %add3A_1822, %mul3A_1823 : i32
    %add3A_1825 = arith.constant 0 : i32
    %add3A_1826 = arith.addi %mul3A_1824, %add3A_1825 : i32
    %get3A_1827 = arith.index_cast %add3A_1826 : i32 to index
    %get3A_1828 = tpu.vector_load %arg8[%get3A_1827] {strides = array<i32>} : memref<4608xf32, #tpu.memory_space<vmem>>, vector<16xf32>,
    %get3A_1829 = arith.constant 320 : index
    %get3A_1830 = tpu.vector_load %arg9[%get3A_1829] {strides = array<i32>} : memref<512xf32, #tpu.memory_space<vmem>>, vector<16xf32>,
    %add3A_1831 = arith.constant 320 : i32
    %add3A_1832 = vector.broadcast %add3A_1831 : i32 to vector<16xi32>
    %add3A_1833 = arith.addi %add3A_1832, %iota3A : vector<16xi32>
    %sub3A_1834 = arith.constant 1 : i32
    %sub3A_1835 = vector.broadcast %sub3A_1834 : i32 to vector<16xi32>
    %sub3A_1836 = arith.subi %add3A_1833, %sub3A_1835 : vector<16xi32>
    %max3A_1837 = arith.constant 320 : i32
    %max3A_1838 = vector.broadcast %max3A_1837 : i32 to vector<16xi32>
    %max3A_1839 = arith.maxsi %sub3A_1836, %max3A_1838 : vector<16xi32>
    %gather3A_1840 = tpu.vector_load_idx %arg9[%max3A_1839] : memref<512xf32, #tpu.memory_space<vmem>>[vector<16xi32>], vector<16xf32>,
    %add3A_1841 = arith.constant 1 : i32
    %add3A_1842 = vector.broadcast %add3A_1841 : i32 to vector<16xi32>
    %add3A_1843 = arith.addi %add3A_1833, %add3A_1842 : vector<16xi32>
    %min3A_1844 = arith.constant 383 : i32
    %min3A_1845 = vector.broadcast %min3A_1844 : i32 to vector<16xi32>
    %min3A_1846 = arith.minsi %add3A_1843, %min3A_1845 : vector<16xi32>
    %gather3A_1847 = tpu.vector_load_idx %arg9[%min3A_1846] : memref<512xf32, #tpu.memory_space<vmem>>[vector<16xi32>], vector<16xf32>,
    %max3A_1848 = arith.maximumf %gather3A_1840, %get3A_1830 : vector<16xf32>
    %max3A_1849 = arith.maximumf %max3A_1848, %gather3A_1847 : vector<16xf32>
    %eq3A_1850 = arith.cmpf oeq, %get3A_1828, %max3A_1849 : vector<16xf32>
    %gt3A_1851 = arith.constant 0.00999999977 : f32
    %gt3A_1852 = vector.broadcast %gt3A_1851 : f32 to vector<16xf32>
    %gt3A_1853 = arith.cmpf ogt, %get3A_1828, %gt3A_1852 : vector<16xf32>
    %and3A_1854 = arith.andi %eq3A_1850, %gt3A_1853 : vector<16xi1>
    %add3A_1855 = arith.constant 5 : i32
    %add3A_1856 = arith.addi %mul3A_56, %add3A_1855 : i32
    %mul3A_1857 = arith.constant 64 : i32
    %mul3A_1858 = arith.muli %add3A_1856, %mul3A_1857 : i32
    %add3A_1859 = arith.constant 0 : i32
    %add3A_1860 = arith.addi %mul3A_1858, %add3A_1859 : i32
    %add3A_1861 = vector.broadcast %add3A_1860 : i32 to vector<16xi32>
    %add3A_1862 = arith.addi %add3A_1861, %iota3A : vector<16xi32>
    %swap3A_1863 = arith.index_cast %add3A_1820 : i32 to index
    %swap3A_1864 = tpu.vector_load %arg10[%swap3A_1863] masked %and3A_1854 {strides = array<i32>} : memref<528xf32, #tpu.memory_space<vmem>>, vector<16xf32>, vector<16xi1>
    tpu.vector_store %arg10[%swap3A_1863], %get3A_1828 masked %and3A_1854 {strides = array<i32>} : memref<528xf32, #tpu.memory_space<vmem>>, vector<16xf32>, vector<16xi1>
    %swap3A_1865 = arith.index_cast %add3A_1820 : i32 to index
    %swap3A_1866 = tpu.vector_load %arg11[%swap3A_1865] masked %and3A_1854 {strides = array<i32>} : memref<528xi32, #tpu.memory_space<vmem>>, vector<16xi32>, vector<16xi1>
    tpu.vector_store %arg11[%swap3A_1865], %add3A_1862 masked %and3A_1854 {strides = array<i32>} : memref<528xi32, #tpu.memory_space<vmem>>, vector<16xi32>, vector<16xi1>
    %all_reduce_population_count3A_1867 = tpu.all_reduce %and3A_1854 {dim = 0 : i64, kind = #tpu.reduction_kind<sum>} : vector<16xi1> -> vector<16xi32>
    %slice3A_1868 = vector.extract_strided_slice %all_reduce_population_count3A_1867 {offsets = [0], sizes = [1], strides = [1]} : vector<16xi32> to vector<1xi32>
    %squeeze3A_1869 = vector.extract %slice3A_1868[0] : i32 from vector<1xi32>
    %add3A_1870 = arith.addi %add3A_1820, %squeeze3A_1869 : i32
    %mul3A_1871 = arith.constant 72 : i32
    %mul3A_1872 = arith.muli %add3A_1822, %mul3A_1871 : i32
    %add3A_1873 = arith.constant 16 : i32
    %add3A_1874 = arith.addi %mul3A_1872, %add3A_1873 : i32
    %get3A_1875 = arith.index_cast %add3A_1874 : i32 to index
    %get3A_1876 = tpu.vector_load %arg8[%get3A_1875] {strides = array<i32>} : memref<4608xf32, #tpu.memory_space<vmem>>, vector<16xf32>,
    %get3A_1877 = arith.constant 336 : index
    %get3A_1878 = tpu.vector_load %arg9[%get3A_1877] {strides = array<i32>} : memref<512xf32, #tpu.memory_space<vmem>>, vector<16xf32>,
    %add3A_1879 = arith.constant 336 : i32
    %add3A_1880 = vector.broadcast %add3A_1879 : i32 to vector<16xi32>
    %add3A_1881 = arith.addi %add3A_1880, %iota3A : vector<16xi32>
    %sub3A_1882 = arith.constant 1 : i32
    %sub3A_1883 = vector.broadcast %sub3A_1882 : i32 to vector<16xi32>
    %sub3A_1884 = arith.subi %add3A_1881, %sub3A_1883 : vector<16xi32>
    %max3A_1885 = arith.constant 320 : i32
    %max3A_1886 = vector.broadcast %max3A_1885 : i32 to vector<16xi32>
    %max3A_1887 = arith.maxsi %sub3A_1884, %max3A_1886 : vector<16xi32>
    %gather3A_1888 = tpu.vector_load_idx %arg9[%max3A_1887] : memref<512xf32, #tpu.memory_space<vmem>>[vector<16xi32>], vector<16xf32>,
    %add3A_1889 = arith.constant 1 : i32
    %add3A_1890 = vector.broadcast %add3A_1889 : i32 to vector<16xi32>
    %add3A_1891 = arith.addi %add3A_1881, %add3A_1890 : vector<16xi32>
    %min3A_1892 = arith.constant 383 : i32
    %min3A_1893 = vector.broadcast %min3A_1892 : i32 to vector<16xi32>
    %min3A_1894 = arith.minsi %add3A_1891, %min3A_1893 : vector<16xi32>
    %gather3A_1895 = tpu.vector_load_idx %arg9[%min3A_1894] : memref<512xf32, #tpu.memory_space<vmem>>[vector<16xi32>], vector<16xf32>,
    %max3A_1896 = arith.maximumf %gather3A_1888, %get3A_1878 : vector<16xf32>
    %max3A_1897 = arith.maximumf %max3A_1896, %gather3A_1895 : vector<16xf32>
    %eq3A_1898 = arith.cmpf oeq, %get3A_1876, %max3A_1897 : vector<16xf32>
    %gt3A_1899 = arith.constant 0.00999999977 : f32
    %gt3A_1900 = vector.broadcast %gt3A_1899 : f32 to vector<16xf32>
    %gt3A_1901 = arith.cmpf ogt, %get3A_1876, %gt3A_1900 : vector<16xf32>
    %and3A_1902 = arith.andi %eq3A_1898, %gt3A_1901 : vector<16xi1>
    %add3A_1903 = arith.constant 5 : i32
    %add3A_1904 = arith.addi %mul3A_56, %add3A_1903 : i32
    %mul3A_1905 = arith.constant 64 : i32
    %mul3A_1906 = arith.muli %add3A_1904, %mul3A_1905 : i32
    %add3A_1907 = arith.constant 16 : i32
    %add3A_1908 = arith.addi %mul3A_1906, %add3A_1907 : i32
    %add3A_1909 = vector.broadcast %add3A_1908 : i32 to vector<16xi32>
    %add3A_1910 = arith.addi %add3A_1909, %iota3A : vector<16xi32>
    %swap3A_1911 = arith.index_cast %add3A_1870 : i32 to index
    %swap3A_1912 = tpu.vector_load %arg10[%swap3A_1911] masked %and3A_1902 {strides = array<i32>} : memref<528xf32, #tpu.memory_space<vmem>>, vector<16xf32>, vector<16xi1>
    tpu.vector_store %arg10[%swap3A_1911], %get3A_1876 masked %and3A_1902 {strides = array<i32>} : memref<528xf32, #tpu.memory_space<vmem>>, vector<16xf32>, vector<16xi1>
    %swap3A_1913 = arith.index_cast %add3A_1870 : i32 to index
    %swap3A_1914 = tpu.vector_load %arg11[%swap3A_1913] masked %and3A_1902 {strides = array<i32>} : memref<528xi32, #tpu.memory_space<vmem>>, vector<16xi32>, vector<16xi1>
    tpu.vector_store %arg11[%swap3A_1913], %add3A_1910 masked %and3A_1902 {strides = array<i32>} : memref<528xi32, #tpu.memory_space<vmem>>, vector<16xi32>, vector<16xi1>
    %all_reduce_population_count3A_1915 = tpu.all_reduce %and3A_1902 {dim = 0 : i64, kind = #tpu.reduction_kind<sum>} : vector<16xi1> -> vector<16xi32>
    %slice3A_1916 = vector.extract_strided_slice %all_reduce_population_count3A_1915 {offsets = [0], sizes = [1], strides = [1]} : vector<16xi32> to vector<1xi32>
    %squeeze3A_1917 = vector.extract %slice3A_1916[0] : i32 from vector<1xi32>
    %add3A_1918 = arith.addi %add3A_1870, %squeeze3A_1917 : i32
    %mul3A_1919 = arith.constant 72 : i32
    %mul3A_1920 = arith.muli %add3A_1822, %mul3A_1919 : i32
    %add3A_1921 = arith.constant 32 : i32
    %add3A_1922 = arith.addi %mul3A_1920, %add3A_1921 : i32
    %get3A_1923 = arith.index_cast %add3A_1922 : i32 to index
    %get3A_1924 = tpu.vector_load %arg8[%get3A_1923] {strides = array<i32>} : memref<4608xf32, #tpu.memory_space<vmem>>, vector<16xf32>,
    %get3A_1925 = arith.constant 352 : index
    %get3A_1926 = tpu.vector_load %arg9[%get3A_1925] {strides = array<i32>} : memref<512xf32, #tpu.memory_space<vmem>>, vector<16xf32>,
    %add3A_1927 = arith.constant 352 : i32
    %add3A_1928 = vector.broadcast %add3A_1927 : i32 to vector<16xi32>
    %add3A_1929 = arith.addi %add3A_1928, %iota3A : vector<16xi32>
    %sub3A_1930 = arith.constant 1 : i32
    %sub3A_1931 = vector.broadcast %sub3A_1930 : i32 to vector<16xi32>
    %sub3A_1932 = arith.subi %add3A_1929, %sub3A_1931 : vector<16xi32>
    %max3A_1933 = arith.constant 320 : i32
    %max3A_1934 = vector.broadcast %max3A_1933 : i32 to vector<16xi32>
    %max3A_1935 = arith.maxsi %sub3A_1932, %max3A_1934 : vector<16xi32>
    %gather3A_1936 = tpu.vector_load_idx %arg9[%max3A_1935] : memref<512xf32, #tpu.memory_space<vmem>>[vector<16xi32>], vector<16xf32>,
    %add3A_1937 = arith.constant 1 : i32
    %add3A_1938 = vector.broadcast %add3A_1937 : i32 to vector<16xi32>
    %add3A_1939 = arith.addi %add3A_1929, %add3A_1938 : vector<16xi32>
    %min3A_1940 = arith.constant 383 : i32
    %min3A_1941 = vector.broadcast %min3A_1940 : i32 to vector<16xi32>
    %min3A_1942 = arith.minsi %add3A_1939, %min3A_1941 : vector<16xi32>
    %gather3A_1943 = tpu.vector_load_idx %arg9[%min3A_1942] : memref<512xf32, #tpu.memory_space<vmem>>[vector<16xi32>], vector<16xf32>,
    %max3A_1944 = arith.maximumf %gather3A_1936, %get3A_1926 : vector<16xf32>
    %max3A_1945 = arith.maximumf %max3A_1944, %gather3A_1943 : vector<16xf32>
    %eq3A_1946 = arith.cmpf oeq, %get3A_1924, %max3A_1945 : vector<16xf32>
    %gt3A_1947 = arith.constant 0.00999999977 : f32
    %gt3A_1948 = vector.broadcast %gt3A_1947 : f32 to vector<16xf32>
    %gt3A_1949 = arith.cmpf ogt, %get3A_1924, %gt3A_1948 : vector<16xf32>
    %and3A_1950 = arith.andi %eq3A_1946, %gt3A_1949 : vector<16xi1>
    %add3A_1951 = arith.constant 5 : i32
    %add3A_1952 = arith.addi %mul3A_56, %add3A_1951 : i32
    %mul3A_1953 = arith.constant 64 : i32
    %mul3A_1954 = arith.muli %add3A_1952, %mul3A_1953 : i32
    %add3A_1955 = arith.constant 32 : i32
    %add3A_1956 = arith.addi %mul3A_1954, %add3A_1955 : i32
    %add3A_1957 = vector.broadcast %add3A_1956 : i32 to vector<16xi32>
    %add3A_1958 = arith.addi %add3A_1957, %iota3A : vector<16xi32>
    %swap3A_1959 = arith.index_cast %add3A_1918 : i32 to index
    %swap3A_1960 = tpu.vector_load %arg10[%swap3A_1959] masked %and3A_1950 {strides = array<i32>} : memref<528xf32, #tpu.memory_space<vmem>>, vector<16xf32>, vector<16xi1>
    tpu.vector_store %arg10[%swap3A_1959], %get3A_1924 masked %and3A_1950 {strides = array<i32>} : memref<528xf32, #tpu.memory_space<vmem>>, vector<16xf32>, vector<16xi1>
    %swap3A_1961 = arith.index_cast %add3A_1918 : i32 to index
    %swap3A_1962 = tpu.vector_load %arg11[%swap3A_1961] masked %and3A_1950 {strides = array<i32>} : memref<528xi32, #tpu.memory_space<vmem>>, vector<16xi32>, vector<16xi1>
    tpu.vector_store %arg11[%swap3A_1961], %add3A_1958 masked %and3A_1950 {strides = array<i32>} : memref<528xi32, #tpu.memory_space<vmem>>, vector<16xi32>, vector<16xi1>
    %all_reduce_population_count3A_1963 = tpu.all_reduce %and3A_1950 {dim = 0 : i64, kind = #tpu.reduction_kind<sum>} : vector<16xi1> -> vector<16xi32>
    %slice3A_1964 = vector.extract_strided_slice %all_reduce_population_count3A_1963 {offsets = [0], sizes = [1], strides = [1]} : vector<16xi32> to vector<1xi32>
    %squeeze3A_1965 = vector.extract %slice3A_1964[0] : i32 from vector<1xi32>
    %add3A_1966 = arith.addi %add3A_1918, %squeeze3A_1965 : i32
    %mul3A_1967 = arith.constant 72 : i32
    %mul3A_1968 = arith.muli %add3A_1822, %mul3A_1967 : i32
    %add3A_1969 = arith.constant 48 : i32
    %add3A_1970 = arith.addi %mul3A_1968, %add3A_1969 : i32
    %get3A_1971 = arith.index_cast %add3A_1970 : i32 to index
    %get3A_1972 = tpu.vector_load %arg8[%get3A_1971] {strides = array<i32>} : memref<4608xf32, #tpu.memory_space<vmem>>, vector<16xf32>,
    %get3A_1973 = arith.constant 368 : index
    %get3A_1974 = tpu.vector_load %arg9[%get3A_1973] {strides = array<i32>} : memref<512xf32, #tpu.memory_space<vmem>>, vector<16xf32>,
    %add3A_1975 = arith.constant 368 : i32
    %add3A_1976 = vector.broadcast %add3A_1975 : i32 to vector<16xi32>
    %add3A_1977 = arith.addi %add3A_1976, %iota3A : vector<16xi32>
    %sub3A_1978 = arith.constant 1 : i32
    %sub3A_1979 = vector.broadcast %sub3A_1978 : i32 to vector<16xi32>
    %sub3A_1980 = arith.subi %add3A_1977, %sub3A_1979 : vector<16xi32>
    %max3A_1981 = arith.constant 320 : i32
    %max3A_1982 = vector.broadcast %max3A_1981 : i32 to vector<16xi32>
    %max3A_1983 = arith.maxsi %sub3A_1980, %max3A_1982 : vector<16xi32>
    %gather3A_1984 = tpu.vector_load_idx %arg9[%max3A_1983] : memref<512xf32, #tpu.memory_space<vmem>>[vector<16xi32>], vector<16xf32>,
    %add3A_1985 = arith.constant 1 : i32
    %add3A_1986 = vector.broadcast %add3A_1985 : i32 to vector<16xi32>
    %add3A_1987 = arith.addi %add3A_1977, %add3A_1986 : vector<16xi32>
    %min3A_1988 = arith.constant 383 : i32
    %min3A_1989 = vector.broadcast %min3A_1988 : i32 to vector<16xi32>
    %min3A_1990 = arith.minsi %add3A_1987, %min3A_1989 : vector<16xi32>
    %gather3A_1991 = tpu.vector_load_idx %arg9[%min3A_1990] : memref<512xf32, #tpu.memory_space<vmem>>[vector<16xi32>], vector<16xf32>,
    %max3A_1992 = arith.maximumf %gather3A_1984, %get3A_1974 : vector<16xf32>
    %max3A_1993 = arith.maximumf %max3A_1992, %gather3A_1991 : vector<16xf32>
    %eq3A_1994 = arith.cmpf oeq, %get3A_1972, %max3A_1993 : vector<16xf32>
    %gt3A_1995 = arith.constant 0.00999999977 : f32
    %gt3A_1996 = vector.broadcast %gt3A_1995 : f32 to vector<16xf32>
    %gt3A_1997 = arith.cmpf ogt, %get3A_1972, %gt3A_1996 : vector<16xf32>
    %and3A_1998 = arith.andi %eq3A_1994, %gt3A_1997 : vector<16xi1>
    %add3A_1999 = arith.constant 5 : i32
    %add3A_2000 = arith.addi %mul3A_56, %add3A_1999 : i32
    %mul3A_2001 = arith.constant 64 : i32
    %mul3A_2002 = arith.muli %add3A_2000, %mul3A_2001 : i32
    %add3A_2003 = arith.constant 48 : i32
    %add3A_2004 = arith.addi %mul3A_2002, %add3A_2003 : i32
    %add3A_2005 = vector.broadcast %add3A_2004 : i32 to vector<16xi32>
    %add3A_2006 = arith.addi %add3A_2005, %iota3A : vector<16xi32>
    %swap3A_2007 = arith.index_cast %add3A_1966 : i32 to index
    %swap3A_2008 = tpu.vector_load %arg10[%swap3A_2007] masked %and3A_1998 {strides = array<i32>} : memref<528xf32, #tpu.memory_space<vmem>>, vector<16xf32>, vector<16xi1>
    tpu.vector_store %arg10[%swap3A_2007], %get3A_1972 masked %and3A_1998 {strides = array<i32>} : memref<528xf32, #tpu.memory_space<vmem>>, vector<16xf32>, vector<16xi1>
    %swap3A_2009 = arith.index_cast %add3A_1966 : i32 to index
    %swap3A_2010 = tpu.vector_load %arg11[%swap3A_2009] masked %and3A_1998 {strides = array<i32>} : memref<528xi32, #tpu.memory_space<vmem>>, vector<16xi32>, vector<16xi1>
    tpu.vector_store %arg11[%swap3A_2009], %add3A_2006 masked %and3A_1998 {strides = array<i32>} : memref<528xi32, #tpu.memory_space<vmem>>, vector<16xi32>, vector<16xi1>
    %all_reduce_population_count3A_2011 = tpu.all_reduce %and3A_1998 {dim = 0 : i64, kind = #tpu.reduction_kind<sum>} : vector<16xi1> -> vector<16xi32>
    %slice3A_2012 = vector.extract_strided_slice %all_reduce_population_count3A_2011 {offsets = [0], sizes = [1], strides = [1]} : vector<16xi32> to vector<1xi32>
    %squeeze3A_2013 = vector.extract %slice3A_2012[0] : i32 from vector<1xi32>
    %add3A_2014 = arith.addi %add3A_1966, %squeeze3A_2013 : i32
    %add3A_2015 = arith.constant 6 : i32
    %add3A_2016 = arith.addi %mul3A_56, %add3A_2015 : i32
    %mul3A_2017 = arith.constant 72 : i32
    %mul3A_2018 = arith.muli %add3A_2016, %mul3A_2017 : i32
    %add3A_2019 = arith.constant 0 : i32
    %add3A_2020 = arith.addi %mul3A_2018, %add3A_2019 : i32
    %get3A_2021 = arith.index_cast %add3A_2020 : i32 to index
    %get3A_2022 = tpu.vector_load %arg8[%get3A_2021] {strides = array<i32>} : memref<4608xf32, #tpu.memory_space<vmem>>, vector<16xf32>,
    %get3A_2023 = arith.constant 384 : index
    %get3A_2024 = tpu.vector_load %arg9[%get3A_2023] {strides = array<i32>} : memref<512xf32, #tpu.memory_space<vmem>>, vector<16xf32>,
    %add3A_2025 = arith.constant 384 : i32
    %add3A_2026 = vector.broadcast %add3A_2025 : i32 to vector<16xi32>
    %add3A_2027 = arith.addi %add3A_2026, %iota3A : vector<16xi32>
    %sub3A_2028 = arith.constant 1 : i32
    %sub3A_2029 = vector.broadcast %sub3A_2028 : i32 to vector<16xi32>
    %sub3A_2030 = arith.subi %add3A_2027, %sub3A_2029 : vector<16xi32>
    %max3A_2031 = arith.constant 384 : i32
    %max3A_2032 = vector.broadcast %max3A_2031 : i32 to vector<16xi32>
    %max3A_2033 = arith.maxsi %sub3A_2030, %max3A_2032 : vector<16xi32>
    %gather3A_2034 = tpu.vector_load_idx %arg9[%max3A_2033] : memref<512xf32, #tpu.memory_space<vmem>>[vector<16xi32>], vector<16xf32>,
    %add3A_2035 = arith.constant 1 : i32
    %add3A_2036 = vector.broadcast %add3A_2035 : i32 to vector<16xi32>
    %add3A_2037 = arith.addi %add3A_2027, %add3A_2036 : vector<16xi32>
    %min3A_2038 = arith.constant 447 : i32
    %min3A_2039 = vector.broadcast %min3A_2038 : i32 to vector<16xi32>
    %min3A_2040 = arith.minsi %add3A_2037, %min3A_2039 : vector<16xi32>
    %gather3A_2041 = tpu.vector_load_idx %arg9[%min3A_2040] : memref<512xf32, #tpu.memory_space<vmem>>[vector<16xi32>], vector<16xf32>,
    %max3A_2042 = arith.maximumf %gather3A_2034, %get3A_2024 : vector<16xf32>
    %max3A_2043 = arith.maximumf %max3A_2042, %gather3A_2041 : vector<16xf32>
    %eq3A_2044 = arith.cmpf oeq, %get3A_2022, %max3A_2043 : vector<16xf32>
    %gt3A_2045 = arith.constant 0.00999999977 : f32
    %gt3A_2046 = vector.broadcast %gt3A_2045 : f32 to vector<16xf32>
    %gt3A_2047 = arith.cmpf ogt, %get3A_2022, %gt3A_2046 : vector<16xf32>
    %and3A_2048 = arith.andi %eq3A_2044, %gt3A_2047 : vector<16xi1>
    %add3A_2049 = arith.constant 6 : i32
    %add3A_2050 = arith.addi %mul3A_56, %add3A_2049 : i32
    %mul3A_2051 = arith.constant 64 : i32
    %mul3A_2052 = arith.muli %add3A_2050, %mul3A_2051 : i32
    %add3A_2053 = arith.constant 0 : i32
    %add3A_2054 = arith.addi %mul3A_2052, %add3A_2053 : i32
    %add3A_2055 = vector.broadcast %add3A_2054 : i32 to vector<16xi32>
    %add3A_2056 = arith.addi %add3A_2055, %iota3A : vector<16xi32>
    %swap3A_2057 = arith.index_cast %add3A_2014 : i32 to index
    %swap3A_2058 = tpu.vector_load %arg10[%swap3A_2057] masked %and3A_2048 {strides = array<i32>} : memref<528xf32, #tpu.memory_space<vmem>>, vector<16xf32>, vector<16xi1>
    tpu.vector_store %arg10[%swap3A_2057], %get3A_2022 masked %and3A_2048 {strides = array<i32>} : memref<528xf32, #tpu.memory_space<vmem>>, vector<16xf32>, vector<16xi1>
    %swap3A_2059 = arith.index_cast %add3A_2014 : i32 to index
    %swap3A_2060 = tpu.vector_load %arg11[%swap3A_2059] masked %and3A_2048 {strides = array<i32>} : memref<528xi32, #tpu.memory_space<vmem>>, vector<16xi32>, vector<16xi1>
    tpu.vector_store %arg11[%swap3A_2059], %add3A_2056 masked %and3A_2048 {strides = array<i32>} : memref<528xi32, #tpu.memory_space<vmem>>, vector<16xi32>, vector<16xi1>
    %all_reduce_population_count3A_2061 = tpu.all_reduce %and3A_2048 {dim = 0 : i64, kind = #tpu.reduction_kind<sum>} : vector<16xi1> -> vector<16xi32>
    %slice3A_2062 = vector.extract_strided_slice %all_reduce_population_count3A_2061 {offsets = [0], sizes = [1], strides = [1]} : vector<16xi32> to vector<1xi32>
    %squeeze3A_2063 = vector.extract %slice3A_2062[0] : i32 from vector<1xi32>
    %add3A_2064 = arith.addi %add3A_2014, %squeeze3A_2063 : i32
    %mul3A_2065 = arith.constant 72 : i32
    %mul3A_2066 = arith.muli %add3A_2016, %mul3A_2065 : i32
    %add3A_2067 = arith.constant 16 : i32
    %add3A_2068 = arith.addi %mul3A_2066, %add3A_2067 : i32
    %get3A_2069 = arith.index_cast %add3A_2068 : i32 to index
    %get3A_2070 = tpu.vector_load %arg8[%get3A_2069] {strides = array<i32>} : memref<4608xf32, #tpu.memory_space<vmem>>, vector<16xf32>,
    %get3A_2071 = arith.constant 400 : index
    %get3A_2072 = tpu.vector_load %arg9[%get3A_2071] {strides = array<i32>} : memref<512xf32, #tpu.memory_space<vmem>>, vector<16xf32>,
    %add3A_2073 = arith.constant 400 : i32
    %add3A_2074 = vector.broadcast %add3A_2073 : i32 to vector<16xi32>
    %add3A_2075 = arith.addi %add3A_2074, %iota3A : vector<16xi32>
    %sub3A_2076 = arith.constant 1 : i32
    %sub3A_2077 = vector.broadcast %sub3A_2076 : i32 to vector<16xi32>
    %sub3A_2078 = arith.subi %add3A_2075, %sub3A_2077 : vector<16xi32>
    %max3A_2079 = arith.constant 384 : i32
    %max3A_2080 = vector.broadcast %max3A_2079 : i32 to vector<16xi32>
    %max3A_2081 = arith.maxsi %sub3A_2078, %max3A_2080 : vector<16xi32>
    %gather3A_2082 = tpu.vector_load_idx %arg9[%max3A_2081] : memref<512xf32, #tpu.memory_space<vmem>>[vector<16xi32>], vector<16xf32>,
    %add3A_2083 = arith.constant 1 : i32
    %add3A_2084 = vector.broadcast %add3A_2083 : i32 to vector<16xi32>
    %add3A_2085 = arith.addi %add3A_2075, %add3A_2084 : vector<16xi32>
    %min3A_2086 = arith.constant 447 : i32
    %min3A_2087 = vector.broadcast %min3A_2086 : i32 to vector<16xi32>
    %min3A_2088 = arith.minsi %add3A_2085, %min3A_2087 : vector<16xi32>
    %gather3A_2089 = tpu.vector_load_idx %arg9[%min3A_2088] : memref<512xf32, #tpu.memory_space<vmem>>[vector<16xi32>], vector<16xf32>,
    %max3A_2090 = arith.maximumf %gather3A_2082, %get3A_2072 : vector<16xf32>
    %max3A_2091 = arith.maximumf %max3A_2090, %gather3A_2089 : vector<16xf32>
    %eq3A_2092 = arith.cmpf oeq, %get3A_2070, %max3A_2091 : vector<16xf32>
    %gt3A_2093 = arith.constant 0.00999999977 : f32
    %gt3A_2094 = vector.broadcast %gt3A_2093 : f32 to vector<16xf32>
    %gt3A_2095 = arith.cmpf ogt, %get3A_2070, %gt3A_2094 : vector<16xf32>
    %and3A_2096 = arith.andi %eq3A_2092, %gt3A_2095 : vector<16xi1>
    %add3A_2097 = arith.constant 6 : i32
    %add3A_2098 = arith.addi %mul3A_56, %add3A_2097 : i32
    %mul3A_2099 = arith.constant 64 : i32
    %mul3A_2100 = arith.muli %add3A_2098, %mul3A_2099 : i32
    %add3A_2101 = arith.constant 16 : i32
    %add3A_2102 = arith.addi %mul3A_2100, %add3A_2101 : i32
    %add3A_2103 = vector.broadcast %add3A_2102 : i32 to vector<16xi32>
    %add3A_2104 = arith.addi %add3A_2103, %iota3A : vector<16xi32>
    %swap3A_2105 = arith.index_cast %add3A_2064 : i32 to index
    %swap3A_2106 = tpu.vector_load %arg10[%swap3A_2105] masked %and3A_2096 {strides = array<i32>} : memref<528xf32, #tpu.memory_space<vmem>>, vector<16xf32>, vector<16xi1>
    tpu.vector_store %arg10[%swap3A_2105], %get3A_2070 masked %and3A_2096 {strides = array<i32>} : memref<528xf32, #tpu.memory_space<vmem>>, vector<16xf32>, vector<16xi1>
    %swap3A_2107 = arith.index_cast %add3A_2064 : i32 to index
    %swap3A_2108 = tpu.vector_load %arg11[%swap3A_2107] masked %and3A_2096 {strides = array<i32>} : memref<528xi32, #tpu.memory_space<vmem>>, vector<16xi32>, vector<16xi1>
    tpu.vector_store %arg11[%swap3A_2107], %add3A_2104 masked %and3A_2096 {strides = array<i32>} : memref<528xi32, #tpu.memory_space<vmem>>, vector<16xi32>, vector<16xi1>
    %all_reduce_population_count3A_2109 = tpu.all_reduce %and3A_2096 {dim = 0 : i64, kind = #tpu.reduction_kind<sum>} : vector<16xi1> -> vector<16xi32>
    %slice3A_2110 = vector.extract_strided_slice %all_reduce_population_count3A_2109 {offsets = [0], sizes = [1], strides = [1]} : vector<16xi32> to vector<1xi32>
    %squeeze3A_2111 = vector.extract %slice3A_2110[0] : i32 from vector<1xi32>
    %add3A_2112 = arith.addi %add3A_2064, %squeeze3A_2111 : i32
    %mul3A_2113 = arith.constant 72 : i32
    %mul3A_2114 = arith.muli %add3A_2016, %mul3A_2113 : i32
    %add3A_2115 = arith.constant 32 : i32
    %add3A_2116 = arith.addi %mul3A_2114, %add3A_2115 : i32
    %get3A_2117 = arith.index_cast %add3A_2116 : i32 to index
    %get3A_2118 = tpu.vector_load %arg8[%get3A_2117] {strides = array<i32>} : memref<4608xf32, #tpu.memory_space<vmem>>, vector<16xf32>,
    %get3A_2119 = arith.constant 416 : index
    %get3A_2120 = tpu.vector_load %arg9[%get3A_2119] {strides = array<i32>} : memref<512xf32, #tpu.memory_space<vmem>>, vector<16xf32>,
    %add3A_2121 = arith.constant 416 : i32
    %add3A_2122 = vector.broadcast %add3A_2121 : i32 to vector<16xi32>
    %add3A_2123 = arith.addi %add3A_2122, %iota3A : vector<16xi32>
    %sub3A_2124 = arith.constant 1 : i32
    %sub3A_2125 = vector.broadcast %sub3A_2124 : i32 to vector<16xi32>
    %sub3A_2126 = arith.subi %add3A_2123, %sub3A_2125 : vector<16xi32>
    %max3A_2127 = arith.constant 384 : i32
    %max3A_2128 = vector.broadcast %max3A_2127 : i32 to vector<16xi32>
    %max3A_2129 = arith.maxsi %sub3A_2126, %max3A_2128 : vector<16xi32>
    %gather3A_2130 = tpu.vector_load_idx %arg9[%max3A_2129] : memref<512xf32, #tpu.memory_space<vmem>>[vector<16xi32>], vector<16xf32>,
    %add3A_2131 = arith.constant 1 : i32
    %add3A_2132 = vector.broadcast %add3A_2131 : i32 to vector<16xi32>
    %add3A_2133 = arith.addi %add3A_2123, %add3A_2132 : vector<16xi32>
    %min3A_2134 = arith.constant 447 : i32
    %min3A_2135 = vector.broadcast %min3A_2134 : i32 to vector<16xi32>
    %min3A_2136 = arith.minsi %add3A_2133, %min3A_2135 : vector<16xi32>
    %gather3A_2137 = tpu.vector_load_idx %arg9[%min3A_2136] : memref<512xf32, #tpu.memory_space<vmem>>[vector<16xi32>], vector<16xf32>,
    %max3A_2138 = arith.maximumf %gather3A_2130, %get3A_2120 : vector<16xf32>
    %max3A_2139 = arith.maximumf %max3A_2138, %gather3A_2137 : vector<16xf32>
    %eq3A_2140 = arith.cmpf oeq, %get3A_2118, %max3A_2139 : vector<16xf32>
    %gt3A_2141 = arith.constant 0.00999999977 : f32
    %gt3A_2142 = vector.broadcast %gt3A_2141 : f32 to vector<16xf32>
    %gt3A_2143 = arith.cmpf ogt, %get3A_2118, %gt3A_2142 : vector<16xf32>
    %and3A_2144 = arith.andi %eq3A_2140, %gt3A_2143 : vector<16xi1>
    %add3A_2145 = arith.constant 6 : i32
    %add3A_2146 = arith.addi %mul3A_56, %add3A_2145 : i32
    %mul3A_2147 = arith.constant 64 : i32
    %mul3A_2148 = arith.muli %add3A_2146, %mul3A_2147 : i32
    %add3A_2149 = arith.constant 32 : i32
    %add3A_2150 = arith.addi %mul3A_2148, %add3A_2149 : i32
    %add3A_2151 = vector.broadcast %add3A_2150 : i32 to vector<16xi32>
    %add3A_2152 = arith.addi %add3A_2151, %iota3A : vector<16xi32>
    %swap3A_2153 = arith.index_cast %add3A_2112 : i32 to index
    %swap3A_2154 = tpu.vector_load %arg10[%swap3A_2153] masked %and3A_2144 {strides = array<i32>} : memref<528xf32, #tpu.memory_space<vmem>>, vector<16xf32>, vector<16xi1>
    tpu.vector_store %arg10[%swap3A_2153], %get3A_2118 masked %and3A_2144 {strides = array<i32>} : memref<528xf32, #tpu.memory_space<vmem>>, vector<16xf32>, vector<16xi1>
    %swap3A_2155 = arith.index_cast %add3A_2112 : i32 to index
    %swap3A_2156 = tpu.vector_load %arg11[%swap3A_2155] masked %and3A_2144 {strides = array<i32>} : memref<528xi32, #tpu.memory_space<vmem>>, vector<16xi32>, vector<16xi1>
    tpu.vector_store %arg11[%swap3A_2155], %add3A_2152 masked %and3A_2144 {strides = array<i32>} : memref<528xi32, #tpu.memory_space<vmem>>, vector<16xi32>, vector<16xi1>
    %all_reduce_population_count3A_2157 = tpu.all_reduce %and3A_2144 {dim = 0 : i64, kind = #tpu.reduction_kind<sum>} : vector<16xi1> -> vector<16xi32>
    %slice3A_2158 = vector.extract_strided_slice %all_reduce_population_count3A_2157 {offsets = [0], sizes = [1], strides = [1]} : vector<16xi32> to vector<1xi32>
    %squeeze3A_2159 = vector.extract %slice3A_2158[0] : i32 from vector<1xi32>
    %add3A_2160 = arith.addi %add3A_2112, %squeeze3A_2159 : i32
    %mul3A_2161 = arith.constant 72 : i32
    %mul3A_2162 = arith.muli %add3A_2016, %mul3A_2161 : i32
    %add3A_2163 = arith.constant 48 : i32
    %add3A_2164 = arith.addi %mul3A_2162, %add3A_2163 : i32
    %get3A_2165 = arith.index_cast %add3A_2164 : i32 to index
    %get3A_2166 = tpu.vector_load %arg8[%get3A_2165] {strides = array<i32>} : memref<4608xf32, #tpu.memory_space<vmem>>, vector<16xf32>,
    %get3A_2167 = arith.constant 432 : index
    %get3A_2168 = tpu.vector_load %arg9[%get3A_2167] {strides = array<i32>} : memref<512xf32, #tpu.memory_space<vmem>>, vector<16xf32>,
    %add3A_2169 = arith.constant 432 : i32
    %add3A_2170 = vector.broadcast %add3A_2169 : i32 to vector<16xi32>
    %add3A_2171 = arith.addi %add3A_2170, %iota3A : vector<16xi32>
    %sub3A_2172 = arith.constant 1 : i32
    %sub3A_2173 = vector.broadcast %sub3A_2172 : i32 to vector<16xi32>
    %sub3A_2174 = arith.subi %add3A_2171, %sub3A_2173 : vector<16xi32>
    %max3A_2175 = arith.constant 384 : i32
    %max3A_2176 = vector.broadcast %max3A_2175 : i32 to vector<16xi32>
    %max3A_2177 = arith.maxsi %sub3A_2174, %max3A_2176 : vector<16xi32>
    %gather3A_2178 = tpu.vector_load_idx %arg9[%max3A_2177] : memref<512xf32, #tpu.memory_space<vmem>>[vector<16xi32>], vector<16xf32>,
    %add3A_2179 = arith.constant 1 : i32
    %add3A_2180 = vector.broadcast %add3A_2179 : i32 to vector<16xi32>
    %add3A_2181 = arith.addi %add3A_2171, %add3A_2180 : vector<16xi32>
    %min3A_2182 = arith.constant 447 : i32
    %min3A_2183 = vector.broadcast %min3A_2182 : i32 to vector<16xi32>
    %min3A_2184 = arith.minsi %add3A_2181, %min3A_2183 : vector<16xi32>
    %gather3A_2185 = tpu.vector_load_idx %arg9[%min3A_2184] : memref<512xf32, #tpu.memory_space<vmem>>[vector<16xi32>], vector<16xf32>,
    %max3A_2186 = arith.maximumf %gather3A_2178, %get3A_2168 : vector<16xf32>
    %max3A_2187 = arith.maximumf %max3A_2186, %gather3A_2185 : vector<16xf32>
    %eq3A_2188 = arith.cmpf oeq, %get3A_2166, %max3A_2187 : vector<16xf32>
    %gt3A_2189 = arith.constant 0.00999999977 : f32
    %gt3A_2190 = vector.broadcast %gt3A_2189 : f32 to vector<16xf32>
    %gt3A_2191 = arith.cmpf ogt, %get3A_2166, %gt3A_2190 : vector<16xf32>
    %and3A_2192 = arith.andi %eq3A_2188, %gt3A_2191 : vector<16xi1>
    %add3A_2193 = arith.constant 6 : i32
    %add3A_2194 = arith.addi %mul3A_56, %add3A_2193 : i32
    %mul3A_2195 = arith.constant 64 : i32
    %mul3A_2196 = arith.muli %add3A_2194, %mul3A_2195 : i32
    %add3A_2197 = arith.constant 48 : i32
    %add3A_2198 = arith.addi %mul3A_2196, %add3A_2197 : i32
    %add3A_2199 = vector.broadcast %add3A_2198 : i32 to vector<16xi32>
    %add3A_2200 = arith.addi %add3A_2199, %iota3A : vector<16xi32>
    %swap3A_2201 = arith.index_cast %add3A_2160 : i32 to index
    %swap3A_2202 = tpu.vector_load %arg10[%swap3A_2201] masked %and3A_2192 {strides = array<i32>} : memref<528xf32, #tpu.memory_space<vmem>>, vector<16xf32>, vector<16xi1>
    tpu.vector_store %arg10[%swap3A_2201], %get3A_2166 masked %and3A_2192 {strides = array<i32>} : memref<528xf32, #tpu.memory_space<vmem>>, vector<16xf32>, vector<16xi1>
    %swap3A_2203 = arith.index_cast %add3A_2160 : i32 to index
    %swap3A_2204 = tpu.vector_load %arg11[%swap3A_2203] masked %and3A_2192 {strides = array<i32>} : memref<528xi32, #tpu.memory_space<vmem>>, vector<16xi32>, vector<16xi1>
    tpu.vector_store %arg11[%swap3A_2203], %add3A_2200 masked %and3A_2192 {strides = array<i32>} : memref<528xi32, #tpu.memory_space<vmem>>, vector<16xi32>, vector<16xi1>
    %all_reduce_population_count3A_2205 = tpu.all_reduce %and3A_2192 {dim = 0 : i64, kind = #tpu.reduction_kind<sum>} : vector<16xi1> -> vector<16xi32>
    %slice3A_2206 = vector.extract_strided_slice %all_reduce_population_count3A_2205 {offsets = [0], sizes = [1], strides = [1]} : vector<16xi32> to vector<1xi32>
    %squeeze3A_2207 = vector.extract %slice3A_2206[0] : i32 from vector<1xi32>
    %add3A_2208 = arith.addi %add3A_2160, %squeeze3A_2207 : i32
    %add3A_2209 = arith.constant 7 : i32
    %add3A_2210 = arith.addi %mul3A_56, %add3A_2209 : i32
    %mul3A_2211 = arith.constant 72 : i32
    %mul3A_2212 = arith.muli %add3A_2210, %mul3A_2211 : i32
    %add3A_2213 = arith.constant 0 : i32
    %add3A_2214 = arith.addi %mul3A_2212, %add3A_2213 : i32
    %get3A_2215 = arith.index_cast %add3A_2214 : i32 to index
    %get3A_2216 = tpu.vector_load %arg8[%get3A_2215] {strides = array<i32>} : memref<4608xf32, #tpu.memory_space<vmem>>, vector<16xf32>,
    %get3A_2217 = arith.constant 448 : index
    %get3A_2218 = tpu.vector_load %arg9[%get3A_2217] {strides = array<i32>} : memref<512xf32, #tpu.memory_space<vmem>>, vector<16xf32>,
    %add3A_2219 = arith.constant 448 : i32
    %add3A_2220 = vector.broadcast %add3A_2219 : i32 to vector<16xi32>
    %add3A_2221 = arith.addi %add3A_2220, %iota3A : vector<16xi32>
    %sub3A_2222 = arith.constant 1 : i32
    %sub3A_2223 = vector.broadcast %sub3A_2222 : i32 to vector<16xi32>
    %sub3A_2224 = arith.subi %add3A_2221, %sub3A_2223 : vector<16xi32>
    %max3A_2225 = arith.constant 448 : i32
    %max3A_2226 = vector.broadcast %max3A_2225 : i32 to vector<16xi32>
    %max3A_2227 = arith.maxsi %sub3A_2224, %max3A_2226 : vector<16xi32>
    %gather3A_2228 = tpu.vector_load_idx %arg9[%max3A_2227] : memref<512xf32, #tpu.memory_space<vmem>>[vector<16xi32>], vector<16xf32>,
    %add3A_2229 = arith.constant 1 : i32
    %add3A_2230 = vector.broadcast %add3A_2229 : i32 to vector<16xi32>
    %add3A_2231 = arith.addi %add3A_2221, %add3A_2230 : vector<16xi32>
    %min3A_2232 = arith.constant 511 : i32
    %min3A_2233 = vector.broadcast %min3A_2232 : i32 to vector<16xi32>
    %min3A_2234 = arith.minsi %add3A_2231, %min3A_2233 : vector<16xi32>
    %gather3A_2235 = tpu.vector_load_idx %arg9[%min3A_2234] : memref<512xf32, #tpu.memory_space<vmem>>[vector<16xi32>], vector<16xf32>,
    %max3A_2236 = arith.maximumf %gather3A_2228, %get3A_2218 : vector<16xf32>
    %max3A_2237 = arith.maximumf %max3A_2236, %gather3A_2235 : vector<16xf32>
    %eq3A_2238 = arith.cmpf oeq, %get3A_2216, %max3A_2237 : vector<16xf32>
    %gt3A_2239 = arith.constant 0.00999999977 : f32
    %gt3A_2240 = vector.broadcast %gt3A_2239 : f32 to vector<16xf32>
    %gt3A_2241 = arith.cmpf ogt, %get3A_2216, %gt3A_2240 : vector<16xf32>
    %and3A_2242 = arith.andi %eq3A_2238, %gt3A_2241 : vector<16xi1>
    %add3A_2243 = arith.constant 7 : i32
    %add3A_2244 = arith.addi %mul3A_56, %add3A_2243 : i32
    %mul3A_2245 = arith.constant 64 : i32
    %mul3A_2246 = arith.muli %add3A_2244, %mul3A_2245 : i32
    %add3A_2247 = arith.constant 0 : i32
    %add3A_2248 = arith.addi %mul3A_2246, %add3A_2247 : i32
    %add3A_2249 = vector.broadcast %add3A_2248 : i32 to vector<16xi32>
    %add3A_2250 = arith.addi %add3A_2249, %iota3A : vector<16xi32>
    %swap3A_2251 = arith.index_cast %add3A_2208 : i32 to index
    %swap3A_2252 = tpu.vector_load %arg10[%swap3A_2251] masked %and3A_2242 {strides = array<i32>} : memref<528xf32, #tpu.memory_space<vmem>>, vector<16xf32>, vector<16xi1>
    tpu.vector_store %arg10[%swap3A_2251], %get3A_2216 masked %and3A_2242 {strides = array<i32>} : memref<528xf32, #tpu.memory_space<vmem>>, vector<16xf32>, vector<16xi1>
    %swap3A_2253 = arith.index_cast %add3A_2208 : i32 to index
    %swap3A_2254 = tpu.vector_load %arg11[%swap3A_2253] masked %and3A_2242 {strides = array<i32>} : memref<528xi32, #tpu.memory_space<vmem>>, vector<16xi32>, vector<16xi1>
    tpu.vector_store %arg11[%swap3A_2253], %add3A_2250 masked %and3A_2242 {strides = array<i32>} : memref<528xi32, #tpu.memory_space<vmem>>, vector<16xi32>, vector<16xi1>
    %all_reduce_population_count3A_2255 = tpu.all_reduce %and3A_2242 {dim = 0 : i64, kind = #tpu.reduction_kind<sum>} : vector<16xi1> -> vector<16xi32>
    %slice3A_2256 = vector.extract_strided_slice %all_reduce_population_count3A_2255 {offsets = [0], sizes = [1], strides = [1]} : vector<16xi32> to vector<1xi32>
    %squeeze3A_2257 = vector.extract %slice3A_2256[0] : i32 from vector<1xi32>
    %add3A_2258 = arith.addi %add3A_2208, %squeeze3A_2257 : i32
    %mul3A_2259 = arith.constant 72 : i32
    %mul3A_2260 = arith.muli %add3A_2210, %mul3A_2259 : i32
    %add3A_2261 = arith.constant 16 : i32
    %add3A_2262 = arith.addi %mul3A_2260, %add3A_2261 : i32
    %get3A_2263 = arith.index_cast %add3A_2262 : i32 to index
    %get3A_2264 = tpu.vector_load %arg8[%get3A_2263] {strides = array<i32>} : memref<4608xf32, #tpu.memory_space<vmem>>, vector<16xf32>,
    %get3A_2265 = arith.constant 464 : index
    %get3A_2266 = tpu.vector_load %arg9[%get3A_2265] {strides = array<i32>} : memref<512xf32, #tpu.memory_space<vmem>>, vector<16xf32>,
    %add3A_2267 = arith.constant 464 : i32
    %add3A_2268 = vector.broadcast %add3A_2267 : i32 to vector<16xi32>
    %add3A_2269 = arith.addi %add3A_2268, %iota3A : vector<16xi32>
    %sub3A_2270 = arith.constant 1 : i32
    %sub3A_2271 = vector.broadcast %sub3A_2270 : i32 to vector<16xi32>
    %sub3A_2272 = arith.subi %add3A_2269, %sub3A_2271 : vector<16xi32>
    %max3A_2273 = arith.constant 448 : i32
    %max3A_2274 = vector.broadcast %max3A_2273 : i32 to vector<16xi32>
    %max3A_2275 = arith.maxsi %sub3A_2272, %max3A_2274 : vector<16xi32>
    %gather3A_2276 = tpu.vector_load_idx %arg9[%max3A_2275] : memref<512xf32, #tpu.memory_space<vmem>>[vector<16xi32>], vector<16xf32>,
    %add3A_2277 = arith.constant 1 : i32
    %add3A_2278 = vector.broadcast %add3A_2277 : i32 to vector<16xi32>
    %add3A_2279 = arith.addi %add3A_2269, %add3A_2278 : vector<16xi32>
    %min3A_2280 = arith.constant 511 : i32
    %min3A_2281 = vector.broadcast %min3A_2280 : i32 to vector<16xi32>
    %min3A_2282 = arith.minsi %add3A_2279, %min3A_2281 : vector<16xi32>
    %gather3A_2283 = tpu.vector_load_idx %arg9[%min3A_2282] : memref<512xf32, #tpu.memory_space<vmem>>[vector<16xi32>], vector<16xf32>,
    %max3A_2284 = arith.maximumf %gather3A_2276, %get3A_2266 : vector<16xf32>
    %max3A_2285 = arith.maximumf %max3A_2284, %gather3A_2283 : vector<16xf32>
    %eq3A_2286 = arith.cmpf oeq, %get3A_2264, %max3A_2285 : vector<16xf32>
    %gt3A_2287 = arith.constant 0.00999999977 : f32
    %gt3A_2288 = vector.broadcast %gt3A_2287 : f32 to vector<16xf32>
    %gt3A_2289 = arith.cmpf ogt, %get3A_2264, %gt3A_2288 : vector<16xf32>
    %and3A_2290 = arith.andi %eq3A_2286, %gt3A_2289 : vector<16xi1>
    %add3A_2291 = arith.constant 7 : i32
    %add3A_2292 = arith.addi %mul3A_56, %add3A_2291 : i32
    %mul3A_2293 = arith.constant 64 : i32
    %mul3A_2294 = arith.muli %add3A_2292, %mul3A_2293 : i32
    %add3A_2295 = arith.constant 16 : i32
    %add3A_2296 = arith.addi %mul3A_2294, %add3A_2295 : i32
    %add3A_2297 = vector.broadcast %add3A_2296 : i32 to vector<16xi32>
    %add3A_2298 = arith.addi %add3A_2297, %iota3A : vector<16xi32>
    %swap3A_2299 = arith.index_cast %add3A_2258 : i32 to index
    %swap3A_2300 = tpu.vector_load %arg10[%swap3A_2299] masked %and3A_2290 {strides = array<i32>} : memref<528xf32, #tpu.memory_space<vmem>>, vector<16xf32>, vector<16xi1>
    tpu.vector_store %arg10[%swap3A_2299], %get3A_2264 masked %and3A_2290 {strides = array<i32>} : memref<528xf32, #tpu.memory_space<vmem>>, vector<16xf32>, vector<16xi1>
    %swap3A_2301 = arith.index_cast %add3A_2258 : i32 to index
    %swap3A_2302 = tpu.vector_load %arg11[%swap3A_2301] masked %and3A_2290 {strides = array<i32>} : memref<528xi32, #tpu.memory_space<vmem>>, vector<16xi32>, vector<16xi1>
    tpu.vector_store %arg11[%swap3A_2301], %add3A_2298 masked %and3A_2290 {strides = array<i32>} : memref<528xi32, #tpu.memory_space<vmem>>, vector<16xi32>, vector<16xi1>
    %all_reduce_population_count3A_2303 = tpu.all_reduce %and3A_2290 {dim = 0 : i64, kind = #tpu.reduction_kind<sum>} : vector<16xi1> -> vector<16xi32>
    %slice3A_2304 = vector.extract_strided_slice %all_reduce_population_count3A_2303 {offsets = [0], sizes = [1], strides = [1]} : vector<16xi32> to vector<1xi32>
    %squeeze3A_2305 = vector.extract %slice3A_2304[0] : i32 from vector<1xi32>
    %add3A_2306 = arith.addi %add3A_2258, %squeeze3A_2305 : i32
    %mul3A_2307 = arith.constant 72 : i32
    %mul3A_2308 = arith.muli %add3A_2210, %mul3A_2307 : i32
    %add3A_2309 = arith.constant 32 : i32
    %add3A_2310 = arith.addi %mul3A_2308, %add3A_2309 : i32
    %get3A_2311 = arith.index_cast %add3A_2310 : i32 to index
    %get3A_2312 = tpu.vector_load %arg8[%get3A_2311] {strides = array<i32>} : memref<4608xf32, #tpu.memory_space<vmem>>, vector<16xf32>,
    %get3A_2313 = arith.constant 480 : index
    %get3A_2314 = tpu.vector_load %arg9[%get3A_2313] {strides = array<i32>} : memref<512xf32, #tpu.memory_space<vmem>>, vector<16xf32>,
    %add3A_2315 = arith.constant 480 : i32
    %add3A_2316 = vector.broadcast %add3A_2315 : i32 to vector<16xi32>
    %add3A_2317 = arith.addi %add3A_2316, %iota3A : vector<16xi32>
    %sub3A_2318 = arith.constant 1 : i32
    %sub3A_2319 = vector.broadcast %sub3A_2318 : i32 to vector<16xi32>
    %sub3A_2320 = arith.subi %add3A_2317, %sub3A_2319 : vector<16xi32>
    %max3A_2321 = arith.constant 448 : i32
    %max3A_2322 = vector.broadcast %max3A_2321 : i32 to vector<16xi32>
    %max3A_2323 = arith.maxsi %sub3A_2320, %max3A_2322 : vector<16xi32>
    %gather3A_2324 = tpu.vector_load_idx %arg9[%max3A_2323] : memref<512xf32, #tpu.memory_space<vmem>>[vector<16xi32>], vector<16xf32>,
    %add3A_2325 = arith.constant 1 : i32
    %add3A_2326 = vector.broadcast %add3A_2325 : i32 to vector<16xi32>
    %add3A_2327 = arith.addi %add3A_2317, %add3A_2326 : vector<16xi32>
    %min3A_2328 = arith.constant 511 : i32
    %min3A_2329 = vector.broadcast %min3A_2328 : i32 to vector<16xi32>
    %min3A_2330 = arith.minsi %add3A_2327, %min3A_2329 : vector<16xi32>
    %gather3A_2331 = tpu.vector_load_idx %arg9[%min3A_2330] : memref<512xf32, #tpu.memory_space<vmem>>[vector<16xi32>], vector<16xf32>,
    %max3A_2332 = arith.maximumf %gather3A_2324, %get3A_2314 : vector<16xf32>
    %max3A_2333 = arith.maximumf %max3A_2332, %gather3A_2331 : vector<16xf32>
    %eq3A_2334 = arith.cmpf oeq, %get3A_2312, %max3A_2333 : vector<16xf32>
    %gt3A_2335 = arith.constant 0.00999999977 : f32
    %gt3A_2336 = vector.broadcast %gt3A_2335 : f32 to vector<16xf32>
    %gt3A_2337 = arith.cmpf ogt, %get3A_2312, %gt3A_2336 : vector<16xf32>
    %and3A_2338 = arith.andi %eq3A_2334, %gt3A_2337 : vector<16xi1>
    %add3A_2339 = arith.constant 7 : i32
    %add3A_2340 = arith.addi %mul3A_56, %add3A_2339 : i32
    %mul3A_2341 = arith.constant 64 : i32
    %mul3A_2342 = arith.muli %add3A_2340, %mul3A_2341 : i32
    %add3A_2343 = arith.constant 32 : i32
    %add3A_2344 = arith.addi %mul3A_2342, %add3A_2343 : i32
    %add3A_2345 = vector.broadcast %add3A_2344 : i32 to vector<16xi32>
    %add3A_2346 = arith.addi %add3A_2345, %iota3A : vector<16xi32>
    %swap3A_2347 = arith.index_cast %add3A_2306 : i32 to index
    %swap3A_2348 = tpu.vector_load %arg10[%swap3A_2347] masked %and3A_2338 {strides = array<i32>} : memref<528xf32, #tpu.memory_space<vmem>>, vector<16xf32>, vector<16xi1>
    tpu.vector_store %arg10[%swap3A_2347], %get3A_2312 masked %and3A_2338 {strides = array<i32>} : memref<528xf32, #tpu.memory_space<vmem>>, vector<16xf32>, vector<16xi1>
    %swap3A_2349 = arith.index_cast %add3A_2306 : i32 to index
    %swap3A_2350 = tpu.vector_load %arg11[%swap3A_2349] masked %and3A_2338 {strides = array<i32>} : memref<528xi32, #tpu.memory_space<vmem>>, vector<16xi32>, vector<16xi1>
    tpu.vector_store %arg11[%swap3A_2349], %add3A_2346 masked %and3A_2338 {strides = array<i32>} : memref<528xi32, #tpu.memory_space<vmem>>, vector<16xi32>, vector<16xi1>
    %all_reduce_population_count3A_2351 = tpu.all_reduce %and3A_2338 {dim = 0 : i64, kind = #tpu.reduction_kind<sum>} : vector<16xi1> -> vector<16xi32>
    %slice3A_2352 = vector.extract_strided_slice %all_reduce_population_count3A_2351 {offsets = [0], sizes = [1], strides = [1]} : vector<16xi32> to vector<1xi32>
    %squeeze3A_2353 = vector.extract %slice3A_2352[0] : i32 from vector<1xi32>
    %add3A_2354 = arith.addi %add3A_2306, %squeeze3A_2353 : i32
    %mul3A_2355 = arith.constant 72 : i32
    %mul3A_2356 = arith.muli %add3A_2210, %mul3A_2355 : i32
    %add3A_2357 = arith.constant 48 : i32
    %add3A_2358 = arith.addi %mul3A_2356, %add3A_2357 : i32
    %get3A_2359 = arith.index_cast %add3A_2358 : i32 to index
    %get3A_2360 = tpu.vector_load %arg8[%get3A_2359] {strides = array<i32>} : memref<4608xf32, #tpu.memory_space<vmem>>, vector<16xf32>,
    %get3A_2361 = arith.constant 496 : index
    %get3A_2362 = tpu.vector_load %arg9[%get3A_2361] {strides = array<i32>} : memref<512xf32, #tpu.memory_space<vmem>>, vector<16xf32>,
    %add3A_2363 = arith.constant 496 : i32
    %add3A_2364 = vector.broadcast %add3A_2363 : i32 to vector<16xi32>
    %add3A_2365 = arith.addi %add3A_2364, %iota3A : vector<16xi32>
    %sub3A_2366 = arith.constant 1 : i32
    %sub3A_2367 = vector.broadcast %sub3A_2366 : i32 to vector<16xi32>
    %sub3A_2368 = arith.subi %add3A_2365, %sub3A_2367 : vector<16xi32>
    %max3A_2369 = arith.constant 448 : i32
    %max3A_2370 = vector.broadcast %max3A_2369 : i32 to vector<16xi32>
    %max3A_2371 = arith.maxsi %sub3A_2368, %max3A_2370 : vector<16xi32>
    %gather3A_2372 = tpu.vector_load_idx %arg9[%max3A_2371] : memref<512xf32, #tpu.memory_space<vmem>>[vector<16xi32>], vector<16xf32>,
    %add3A_2373 = arith.constant 1 : i32
    %add3A_2374 = vector.broadcast %add3A_2373 : i32 to vector<16xi32>
    %add3A_2375 = arith.addi %add3A_2365, %add3A_2374 : vector<16xi32>
    %min3A_2376 = arith.constant 511 : i32
    %min3A_2377 = vector.broadcast %min3A_2376 : i32 to vector<16xi32>
    %min3A_2378 = arith.minsi %add3A_2375, %min3A_2377 : vector<16xi32>
    %gather3A_2379 = tpu.vector_load_idx %arg9[%min3A_2378] : memref<512xf32, #tpu.memory_space<vmem>>[vector<16xi32>], vector<16xf32>,
    %max3A_2380 = arith.maximumf %gather3A_2372, %get3A_2362 : vector<16xf32>
    %max3A_2381 = arith.maximumf %max3A_2380, %gather3A_2379 : vector<16xf32>
    %eq3A_2382 = arith.cmpf oeq, %get3A_2360, %max3A_2381 : vector<16xf32>
    %gt3A_2383 = arith.constant 0.00999999977 : f32
    %gt3A_2384 = vector.broadcast %gt3A_2383 : f32 to vector<16xf32>
    %gt3A_2385 = arith.cmpf ogt, %get3A_2360, %gt3A_2384 : vector<16xf32>
    %and3A_2386 = arith.andi %eq3A_2382, %gt3A_2385 : vector<16xi1>
    %add3A_2387 = arith.constant 7 : i32
    %add3A_2388 = arith.addi %mul3A_56, %add3A_2387 : i32
    %mul3A_2389 = arith.constant 64 : i32
    %mul3A_2390 = arith.muli %add3A_2388, %mul3A_2389 : i32
    %add3A_2391 = arith.constant 48 : i32
    %add3A_2392 = arith.addi %mul3A_2390, %add3A_2391 : i32
    %add3A_2393 = vector.broadcast %add3A_2392 : i32 to vector<16xi32>
    %add3A_2394 = arith.addi %add3A_2393, %iota3A : vector<16xi32>
    %swap3A_2395 = arith.index_cast %add3A_2354 : i32 to index
    %swap3A_2396 = tpu.vector_load %arg10[%swap3A_2395] masked %and3A_2386 {strides = array<i32>} : memref<528xf32, #tpu.memory_space<vmem>>, vector<16xf32>, vector<16xi1>
    tpu.vector_store %arg10[%swap3A_2395], %get3A_2360 masked %and3A_2386 {strides = array<i32>} : memref<528xf32, #tpu.memory_space<vmem>>, vector<16xf32>, vector<16xi1>
    %swap3A_2397 = arith.index_cast %add3A_2354 : i32 to index
    %swap3A_2398 = tpu.vector_load %arg11[%swap3A_2397] masked %and3A_2386 {strides = array<i32>} : memref<528xi32, #tpu.memory_space<vmem>>, vector<16xi32>, vector<16xi1>
    tpu.vector_store %arg11[%swap3A_2397], %add3A_2394 masked %and3A_2386 {strides = array<i32>} : memref<528xi32, #tpu.memory_space<vmem>>, vector<16xi32>, vector<16xi1>
    %all_reduce_population_count3A_2399 = tpu.all_reduce %and3A_2386 {dim = 0 : i64, kind = #tpu.reduction_kind<sum>} : vector<16xi1> -> vector<16xi32>
    %slice3A_2400 = vector.extract_strided_slice %all_reduce_population_count3A_2399 {offsets = [0], sizes = [1], strides = [1]} : vector<16xi32> to vector<1xi32>
    %squeeze3A_2401 = vector.extract %slice3A_2400[0] : i32 from vector<1xi32>
    %add3A_2402 = arith.addi %add3A_2354, %squeeze3A_2401 : i32
    %broadcast_in_dim3A = arith.constant 0 : i32
    %broadcast_in_dim3A_2403 = vector.broadcast %broadcast_in_dim3A : i32 to vector<16xi32>
    %add3A_2404 = vector.broadcast %add3A_2402 : i32 to vector<16xi32>
    %add3A_2405 = arith.addi %broadcast_in_dim3A_2403, %add3A_2404 : vector<16xi32>
    %swap3A_2406 = arith.constant 0 : index
    %swap3A_2407 = tpu.vector_load %arg12[%swap3A_2406] {strides = array<i32>} : memref<16xi32, #tpu.memory_space<vmem>>, vector<16xi32>,
    tpu.vector_store %arg12[%swap3A_2406], %add3A_2405 {strides = array<i32>} : memref<16xi32, #tpu.memory_space<vmem>>, vector<16xi32>,
    %mul3A_2408 = arith.constant 8 : i32
    %mul3A_2409 = arith.muli %add3A, %mul3A_2408 : i32
    %add3A_2410 = arith.addi %mul3A_2409, %select_n3A_30 : i32
    "tpu.region"() ({
      %run_scoped3A = tpu.sem_alloc : memref<!tpu.dma_semaphore, #tpu.memory_space<semaphore_mem>>
      %dma_start3A = arith.constant 0 : i32
      %dma_start3A_2414 = tpu.memref_slice %arg5[%add3A_2410, %dma_start3A] : memref<32x528xf32, #tpu.memory_space<hbm>> -> memref<1x528xf32, #tpu.memory_space<hbm>>
      %dma_start3A_2415 = tpu.memref_squeeze %dma_start3A_2414 : memref<1x528xf32, #tpu.memory_space<hbm>> -> memref<528xf32, #tpu.memory_space<hbm>>
      %dma_start3A_2416 = arith.constant 0 : i32
      %dma_start3A_2417 = tpu.memref_slice %arg5[%add3A_2410, %dma_start3A_2416] : memref<32x528xf32, #tpu.memory_space<hbm>> -> memref<1x528xf32, #tpu.memory_space<hbm>>
      %dma_start3A_2418 = tpu.memref_squeeze %dma_start3A_2417 : memref<1x528xf32, #tpu.memory_space<hbm>> -> memref<528xf32, #tpu.memory_space<hbm>>
      tpu.enqueue_dma source(%arg10 : memref<528xf32, #tpu.memory_space<vmem>>) target(%dma_start3A_2418 : memref<528xf32, #tpu.memory_space<hbm>>) target_semaphore(%run_scoped3A : memref<!tpu.dma_semaphore, #tpu.memory_space<semaphore_mem>>)
      %dma_wait3A = arith.constant 0 : i32
      %dma_wait3A_2419 = tpu.memref_slice %arg5[%add3A_2410, %dma_wait3A] : memref<32x528xf32, #tpu.memory_space<hbm>> -> memref<1x528xf32, #tpu.memory_space<hbm>>
      %dma_wait3A_2420 = tpu.memref_squeeze %dma_wait3A_2419 : memref<1x528xf32, #tpu.memory_space<hbm>> -> memref<528xf32, #tpu.memory_space<hbm>>
      %dma_wait3A_2421 = arith.constant 0 : i32
      %dma_wait3A_2422 = tpu.memref_slice %arg5[%add3A_2410, %dma_wait3A_2421] : memref<32x528xf32, #tpu.memory_space<hbm>> -> memref<1x528xf32, #tpu.memory_space<hbm>>
      %dma_wait3A_2423 = tpu.memref_squeeze %dma_wait3A_2422 : memref<1x528xf32, #tpu.memory_space<hbm>> -> memref<528xf32, #tpu.memory_space<hbm>>
      tpu.wait_dma2 semaphore(%run_scoped3A : memref<!tpu.dma_semaphore, #tpu.memory_space<semaphore_mem>>) src(%arg10 : memref<528xf32, #tpu.memory_space<vmem>>) dst(%dma_wait3A_2423 : memref<528xf32, #tpu.memory_space<hbm>>)
      tpu.yield
    }) : () -> ()
    "tpu.region"() ({
      %run_scoped3A = tpu.sem_alloc : memref<!tpu.dma_semaphore, #tpu.memory_space<semaphore_mem>>
      %dma_start3A = arith.constant 0 : i32
      %dma_start3A_2414 = tpu.memref_slice %arg6[%add3A_2410, %dma_start3A] : memref<32x528xi32, #tpu.memory_space<hbm>> -> memref<1x528xi32, #tpu.memory_space<hbm>>
      %dma_start3A_2415 = tpu.memref_squeeze %dma_start3A_2414 : memref<1x528xi32, #tpu.memory_space<hbm>> -> memref<528xi32, #tpu.memory_space<hbm>>
      %dma_start3A_2416 = arith.constant 0 : i32
      %dma_start3A_2417 = tpu.memref_slice %arg6[%add3A_2410, %dma_start3A_2416] : memref<32x528xi32, #tpu.memory_space<hbm>> -> memref<1x528xi32, #tpu.memory_space<hbm>>
      %dma_start3A_2418 = tpu.memref_squeeze %dma_start3A_2417 : memref<1x528xi32, #tpu.memory_space<hbm>> -> memref<528xi32, #tpu.memory_space<hbm>>
      tpu.enqueue_dma source(%arg11 : memref<528xi32, #tpu.memory_space<vmem>>) target(%dma_start3A_2418 : memref<528xi32, #tpu.memory_space<hbm>>) target_semaphore(%run_scoped3A : memref<!tpu.dma_semaphore, #tpu.memory_space<semaphore_mem>>)
      %dma_wait3A = arith.constant 0 : i32
      %dma_wait3A_2419 = tpu.memref_slice %arg6[%add3A_2410, %dma_wait3A] : memref<32x528xi32, #tpu.memory_space<hbm>> -> memref<1x528xi32, #tpu.memory_space<hbm>>
      %dma_wait3A_2420 = tpu.memref_squeeze %dma_wait3A_2419 : memref<1x528xi32, #tpu.memory_space<hbm>> -> memref<528xi32, #tpu.memory_space<hbm>>
      %dma_wait3A_2421 = arith.constant 0 : i32
      %dma_wait3A_2422 = tpu.memref_slice %arg6[%add3A_2410, %dma_wait3A_2421] : memref<32x528xi32, #tpu.memory_space<hbm>> -> memref<1x528xi32, #tpu.memory_space<hbm>>
      %dma_wait3A_2423 = tpu.memref_squeeze %dma_wait3A_2422 : memref<1x528xi32, #tpu.memory_space<hbm>> -> memref<528xi32, #tpu.memory_space<hbm>>
      tpu.wait_dma2 semaphore(%run_scoped3A : memref<!tpu.dma_semaphore, #tpu.memory_space<semaphore_mem>>) src(%arg11 : memref<528xi32, #tpu.memory_space<vmem>>) dst(%dma_wait3A_2423 : memref<528xi32, #tpu.memory_space<hbm>>)
      tpu.yield
    }) : () -> ()
    "tpu.region"() ({
      %run_scoped3A = tpu.sem_alloc : memref<!tpu.dma_semaphore, #tpu.memory_space<semaphore_mem>>
      %dma_start3A = arith.constant 0 : i32
      %dma_start3A_2414 = tpu.memref_slice %arg7[%add3A_2410, %dma_start3A] : memref<32x16xi32, #tpu.memory_space<hbm>> -> memref<1x16xi32, #tpu.memory_space<hbm>>
      %dma_start3A_2415 = tpu.memref_squeeze %dma_start3A_2414 : memref<1x16xi32, #tpu.memory_space<hbm>> -> memref<16xi32, #tpu.memory_space<hbm>>
      %dma_start3A_2416 = arith.constant 0 : i32
      %dma_start3A_2417 = tpu.memref_slice %arg7[%add3A_2410, %dma_start3A_2416] : memref<32x16xi32, #tpu.memory_space<hbm>> -> memref<1x16xi32, #tpu.memory_space<hbm>>
      %dma_start3A_2418 = tpu.memref_squeeze %dma_start3A_2417 : memref<1x16xi32, #tpu.memory_space<hbm>> -> memref<16xi32, #tpu.memory_space<hbm>>
      tpu.enqueue_dma source(%arg12 : memref<16xi32, #tpu.memory_space<vmem>>) target(%dma_start3A_2418 : memref<16xi32, #tpu.memory_space<hbm>>) target_semaphore(%run_scoped3A : memref<!tpu.dma_semaphore, #tpu.memory_space<semaphore_mem>>)
      %dma_wait3A = arith.constant 0 : i32
      %dma_wait3A_2419 = tpu.memref_slice %arg7[%add3A_2410, %dma_wait3A] : memref<32x16xi32, #tpu.memory_space<hbm>> -> memref<1x16xi32, #tpu.memory_space<hbm>>
      %dma_wait3A_2420 = tpu.memref_squeeze %dma_wait3A_2419 : memref<1x16xi32, #tpu.memory_space<hbm>> -> memref<16xi32, #tpu.memory_space<hbm>>
      %dma_wait3A_2421 = arith.constant 0 : i32
      %dma_wait3A_2422 = tpu.memref_slice %arg7[%add3A_2410, %dma_wait3A_2421] : memref<32x16xi32, #tpu.memory_space<hbm>> -> memref<1x16xi32, #tpu.memory_space<hbm>>
      %dma_wait3A_2423 = tpu.memref_squeeze %dma_wait3A_2422 : memref<1x16xi32, #tpu.memory_space<hbm>> -> memref<16xi32, #tpu.memory_space<hbm>>
      tpu.wait_dma2 semaphore(%run_scoped3A : memref<!tpu.dma_semaphore, #tpu.memory_space<semaphore_mem>>) src(%arg12 : memref<16xi32, #tpu.memory_space<vmem>>) dst(%dma_wait3A_2423 : memref<16xi32, #tpu.memory_space<hbm>>)
      tpu.yield
    }) : () -> ()
    %barrier3A = arith.constant 0 : index
    tpu.barrier barrier_id(%barrier3A)
    %eq3A_2411 = arith.constant 0 : i32
    %eq3A_2412 = arith.cmpi eq, %select_n3A_30, %eq3A_2411 : i32
    %convert_element_type3A = arith.extui %eq3A_2412 : i1 to i32
    %cond3A = arith.constant 0 : i32
    %cond3A_2413 = arith.cmpi ne, %convert_element_type3A, %cond3A : i32
    scf.if %cond3A_2413 {
      %mul3A_2414 = arith.constant 8 : i32
      %mul3A_2415 = arith.muli %add3A, %mul3A_2414 : i32
      %add3A_2416 = arith.constant 1 : i32
      %add3A_2417 = arith.addi %mul3A_2415, %add3A_2416 : i32
      "tpu.region"() ({
        %run_scoped3A = tpu.sem_alloc : memref<!tpu.dma_semaphore, #tpu.memory_space<semaphore_mem>>
        %dma_start3A = arith.constant 0 : i32
        %dma_start3A_2953 = tpu.memref_slice %arg2[%add3A_2417, %dma_start3A] : memref<32x4608xf32, #tpu.memory_space<hbm>> -> memref<1x4608xf32, #tpu.memory_space<hbm>>
        %dma_start3A_2954 = tpu.memref_squeeze %dma_start3A_2953 : memref<1x4608xf32, #tpu.memory_space<hbm>> -> memref<4608xf32, #tpu.memory_space<hbm>>
        %dma_start3A_2955 = arith.constant 0 : i32
        %dma_start3A_2956 = tpu.memref_slice %arg2[%add3A_2417, %dma_start3A_2955] : memref<32x4608xf32, #tpu.memory_space<hbm>> -> memref<1x4608xf32, #tpu.memory_space<hbm>>
        %dma_start3A_2957 = tpu.memref_squeeze %dma_start3A_2956 : memref<1x4608xf32, #tpu.memory_space<hbm>> -> memref<4608xf32, #tpu.memory_space<hbm>>
        tpu.enqueue_dma source(%dma_start3A_2957 : memref<4608xf32, #tpu.memory_space<hbm>>) target(%arg18 : memref<4608xf32, #tpu.memory_space<vmem>>) target_semaphore(%run_scoped3A : memref<!tpu.dma_semaphore, #tpu.memory_space<semaphore_mem>>)
        %dma_wait3A = arith.constant 0 : i32
        %dma_wait3A_2958 = tpu.memref_slice %arg2[%add3A_2417, %dma_wait3A] : memref<32x4608xf32, #tpu.memory_space<hbm>> -> memref<1x4608xf32, #tpu.memory_space<hbm>>
        %dma_wait3A_2959 = tpu.memref_squeeze %dma_wait3A_2958 : memref<1x4608xf32, #tpu.memory_space<hbm>> -> memref<4608xf32, #tpu.memory_space<hbm>>
        %dma_wait3A_2960 = arith.constant 0 : i32
        %dma_wait3A_2961 = tpu.memref_slice %arg2[%add3A_2417, %dma_wait3A_2960] : memref<32x4608xf32, #tpu.memory_space<hbm>> -> memref<1x4608xf32, #tpu.memory_space<hbm>>
        %dma_wait3A_2962 = tpu.memref_squeeze %dma_wait3A_2961 : memref<1x4608xf32, #tpu.memory_space<hbm>> -> memref<4608xf32, #tpu.memory_space<hbm>>
        tpu.wait_dma2 semaphore(%run_scoped3A : memref<!tpu.dma_semaphore, #tpu.memory_space<semaphore_mem>>) src(%dma_wait3A_2962 : memref<4608xf32, #tpu.memory_space<hbm>>) dst(%arg18 : memref<4608xf32, #tpu.memory_space<vmem>>)
        tpu.yield
      }) : () -> ()
      %mul3A_2418 = arith.constant 8 : i32
      %mul3A_2419 = arith.muli %add3A, %mul3A_2418 : i32
      %add3A_2420 = arith.constant 2 : i32
      %add3A_2421 = arith.addi %mul3A_2419, %add3A_2420 : i32
      "tpu.region"() ({
        %run_scoped3A = tpu.sem_alloc : memref<!tpu.dma_semaphore, #tpu.memory_space<semaphore_mem>>
        %dma_start3A = arith.constant 0 : i32
        %dma_start3A_2953 = tpu.memref_slice %arg2[%add3A_2421, %dma_start3A] : memref<32x4608xf32, #tpu.memory_space<hbm>> -> memref<1x4608xf32, #tpu.memory_space<hbm>>
        %dma_start3A_2954 = tpu.memref_squeeze %dma_start3A_2953 : memref<1x4608xf32, #tpu.memory_space<hbm>> -> memref<4608xf32, #tpu.memory_space<hbm>>
        %dma_start3A_2955 = arith.constant 0 : i32
        %dma_start3A_2956 = tpu.memref_slice %arg2[%add3A_2421, %dma_start3A_2955] : memref<32x4608xf32, #tpu.memory_space<hbm>> -> memref<1x4608xf32, #tpu.memory_space<hbm>>
        %dma_start3A_2957 = tpu.memref_squeeze %dma_start3A_2956 : memref<1x4608xf32, #tpu.memory_space<hbm>> -> memref<4608xf32, #tpu.memory_space<hbm>>
        tpu.enqueue_dma source(%dma_start3A_2957 : memref<4608xf32, #tpu.memory_space<hbm>>) target(%arg19 : memref<4608xf32, #tpu.memory_space<vmem>>) target_semaphore(%run_scoped3A : memref<!tpu.dma_semaphore, #tpu.memory_space<semaphore_mem>>)
        %dma_wait3A = arith.constant 0 : i32
        %dma_wait3A_2958 = tpu.memref_slice %arg2[%add3A_2421, %dma_wait3A] : memref<32x4608xf32, #tpu.memory_space<hbm>> -> memref<1x4608xf32, #tpu.memory_space<hbm>>
        %dma_wait3A_2959 = tpu.memref_squeeze %dma_wait3A_2958 : memref<1x4608xf32, #tpu.memory_space<hbm>> -> memref<4608xf32, #tpu.memory_space<hbm>>
        %dma_wait3A_2960 = arith.constant 0 : i32
        %dma_wait3A_2961 = tpu.memref_slice %arg2[%add3A_2421, %dma_wait3A_2960] : memref<32x4608xf32, #tpu.memory_space<hbm>> -> memref<1x4608xf32, #tpu.memory_space<hbm>>
        %dma_wait3A_2962 = tpu.memref_squeeze %dma_wait3A_2961 : memref<1x4608xf32, #tpu.memory_space<hbm>> -> memref<4608xf32, #tpu.memory_space<hbm>>
        tpu.wait_dma2 semaphore(%run_scoped3A : memref<!tpu.dma_semaphore, #tpu.memory_space<semaphore_mem>>) src(%dma_wait3A_2962 : memref<4608xf32, #tpu.memory_space<hbm>>) dst(%arg19 : memref<4608xf32, #tpu.memory_space<vmem>>)
        tpu.yield
      }) : () -> ()
      %mul3A_2422 = arith.constant 8 : i32
      %mul3A_2423 = arith.muli %add3A, %mul3A_2422 : i32
      "tpu.region"() ({
        %run_scoped3A = tpu.sem_alloc : memref<!tpu.dma_semaphore, #tpu.memory_space<semaphore_mem>>
        %dma_start3A = arith.constant 0 : i32
        %dma_start3A_2953 = tpu.memref_slice %arg7[%mul3A_2423, %dma_start3A] : memref<32x16xi32, #tpu.memory_space<hbm>> -> memref<8x16xi32, #tpu.memory_space<hbm>>
        %dma_start3A_2954 = arith.constant 0 : i32
        %dma_start3A_2955 = tpu.memref_slice %arg7[%mul3A_2423, %dma_start3A_2954] : memref<32x16xi32, #tpu.memory_space<hbm>> -> memref<8x16xi32, #tpu.memory_space<hbm>>
        tpu.enqueue_dma source(%dma_start3A_2955 : memref<8x16xi32, #tpu.memory_space<hbm>>) target(%arg15 : memref<8x16xi32, #tpu.memory_space<vmem>>) target_semaphore(%run_scoped3A : memref<!tpu.dma_semaphore, #tpu.memory_space<semaphore_mem>>)
        %dma_wait3A = arith.constant 0 : i32
        %dma_wait3A_2956 = tpu.memref_slice %arg7[%mul3A_2423, %dma_wait3A] : memref<32x16xi32, #tpu.memory_space<hbm>> -> memref<8x16xi32, #tpu.memory_space<hbm>>
        %dma_wait3A_2957 = arith.constant 0 : i32
        %dma_wait3A_2958 = tpu.memref_slice %arg7[%mul3A_2423, %dma_wait3A_2957] : memref<32x16xi32, #tpu.memory_space<hbm>> -> memref<8x16xi32, #tpu.memory_space<hbm>>
        tpu.wait_dma2 semaphore(%run_scoped3A : memref<!tpu.dma_semaphore, #tpu.memory_space<semaphore_mem>>) src(%dma_wait3A_2958 : memref<8x16xi32, #tpu.memory_space<hbm>>) dst(%arg15 : memref<8x16xi32, #tpu.memory_space<vmem>>)
        tpu.yield
      }) : () -> ()
      %mul3A_2424 = arith.constant 8 : i32
      %mul3A_2425 = arith.muli %add3A, %mul3A_2424 : i32
      "tpu.region"() ({
        %run_scoped3A = tpu.sem_alloc : memref<!tpu.dma_semaphore, #tpu.memory_space<semaphore_mem>>
        %dma_start3A = arith.constant 0 : i32
        %dma_start3A_2953 = tpu.memref_slice %arg5[%mul3A_2425, %dma_start3A] : memref<32x528xf32, #tpu.memory_space<hbm>> -> memref<8x528xf32, #tpu.memory_space<hbm>>
        %dma_start3A_2954 = arith.constant 0 : i32
        %dma_start3A_2955 = tpu.memref_slice %arg5[%mul3A_2425, %dma_start3A_2954] : memref<32x528xf32, #tpu.memory_space<hbm>> -> memref<8x528xf32, #tpu.memory_space<hbm>>
        tpu.enqueue_dma source(%dma_start3A_2955 : memref<8x528xf32, #tpu.memory_space<hbm>>) target(%arg13 : memref<8x528xf32, #tpu.memory_space<vmem>>) target_semaphore(%run_scoped3A : memref<!tpu.dma_semaphore, #tpu.memory_space<semaphore_mem>>)
        %dma_wait3A = arith.constant 0 : i32
        %dma_wait3A_2956 = tpu.memref_slice %arg5[%mul3A_2425, %dma_wait3A] : memref<32x528xf32, #tpu.memory_space<hbm>> -> memref<8x528xf32, #tpu.memory_space<hbm>>
        %dma_wait3A_2957 = arith.constant 0 : i32
        %dma_wait3A_2958 = tpu.memref_slice %arg5[%mul3A_2425, %dma_wait3A_2957] : memref<32x528xf32, #tpu.memory_space<hbm>> -> memref<8x528xf32, #tpu.memory_space<hbm>>
        tpu.wait_dma2 semaphore(%run_scoped3A : memref<!tpu.dma_semaphore, #tpu.memory_space<semaphore_mem>>) src(%dma_wait3A_2958 : memref<8x528xf32, #tpu.memory_space<hbm>>) dst(%arg13 : memref<8x528xf32, #tpu.memory_space<vmem>>)
        tpu.yield
      }) : () -> ()
      %mul3A_2426 = arith.constant 8 : i32
      %mul3A_2427 = arith.muli %add3A, %mul3A_2426 : i32
      "tpu.region"() ({
        %run_scoped3A = tpu.sem_alloc : memref<!tpu.dma_semaphore, #tpu.memory_space<semaphore_mem>>
        %dma_start3A = arith.constant 0 : i32
        %dma_start3A_2953 = tpu.memref_slice %arg6[%mul3A_2427, %dma_start3A] : memref<32x528xi32, #tpu.memory_space<hbm>> -> memref<8x528xi32, #tpu.memory_space<hbm>>
        %dma_start3A_2954 = arith.constant 0 : i32
        %dma_start3A_2955 = tpu.memref_slice %arg6[%mul3A_2427, %dma_start3A_2954] : memref<32x528xi32, #tpu.memory_space<hbm>> -> memref<8x528xi32, #tpu.memory_space<hbm>>
        tpu.enqueue_dma source(%dma_start3A_2955 : memref<8x528xi32, #tpu.memory_space<hbm>>) target(%arg14 : memref<8x528xi32, #tpu.memory_space<vmem>>) target_semaphore(%run_scoped3A : memref<!tpu.dma_semaphore, #tpu.memory_space<semaphore_mem>>)
        %dma_wait3A = arith.constant 0 : i32
        %dma_wait3A_2956 = tpu.memref_slice %arg6[%mul3A_2427, %dma_wait3A] : memref<32x528xi32, #tpu.memory_space<hbm>> -> memref<8x528xi32, #tpu.memory_space<hbm>>
        %dma_wait3A_2957 = arith.constant 0 : i32
        %dma_wait3A_2958 = tpu.memref_slice %arg6[%mul3A_2427, %dma_wait3A_2957] : memref<32x528xi32, #tpu.memory_space<hbm>> -> memref<8x528xi32, #tpu.memory_space<hbm>>
        tpu.wait_dma2 semaphore(%run_scoped3A : memref<!tpu.dma_semaphore, #tpu.memory_space<semaphore_mem>>) src(%dma_wait3A_2958 : memref<8x528xi32, #tpu.memory_space<hbm>>) dst(%arg14 : memref<8x528xi32, #tpu.memory_space<vmem>>)
        tpu.yield
      }) : () -> ()
      %get3A_2428 = arith.constant 0 : i32
      %get3A_2429 = arith.index_cast %get3A_2428 : i32 to index
      %get3A_2430 = arith.constant 0 : index
      %get3A_2431 = tpu.vector_load %arg15[%get3A_2429, %get3A_2430] {strides = array<i32>} : memref<8x16xi32, #tpu.memory_space<vmem>>, vector<16xi32>,
      %slice3A_2432 = vector.extract_strided_slice %get3A_2431 {offsets = [0], sizes = [1], strides = [1]} : vector<16xi32> to vector<1xi32>
      %squeeze3A_2433 = vector.extract %slice3A_2432[0] : i32 from vector<1xi32>
      %add3A_2434 = arith.constant 15 : i32
      %add3A_2435 = arith.addi %squeeze3A_2433, %add3A_2434 : i32
      %jit3A_2436 = arith.constant 16 : i32
      %div3A_2437 = arith.divsi %add3A_2435, %jit3A_2436 : i32
      %sign3A_2438 = arith.constant 0 : i32
      %sign3A_2439 = arith.cmpi sgt, %add3A_2435, %sign3A_2438 : i32
      %sign3A_2440 = arith.extui %sign3A_2439 : i1 to i32
      %sign3A_2441 = arith.constant 0 : i32
      %sign3A_2442 = arith.cmpi slt, %add3A_2435, %sign3A_2441 : i32
      %sign3A_2443 = arith.extui %sign3A_2442 : i1 to i32
      %sign3A_2444 = arith.subi %sign3A_2440, %sign3A_2443 : i32
      %sign3A_2445 = arith.constant 0 : i32
      %sign3A_2446 = arith.cmpi sgt, %jit3A_2436, %sign3A_2445 : i32
      %sign3A_2447 = arith.extui %sign3A_2446 : i1 to i32
      %sign3A_2448 = arith.constant 0 : i32
      %sign3A_2449 = arith.cmpi slt, %jit3A_2436, %sign3A_2448 : i32
      %sign3A_2450 = arith.extui %sign3A_2449 : i1 to i32
      %sign3A_2451 = arith.subi %sign3A_2447, %sign3A_2450 : i32
      %ne3A_2452 = arith.cmpi ne, %sign3A_2444, %sign3A_2451 : i32
      %rem3A_2453 = arith.remsi %add3A_2435, %jit3A_2436 : i32
      %ne3A_2454 = arith.constant 0 : i32
      %ne3A_2455 = arith.cmpi ne, %rem3A_2453, %ne3A_2454 : i32
      %and3A_2456 = arith.andi %ne3A_2452, %ne3A_2455 : i1
      %sub3A_2457 = arith.constant 1 : i32
      %sub3A_2458 = arith.subi %div3A_2437, %sub3A_2457 : i32
      %select_n3A_2459 = arith.select %and3A_2456, %sub3A_2458, %div3A_2437 : i32
      %while3A = arith.constant 0 : i32
      %while3A_2460 = arith.constant 0 : i32
      %while3A_2461 = arith.subi %select_n3A_2459, %while3A : i32
      %while3A_2462 = arith.addi %while3A, %while3A_2461 : i32
      %while3A_2463 = arith.constant 1 : i32
      %while3A_2464 = arith.divsi %while3A_2461, %while3A_2463 : i32
      %while3A_2465 = arith.muli %while3A_2464, %while3A_2463 : i32
      %while3A_2466 = arith.addi %while3A, %while3A_2465 : i32
      %while3A_2467 = arith.constant 1 : i32
      %while3A_2468 = scf.for %while3A_2953 = %while3A to %while3A_2466 step %while3A_2467 iter_args(%while3A_2954 = %while3A_2460) -> (i32)  : i32 {
        %mul3A_2955 = arith.constant 16 : i32
        %mul3A_2956 = arith.muli %while3A_2953, %mul3A_2955 : i32
        %sub3A_2957 = arith.subi %squeeze3A_2433, %mul3A_2956 : i32
        %lt3A_2958 = vector.broadcast %sub3A_2957 : i32 to vector<16xi32>
        %lt3A_2959 = arith.cmpi slt, %iota3A, %lt3A_2958 : vector<16xi32>
        %mul3A_2960 = arith.constant 16 : i32
        %mul3A_2961 = arith.muli %while3A_2953, %mul3A_2960 : i32
        %get3A_2962 = arith.constant 0 : i32
        %get3A_2963 = arith.index_cast %get3A_2962 : i32 to index
        %get3A_2964 = arith.index_cast %mul3A_2961 : i32 to index
        %get3A_2965 = tpu.vector_load %arg13[%get3A_2963, %get3A_2964] {strides = array<i32>} : memref<8x528xf32, #tpu.memory_space<vmem>>, vector<16xf32>,
        %swap3A_2966 = arith.index_cast %while3A_2954 : i32 to index
        %swap3A_2967 = tpu.vector_load %arg16[%swap3A_2966] masked %lt3A_2959 {strides = array<i32>} : memref<4112xf32, #tpu.memory_space<vmem>>, vector<16xf32>, vector<16xi1>
        tpu.vector_store %arg16[%swap3A_2966], %get3A_2965 masked %lt3A_2959 {strides = array<i32>} : memref<4112xf32, #tpu.memory_space<vmem>>, vector<16xf32>, vector<16xi1>
        %mul3A_2968 = arith.constant 16 : i32
        %mul3A_2969 = arith.muli %while3A_2953, %mul3A_2968 : i32
        %get3A_2970 = arith.constant 0 : i32
        %get3A_2971 = arith.index_cast %get3A_2970 : i32 to index
        %get3A_2972 = arith.index_cast %mul3A_2969 : i32 to index
        %get3A_2973 = tpu.vector_load %arg14[%get3A_2971, %get3A_2972] {strides = array<i32>} : memref<8x528xi32, #tpu.memory_space<vmem>>, vector<16xi32>,
        %swap3A_2974 = arith.index_cast %while3A_2954 : i32 to index
        %swap3A_2975 = tpu.vector_load %arg17[%swap3A_2974] masked %lt3A_2959 {strides = array<i32>} : memref<4112xi32, #tpu.memory_space<vmem>>, vector<16xi32>, vector<16xi1>
        tpu.vector_store %arg17[%swap3A_2974], %get3A_2973 masked %lt3A_2959 {strides = array<i32>} : memref<4112xi32, #tpu.memory_space<vmem>>, vector<16xi32>, vector<16xi1>
        %min3A_2976 = arith.constant 16 : i32
        %min3A_2977 = arith.minsi %sub3A_2957, %min3A_2976 : i32
        %add3A_2978 = arith.addi %while3A_2954, %min3A_2977 : i32
        scf.yield %add3A_2978 : i32
      }
      %while3A_2469 = arith.constant 1 : i32
      %while3A_2470 = scf.for %while3A_2953 = %while3A_2466 to %while3A_2462 step %while3A_2469 iter_args(%while3A_2954 = %while3A_2468) -> (i32)  : i32 {
        %mul3A_2955 = arith.constant 16 : i32
        %mul3A_2956 = arith.muli %while3A_2953, %mul3A_2955 : i32
        %sub3A_2957 = arith.subi %squeeze3A_2433, %mul3A_2956 : i32
        %lt3A_2958 = vector.broadcast %sub3A_2957 : i32 to vector<16xi32>
        %lt3A_2959 = arith.cmpi slt, %iota3A, %lt3A_2958 : vector<16xi32>
        %mul3A_2960 = arith.constant 16 : i32
        %mul3A_2961 = arith.muli %while3A_2953, %mul3A_2960 : i32
        %get3A_2962 = arith.constant 0 : i32
        %get3A_2963 = arith.index_cast %get3A_2962 : i32 to index
        %get3A_2964 = arith.index_cast %mul3A_2961 : i32 to index
        %get3A_2965 = tpu.vector_load %arg13[%get3A_2963, %get3A_2964] {strides = array<i32>} : memref<8x528xf32, #tpu.memory_space<vmem>>, vector<16xf32>,
        %swap3A_2966 = arith.index_cast %while3A_2954 : i32 to index
        %swap3A_2967 = tpu.vector_load %arg16[%swap3A_2966] masked %lt3A_2959 {strides = array<i32>} : memref<4112xf32, #tpu.memory_space<vmem>>, vector<16xf32>, vector<16xi1>
        tpu.vector_store %arg16[%swap3A_2966], %get3A_2965 masked %lt3A_2959 {strides = array<i32>} : memref<4112xf32, #tpu.memory_space<vmem>>, vector<16xf32>, vector<16xi1>
        %mul3A_2968 = arith.constant 16 : i32
        %mul3A_2969 = arith.muli %while3A_2953, %mul3A_2968 : i32
        %get3A_2970 = arith.constant 0 : i32
        %get3A_2971 = arith.index_cast %get3A_2970 : i32 to index
        %get3A_2972 = arith.index_cast %mul3A_2969 : i32 to index
        %get3A_2973 = tpu.vector_load %arg14[%get3A_2971, %get3A_2972] {strides = array<i32>} : memref<8x528xi32, #tpu.memory_space<vmem>>, vector<16xi32>,
        %swap3A_2974 = arith.index_cast %while3A_2954 : i32 to index
        %swap3A_2975 = tpu.vector_load %arg17[%swap3A_2974] masked %lt3A_2959 {strides = array<i32>} : memref<4112xi32, #tpu.memory_space<vmem>>, vector<16xi32>, vector<16xi1>
        tpu.vector_store %arg17[%swap3A_2974], %get3A_2973 masked %lt3A_2959 {strides = array<i32>} : memref<4112xi32, #tpu.memory_space<vmem>>, vector<16xi32>, vector<16xi1>
        %min3A_2976 = arith.constant 16 : i32
        %min3A_2977 = arith.minsi %sub3A_2957, %min3A_2976 : i32
        %add3A_2978 = arith.addi %while3A_2954, %min3A_2977 : i32
        scf.yield %add3A_2978 : i32
      }
      %get3A_2471 = arith.constant 1 : i32
      %get3A_2472 = arith.index_cast %get3A_2471 : i32 to index
      %get3A_2473 = arith.constant 0 : index
      %get3A_2474 = tpu.vector_load %arg15[%get3A_2472, %get3A_2473] {strides = array<i32>} : memref<8x16xi32, #tpu.memory_space<vmem>>, vector<16xi32>,
      %slice3A_2475 = vector.extract_strided_slice %get3A_2474 {offsets = [0], sizes = [1], strides = [1]} : vector<16xi32> to vector<1xi32>
      %squeeze3A_2476 = vector.extract %slice3A_2475[0] : i32 from vector<1xi32>
      %add3A_2477 = arith.constant 15 : i32
      %add3A_2478 = arith.addi %squeeze3A_2476, %add3A_2477 : i32
      %jit3A_2479 = arith.constant 16 : i32
      %div3A_2480 = arith.divsi %add3A_2478, %jit3A_2479 : i32
      %sign3A_2481 = arith.constant 0 : i32
      %sign3A_2482 = arith.cmpi sgt, %add3A_2478, %sign3A_2481 : i32
      %sign3A_2483 = arith.extui %sign3A_2482 : i1 to i32
      %sign3A_2484 = arith.constant 0 : i32
      %sign3A_2485 = arith.cmpi slt, %add3A_2478, %sign3A_2484 : i32
      %sign3A_2486 = arith.extui %sign3A_2485 : i1 to i32
      %sign3A_2487 = arith.subi %sign3A_2483, %sign3A_2486 : i32
      %sign3A_2488 = arith.constant 0 : i32
      %sign3A_2489 = arith.cmpi sgt, %jit3A_2479, %sign3A_2488 : i32
      %sign3A_2490 = arith.extui %sign3A_2489 : i1 to i32
      %sign3A_2491 = arith.constant 0 : i32
      %sign3A_2492 = arith.cmpi slt, %jit3A_2479, %sign3A_2491 : i32
      %sign3A_2493 = arith.extui %sign3A_2492 : i1 to i32
      %sign3A_2494 = arith.subi %sign3A_2490, %sign3A_2493 : i32
      %ne3A_2495 = arith.cmpi ne, %sign3A_2487, %sign3A_2494 : i32
      %rem3A_2496 = arith.remsi %add3A_2478, %jit3A_2479 : i32
      %ne3A_2497 = arith.constant 0 : i32
      %ne3A_2498 = arith.cmpi ne, %rem3A_2496, %ne3A_2497 : i32
      %and3A_2499 = arith.andi %ne3A_2495, %ne3A_2498 : i1
      %sub3A_2500 = arith.constant 1 : i32
      %sub3A_2501 = arith.subi %div3A_2480, %sub3A_2500 : i32
      %select_n3A_2502 = arith.select %and3A_2499, %sub3A_2501, %div3A_2480 : i32
      %while3A_2503 = arith.constant 0 : i32
      %while3A_2504 = arith.subi %select_n3A_2502, %while3A_2503 : i32
      %while3A_2505 = arith.addi %while3A_2503, %while3A_2504 : i32
      %while3A_2506 = arith.constant 1 : i32
      %while3A_2507 = arith.divsi %while3A_2504, %while3A_2506 : i32
      %while3A_2508 = arith.muli %while3A_2507, %while3A_2506 : i32
      %while3A_2509 = arith.addi %while3A_2503, %while3A_2508 : i32
      %while3A_2510 = arith.constant 1 : i32
      %while3A_2511 = scf.for %while3A_2953 = %while3A_2503 to %while3A_2509 step %while3A_2510 iter_args(%while3A_2954 = %while3A_2470) -> (i32)  : i32 {
        %mul3A_2955 = arith.constant 16 : i32
        %mul3A_2956 = arith.muli %while3A_2953, %mul3A_2955 : i32
        %sub3A_2957 = arith.subi %squeeze3A_2476, %mul3A_2956 : i32
        %lt3A_2958 = vector.broadcast %sub3A_2957 : i32 to vector<16xi32>
        %lt3A_2959 = arith.cmpi slt, %iota3A, %lt3A_2958 : vector<16xi32>
        %mul3A_2960 = arith.constant 16 : i32
        %mul3A_2961 = arith.muli %while3A_2953, %mul3A_2960 : i32
        %get3A_2962 = arith.constant 1 : i32
        %get3A_2963 = arith.index_cast %get3A_2962 : i32 to index
        %get3A_2964 = arith.index_cast %mul3A_2961 : i32 to index
        %get3A_2965 = tpu.vector_load %arg13[%get3A_2963, %get3A_2964] {strides = array<i32>} : memref<8x528xf32, #tpu.memory_space<vmem>>, vector<16xf32>,
        %swap3A_2966 = arith.index_cast %while3A_2954 : i32 to index
        %swap3A_2967 = tpu.vector_load %arg16[%swap3A_2966] masked %lt3A_2959 {strides = array<i32>} : memref<4112xf32, #tpu.memory_space<vmem>>, vector<16xf32>, vector<16xi1>
        tpu.vector_store %arg16[%swap3A_2966], %get3A_2965 masked %lt3A_2959 {strides = array<i32>} : memref<4112xf32, #tpu.memory_space<vmem>>, vector<16xf32>, vector<16xi1>
        %mul3A_2968 = arith.constant 16 : i32
        %mul3A_2969 = arith.muli %while3A_2953, %mul3A_2968 : i32
        %get3A_2970 = arith.constant 1 : i32
        %get3A_2971 = arith.index_cast %get3A_2970 : i32 to index
        %get3A_2972 = arith.index_cast %mul3A_2969 : i32 to index
        %get3A_2973 = tpu.vector_load %arg14[%get3A_2971, %get3A_2972] {strides = array<i32>} : memref<8x528xi32, #tpu.memory_space<vmem>>, vector<16xi32>,
        %swap3A_2974 = arith.index_cast %while3A_2954 : i32 to index
        %swap3A_2975 = tpu.vector_load %arg17[%swap3A_2974] masked %lt3A_2959 {strides = array<i32>} : memref<4112xi32, #tpu.memory_space<vmem>>, vector<16xi32>, vector<16xi1>
        tpu.vector_store %arg17[%swap3A_2974], %get3A_2973 masked %lt3A_2959 {strides = array<i32>} : memref<4112xi32, #tpu.memory_space<vmem>>, vector<16xi32>, vector<16xi1>
        %min3A_2976 = arith.constant 16 : i32
        %min3A_2977 = arith.minsi %sub3A_2957, %min3A_2976 : i32
        %add3A_2978 = arith.addi %while3A_2954, %min3A_2977 : i32
        scf.yield %add3A_2978 : i32
      }
      %while3A_2512 = arith.constant 1 : i32
      %while3A_2513 = scf.for %while3A_2953 = %while3A_2509 to %while3A_2505 step %while3A_2512 iter_args(%while3A_2954 = %while3A_2511) -> (i32)  : i32 {
        %mul3A_2955 = arith.constant 16 : i32
        %mul3A_2956 = arith.muli %while3A_2953, %mul3A_2955 : i32
        %sub3A_2957 = arith.subi %squeeze3A_2476, %mul3A_2956 : i32
        %lt3A_2958 = vector.broadcast %sub3A_2957 : i32 to vector<16xi32>
        %lt3A_2959 = arith.cmpi slt, %iota3A, %lt3A_2958 : vector<16xi32>
        %mul3A_2960 = arith.constant 16 : i32
        %mul3A_2961 = arith.muli %while3A_2953, %mul3A_2960 : i32
        %get3A_2962 = arith.constant 1 : i32
        %get3A_2963 = arith.index_cast %get3A_2962 : i32 to index
        %get3A_2964 = arith.index_cast %mul3A_2961 : i32 to index
        %get3A_2965 = tpu.vector_load %arg13[%get3A_2963, %get3A_2964] {strides = array<i32>} : memref<8x528xf32, #tpu.memory_space<vmem>>, vector<16xf32>,
        %swap3A_2966 = arith.index_cast %while3A_2954 : i32 to index
        %swap3A_2967 = tpu.vector_load %arg16[%swap3A_2966] masked %lt3A_2959 {strides = array<i32>} : memref<4112xf32, #tpu.memory_space<vmem>>, vector<16xf32>, vector<16xi1>
        tpu.vector_store %arg16[%swap3A_2966], %get3A_2965 masked %lt3A_2959 {strides = array<i32>} : memref<4112xf32, #tpu.memory_space<vmem>>, vector<16xf32>, vector<16xi1>
        %mul3A_2968 = arith.constant 16 : i32
        %mul3A_2969 = arith.muli %while3A_2953, %mul3A_2968 : i32
        %get3A_2970 = arith.constant 1 : i32
        %get3A_2971 = arith.index_cast %get3A_2970 : i32 to index
        %get3A_2972 = arith.index_cast %mul3A_2969 : i32 to index
        %get3A_2973 = tpu.vector_load %arg14[%get3A_2971, %get3A_2972] {strides = array<i32>} : memref<8x528xi32, #tpu.memory_space<vmem>>, vector<16xi32>,
        %swap3A_2974 = arith.index_cast %while3A_2954 : i32 to index
        %swap3A_2975 = tpu.vector_load %arg17[%swap3A_2974] masked %lt3A_2959 {strides = array<i32>} : memref<4112xi32, #tpu.memory_space<vmem>>, vector<16xi32>, vector<16xi1>
        tpu.vector_store %arg17[%swap3A_2974], %get3A_2973 masked %lt3A_2959 {strides = array<i32>} : memref<4112xi32, #tpu.memory_space<vmem>>, vector<16xi32>, vector<16xi1>
        %min3A_2976 = arith.constant 16 : i32
        %min3A_2977 = arith.minsi %sub3A_2957, %min3A_2976 : i32
        %add3A_2978 = arith.addi %while3A_2954, %min3A_2977 : i32
        scf.yield %add3A_2978 : i32
      }
      %get3A_2514 = arith.constant 2 : i32
      %get3A_2515 = arith.index_cast %get3A_2514 : i32 to index
      %get3A_2516 = arith.constant 0 : index
      %get3A_2517 = tpu.vector_load %arg15[%get3A_2515, %get3A_2516] {strides = array<i32>} : memref<8x16xi32, #tpu.memory_space<vmem>>, vector<16xi32>,
      %slice3A_2518 = vector.extract_strided_slice %get3A_2517 {offsets = [0], sizes = [1], strides = [1]} : vector<16xi32> to vector<1xi32>
      %squeeze3A_2519 = vector.extract %slice3A_2518[0] : i32 from vector<1xi32>
      %add3A_2520 = arith.constant 15 : i32
      %add3A_2521 = arith.addi %squeeze3A_2519, %add3A_2520 : i32
      %jit3A_2522 = arith.constant 16 : i32
      %div3A_2523 = arith.divsi %add3A_2521, %jit3A_2522 : i32
      %sign3A_2524 = arith.constant 0 : i32
      %sign3A_2525 = arith.cmpi sgt, %add3A_2521, %sign3A_2524 : i32
      %sign3A_2526 = arith.extui %sign3A_2525 : i1 to i32
      %sign3A_2527 = arith.constant 0 : i32
      %sign3A_2528 = arith.cmpi slt, %add3A_2521, %sign3A_2527 : i32
      %sign3A_2529 = arith.extui %sign3A_2528 : i1 to i32
      %sign3A_2530 = arith.subi %sign3A_2526, %sign3A_2529 : i32
      %sign3A_2531 = arith.constant 0 : i32
      %sign3A_2532 = arith.cmpi sgt, %jit3A_2522, %sign3A_2531 : i32
      %sign3A_2533 = arith.extui %sign3A_2532 : i1 to i32
      %sign3A_2534 = arith.constant 0 : i32
      %sign3A_2535 = arith.cmpi slt, %jit3A_2522, %sign3A_2534 : i32
      %sign3A_2536 = arith.extui %sign3A_2535 : i1 to i32
      %sign3A_2537 = arith.subi %sign3A_2533, %sign3A_2536 : i32
      %ne3A_2538 = arith.cmpi ne, %sign3A_2530, %sign3A_2537 : i32
      %rem3A_2539 = arith.remsi %add3A_2521, %jit3A_2522 : i32
      %ne3A_2540 = arith.constant 0 : i32
      %ne3A_2541 = arith.cmpi ne, %rem3A_2539, %ne3A_2540 : i32
      %and3A_2542 = arith.andi %ne3A_2538, %ne3A_2541 : i1
      %sub3A_2543 = arith.constant 1 : i32
      %sub3A_2544 = arith.subi %div3A_2523, %sub3A_2543 : i32
      %select_n3A_2545 = arith.select %and3A_2542, %sub3A_2544, %div3A_2523 : i32
      %while3A_2546 = arith.constant 0 : i32
      %while3A_2547 = arith.subi %select_n3A_2545, %while3A_2546 : i32
      %while3A_2548 = arith.addi %while3A_2546, %while3A_2547 : i32
      %while3A_2549 = arith.constant 1 : i32
      %while3A_2550 = arith.divsi %while3A_2547, %while3A_2549 : i32
      %while3A_2551 = arith.muli %while3A_2550, %while3A_2549 : i32
      %while3A_2552 = arith.addi %while3A_2546, %while3A_2551 : i32
      %while3A_2553 = arith.constant 1 : i32
      %while3A_2554 = scf.for %while3A_2953 = %while3A_2546 to %while3A_2552 step %while3A_2553 iter_args(%while3A_2954 = %while3A_2513) -> (i32)  : i32 {
        %mul3A_2955 = arith.constant 16 : i32
        %mul3A_2956 = arith.muli %while3A_2953, %mul3A_2955 : i32
        %sub3A_2957 = arith.subi %squeeze3A_2519, %mul3A_2956 : i32
        %lt3A_2958 = vector.broadcast %sub3A_2957 : i32 to vector<16xi32>
        %lt3A_2959 = arith.cmpi slt, %iota3A, %lt3A_2958 : vector<16xi32>
        %mul3A_2960 = arith.constant 16 : i32
        %mul3A_2961 = arith.muli %while3A_2953, %mul3A_2960 : i32
        %get3A_2962 = arith.constant 2 : i32
        %get3A_2963 = arith.index_cast %get3A_2962 : i32 to index
        %get3A_2964 = arith.index_cast %mul3A_2961 : i32 to index
        %get3A_2965 = tpu.vector_load %arg13[%get3A_2963, %get3A_2964] {strides = array<i32>} : memref<8x528xf32, #tpu.memory_space<vmem>>, vector<16xf32>,
        %swap3A_2966 = arith.index_cast %while3A_2954 : i32 to index
        %swap3A_2967 = tpu.vector_load %arg16[%swap3A_2966] masked %lt3A_2959 {strides = array<i32>} : memref<4112xf32, #tpu.memory_space<vmem>>, vector<16xf32>, vector<16xi1>
        tpu.vector_store %arg16[%swap3A_2966], %get3A_2965 masked %lt3A_2959 {strides = array<i32>} : memref<4112xf32, #tpu.memory_space<vmem>>, vector<16xf32>, vector<16xi1>
        %mul3A_2968 = arith.constant 16 : i32
        %mul3A_2969 = arith.muli %while3A_2953, %mul3A_2968 : i32
        %get3A_2970 = arith.constant 2 : i32
        %get3A_2971 = arith.index_cast %get3A_2970 : i32 to index
        %get3A_2972 = arith.index_cast %mul3A_2969 : i32 to index
        %get3A_2973 = tpu.vector_load %arg14[%get3A_2971, %get3A_2972] {strides = array<i32>} : memref<8x528xi32, #tpu.memory_space<vmem>>, vector<16xi32>,
        %swap3A_2974 = arith.index_cast %while3A_2954 : i32 to index
        %swap3A_2975 = tpu.vector_load %arg17[%swap3A_2974] masked %lt3A_2959 {strides = array<i32>} : memref<4112xi32, #tpu.memory_space<vmem>>, vector<16xi32>, vector<16xi1>
        tpu.vector_store %arg17[%swap3A_2974], %get3A_2973 masked %lt3A_2959 {strides = array<i32>} : memref<4112xi32, #tpu.memory_space<vmem>>, vector<16xi32>, vector<16xi1>
        %min3A_2976 = arith.constant 16 : i32
        %min3A_2977 = arith.minsi %sub3A_2957, %min3A_2976 : i32
        %add3A_2978 = arith.addi %while3A_2954, %min3A_2977 : i32
        scf.yield %add3A_2978 : i32
      }
      %while3A_2555 = arith.constant 1 : i32
      %while3A_2556 = scf.for %while3A_2953 = %while3A_2552 to %while3A_2548 step %while3A_2555 iter_args(%while3A_2954 = %while3A_2554) -> (i32)  : i32 {
        %mul3A_2955 = arith.constant 16 : i32
        %mul3A_2956 = arith.muli %while3A_2953, %mul3A_2955 : i32
        %sub3A_2957 = arith.subi %squeeze3A_2519, %mul3A_2956 : i32
        %lt3A_2958 = vector.broadcast %sub3A_2957 : i32 to vector<16xi32>
        %lt3A_2959 = arith.cmpi slt, %iota3A, %lt3A_2958 : vector<16xi32>
        %mul3A_2960 = arith.constant 16 : i32
        %mul3A_2961 = arith.muli %while3A_2953, %mul3A_2960 : i32
        %get3A_2962 = arith.constant 2 : i32
        %get3A_2963 = arith.index_cast %get3A_2962 : i32 to index
        %get3A_2964 = arith.index_cast %mul3A_2961 : i32 to index
        %get3A_2965 = tpu.vector_load %arg13[%get3A_2963, %get3A_2964] {strides = array<i32>} : memref<8x528xf32, #tpu.memory_space<vmem>>, vector<16xf32>,
        %swap3A_2966 = arith.index_cast %while3A_2954 : i32 to index
        %swap3A_2967 = tpu.vector_load %arg16[%swap3A_2966] masked %lt3A_2959 {strides = array<i32>} : memref<4112xf32, #tpu.memory_space<vmem>>, vector<16xf32>, vector<16xi1>
        tpu.vector_store %arg16[%swap3A_2966], %get3A_2965 masked %lt3A_2959 {strides = array<i32>} : memref<4112xf32, #tpu.memory_space<vmem>>, vector<16xf32>, vector<16xi1>
        %mul3A_2968 = arith.constant 16 : i32
        %mul3A_2969 = arith.muli %while3A_2953, %mul3A_2968 : i32
        %get3A_2970 = arith.constant 2 : i32
        %get3A_2971 = arith.index_cast %get3A_2970 : i32 to index
        %get3A_2972 = arith.index_cast %mul3A_2969 : i32 to index
        %get3A_2973 = tpu.vector_load %arg14[%get3A_2971, %get3A_2972] {strides = array<i32>} : memref<8x528xi32, #tpu.memory_space<vmem>>, vector<16xi32>,
        %swap3A_2974 = arith.index_cast %while3A_2954 : i32 to index
        %swap3A_2975 = tpu.vector_load %arg17[%swap3A_2974] masked %lt3A_2959 {strides = array<i32>} : memref<4112xi32, #tpu.memory_space<vmem>>, vector<16xi32>, vector<16xi1>
        tpu.vector_store %arg17[%swap3A_2974], %get3A_2973 masked %lt3A_2959 {strides = array<i32>} : memref<4112xi32, #tpu.memory_space<vmem>>, vector<16xi32>, vector<16xi1>
        %min3A_2976 = arith.constant 16 : i32
        %min3A_2977 = arith.minsi %sub3A_2957, %min3A_2976 : i32
        %add3A_2978 = arith.addi %while3A_2954, %min3A_2977 : i32
        scf.yield %add3A_2978 : i32
      }
      %get3A_2557 = arith.constant 3 : i32
      %get3A_2558 = arith.index_cast %get3A_2557 : i32 to index
      %get3A_2559 = arith.constant 0 : index
      %get3A_2560 = tpu.vector_load %arg15[%get3A_2558, %get3A_2559] {strides = array<i32>} : memref<8x16xi32, #tpu.memory_space<vmem>>, vector<16xi32>,
      %slice3A_2561 = vector.extract_strided_slice %get3A_2560 {offsets = [0], sizes = [1], strides = [1]} : vector<16xi32> to vector<1xi32>
      %squeeze3A_2562 = vector.extract %slice3A_2561[0] : i32 from vector<1xi32>
      %add3A_2563 = arith.constant 15 : i32
      %add3A_2564 = arith.addi %squeeze3A_2562, %add3A_2563 : i32
      %jit3A_2565 = arith.constant 16 : i32
      %div3A_2566 = arith.divsi %add3A_2564, %jit3A_2565 : i32
      %sign3A_2567 = arith.constant 0 : i32
      %sign3A_2568 = arith.cmpi sgt, %add3A_2564, %sign3A_2567 : i32
      %sign3A_2569 = arith.extui %sign3A_2568 : i1 to i32
      %sign3A_2570 = arith.constant 0 : i32
      %sign3A_2571 = arith.cmpi slt, %add3A_2564, %sign3A_2570 : i32
      %sign3A_2572 = arith.extui %sign3A_2571 : i1 to i32
      %sign3A_2573 = arith.subi %sign3A_2569, %sign3A_2572 : i32
      %sign3A_2574 = arith.constant 0 : i32
      %sign3A_2575 = arith.cmpi sgt, %jit3A_2565, %sign3A_2574 : i32
      %sign3A_2576 = arith.extui %sign3A_2575 : i1 to i32
      %sign3A_2577 = arith.constant 0 : i32
      %sign3A_2578 = arith.cmpi slt, %jit3A_2565, %sign3A_2577 : i32
      %sign3A_2579 = arith.extui %sign3A_2578 : i1 to i32
      %sign3A_2580 = arith.subi %sign3A_2576, %sign3A_2579 : i32
      %ne3A_2581 = arith.cmpi ne, %sign3A_2573, %sign3A_2580 : i32
      %rem3A_2582 = arith.remsi %add3A_2564, %jit3A_2565 : i32
      %ne3A_2583 = arith.constant 0 : i32
      %ne3A_2584 = arith.cmpi ne, %rem3A_2582, %ne3A_2583 : i32
      %and3A_2585 = arith.andi %ne3A_2581, %ne3A_2584 : i1
      %sub3A_2586 = arith.constant 1 : i32
      %sub3A_2587 = arith.subi %div3A_2566, %sub3A_2586 : i32
      %select_n3A_2588 = arith.select %and3A_2585, %sub3A_2587, %div3A_2566 : i32
      %while3A_2589 = arith.constant 0 : i32
      %while3A_2590 = arith.subi %select_n3A_2588, %while3A_2589 : i32
      %while3A_2591 = arith.addi %while3A_2589, %while3A_2590 : i32
      %while3A_2592 = arith.constant 1 : i32
      %while3A_2593 = arith.divsi %while3A_2590, %while3A_2592 : i32
      %while3A_2594 = arith.muli %while3A_2593, %while3A_2592 : i32
      %while3A_2595 = arith.addi %while3A_2589, %while3A_2594 : i32
      %while3A_2596 = arith.constant 1 : i32
      %while3A_2597 = scf.for %while3A_2953 = %while3A_2589 to %while3A_2595 step %while3A_2596 iter_args(%while3A_2954 = %while3A_2556) -> (i32)  : i32 {
        %mul3A_2955 = arith.constant 16 : i32
        %mul3A_2956 = arith.muli %while3A_2953, %mul3A_2955 : i32
        %sub3A_2957 = arith.subi %squeeze3A_2562, %mul3A_2956 : i32
        %lt3A_2958 = vector.broadcast %sub3A_2957 : i32 to vector<16xi32>
        %lt3A_2959 = arith.cmpi slt, %iota3A, %lt3A_2958 : vector<16xi32>
        %mul3A_2960 = arith.constant 16 : i32
        %mul3A_2961 = arith.muli %while3A_2953, %mul3A_2960 : i32
        %get3A_2962 = arith.constant 3 : i32
        %get3A_2963 = arith.index_cast %get3A_2962 : i32 to index
        %get3A_2964 = arith.index_cast %mul3A_2961 : i32 to index
        %get3A_2965 = tpu.vector_load %arg13[%get3A_2963, %get3A_2964] {strides = array<i32>} : memref<8x528xf32, #tpu.memory_space<vmem>>, vector<16xf32>,
        %swap3A_2966 = arith.index_cast %while3A_2954 : i32 to index
        %swap3A_2967 = tpu.vector_load %arg16[%swap3A_2966] masked %lt3A_2959 {strides = array<i32>} : memref<4112xf32, #tpu.memory_space<vmem>>, vector<16xf32>, vector<16xi1>
        tpu.vector_store %arg16[%swap3A_2966], %get3A_2965 masked %lt3A_2959 {strides = array<i32>} : memref<4112xf32, #tpu.memory_space<vmem>>, vector<16xf32>, vector<16xi1>
        %mul3A_2968 = arith.constant 16 : i32
        %mul3A_2969 = arith.muli %while3A_2953, %mul3A_2968 : i32
        %get3A_2970 = arith.constant 3 : i32
        %get3A_2971 = arith.index_cast %get3A_2970 : i32 to index
        %get3A_2972 = arith.index_cast %mul3A_2969 : i32 to index
        %get3A_2973 = tpu.vector_load %arg14[%get3A_2971, %get3A_2972] {strides = array<i32>} : memref<8x528xi32, #tpu.memory_space<vmem>>, vector<16xi32>,
        %swap3A_2974 = arith.index_cast %while3A_2954 : i32 to index
        %swap3A_2975 = tpu.vector_load %arg17[%swap3A_2974] masked %lt3A_2959 {strides = array<i32>} : memref<4112xi32, #tpu.memory_space<vmem>>, vector<16xi32>, vector<16xi1>
        tpu.vector_store %arg17[%swap3A_2974], %get3A_2973 masked %lt3A_2959 {strides = array<i32>} : memref<4112xi32, #tpu.memory_space<vmem>>, vector<16xi32>, vector<16xi1>
        %min3A_2976 = arith.constant 16 : i32
        %min3A_2977 = arith.minsi %sub3A_2957, %min3A_2976 : i32
        %add3A_2978 = arith.addi %while3A_2954, %min3A_2977 : i32
        scf.yield %add3A_2978 : i32
      }
      %while3A_2598 = arith.constant 1 : i32
      %while3A_2599 = scf.for %while3A_2953 = %while3A_2595 to %while3A_2591 step %while3A_2598 iter_args(%while3A_2954 = %while3A_2597) -> (i32)  : i32 {
        %mul3A_2955 = arith.constant 16 : i32
        %mul3A_2956 = arith.muli %while3A_2953, %mul3A_2955 : i32
        %sub3A_2957 = arith.subi %squeeze3A_2562, %mul3A_2956 : i32
        %lt3A_2958 = vector.broadcast %sub3A_2957 : i32 to vector<16xi32>
        %lt3A_2959 = arith.cmpi slt, %iota3A, %lt3A_2958 : vector<16xi32>
        %mul3A_2960 = arith.constant 16 : i32
        %mul3A_2961 = arith.muli %while3A_2953, %mul3A_2960 : i32
        %get3A_2962 = arith.constant 3 : i32
        %get3A_2963 = arith.index_cast %get3A_2962 : i32 to index
        %get3A_2964 = arith.index_cast %mul3A_2961 : i32 to index
        %get3A_2965 = tpu.vector_load %arg13[%get3A_2963, %get3A_2964] {strides = array<i32>} : memref<8x528xf32, #tpu.memory_space<vmem>>, vector<16xf32>,
        %swap3A_2966 = arith.index_cast %while3A_2954 : i32 to index
        %swap3A_2967 = tpu.vector_load %arg16[%swap3A_2966] masked %lt3A_2959 {strides = array<i32>} : memref<4112xf32, #tpu.memory_space<vmem>>, vector<16xf32>, vector<16xi1>
        tpu.vector_store %arg16[%swap3A_2966], %get3A_2965 masked %lt3A_2959 {strides = array<i32>} : memref<4112xf32, #tpu.memory_space<vmem>>, vector<16xf32>, vector<16xi1>
        %mul3A_2968 = arith.constant 16 : i32
        %mul3A_2969 = arith.muli %while3A_2953, %mul3A_2968 : i32
        %get3A_2970 = arith.constant 3 : i32
        %get3A_2971 = arith.index_cast %get3A_2970 : i32 to index
        %get3A_2972 = arith.index_cast %mul3A_2969 : i32 to index
        %get3A_2973 = tpu.vector_load %arg14[%get3A_2971, %get3A_2972] {strides = array<i32>} : memref<8x528xi32, #tpu.memory_space<vmem>>, vector<16xi32>,
        %swap3A_2974 = arith.index_cast %while3A_2954 : i32 to index
        %swap3A_2975 = tpu.vector_load %arg17[%swap3A_2974] masked %lt3A_2959 {strides = array<i32>} : memref<4112xi32, #tpu.memory_space<vmem>>, vector<16xi32>, vector<16xi1>
        tpu.vector_store %arg17[%swap3A_2974], %get3A_2973 masked %lt3A_2959 {strides = array<i32>} : memref<4112xi32, #tpu.memory_space<vmem>>, vector<16xi32>, vector<16xi1>
        %min3A_2976 = arith.constant 16 : i32
        %min3A_2977 = arith.minsi %sub3A_2957, %min3A_2976 : i32
        %add3A_2978 = arith.addi %while3A_2954, %min3A_2977 : i32
        scf.yield %add3A_2978 : i32
      }
      %get3A_2600 = arith.constant 4 : i32
      %get3A_2601 = arith.index_cast %get3A_2600 : i32 to index
      %get3A_2602 = arith.constant 0 : index
      %get3A_2603 = tpu.vector_load %arg15[%get3A_2601, %get3A_2602] {strides = array<i32>} : memref<8x16xi32, #tpu.memory_space<vmem>>, vector<16xi32>,
      %slice3A_2604 = vector.extract_strided_slice %get3A_2603 {offsets = [0], sizes = [1], strides = [1]} : vector<16xi32> to vector<1xi32>
      %squeeze3A_2605 = vector.extract %slice3A_2604[0] : i32 from vector<1xi32>
      %add3A_2606 = arith.constant 15 : i32
      %add3A_2607 = arith.addi %squeeze3A_2605, %add3A_2606 : i32
      %jit3A_2608 = arith.constant 16 : i32
      %div3A_2609 = arith.divsi %add3A_2607, %jit3A_2608 : i32
      %sign3A_2610 = arith.constant 0 : i32
      %sign3A_2611 = arith.cmpi sgt, %add3A_2607, %sign3A_2610 : i32
      %sign3A_2612 = arith.extui %sign3A_2611 : i1 to i32
      %sign3A_2613 = arith.constant 0 : i32
      %sign3A_2614 = arith.cmpi slt, %add3A_2607, %sign3A_2613 : i32
      %sign3A_2615 = arith.extui %sign3A_2614 : i1 to i32
      %sign3A_2616 = arith.subi %sign3A_2612, %sign3A_2615 : i32
      %sign3A_2617 = arith.constant 0 : i32
      %sign3A_2618 = arith.cmpi sgt, %jit3A_2608, %sign3A_2617 : i32
      %sign3A_2619 = arith.extui %sign3A_2618 : i1 to i32
      %sign3A_2620 = arith.constant 0 : i32
      %sign3A_2621 = arith.cmpi slt, %jit3A_2608, %sign3A_2620 : i32
      %sign3A_2622 = arith.extui %sign3A_2621 : i1 to i32
      %sign3A_2623 = arith.subi %sign3A_2619, %sign3A_2622 : i32
      %ne3A_2624 = arith.cmpi ne, %sign3A_2616, %sign3A_2623 : i32
      %rem3A_2625 = arith.remsi %add3A_2607, %jit3A_2608 : i32
      %ne3A_2626 = arith.constant 0 : i32
      %ne3A_2627 = arith.cmpi ne, %rem3A_2625, %ne3A_2626 : i32
      %and3A_2628 = arith.andi %ne3A_2624, %ne3A_2627 : i1
      %sub3A_2629 = arith.constant 1 : i32
      %sub3A_2630 = arith.subi %div3A_2609, %sub3A_2629 : i32
      %select_n3A_2631 = arith.select %and3A_2628, %sub3A_2630, %div3A_2609 : i32
      %while3A_2632 = arith.constant 0 : i32
      %while3A_2633 = arith.subi %select_n3A_2631, %while3A_2632 : i32
      %while3A_2634 = arith.addi %while3A_2632, %while3A_2633 : i32
      %while3A_2635 = arith.constant 1 : i32
      %while3A_2636 = arith.divsi %while3A_2633, %while3A_2635 : i32
      %while3A_2637 = arith.muli %while3A_2636, %while3A_2635 : i32
      %while3A_2638 = arith.addi %while3A_2632, %while3A_2637 : i32
      %while3A_2639 = arith.constant 1 : i32
      %while3A_2640 = scf.for %while3A_2953 = %while3A_2632 to %while3A_2638 step %while3A_2639 iter_args(%while3A_2954 = %while3A_2599) -> (i32)  : i32 {
        %mul3A_2955 = arith.constant 16 : i32
        %mul3A_2956 = arith.muli %while3A_2953, %mul3A_2955 : i32
        %sub3A_2957 = arith.subi %squeeze3A_2605, %mul3A_2956 : i32
        %lt3A_2958 = vector.broadcast %sub3A_2957 : i32 to vector<16xi32>
        %lt3A_2959 = arith.cmpi slt, %iota3A, %lt3A_2958 : vector<16xi32>
        %mul3A_2960 = arith.constant 16 : i32
        %mul3A_2961 = arith.muli %while3A_2953, %mul3A_2960 : i32
        %get3A_2962 = arith.constant 4 : i32
        %get3A_2963 = arith.index_cast %get3A_2962 : i32 to index
        %get3A_2964 = arith.index_cast %mul3A_2961 : i32 to index
        %get3A_2965 = tpu.vector_load %arg13[%get3A_2963, %get3A_2964] {strides = array<i32>} : memref<8x528xf32, #tpu.memory_space<vmem>>, vector<16xf32>,
        %swap3A_2966 = arith.index_cast %while3A_2954 : i32 to index
        %swap3A_2967 = tpu.vector_load %arg16[%swap3A_2966] masked %lt3A_2959 {strides = array<i32>} : memref<4112xf32, #tpu.memory_space<vmem>>, vector<16xf32>, vector<16xi1>
        tpu.vector_store %arg16[%swap3A_2966], %get3A_2965 masked %lt3A_2959 {strides = array<i32>} : memref<4112xf32, #tpu.memory_space<vmem>>, vector<16xf32>, vector<16xi1>
        %mul3A_2968 = arith.constant 16 : i32
        %mul3A_2969 = arith.muli %while3A_2953, %mul3A_2968 : i32
        %get3A_2970 = arith.constant 4 : i32
        %get3A_2971 = arith.index_cast %get3A_2970 : i32 to index
        %get3A_2972 = arith.index_cast %mul3A_2969 : i32 to index
        %get3A_2973 = tpu.vector_load %arg14[%get3A_2971, %get3A_2972] {strides = array<i32>} : memref<8x528xi32, #tpu.memory_space<vmem>>, vector<16xi32>,
        %swap3A_2974 = arith.index_cast %while3A_2954 : i32 to index
        %swap3A_2975 = tpu.vector_load %arg17[%swap3A_2974] masked %lt3A_2959 {strides = array<i32>} : memref<4112xi32, #tpu.memory_space<vmem>>, vector<16xi32>, vector<16xi1>
        tpu.vector_store %arg17[%swap3A_2974], %get3A_2973 masked %lt3A_2959 {strides = array<i32>} : memref<4112xi32, #tpu.memory_space<vmem>>, vector<16xi32>, vector<16xi1>
        %min3A_2976 = arith.constant 16 : i32
        %min3A_2977 = arith.minsi %sub3A_2957, %min3A_2976 : i32
        %add3A_2978 = arith.addi %while3A_2954, %min3A_2977 : i32
        scf.yield %add3A_2978 : i32
      }
      %while3A_2641 = arith.constant 1 : i32
      %while3A_2642 = scf.for %while3A_2953 = %while3A_2638 to %while3A_2634 step %while3A_2641 iter_args(%while3A_2954 = %while3A_2640) -> (i32)  : i32 {
        %mul3A_2955 = arith.constant 16 : i32
        %mul3A_2956 = arith.muli %while3A_2953, %mul3A_2955 : i32
        %sub3A_2957 = arith.subi %squeeze3A_2605, %mul3A_2956 : i32
        %lt3A_2958 = vector.broadcast %sub3A_2957 : i32 to vector<16xi32>
        %lt3A_2959 = arith.cmpi slt, %iota3A, %lt3A_2958 : vector<16xi32>
        %mul3A_2960 = arith.constant 16 : i32
        %mul3A_2961 = arith.muli %while3A_2953, %mul3A_2960 : i32
        %get3A_2962 = arith.constant 4 : i32
        %get3A_2963 = arith.index_cast %get3A_2962 : i32 to index
        %get3A_2964 = arith.index_cast %mul3A_2961 : i32 to index
        %get3A_2965 = tpu.vector_load %arg13[%get3A_2963, %get3A_2964] {strides = array<i32>} : memref<8x528xf32, #tpu.memory_space<vmem>>, vector<16xf32>,
        %swap3A_2966 = arith.index_cast %while3A_2954 : i32 to index
        %swap3A_2967 = tpu.vector_load %arg16[%swap3A_2966] masked %lt3A_2959 {strides = array<i32>} : memref<4112xf32, #tpu.memory_space<vmem>>, vector<16xf32>, vector<16xi1>
        tpu.vector_store %arg16[%swap3A_2966], %get3A_2965 masked %lt3A_2959 {strides = array<i32>} : memref<4112xf32, #tpu.memory_space<vmem>>, vector<16xf32>, vector<16xi1>
        %mul3A_2968 = arith.constant 16 : i32
        %mul3A_2969 = arith.muli %while3A_2953, %mul3A_2968 : i32
        %get3A_2970 = arith.constant 4 : i32
        %get3A_2971 = arith.index_cast %get3A_2970 : i32 to index
        %get3A_2972 = arith.index_cast %mul3A_2969 : i32 to index
        %get3A_2973 = tpu.vector_load %arg14[%get3A_2971, %get3A_2972] {strides = array<i32>} : memref<8x528xi32, #tpu.memory_space<vmem>>, vector<16xi32>,
        %swap3A_2974 = arith.index_cast %while3A_2954 : i32 to index
        %swap3A_2975 = tpu.vector_load %arg17[%swap3A_2974] masked %lt3A_2959 {strides = array<i32>} : memref<4112xi32, #tpu.memory_space<vmem>>, vector<16xi32>, vector<16xi1>
        tpu.vector_store %arg17[%swap3A_2974], %get3A_2973 masked %lt3A_2959 {strides = array<i32>} : memref<4112xi32, #tpu.memory_space<vmem>>, vector<16xi32>, vector<16xi1>
        %min3A_2976 = arith.constant 16 : i32
        %min3A_2977 = arith.minsi %sub3A_2957, %min3A_2976 : i32
        %add3A_2978 = arith.addi %while3A_2954, %min3A_2977 : i32
        scf.yield %add3A_2978 : i32
      }
      %get3A_2643 = arith.constant 5 : i32
      %get3A_2644 = arith.index_cast %get3A_2643 : i32 to index
      %get3A_2645 = arith.constant 0 : index
      %get3A_2646 = tpu.vector_load %arg15[%get3A_2644, %get3A_2645] {strides = array<i32>} : memref<8x16xi32, #tpu.memory_space<vmem>>, vector<16xi32>,
      %slice3A_2647 = vector.extract_strided_slice %get3A_2646 {offsets = [0], sizes = [1], strides = [1]} : vector<16xi32> to vector<1xi32>
      %squeeze3A_2648 = vector.extract %slice3A_2647[0] : i32 from vector<1xi32>
      %add3A_2649 = arith.constant 15 : i32
      %add3A_2650 = arith.addi %squeeze3A_2648, %add3A_2649 : i32
      %jit3A_2651 = arith.constant 16 : i32
      %div3A_2652 = arith.divsi %add3A_2650, %jit3A_2651 : i32
      %sign3A_2653 = arith.constant 0 : i32
      %sign3A_2654 = arith.cmpi sgt, %add3A_2650, %sign3A_2653 : i32
      %sign3A_2655 = arith.extui %sign3A_2654 : i1 to i32
      %sign3A_2656 = arith.constant 0 : i32
      %sign3A_2657 = arith.cmpi slt, %add3A_2650, %sign3A_2656 : i32
      %sign3A_2658 = arith.extui %sign3A_2657 : i1 to i32
      %sign3A_2659 = arith.subi %sign3A_2655, %sign3A_2658 : i32
      %sign3A_2660 = arith.constant 0 : i32
      %sign3A_2661 = arith.cmpi sgt, %jit3A_2651, %sign3A_2660 : i32
      %sign3A_2662 = arith.extui %sign3A_2661 : i1 to i32
      %sign3A_2663 = arith.constant 0 : i32
      %sign3A_2664 = arith.cmpi slt, %jit3A_2651, %sign3A_2663 : i32
      %sign3A_2665 = arith.extui %sign3A_2664 : i1 to i32
      %sign3A_2666 = arith.subi %sign3A_2662, %sign3A_2665 : i32
      %ne3A_2667 = arith.cmpi ne, %sign3A_2659, %sign3A_2666 : i32
      %rem3A_2668 = arith.remsi %add3A_2650, %jit3A_2651 : i32
      %ne3A_2669 = arith.constant 0 : i32
      %ne3A_2670 = arith.cmpi ne, %rem3A_2668, %ne3A_2669 : i32
      %and3A_2671 = arith.andi %ne3A_2667, %ne3A_2670 : i1
      %sub3A_2672 = arith.constant 1 : i32
      %sub3A_2673 = arith.subi %div3A_2652, %sub3A_2672 : i32
      %select_n3A_2674 = arith.select %and3A_2671, %sub3A_2673, %div3A_2652 : i32
      %while3A_2675 = arith.constant 0 : i32
      %while3A_2676 = arith.subi %select_n3A_2674, %while3A_2675 : i32
      %while3A_2677 = arith.addi %while3A_2675, %while3A_2676 : i32
      %while3A_2678 = arith.constant 1 : i32
      %while3A_2679 = arith.divsi %while3A_2676, %while3A_2678 : i32
      %while3A_2680 = arith.muli %while3A_2679, %while3A_2678 : i32
      %while3A_2681 = arith.addi %while3A_2675, %while3A_2680 : i32
      %while3A_2682 = arith.constant 1 : i32
      %while3A_2683 = scf.for %while3A_2953 = %while3A_2675 to %while3A_2681 step %while3A_2682 iter_args(%while3A_2954 = %while3A_2642) -> (i32)  : i32 {
        %mul3A_2955 = arith.constant 16 : i32
        %mul3A_2956 = arith.muli %while3A_2953, %mul3A_2955 : i32
        %sub3A_2957 = arith.subi %squeeze3A_2648, %mul3A_2956 : i32
        %lt3A_2958 = vector.broadcast %sub3A_2957 : i32 to vector<16xi32>
        %lt3A_2959 = arith.cmpi slt, %iota3A, %lt3A_2958 : vector<16xi32>
        %mul3A_2960 = arith.constant 16 : i32
        %mul3A_2961 = arith.muli %while3A_2953, %mul3A_2960 : i32
        %get3A_2962 = arith.constant 5 : i32
        %get3A_2963 = arith.index_cast %get3A_2962 : i32 to index
        %get3A_2964 = arith.index_cast %mul3A_2961 : i32 to index
        %get3A_2965 = tpu.vector_load %arg13[%get3A_2963, %get3A_2964] {strides = array<i32>} : memref<8x528xf32, #tpu.memory_space<vmem>>, vector<16xf32>,
        %swap3A_2966 = arith.index_cast %while3A_2954 : i32 to index
        %swap3A_2967 = tpu.vector_load %arg16[%swap3A_2966] masked %lt3A_2959 {strides = array<i32>} : memref<4112xf32, #tpu.memory_space<vmem>>, vector<16xf32>, vector<16xi1>
        tpu.vector_store %arg16[%swap3A_2966], %get3A_2965 masked %lt3A_2959 {strides = array<i32>} : memref<4112xf32, #tpu.memory_space<vmem>>, vector<16xf32>, vector<16xi1>
        %mul3A_2968 = arith.constant 16 : i32
        %mul3A_2969 = arith.muli %while3A_2953, %mul3A_2968 : i32
        %get3A_2970 = arith.constant 5 : i32
        %get3A_2971 = arith.index_cast %get3A_2970 : i32 to index
        %get3A_2972 = arith.index_cast %mul3A_2969 : i32 to index
        %get3A_2973 = tpu.vector_load %arg14[%get3A_2971, %get3A_2972] {strides = array<i32>} : memref<8x528xi32, #tpu.memory_space<vmem>>, vector<16xi32>,
        %swap3A_2974 = arith.index_cast %while3A_2954 : i32 to index
        %swap3A_2975 = tpu.vector_load %arg17[%swap3A_2974] masked %lt3A_2959 {strides = array<i32>} : memref<4112xi32, #tpu.memory_space<vmem>>, vector<16xi32>, vector<16xi1>
        tpu.vector_store %arg17[%swap3A_2974], %get3A_2973 masked %lt3A_2959 {strides = array<i32>} : memref<4112xi32, #tpu.memory_space<vmem>>, vector<16xi32>, vector<16xi1>
        %min3A_2976 = arith.constant 16 : i32
        %min3A_2977 = arith.minsi %sub3A_2957, %min3A_2976 : i32
        %add3A_2978 = arith.addi %while3A_2954, %min3A_2977 : i32
        scf.yield %add3A_2978 : i32
      }
      %while3A_2684 = arith.constant 1 : i32
      %while3A_2685 = scf.for %while3A_2953 = %while3A_2681 to %while3A_2677 step %while3A_2684 iter_args(%while3A_2954 = %while3A_2683) -> (i32)  : i32 {
        %mul3A_2955 = arith.constant 16 : i32
        %mul3A_2956 = arith.muli %while3A_2953, %mul3A_2955 : i32
        %sub3A_2957 = arith.subi %squeeze3A_2648, %mul3A_2956 : i32
        %lt3A_2958 = vector.broadcast %sub3A_2957 : i32 to vector<16xi32>
        %lt3A_2959 = arith.cmpi slt, %iota3A, %lt3A_2958 : vector<16xi32>
        %mul3A_2960 = arith.constant 16 : i32
        %mul3A_2961 = arith.muli %while3A_2953, %mul3A_2960 : i32
        %get3A_2962 = arith.constant 5 : i32
        %get3A_2963 = arith.index_cast %get3A_2962 : i32 to index
        %get3A_2964 = arith.index_cast %mul3A_2961 : i32 to index
        %get3A_2965 = tpu.vector_load %arg13[%get3A_2963, %get3A_2964] {strides = array<i32>} : memref<8x528xf32, #tpu.memory_space<vmem>>, vector<16xf32>,
        %swap3A_2966 = arith.index_cast %while3A_2954 : i32 to index
        %swap3A_2967 = tpu.vector_load %arg16[%swap3A_2966] masked %lt3A_2959 {strides = array<i32>} : memref<4112xf32, #tpu.memory_space<vmem>>, vector<16xf32>, vector<16xi1>
        tpu.vector_store %arg16[%swap3A_2966], %get3A_2965 masked %lt3A_2959 {strides = array<i32>} : memref<4112xf32, #tpu.memory_space<vmem>>, vector<16xf32>, vector<16xi1>
        %mul3A_2968 = arith.constant 16 : i32
        %mul3A_2969 = arith.muli %while3A_2953, %mul3A_2968 : i32
        %get3A_2970 = arith.constant 5 : i32
        %get3A_2971 = arith.index_cast %get3A_2970 : i32 to index
        %get3A_2972 = arith.index_cast %mul3A_2969 : i32 to index
        %get3A_2973 = tpu.vector_load %arg14[%get3A_2971, %get3A_2972] {strides = array<i32>} : memref<8x528xi32, #tpu.memory_space<vmem>>, vector<16xi32>,
        %swap3A_2974 = arith.index_cast %while3A_2954 : i32 to index
        %swap3A_2975 = tpu.vector_load %arg17[%swap3A_2974] masked %lt3A_2959 {strides = array<i32>} : memref<4112xi32, #tpu.memory_space<vmem>>, vector<16xi32>, vector<16xi1>
        tpu.vector_store %arg17[%swap3A_2974], %get3A_2973 masked %lt3A_2959 {strides = array<i32>} : memref<4112xi32, #tpu.memory_space<vmem>>, vector<16xi32>, vector<16xi1>
        %min3A_2976 = arith.constant 16 : i32
        %min3A_2977 = arith.minsi %sub3A_2957, %min3A_2976 : i32
        %add3A_2978 = arith.addi %while3A_2954, %min3A_2977 : i32
        scf.yield %add3A_2978 : i32
      }
      %get3A_2686 = arith.constant 6 : i32
      %get3A_2687 = arith.index_cast %get3A_2686 : i32 to index
      %get3A_2688 = arith.constant 0 : index
      %get3A_2689 = tpu.vector_load %arg15[%get3A_2687, %get3A_2688] {strides = array<i32>} : memref<8x16xi32, #tpu.memory_space<vmem>>, vector<16xi32>,
      %slice3A_2690 = vector.extract_strided_slice %get3A_2689 {offsets = [0], sizes = [1], strides = [1]} : vector<16xi32> to vector<1xi32>
      %squeeze3A_2691 = vector.extract %slice3A_2690[0] : i32 from vector<1xi32>
      %add3A_2692 = arith.constant 15 : i32
      %add3A_2693 = arith.addi %squeeze3A_2691, %add3A_2692 : i32
      %jit3A_2694 = arith.constant 16 : i32
      %div3A_2695 = arith.divsi %add3A_2693, %jit3A_2694 : i32
      %sign3A_2696 = arith.constant 0 : i32
      %sign3A_2697 = arith.cmpi sgt, %add3A_2693, %sign3A_2696 : i32
      %sign3A_2698 = arith.extui %sign3A_2697 : i1 to i32
      %sign3A_2699 = arith.constant 0 : i32
      %sign3A_2700 = arith.cmpi slt, %add3A_2693, %sign3A_2699 : i32
      %sign3A_2701 = arith.extui %sign3A_2700 : i1 to i32
      %sign3A_2702 = arith.subi %sign3A_2698, %sign3A_2701 : i32
      %sign3A_2703 = arith.constant 0 : i32
      %sign3A_2704 = arith.cmpi sgt, %jit3A_2694, %sign3A_2703 : i32
      %sign3A_2705 = arith.extui %sign3A_2704 : i1 to i32
      %sign3A_2706 = arith.constant 0 : i32
      %sign3A_2707 = arith.cmpi slt, %jit3A_2694, %sign3A_2706 : i32
      %sign3A_2708 = arith.extui %sign3A_2707 : i1 to i32
      %sign3A_2709 = arith.subi %sign3A_2705, %sign3A_2708 : i32
      %ne3A_2710 = arith.cmpi ne, %sign3A_2702, %sign3A_2709 : i32
      %rem3A_2711 = arith.remsi %add3A_2693, %jit3A_2694 : i32
      %ne3A_2712 = arith.constant 0 : i32
      %ne3A_2713 = arith.cmpi ne, %rem3A_2711, %ne3A_2712 : i32
      %and3A_2714 = arith.andi %ne3A_2710, %ne3A_2713 : i1
      %sub3A_2715 = arith.constant 1 : i32
      %sub3A_2716 = arith.subi %div3A_2695, %sub3A_2715 : i32
      %select_n3A_2717 = arith.select %and3A_2714, %sub3A_2716, %div3A_2695 : i32
      %while3A_2718 = arith.constant 0 : i32
      %while3A_2719 = arith.subi %select_n3A_2717, %while3A_2718 : i32
      %while3A_2720 = arith.addi %while3A_2718, %while3A_2719 : i32
      %while3A_2721 = arith.constant 1 : i32
      %while3A_2722 = arith.divsi %while3A_2719, %while3A_2721 : i32
      %while3A_2723 = arith.muli %while3A_2722, %while3A_2721 : i32
      %while3A_2724 = arith.addi %while3A_2718, %while3A_2723 : i32
      %while3A_2725 = arith.constant 1 : i32
      %while3A_2726 = scf.for %while3A_2953 = %while3A_2718 to %while3A_2724 step %while3A_2725 iter_args(%while3A_2954 = %while3A_2685) -> (i32)  : i32 {
        %mul3A_2955 = arith.constant 16 : i32
        %mul3A_2956 = arith.muli %while3A_2953, %mul3A_2955 : i32
        %sub3A_2957 = arith.subi %squeeze3A_2691, %mul3A_2956 : i32
        %lt3A_2958 = vector.broadcast %sub3A_2957 : i32 to vector<16xi32>
        %lt3A_2959 = arith.cmpi slt, %iota3A, %lt3A_2958 : vector<16xi32>
        %mul3A_2960 = arith.constant 16 : i32
        %mul3A_2961 = arith.muli %while3A_2953, %mul3A_2960 : i32
        %get3A_2962 = arith.constant 6 : i32
        %get3A_2963 = arith.index_cast %get3A_2962 : i32 to index
        %get3A_2964 = arith.index_cast %mul3A_2961 : i32 to index
        %get3A_2965 = tpu.vector_load %arg13[%get3A_2963, %get3A_2964] {strides = array<i32>} : memref<8x528xf32, #tpu.memory_space<vmem>>, vector<16xf32>,
        %swap3A_2966 = arith.index_cast %while3A_2954 : i32 to index
        %swap3A_2967 = tpu.vector_load %arg16[%swap3A_2966] masked %lt3A_2959 {strides = array<i32>} : memref<4112xf32, #tpu.memory_space<vmem>>, vector<16xf32>, vector<16xi1>
        tpu.vector_store %arg16[%swap3A_2966], %get3A_2965 masked %lt3A_2959 {strides = array<i32>} : memref<4112xf32, #tpu.memory_space<vmem>>, vector<16xf32>, vector<16xi1>
        %mul3A_2968 = arith.constant 16 : i32
        %mul3A_2969 = arith.muli %while3A_2953, %mul3A_2968 : i32
        %get3A_2970 = arith.constant 6 : i32
        %get3A_2971 = arith.index_cast %get3A_2970 : i32 to index
        %get3A_2972 = arith.index_cast %mul3A_2969 : i32 to index
        %get3A_2973 = tpu.vector_load %arg14[%get3A_2971, %get3A_2972] {strides = array<i32>} : memref<8x528xi32, #tpu.memory_space<vmem>>, vector<16xi32>,
        %swap3A_2974 = arith.index_cast %while3A_2954 : i32 to index
        %swap3A_2975 = tpu.vector_load %arg17[%swap3A_2974] masked %lt3A_2959 {strides = array<i32>} : memref<4112xi32, #tpu.memory_space<vmem>>, vector<16xi32>, vector<16xi1>
        tpu.vector_store %arg17[%swap3A_2974], %get3A_2973 masked %lt3A_2959 {strides = array<i32>} : memref<4112xi32, #tpu.memory_space<vmem>>, vector<16xi32>, vector<16xi1>
        %min3A_2976 = arith.constant 16 : i32
        %min3A_2977 = arith.minsi %sub3A_2957, %min3A_2976 : i32
        %add3A_2978 = arith.addi %while3A_2954, %min3A_2977 : i32
        scf.yield %add3A_2978 : i32
      }
      %while3A_2727 = arith.constant 1 : i32
      %while3A_2728 = scf.for %while3A_2953 = %while3A_2724 to %while3A_2720 step %while3A_2727 iter_args(%while3A_2954 = %while3A_2726) -> (i32)  : i32 {
        %mul3A_2955 = arith.constant 16 : i32
        %mul3A_2956 = arith.muli %while3A_2953, %mul3A_2955 : i32
        %sub3A_2957 = arith.subi %squeeze3A_2691, %mul3A_2956 : i32
        %lt3A_2958 = vector.broadcast %sub3A_2957 : i32 to vector<16xi32>
        %lt3A_2959 = arith.cmpi slt, %iota3A, %lt3A_2958 : vector<16xi32>
        %mul3A_2960 = arith.constant 16 : i32
        %mul3A_2961 = arith.muli %while3A_2953, %mul3A_2960 : i32
        %get3A_2962 = arith.constant 6 : i32
        %get3A_2963 = arith.index_cast %get3A_2962 : i32 to index
        %get3A_2964 = arith.index_cast %mul3A_2961 : i32 to index
        %get3A_2965 = tpu.vector_load %arg13[%get3A_2963, %get3A_2964] {strides = array<i32>} : memref<8x528xf32, #tpu.memory_space<vmem>>, vector<16xf32>,
        %swap3A_2966 = arith.index_cast %while3A_2954 : i32 to index
        %swap3A_2967 = tpu.vector_load %arg16[%swap3A_2966] masked %lt3A_2959 {strides = array<i32>} : memref<4112xf32, #tpu.memory_space<vmem>>, vector<16xf32>, vector<16xi1>
        tpu.vector_store %arg16[%swap3A_2966], %get3A_2965 masked %lt3A_2959 {strides = array<i32>} : memref<4112xf32, #tpu.memory_space<vmem>>, vector<16xf32>, vector<16xi1>
        %mul3A_2968 = arith.constant 16 : i32
        %mul3A_2969 = arith.muli %while3A_2953, %mul3A_2968 : i32
        %get3A_2970 = arith.constant 6 : i32
        %get3A_2971 = arith.index_cast %get3A_2970 : i32 to index
        %get3A_2972 = arith.index_cast %mul3A_2969 : i32 to index
        %get3A_2973 = tpu.vector_load %arg14[%get3A_2971, %get3A_2972] {strides = array<i32>} : memref<8x528xi32, #tpu.memory_space<vmem>>, vector<16xi32>,
        %swap3A_2974 = arith.index_cast %while3A_2954 : i32 to index
        %swap3A_2975 = tpu.vector_load %arg17[%swap3A_2974] masked %lt3A_2959 {strides = array<i32>} : memref<4112xi32, #tpu.memory_space<vmem>>, vector<16xi32>, vector<16xi1>
        tpu.vector_store %arg17[%swap3A_2974], %get3A_2973 masked %lt3A_2959 {strides = array<i32>} : memref<4112xi32, #tpu.memory_space<vmem>>, vector<16xi32>, vector<16xi1>
        %min3A_2976 = arith.constant 16 : i32
        %min3A_2977 = arith.minsi %sub3A_2957, %min3A_2976 : i32
        %add3A_2978 = arith.addi %while3A_2954, %min3A_2977 : i32
        scf.yield %add3A_2978 : i32
      }
      %get3A_2729 = arith.constant 7 : i32
      %get3A_2730 = arith.index_cast %get3A_2729 : i32 to index
      %get3A_2731 = arith.constant 0 : index
      %get3A_2732 = tpu.vector_load %arg15[%get3A_2730, %get3A_2731] {strides = array<i32>} : memref<8x16xi32, #tpu.memory_space<vmem>>, vector<16xi32>,
      %slice3A_2733 = vector.extract_strided_slice %get3A_2732 {offsets = [0], sizes = [1], strides = [1]} : vector<16xi32> to vector<1xi32>
      %squeeze3A_2734 = vector.extract %slice3A_2733[0] : i32 from vector<1xi32>
      %add3A_2735 = arith.constant 15 : i32
      %add3A_2736 = arith.addi %squeeze3A_2734, %add3A_2735 : i32
      %jit3A_2737 = arith.constant 16 : i32
      %div3A_2738 = arith.divsi %add3A_2736, %jit3A_2737 : i32
      %sign3A_2739 = arith.constant 0 : i32
      %sign3A_2740 = arith.cmpi sgt, %add3A_2736, %sign3A_2739 : i32
      %sign3A_2741 = arith.extui %sign3A_2740 : i1 to i32
      %sign3A_2742 = arith.constant 0 : i32
      %sign3A_2743 = arith.cmpi slt, %add3A_2736, %sign3A_2742 : i32
      %sign3A_2744 = arith.extui %sign3A_2743 : i1 to i32
      %sign3A_2745 = arith.subi %sign3A_2741, %sign3A_2744 : i32
      %sign3A_2746 = arith.constant 0 : i32
      %sign3A_2747 = arith.cmpi sgt, %jit3A_2737, %sign3A_2746 : i32
      %sign3A_2748 = arith.extui %sign3A_2747 : i1 to i32
      %sign3A_2749 = arith.constant 0 : i32
      %sign3A_2750 = arith.cmpi slt, %jit3A_2737, %sign3A_2749 : i32
      %sign3A_2751 = arith.extui %sign3A_2750 : i1 to i32
      %sign3A_2752 = arith.subi %sign3A_2748, %sign3A_2751 : i32
      %ne3A_2753 = arith.cmpi ne, %sign3A_2745, %sign3A_2752 : i32
      %rem3A_2754 = arith.remsi %add3A_2736, %jit3A_2737 : i32
      %ne3A_2755 = arith.constant 0 : i32
      %ne3A_2756 = arith.cmpi ne, %rem3A_2754, %ne3A_2755 : i32
      %and3A_2757 = arith.andi %ne3A_2753, %ne3A_2756 : i1
      %sub3A_2758 = arith.constant 1 : i32
      %sub3A_2759 = arith.subi %div3A_2738, %sub3A_2758 : i32
      %select_n3A_2760 = arith.select %and3A_2757, %sub3A_2759, %div3A_2738 : i32
      %while3A_2761 = arith.constant 0 : i32
      %while3A_2762 = arith.subi %select_n3A_2760, %while3A_2761 : i32
      %while3A_2763 = arith.addi %while3A_2761, %while3A_2762 : i32
      %while3A_2764 = arith.constant 1 : i32
      %while3A_2765 = arith.divsi %while3A_2762, %while3A_2764 : i32
      %while3A_2766 = arith.muli %while3A_2765, %while3A_2764 : i32
      %while3A_2767 = arith.addi %while3A_2761, %while3A_2766 : i32
      %while3A_2768 = arith.constant 1 : i32
      %while3A_2769 = scf.for %while3A_2953 = %while3A_2761 to %while3A_2767 step %while3A_2768 iter_args(%while3A_2954 = %while3A_2728) -> (i32)  : i32 {
        %mul3A_2955 = arith.constant 16 : i32
        %mul3A_2956 = arith.muli %while3A_2953, %mul3A_2955 : i32
        %sub3A_2957 = arith.subi %squeeze3A_2734, %mul3A_2956 : i32
        %lt3A_2958 = vector.broadcast %sub3A_2957 : i32 to vector<16xi32>
        %lt3A_2959 = arith.cmpi slt, %iota3A, %lt3A_2958 : vector<16xi32>
        %mul3A_2960 = arith.constant 16 : i32
        %mul3A_2961 = arith.muli %while3A_2953, %mul3A_2960 : i32
        %get3A_2962 = arith.constant 7 : i32
        %get3A_2963 = arith.index_cast %get3A_2962 : i32 to index
        %get3A_2964 = arith.index_cast %mul3A_2961 : i32 to index
        %get3A_2965 = tpu.vector_load %arg13[%get3A_2963, %get3A_2964] {strides = array<i32>} : memref<8x528xf32, #tpu.memory_space<vmem>>, vector<16xf32>,
        %swap3A_2966 = arith.index_cast %while3A_2954 : i32 to index
        %swap3A_2967 = tpu.vector_load %arg16[%swap3A_2966] masked %lt3A_2959 {strides = array<i32>} : memref<4112xf32, #tpu.memory_space<vmem>>, vector<16xf32>, vector<16xi1>
        tpu.vector_store %arg16[%swap3A_2966], %get3A_2965 masked %lt3A_2959 {strides = array<i32>} : memref<4112xf32, #tpu.memory_space<vmem>>, vector<16xf32>, vector<16xi1>
        %mul3A_2968 = arith.constant 16 : i32
        %mul3A_2969 = arith.muli %while3A_2953, %mul3A_2968 : i32
        %get3A_2970 = arith.constant 7 : i32
        %get3A_2971 = arith.index_cast %get3A_2970 : i32 to index
        %get3A_2972 = arith.index_cast %mul3A_2969 : i32 to index
        %get3A_2973 = tpu.vector_load %arg14[%get3A_2971, %get3A_2972] {strides = array<i32>} : memref<8x528xi32, #tpu.memory_space<vmem>>, vector<16xi32>,
        %swap3A_2974 = arith.index_cast %while3A_2954 : i32 to index
        %swap3A_2975 = tpu.vector_load %arg17[%swap3A_2974] masked %lt3A_2959 {strides = array<i32>} : memref<4112xi32, #tpu.memory_space<vmem>>, vector<16xi32>, vector<16xi1>
        tpu.vector_store %arg17[%swap3A_2974], %get3A_2973 masked %lt3A_2959 {strides = array<i32>} : memref<4112xi32, #tpu.memory_space<vmem>>, vector<16xi32>, vector<16xi1>
        %min3A_2976 = arith.constant 16 : i32
        %min3A_2977 = arith.minsi %sub3A_2957, %min3A_2976 : i32
        %add3A_2978 = arith.addi %while3A_2954, %min3A_2977 : i32
        scf.yield %add3A_2978 : i32
      }
      %while3A_2770 = arith.constant 1 : i32
      %while3A_2771 = scf.for %while3A_2953 = %while3A_2767 to %while3A_2763 step %while3A_2770 iter_args(%while3A_2954 = %while3A_2769) -> (i32)  : i32 {
        %mul3A_2955 = arith.constant 16 : i32
        %mul3A_2956 = arith.muli %while3A_2953, %mul3A_2955 : i32
        %sub3A_2957 = arith.subi %squeeze3A_2734, %mul3A_2956 : i32
        %lt3A_2958 = vector.broadcast %sub3A_2957 : i32 to vector<16xi32>
        %lt3A_2959 = arith.cmpi slt, %iota3A, %lt3A_2958 : vector<16xi32>
        %mul3A_2960 = arith.constant 16 : i32
        %mul3A_2961 = arith.muli %while3A_2953, %mul3A_2960 : i32
        %get3A_2962 = arith.constant 7 : i32
        %get3A_2963 = arith.index_cast %get3A_2962 : i32 to index
        %get3A_2964 = arith.index_cast %mul3A_2961 : i32 to index
        %get3A_2965 = tpu.vector_load %arg13[%get3A_2963, %get3A_2964] {strides = array<i32>} : memref<8x528xf32, #tpu.memory_space<vmem>>, vector<16xf32>,
        %swap3A_2966 = arith.index_cast %while3A_2954 : i32 to index
        %swap3A_2967 = tpu.vector_load %arg16[%swap3A_2966] masked %lt3A_2959 {strides = array<i32>} : memref<4112xf32, #tpu.memory_space<vmem>>, vector<16xf32>, vector<16xi1>
        tpu.vector_store %arg16[%swap3A_2966], %get3A_2965 masked %lt3A_2959 {strides = array<i32>} : memref<4112xf32, #tpu.memory_space<vmem>>, vector<16xf32>, vector<16xi1>
        %mul3A_2968 = arith.constant 16 : i32
        %mul3A_2969 = arith.muli %while3A_2953, %mul3A_2968 : i32
        %get3A_2970 = arith.constant 7 : i32
        %get3A_2971 = arith.index_cast %get3A_2970 : i32 to index
        %get3A_2972 = arith.index_cast %mul3A_2969 : i32 to index
        %get3A_2973 = tpu.vector_load %arg14[%get3A_2971, %get3A_2972] {strides = array<i32>} : memref<8x528xi32, #tpu.memory_space<vmem>>, vector<16xi32>,
        %swap3A_2974 = arith.index_cast %while3A_2954 : i32 to index
        %swap3A_2975 = tpu.vector_load %arg17[%swap3A_2974] masked %lt3A_2959 {strides = array<i32>} : memref<4112xi32, #tpu.memory_space<vmem>>, vector<16xi32>, vector<16xi1>
        tpu.vector_store %arg17[%swap3A_2974], %get3A_2973 masked %lt3A_2959 {strides = array<i32>} : memref<4112xi32, #tpu.memory_space<vmem>>, vector<16xi32>, vector<16xi1>
        %min3A_2976 = arith.constant 16 : i32
        %min3A_2977 = arith.minsi %sub3A_2957, %min3A_2976 : i32
        %add3A_2978 = arith.addi %while3A_2954, %min3A_2977 : i32
        scf.yield %add3A_2978 : i32
      }
      %broadcast_in_dim3A_2772 = arith.constant 0.000000e+00 : f32
      %broadcast_in_dim3A_2773 = vector.broadcast %broadcast_in_dim3A_2772 : f32 to vector<16xf32>
      %swap3A_2774 = arith.index_cast %while3A_2771 : i32 to index
      %swap3A_2775 = tpu.vector_load %arg16[%swap3A_2774] {strides = array<i32>} : memref<4112xf32, #tpu.memory_space<vmem>>, vector<16xf32>,
      tpu.vector_store %arg16[%swap3A_2774], %broadcast_in_dim3A_2773 {strides = array<i32>} : memref<4112xf32, #tpu.memory_space<vmem>>, vector<16xf32>,
      %add3A_2776 = arith.constant 15 : i32
      %add3A_2777 = arith.addi %while3A_2771, %add3A_2776 : i32
      %jit3A_2778 = arith.constant 16 : i32
      %div3A_2779 = arith.divsi %add3A_2777, %jit3A_2778 : i32
      %sign3A_2780 = arith.constant 0 : i32
      %sign3A_2781 = arith.cmpi sgt, %add3A_2777, %sign3A_2780 : i32
      %sign3A_2782 = arith.extui %sign3A_2781 : i1 to i32
      %sign3A_2783 = arith.constant 0 : i32
      %sign3A_2784 = arith.cmpi slt, %add3A_2777, %sign3A_2783 : i32
      %sign3A_2785 = arith.extui %sign3A_2784 : i1 to i32
      %sign3A_2786 = arith.subi %sign3A_2782, %sign3A_2785 : i32
      %sign3A_2787 = arith.constant 0 : i32
      %sign3A_2788 = arith.cmpi sgt, %jit3A_2778, %sign3A_2787 : i32
      %sign3A_2789 = arith.extui %sign3A_2788 : i1 to i32
      %sign3A_2790 = arith.constant 0 : i32
      %sign3A_2791 = arith.cmpi slt, %jit3A_2778, %sign3A_2790 : i32
      %sign3A_2792 = arith.extui %sign3A_2791 : i1 to i32
      %sign3A_2793 = arith.subi %sign3A_2789, %sign3A_2792 : i32
      %ne3A_2794 = arith.cmpi ne, %sign3A_2786, %sign3A_2793 : i32
      %rem3A_2795 = arith.remsi %add3A_2777, %jit3A_2778 : i32
      %ne3A_2796 = arith.constant 0 : i32
      %ne3A_2797 = arith.cmpi ne, %rem3A_2795, %ne3A_2796 : i32
      %and3A_2798 = arith.andi %ne3A_2794, %ne3A_2797 : i1
      %sub3A_2799 = arith.constant 1 : i32
      %sub3A_2800 = arith.subi %div3A_2779, %sub3A_2799 : i32
      %select_n3A_2801 = arith.select %and3A_2798, %sub3A_2800, %div3A_2779 : i32
      %broadcast_in_dim3A_2802 = arith.constant 1073741824 : i32
      %broadcast_in_dim3A_2803 = vector.broadcast %broadcast_in_dim3A_2802 : i32 to vector<16xi32>
      %scan3A = arith.constant 0 : i32
      %scan3A_2804 = arith.constant 0 : i32
      %scan3A_2805 = arith.constant 32 : i32
      %scan3A_2806 = arith.addi %scan3A_2804, %scan3A_2805 : i32
      %scan3A_2807 = arith.constant 1 : i32
      scf.for %scan3A_2953 = %scan3A_2804 to %scan3A_2806 step %scan3A_2807  : i32 {
        %broadcast_in_dim3A_2954 = arith.constant 0.000000e+00 : f32
        %broadcast_in_dim3A_2955 = vector.broadcast %broadcast_in_dim3A_2954 : f32 to vector<16xf32>
        %broadcast_in_dim3A_2956 = arith.constant 0 : i32
        %broadcast_in_dim3A_2957 = vector.broadcast %broadcast_in_dim3A_2956 : i32 to vector<16xi32>
        %while3A_2958 = arith.constant 0 : i32
        %while3A_2959 = arith.subi %select_n3A_2801, %while3A_2958 : i32
        %while3A_2960 = arith.addi %while3A_2958, %while3A_2959 : i32
        %while3A_2961 = arith.constant 1 : i32
        %while3A_2962 = arith.divsi %while3A_2959, %while3A_2961 : i32
        %while3A_2963 = arith.muli %while3A_2962, %while3A_2961 : i32
        %while3A_2964 = arith.addi %while3A_2958, %while3A_2963 : i32
        %while3A_2965 = arith.constant 1 : i32
        %while3A_2966:3 = scf.for %while3A_3056 = %while3A_2958 to %while3A_2964 step %while3A_2965 iter_args(%while3A_3057 = %broadcast_in_dim3A_2955, %while3A_3058 = %broadcast_in_dim3A_2803, %while3A_3059 = %broadcast_in_dim3A_2957) -> (vector<16xf32>, vector<16xi32>, vector<16xi32>)  : i32 {
          %mul3A_3060 = arith.constant 16 : i32
          %mul3A_3061 = arith.muli %while3A_3056, %mul3A_3060 : i32
          %get3A_3062 = arith.index_cast %mul3A_3061 : i32 to index
          %get3A_3063 = tpu.vector_load %arg16[%get3A_3062] {strides = array<i32>} : memref<4112xf32, #tpu.memory_space<vmem>>, vector<16xf32>,
          %mul3A_3064 = arith.constant 16 : i32
          %mul3A_3065 = arith.muli %while3A_3056, %mul3A_3064 : i32
          %get3A_3066 = arith.index_cast %mul3A_3065 : i32 to index
          %get3A_3067 = tpu.vector_load %arg17[%get3A_3066] {strides = array<i32>} : memref<4112xi32, #tpu.memory_space<vmem>>, vector<16xi32>,
          %mul3A_3068 = arith.constant 16 : i32
          %mul3A_3069 = arith.muli %while3A_3056, %mul3A_3068 : i32
          %add3A_3070 = vector.broadcast %mul3A_3069 : i32 to vector<16xi32>
          %add3A_3071 = arith.addi %add3A_3070, %iota3A : vector<16xi32>
          %gt3A_3072 = arith.cmpf ogt, %get3A_3063, %while3A_3057 : vector<16xf32>
          %eq3A_3073 = arith.cmpf oeq, %get3A_3063, %while3A_3057 : vector<16xf32>
          %lt3A_3074 = arith.cmpi slt, %get3A_3067, %while3A_3058 : vector<16xi32>
          %and3A_3075 = arith.andi %eq3A_3073, %lt3A_3074 : vector<16xi1>
          %or3A_3076 = arith.ori %gt3A_3072, %and3A_3075 : vector<16xi1>
          %select_n3A_3077 = arith.select %or3A_3076, %get3A_3063, %while3A_3057 : vector<16xi1>, vector<16xf32>
          %select_n3A_3078 = arith.select %or3A_3076, %get3A_3067, %while3A_3058 : vector<16xi1>, vector<16xi32>
          %select_n3A_3079 = arith.select %or3A_3076, %add3A_3071, %while3A_3059 : vector<16xi1>, vector<16xi32>
          scf.yield %select_n3A_3077, %select_n3A_3078, %select_n3A_3079 : vector<16xf32>, vector<16xi32>, vector<16xi32>
        }
        %while3A_2967 = arith.constant 1 : i32
        %while3A_2968:3 = scf.for %while3A_3056 = %while3A_2964 to %while3A_2960 step %while3A_2967 iter_args(%while3A_3057 = %while3A_2966#0, %while3A_3058 = %while3A_2966#1, %while3A_3059 = %while3A_2966#2) -> (vector<16xf32>, vector<16xi32>, vector<16xi32>)  : i32 {
          %mul3A_3060 = arith.constant 16 : i32
          %mul3A_3061 = arith.muli %while3A_3056, %mul3A_3060 : i32
          %get3A_3062 = arith.index_cast %mul3A_3061 : i32 to index
          %get3A_3063 = tpu.vector_load %arg16[%get3A_3062] {strides = array<i32>} : memref<4112xf32, #tpu.memory_space<vmem>>, vector<16xf32>,
          %mul3A_3064 = arith.constant 16 : i32
          %mul3A_3065 = arith.muli %while3A_3056, %mul3A_3064 : i32
          %get3A_3066 = arith.index_cast %mul3A_3065 : i32 to index
          %get3A_3067 = tpu.vector_load %arg17[%get3A_3066] {strides = array<i32>} : memref<4112xi32, #tpu.memory_space<vmem>>, vector<16xi32>,
          %mul3A_3068 = arith.constant 16 : i32
          %mul3A_3069 = arith.muli %while3A_3056, %mul3A_3068 : i32
          %add3A_3070 = vector.broadcast %mul3A_3069 : i32 to vector<16xi32>
          %add3A_3071 = arith.addi %add3A_3070, %iota3A : vector<16xi32>
          %gt3A_3072 = arith.cmpf ogt, %get3A_3063, %while3A_3057 : vector<16xf32>
          %eq3A_3073 = arith.cmpf oeq, %get3A_3063, %while3A_3057 : vector<16xf32>
          %lt3A_3074 = arith.cmpi slt, %get3A_3067, %while3A_3058 : vector<16xi32>
          %and3A_3075 = arith.andi %eq3A_3073, %lt3A_3074 : vector<16xi1>
          %or3A_3076 = arith.ori %gt3A_3072, %and3A_3075 : vector<16xi1>
          %select_n3A_3077 = arith.select %or3A_3076, %get3A_3063, %while3A_3057 : vector<16xi1>, vector<16xf32>
          %select_n3A_3078 = arith.select %or3A_3076, %get3A_3067, %while3A_3058 : vector<16xi1>, vector<16xi32>
          %select_n3A_3079 = arith.select %or3A_3076, %add3A_3071, %while3A_3059 : vector<16xi1>, vector<16xi32>
          scf.yield %select_n3A_3077, %select_n3A_3078, %select_n3A_3079 : vector<16xf32>, vector<16xi32>, vector<16xi32>
        }
        %swap3A_2969 = arith.constant 0 : index
        %swap3A_2970 = tpu.vector_load %arg20[%swap3A_2969] {strides = array<i32>} : memref<16xf32, #tpu.memory_space<vmem>>, vector<16xf32>,
        tpu.vector_store %arg20[%swap3A_2969], %while3A_2968#0 {strides = array<i32>} : memref<16xf32, #tpu.memory_space<vmem>>, vector<16xf32>,
        %swap3A_2971 = arith.constant 0 : index
        %swap3A_2972 = tpu.vector_load %arg21[%swap3A_2971] {strides = array<i32>} : memref<16xi32, #tpu.memory_space<vmem>>, vector<16xi32>,
        tpu.vector_store %arg21[%swap3A_2971], %while3A_2968#1 {strides = array<i32>} : memref<16xi32, #tpu.memory_space<vmem>>, vector<16xi32>,
        %swap3A_2973 = arith.constant 0 : index
        %swap3A_2974 = tpu.vector_load %arg22[%swap3A_2973] {strides = array<i32>} : memref<16xi32, #tpu.memory_space<vmem>>, vector<16xi32>,
        tpu.vector_store %arg22[%swap3A_2973], %while3A_2968#2 {strides = array<i32>} : memref<16xi32, #tpu.memory_space<vmem>>, vector<16xi32>,
        %xor3A = arith.constant 8 : i32
        %xor3A_2975 = vector.broadcast %xor3A : i32 to vector<16xi32>
        %xor3A_2976 = arith.xori %iota3A, %xor3A_2975 : vector<16xi32>
        %gather3A_2977 = tpu.vector_load_idx %arg20[%xor3A_2976] : memref<16xf32, #tpu.memory_space<vmem>>[vector<16xi32>], vector<16xf32>,
        %gather3A_2978 = tpu.vector_load_idx %arg21[%xor3A_2976] : memref<16xi32, #tpu.memory_space<vmem>>[vector<16xi32>], vector<16xi32>,
        %gather3A_2979 = tpu.vector_load_idx %arg22[%xor3A_2976] : memref<16xi32, #tpu.memory_space<vmem>>[vector<16xi32>], vector<16xi32>,
        %gt3A_2980 = arith.cmpf ogt, %gather3A_2977, %while3A_2968#0 : vector<16xf32>
        %eq3A_2981 = arith.cmpf oeq, %gather3A_2977, %while3A_2968#0 : vector<16xf32>
        %lt3A_2982 = arith.cmpi slt, %gather3A_2978, %while3A_2968#1 : vector<16xi32>
        %and3A_2983 = arith.andi %eq3A_2981, %lt3A_2982 : vector<16xi1>
        %or3A = arith.ori %gt3A_2980, %and3A_2983 : vector<16xi1>
        %select_n3A_2984 = arith.select %or3A, %gather3A_2977, %while3A_2968#0 : vector<16xi1>, vector<16xf32>
        %select_n3A_2985 = arith.select %or3A, %gather3A_2978, %while3A_2968#1 : vector<16xi1>, vector<16xi32>
        %select_n3A_2986 = arith.select %or3A, %gather3A_2979, %while3A_2968#2 : vector<16xi1>, vector<16xi32>
        %swap3A_2987 = arith.constant 0 : index
        %swap3A_2988 = tpu.vector_load %arg20[%swap3A_2987] {strides = array<i32>} : memref<16xf32, #tpu.memory_space<vmem>>, vector<16xf32>,
        tpu.vector_store %arg20[%swap3A_2987], %select_n3A_2984 {strides = array<i32>} : memref<16xf32, #tpu.memory_space<vmem>>, vector<16xf32>,
        %swap3A_2989 = arith.constant 0 : index
        %swap3A_2990 = tpu.vector_load %arg21[%swap3A_2989] {strides = array<i32>} : memref<16xi32, #tpu.memory_space<vmem>>, vector<16xi32>,
        tpu.vector_store %arg21[%swap3A_2989], %select_n3A_2985 {strides = array<i32>} : memref<16xi32, #tpu.memory_space<vmem>>, vector<16xi32>,
        %swap3A_2991 = arith.constant 0 : index
        %swap3A_2992 = tpu.vector_load %arg22[%swap3A_2991] {strides = array<i32>} : memref<16xi32, #tpu.memory_space<vmem>>, vector<16xi32>,
        tpu.vector_store %arg22[%swap3A_2991], %select_n3A_2986 {strides = array<i32>} : memref<16xi32, #tpu.memory_space<vmem>>, vector<16xi32>,
        %xor3A_2993 = arith.constant 4 : i32
        %xor3A_2994 = vector.broadcast %xor3A_2993 : i32 to vector<16xi32>
        %xor3A_2995 = arith.xori %iota3A, %xor3A_2994 : vector<16xi32>
        %gather3A_2996 = tpu.vector_load_idx %arg20[%xor3A_2995] : memref<16xf32, #tpu.memory_space<vmem>>[vector<16xi32>], vector<16xf32>,
        %gather3A_2997 = tpu.vector_load_idx %arg21[%xor3A_2995] : memref<16xi32, #tpu.memory_space<vmem>>[vector<16xi32>], vector<16xi32>,
        %gather3A_2998 = tpu.vector_load_idx %arg22[%xor3A_2995] : memref<16xi32, #tpu.memory_space<vmem>>[vector<16xi32>], vector<16xi32>,
        %gt3A_2999 = arith.cmpf ogt, %gather3A_2996, %select_n3A_2984 : vector<16xf32>
        %eq3A_3000 = arith.cmpf oeq, %gather3A_2996, %select_n3A_2984 : vector<16xf32>
        %lt3A_3001 = arith.cmpi slt, %gather3A_2997, %select_n3A_2985 : vector<16xi32>
        %and3A_3002 = arith.andi %eq3A_3000, %lt3A_3001 : vector<16xi1>
        %or3A_3003 = arith.ori %gt3A_2999, %and3A_3002 : vector<16xi1>
        %select_n3A_3004 = arith.select %or3A_3003, %gather3A_2996, %select_n3A_2984 : vector<16xi1>, vector<16xf32>
        %select_n3A_3005 = arith.select %or3A_3003, %gather3A_2997, %select_n3A_2985 : vector<16xi1>, vector<16xi32>
        %select_n3A_3006 = arith.select %or3A_3003, %gather3A_2998, %select_n3A_2986 : vector<16xi1>, vector<16xi32>
        %swap3A_3007 = arith.constant 0 : index
        %swap3A_3008 = tpu.vector_load %arg20[%swap3A_3007] {strides = array<i32>} : memref<16xf32, #tpu.memory_space<vmem>>, vector<16xf32>,
        tpu.vector_store %arg20[%swap3A_3007], %select_n3A_3004 {strides = array<i32>} : memref<16xf32, #tpu.memory_space<vmem>>, vector<16xf32>,
        %swap3A_3009 = arith.constant 0 : index
        %swap3A_3010 = tpu.vector_load %arg21[%swap3A_3009] {strides = array<i32>} : memref<16xi32, #tpu.memory_space<vmem>>, vector<16xi32>,
        tpu.vector_store %arg21[%swap3A_3009], %select_n3A_3005 {strides = array<i32>} : memref<16xi32, #tpu.memory_space<vmem>>, vector<16xi32>,
        %swap3A_3011 = arith.constant 0 : index
        %swap3A_3012 = tpu.vector_load %arg22[%swap3A_3011] {strides = array<i32>} : memref<16xi32, #tpu.memory_space<vmem>>, vector<16xi32>,
        tpu.vector_store %arg22[%swap3A_3011], %select_n3A_3006 {strides = array<i32>} : memref<16xi32, #tpu.memory_space<vmem>>, vector<16xi32>,
        %xor3A_3013 = arith.constant 2 : i32
        %xor3A_3014 = vector.broadcast %xor3A_3013 : i32 to vector<16xi32>
        %xor3A_3015 = arith.xori %iota3A, %xor3A_3014 : vector<16xi32>
        %gather3A_3016 = tpu.vector_load_idx %arg20[%xor3A_3015] : memref<16xf32, #tpu.memory_space<vmem>>[vector<16xi32>], vector<16xf32>,
        %gather3A_3017 = tpu.vector_load_idx %arg21[%xor3A_3015] : memref<16xi32, #tpu.memory_space<vmem>>[vector<16xi32>], vector<16xi32>,
        %gather3A_3018 = tpu.vector_load_idx %arg22[%xor3A_3015] : memref<16xi32, #tpu.memory_space<vmem>>[vector<16xi32>], vector<16xi32>,
        %gt3A_3019 = arith.cmpf ogt, %gather3A_3016, %select_n3A_3004 : vector<16xf32>
        %eq3A_3020 = arith.cmpf oeq, %gather3A_3016, %select_n3A_3004 : vector<16xf32>
        %lt3A_3021 = arith.cmpi slt, %gather3A_3017, %select_n3A_3005 : vector<16xi32>
        %and3A_3022 = arith.andi %eq3A_3020, %lt3A_3021 : vector<16xi1>
        %or3A_3023 = arith.ori %gt3A_3019, %and3A_3022 : vector<16xi1>
        %select_n3A_3024 = arith.select %or3A_3023, %gather3A_3016, %select_n3A_3004 : vector<16xi1>, vector<16xf32>
        %select_n3A_3025 = arith.select %or3A_3023, %gather3A_3017, %select_n3A_3005 : vector<16xi1>, vector<16xi32>
        %select_n3A_3026 = arith.select %or3A_3023, %gather3A_3018, %select_n3A_3006 : vector<16xi1>, vector<16xi32>
        %swap3A_3027 = arith.constant 0 : index
        %swap3A_3028 = tpu.vector_load %arg20[%swap3A_3027] {strides = array<i32>} : memref<16xf32, #tpu.memory_space<vmem>>, vector<16xf32>,
        tpu.vector_store %arg20[%swap3A_3027], %select_n3A_3024 {strides = array<i32>} : memref<16xf32, #tpu.memory_space<vmem>>, vector<16xf32>,
        %swap3A_3029 = arith.constant 0 : index
        %swap3A_3030 = tpu.vector_load %arg21[%swap3A_3029] {strides = array<i32>} : memref<16xi32, #tpu.memory_space<vmem>>, vector<16xi32>,
        tpu.vector_store %arg21[%swap3A_3029], %select_n3A_3025 {strides = array<i32>} : memref<16xi32, #tpu.memory_space<vmem>>, vector<16xi32>,
        %swap3A_3031 = arith.constant 0 : index
        %swap3A_3032 = tpu.vector_load %arg22[%swap3A_3031] {strides = array<i32>} : memref<16xi32, #tpu.memory_space<vmem>>, vector<16xi32>,
        tpu.vector_store %arg22[%swap3A_3031], %select_n3A_3026 {strides = array<i32>} : memref<16xi32, #tpu.memory_space<vmem>>, vector<16xi32>,
        %xor3A_3033 = arith.constant 1 : i32
        %xor3A_3034 = vector.broadcast %xor3A_3033 : i32 to vector<16xi32>
        %xor3A_3035 = arith.xori %iota3A, %xor3A_3034 : vector<16xi32>
        %gather3A_3036 = tpu.vector_load_idx %arg20[%xor3A_3035] : memref<16xf32, #tpu.memory_space<vmem>>[vector<16xi32>], vector<16xf32>,
        %gather3A_3037 = tpu.vector_load_idx %arg21[%xor3A_3035] : memref<16xi32, #tpu.memory_space<vmem>>[vector<16xi32>], vector<16xi32>,
        %gather3A_3038 = tpu.vector_load_idx %arg22[%xor3A_3035] : memref<16xi32, #tpu.memory_space<vmem>>[vector<16xi32>], vector<16xi32>,
        %gt3A_3039 = arith.cmpf ogt, %gather3A_3036, %select_n3A_3024 : vector<16xf32>
        %eq3A_3040 = arith.cmpf oeq, %gather3A_3036, %select_n3A_3024 : vector<16xf32>
        %lt3A_3041 = arith.cmpi slt, %gather3A_3037, %select_n3A_3025 : vector<16xi32>
        %and3A_3042 = arith.andi %eq3A_3040, %lt3A_3041 : vector<16xi1>
        %or3A_3043 = arith.ori %gt3A_3039, %and3A_3042 : vector<16xi1>
        %select_n3A_3044 = arith.select %or3A_3043, %gather3A_3036, %select_n3A_3024 : vector<16xi1>, vector<16xf32>
        %select_n3A_3045 = arith.select %or3A_3043, %gather3A_3037, %select_n3A_3025 : vector<16xi1>, vector<16xi32>
        %select_n3A_3046 = arith.select %or3A_3043, %gather3A_3038, %select_n3A_3026 : vector<16xi1>, vector<16xi32>
        %eq3A_3047 = arith.constant 0 : i32
        %eq3A_3048 = vector.broadcast %eq3A_3047 : i32 to vector<16xi32>
        %eq3A_3049 = arith.cmpi eq, %iota3A, %eq3A_3048 : vector<16xi32>
        %broadcast_in_dim3A_3050 = arith.constant 0 : i32
        %broadcast_in_dim3A_3051 = vector.broadcast %broadcast_in_dim3A_3050 : i32 to vector<16xi32>
        %add3A_3052 = vector.broadcast %scan3A_2953 : i32 to vector<16xi32>
        %add3A_3053 = arith.addi %broadcast_in_dim3A_3051, %add3A_3052 : vector<16xi32>
        tpu.vector_store_idx %arg23[%add3A_3053], %select_n3A_3044 masked %eq3A_3049 : memref<32xf32, #tpu.memory_space<vmem>>[vector<16xi32>], vector<16xf32>, vector<16xi1>
        tpu.vector_store_idx %arg24[%add3A_3053], %select_n3A_3045 masked %eq3A_3049 : memref<32xi32, #tpu.memory_space<vmem>>[vector<16xi32>], vector<16xi32>, vector<16xi1>
        %broadcast_in_dim3A_3054 = arith.constant 0.000000e+00 : f32
        %broadcast_in_dim3A_3055 = vector.broadcast %broadcast_in_dim3A_3054 : f32 to vector<16xf32>
        tpu.vector_store_idx %arg16[%select_n3A_3046], %broadcast_in_dim3A_3055 masked %eq3A_3049 : memref<4112xf32, #tpu.memory_space<vmem>>[vector<16xi32>], vector<16xf32>, vector<16xi1>
      }
      %scan3A_2808 = arith.constant 32 : i32
      %get3A_2809 = arith.constant 0 : index
      %get3A_2810 = tpu.vector_load %arg23[%get3A_2809] {strides = array<i32>} : memref<32xf32, #tpu.memory_space<vmem>>, vector<16xf32>,
      %get3A_2811 = arith.constant 0 : index
      %get3A_2812 = tpu.vector_load %arg24[%get3A_2811] {strides = array<i32>} : memref<32xi32, #tpu.memory_space<vmem>>, vector<16xi32>,
      %gt3A_2813 = arith.constant 0.000000e+00 : f32
      %gt3A_2814 = vector.broadcast %gt3A_2813 : f32 to vector<16xf32>
      %gt3A_2815 = arith.cmpf ogt, %get3A_2810, %gt3A_2814 : vector<16xf32>
      %jit3A_2816 = arith.constant 0 : i32
      %broadcast_in_dim3A_2817 = vector.broadcast %jit3A_2816 : i32 to vector<16xi32>
      %select_n3A_2818 = arith.select %gt3A_2815, %get3A_2812, %broadcast_in_dim3A_2817 : vector<16xi1>, vector<16xi32>
      %jit3A_2819 = arith.constant 64 : i32
      %div3A_2820 = vector.broadcast %jit3A_2819 : i32 to vector<16xi32>
      %div3A_2821 = arith.divsi %select_n3A_2818, %div3A_2820 : vector<16xi32>
      %sign3A_2822 = arith.constant 0 : i32
      %sign3A_2823 = vector.broadcast %sign3A_2822 : i32 to vector<16xi32>
      %sign3A_2824 = arith.cmpi sgt, %select_n3A_2818, %sign3A_2823 : vector<16xi32>
      %sign3A_2825 = arith.extui %sign3A_2824 : vector<16xi1> to vector<16xi32>
      %sign3A_2826 = arith.constant 0 : i32
      %sign3A_2827 = vector.broadcast %sign3A_2826 : i32 to vector<16xi32>
      %sign3A_2828 = arith.cmpi slt, %select_n3A_2818, %sign3A_2827 : vector<16xi32>
      %sign3A_2829 = arith.extui %sign3A_2828 : vector<16xi1> to vector<16xi32>
      %sign3A_2830 = arith.subi %sign3A_2825, %sign3A_2829 : vector<16xi32>
      %sign3A_2831 = arith.constant 0 : i32
      %sign3A_2832 = arith.cmpi sgt, %jit3A_2819, %sign3A_2831 : i32
      %sign3A_2833 = arith.extui %sign3A_2832 : i1 to i32
      %sign3A_2834 = arith.constant 0 : i32
      %sign3A_2835 = arith.cmpi slt, %jit3A_2819, %sign3A_2834 : i32
      %sign3A_2836 = arith.extui %sign3A_2835 : i1 to i32
      %sign3A_2837 = arith.subi %sign3A_2833, %sign3A_2836 : i32
      %ne3A_2838 = vector.broadcast %sign3A_2837 : i32 to vector<16xi32>
      %ne3A_2839 = arith.cmpi ne, %sign3A_2830, %ne3A_2838 : vector<16xi32>
      %rem3A_2840 = vector.broadcast %jit3A_2819 : i32 to vector<16xi32>
      %rem3A_2841 = arith.remsi %select_n3A_2818, %rem3A_2840 : vector<16xi32>
      %ne3A_2842 = arith.constant 0 : i32
      %ne3A_2843 = vector.broadcast %ne3A_2842 : i32 to vector<16xi32>
      %ne3A_2844 = arith.cmpi ne, %rem3A_2841, %ne3A_2843 : vector<16xi32>
      %and3A_2845 = arith.andi %ne3A_2839, %ne3A_2844 : vector<16xi1>
      %sub3A_2846 = arith.constant 1 : i32
      %sub3A_2847 = vector.broadcast %sub3A_2846 : i32 to vector<16xi32>
      %sub3A_2848 = arith.subi %div3A_2821, %sub3A_2847 : vector<16xi32>
      %select_n3A_2849 = arith.select %and3A_2845, %sub3A_2848, %div3A_2821 : vector<16xi1>, vector<16xi32>
      %mul3A_2850 = arith.constant 8 : i32
      %mul3A_2851 = vector.broadcast %mul3A_2850 : i32 to vector<16xi32>
      %mul3A_2852 = arith.muli %select_n3A_2849, %mul3A_2851 : vector<16xi32>
      %add3A_2853 = arith.addi %select_n3A_2818, %mul3A_2852 : vector<16xi32>
      %convert_element_type3A_2854 = arith.sitofp %select_n3A_2849 : vector<16xi32> to vector<16xf32>
      %mul3A_2855 = arith.constant 64 : i32
      %mul3A_2856 = vector.broadcast %mul3A_2855 : i32 to vector<16xi32>
      %mul3A_2857 = arith.muli %select_n3A_2849, %mul3A_2856 : vector<16xi32>
      %sub3A_2858 = arith.subi %select_n3A_2818, %mul3A_2857 : vector<16xi32>
      %convert_element_type3A_2859 = arith.sitofp %sub3A_2858 : vector<16xi32> to vector<16xf32>
      %gather3A_2860 = tpu.vector_load_idx %arg18[%add3A_2853] : memref<4608xf32, #tpu.memory_space<vmem>>[vector<16xi32>], vector<16xf32>,
      %gather3A_2861 = tpu.vector_load_idx %arg19[%add3A_2853] : memref<4608xf32, #tpu.memory_space<vmem>>[vector<16xi32>], vector<16xf32>,
      %swap3A_2862 = arith.constant 0 : index
      %swap3A_2863 = tpu.vector_load %arg25[%swap3A_2862] {strides = array<i32>} : memref<32xf32, #tpu.memory_space<vmem>>, vector<16xf32>,
      tpu.vector_store %arg25[%swap3A_2862], %get3A_2810 {strides = array<i32>} : memref<32xf32, #tpu.memory_space<vmem>>, vector<16xf32>,
      %add3A_2864 = arith.constant 0 : i32
      %add3A_2865 = vector.broadcast %add3A_2864 : i32 to vector<16xi32>
      %add3A_2866 = arith.addi %add3A_2865, %iota3A : vector<16xi32>
      %mul3A_2867 = arith.constant 2 : i32
      %mul3A_2868 = vector.broadcast %mul3A_2867 : i32 to vector<16xi32>
      %mul3A_2869 = arith.muli %add3A_2866, %mul3A_2868 : vector<16xi32>
      %add3A_2870 = arith.addf %convert_element_type3A_2854, %gather3A_2860 : vector<16xf32>
      %div3A_2871 = arith.constant 6.300000e+01 : f32
      %div3A_2872 = vector.broadcast %div3A_2871 : f32 to vector<16xf32>
      %div3A_2873 = arith.divf %add3A_2870, %div3A_2872 : vector<16xf32>
      tpu.vector_store_idx %arg26[%mul3A_2869], %div3A_2873 : memref<64xf32, #tpu.memory_space<vmem>>[vector<16xi32>], vector<16xf32>,
      %add3A_2874 = arith.constant 1 : i32
      %add3A_2875 = vector.broadcast %add3A_2874 : i32 to vector<16xi32>
      %add3A_2876 = arith.addi %mul3A_2869, %add3A_2875 : vector<16xi32>
      %add3A_2877 = arith.addf %convert_element_type3A_2859, %gather3A_2861 : vector<16xf32>
      %div3A_2878 = arith.constant 6.300000e+01 : f32
      %div3A_2879 = vector.broadcast %div3A_2878 : f32 to vector<16xf32>
      %div3A_2880 = arith.divf %add3A_2877, %div3A_2879 : vector<16xf32>
      tpu.vector_store_idx %arg26[%add3A_2876], %div3A_2880 : memref<64xf32, #tpu.memory_space<vmem>>[vector<16xi32>], vector<16xf32>,
      %get3A_2881 = arith.constant 16 : index
      %get3A_2882 = tpu.vector_load %arg23[%get3A_2881] {strides = array<i32>} : memref<32xf32, #tpu.memory_space<vmem>>, vector<16xf32>,
      %get3A_2883 = arith.constant 16 : index
      %get3A_2884 = tpu.vector_load %arg24[%get3A_2883] {strides = array<i32>} : memref<32xi32, #tpu.memory_space<vmem>>, vector<16xi32>,
      %gt3A_2885 = arith.constant 0.000000e+00 : f32
      %gt3A_2886 = vector.broadcast %gt3A_2885 : f32 to vector<16xf32>
      %gt3A_2887 = arith.cmpf ogt, %get3A_2882, %gt3A_2886 : vector<16xf32>
      %jit3A_2888 = arith.constant 0 : i32
      %broadcast_in_dim3A_2889 = vector.broadcast %jit3A_2888 : i32 to vector<16xi32>
      %select_n3A_2890 = arith.select %gt3A_2887, %get3A_2884, %broadcast_in_dim3A_2889 : vector<16xi1>, vector<16xi32>
      %jit3A_2891 = arith.constant 64 : i32
      %div3A_2892 = vector.broadcast %jit3A_2891 : i32 to vector<16xi32>
      %div3A_2893 = arith.divsi %select_n3A_2890, %div3A_2892 : vector<16xi32>
      %sign3A_2894 = arith.constant 0 : i32
      %sign3A_2895 = vector.broadcast %sign3A_2894 : i32 to vector<16xi32>
      %sign3A_2896 = arith.cmpi sgt, %select_n3A_2890, %sign3A_2895 : vector<16xi32>
      %sign3A_2897 = arith.extui %sign3A_2896 : vector<16xi1> to vector<16xi32>
      %sign3A_2898 = arith.constant 0 : i32
      %sign3A_2899 = vector.broadcast %sign3A_2898 : i32 to vector<16xi32>
      %sign3A_2900 = arith.cmpi slt, %select_n3A_2890, %sign3A_2899 : vector<16xi32>
      %sign3A_2901 = arith.extui %sign3A_2900 : vector<16xi1> to vector<16xi32>
      %sign3A_2902 = arith.subi %sign3A_2897, %sign3A_2901 : vector<16xi32>
      %sign3A_2903 = arith.constant 0 : i32
      %sign3A_2904 = arith.cmpi sgt, %jit3A_2891, %sign3A_2903 : i32
      %sign3A_2905 = arith.extui %sign3A_2904 : i1 to i32
      %sign3A_2906 = arith.constant 0 : i32
      %sign3A_2907 = arith.cmpi slt, %jit3A_2891, %sign3A_2906 : i32
      %sign3A_2908 = arith.extui %sign3A_2907 : i1 to i32
      %sign3A_2909 = arith.subi %sign3A_2905, %sign3A_2908 : i32
      %ne3A_2910 = vector.broadcast %sign3A_2909 : i32 to vector<16xi32>
      %ne3A_2911 = arith.cmpi ne, %sign3A_2902, %ne3A_2910 : vector<16xi32>
      %rem3A_2912 = vector.broadcast %jit3A_2891 : i32 to vector<16xi32>
      %rem3A_2913 = arith.remsi %select_n3A_2890, %rem3A_2912 : vector<16xi32>
      %ne3A_2914 = arith.constant 0 : i32
      %ne3A_2915 = vector.broadcast %ne3A_2914 : i32 to vector<16xi32>
      %ne3A_2916 = arith.cmpi ne, %rem3A_2913, %ne3A_2915 : vector<16xi32>
      %and3A_2917 = arith.andi %ne3A_2911, %ne3A_2916 : vector<16xi1>
      %sub3A_2918 = arith.constant 1 : i32
      %sub3A_2919 = vector.broadcast %sub3A_2918 : i32 to vector<16xi32>
      %sub3A_2920 = arith.subi %div3A_2893, %sub3A_2919 : vector<16xi32>
      %select_n3A_2921 = arith.select %and3A_2917, %sub3A_2920, %div3A_2893 : vector<16xi1>, vector<16xi32>
      %mul3A_2922 = arith.constant 8 : i32
      %mul3A_2923 = vector.broadcast %mul3A_2922 : i32 to vector<16xi32>
      %mul3A_2924 = arith.muli %select_n3A_2921, %mul3A_2923 : vector<16xi32>
      %add3A_2925 = arith.addi %select_n3A_2890, %mul3A_2924 : vector<16xi32>
      %convert_element_type3A_2926 = arith.sitofp %select_n3A_2921 : vector<16xi32> to vector<16xf32>
      %mul3A_2927 = arith.constant 64 : i32
      %mul3A_2928 = vector.broadcast %mul3A_2927 : i32 to vector<16xi32>
      %mul3A_2929 = arith.muli %select_n3A_2921, %mul3A_2928 : vector<16xi32>
      %sub3A_2930 = arith.subi %select_n3A_2890, %mul3A_2929 : vector<16xi32>
      %convert_element_type3A_2931 = arith.sitofp %sub3A_2930 : vector<16xi32> to vector<16xf32>
      %gather3A_2932 = tpu.vector_load_idx %arg18[%add3A_2925] : memref<4608xf32, #tpu.memory_space<vmem>>[vector<16xi32>], vector<16xf32>,
      %gather3A_2933 = tpu.vector_load_idx %arg19[%add3A_2925] : memref<4608xf32, #tpu.memory_space<vmem>>[vector<16xi32>], vector<16xf32>,
      %swap3A_2934 = arith.constant 16 : index
      %swap3A_2935 = tpu.vector_load %arg25[%swap3A_2934] {strides = array<i32>} : memref<32xf32, #tpu.memory_space<vmem>>, vector<16xf32>,
      tpu.vector_store %arg25[%swap3A_2934], %get3A_2882 {strides = array<i32>} : memref<32xf32, #tpu.memory_space<vmem>>, vector<16xf32>,
      %add3A_2936 = arith.constant 16 : i32
      %add3A_2937 = vector.broadcast %add3A_2936 : i32 to vector<16xi32>
      %add3A_2938 = arith.addi %add3A_2937, %iota3A : vector<16xi32>
      %mul3A_2939 = arith.constant 2 : i32
      %mul3A_2940 = vector.broadcast %mul3A_2939 : i32 to vector<16xi32>
      %mul3A_2941 = arith.muli %add3A_2938, %mul3A_2940 : vector<16xi32>
      %add3A_2942 = arith.addf %convert_element_type3A_2926, %gather3A_2932 : vector<16xf32>
      %div3A_2943 = arith.constant 6.300000e+01 : f32
      %div3A_2944 = vector.broadcast %div3A_2943 : f32 to vector<16xf32>
      %div3A_2945 = arith.divf %add3A_2942, %div3A_2944 : vector<16xf32>
      tpu.vector_store_idx %arg26[%mul3A_2941], %div3A_2945 : memref<64xf32, #tpu.memory_space<vmem>>[vector<16xi32>], vector<16xf32>,
      %add3A_2946 = arith.constant 1 : i32
      %add3A_2947 = vector.broadcast %add3A_2946 : i32 to vector<16xi32>
      %add3A_2948 = arith.addi %mul3A_2941, %add3A_2947 : vector<16xi32>
      %add3A_2949 = arith.addf %convert_element_type3A_2931, %gather3A_2933 : vector<16xf32>
      %div3A_2950 = arith.constant 6.300000e+01 : f32
      %div3A_2951 = vector.broadcast %div3A_2950 : f32 to vector<16xf32>
      %div3A_2952 = arith.divf %add3A_2949, %div3A_2951 : vector<16xf32>
      tpu.vector_store_idx %arg26[%add3A_2948], %div3A_2952 : memref<64xf32, #tpu.memory_space<vmem>>[vector<16xi32>], vector<16xf32>,
      "tpu.region"() ({
        %run_scoped3A = tpu.sem_alloc : memref<!tpu.dma_semaphore, #tpu.memory_space<semaphore_mem>>
        %dma_start3A = arith.constant 0 : i32
        %dma_start3A_2953 = tpu.memref_slice %arg3[%add3A, %dma_start3A] : memref<4x32xf32, #tpu.memory_space<hbm>> -> memref<1x32xf32, #tpu.memory_space<hbm>>
        %dma_start3A_2954 = tpu.memref_squeeze %dma_start3A_2953 : memref<1x32xf32, #tpu.memory_space<hbm>> -> memref<32xf32, #tpu.memory_space<hbm>>
        %dma_start3A_2955 = arith.constant 0 : i32
        %dma_start3A_2956 = tpu.memref_slice %arg3[%add3A, %dma_start3A_2955] : memref<4x32xf32, #tpu.memory_space<hbm>> -> memref<1x32xf32, #tpu.memory_space<hbm>>
        %dma_start3A_2957 = tpu.memref_squeeze %dma_start3A_2956 : memref<1x32xf32, #tpu.memory_space<hbm>> -> memref<32xf32, #tpu.memory_space<hbm>>
        tpu.enqueue_dma source(%arg25 : memref<32xf32, #tpu.memory_space<vmem>>) target(%dma_start3A_2957 : memref<32xf32, #tpu.memory_space<hbm>>) target_semaphore(%run_scoped3A : memref<!tpu.dma_semaphore, #tpu.memory_space<semaphore_mem>>)
        %dma_wait3A = arith.constant 0 : i32
        %dma_wait3A_2958 = tpu.memref_slice %arg3[%add3A, %dma_wait3A] : memref<4x32xf32, #tpu.memory_space<hbm>> -> memref<1x32xf32, #tpu.memory_space<hbm>>
        %dma_wait3A_2959 = tpu.memref_squeeze %dma_wait3A_2958 : memref<1x32xf32, #tpu.memory_space<hbm>> -> memref<32xf32, #tpu.memory_space<hbm>>
        %dma_wait3A_2960 = arith.constant 0 : i32
        %dma_wait3A_2961 = tpu.memref_slice %arg3[%add3A, %dma_wait3A_2960] : memref<4x32xf32, #tpu.memory_space<hbm>> -> memref<1x32xf32, #tpu.memory_space<hbm>>
        %dma_wait3A_2962 = tpu.memref_squeeze %dma_wait3A_2961 : memref<1x32xf32, #tpu.memory_space<hbm>> -> memref<32xf32, #tpu.memory_space<hbm>>
        tpu.wait_dma2 semaphore(%run_scoped3A : memref<!tpu.dma_semaphore, #tpu.memory_space<semaphore_mem>>) src(%arg25 : memref<32xf32, #tpu.memory_space<vmem>>) dst(%dma_wait3A_2962 : memref<32xf32, #tpu.memory_space<hbm>>)
        tpu.yield
      }) : () -> ()
      "tpu.region"() ({
        %run_scoped3A = tpu.sem_alloc : memref<!tpu.dma_semaphore, #tpu.memory_space<semaphore_mem>>
        %dma_start3A = arith.constant 0 : i32
        %dma_start3A_2953 = tpu.memref_slice %arg4[%add3A, %dma_start3A] : memref<4x64xf32, #tpu.memory_space<hbm>> -> memref<1x64xf32, #tpu.memory_space<hbm>>
        %dma_start3A_2954 = tpu.memref_squeeze %dma_start3A_2953 : memref<1x64xf32, #tpu.memory_space<hbm>> -> memref<64xf32, #tpu.memory_space<hbm>>
        %dma_start3A_2955 = arith.constant 0 : i32
        %dma_start3A_2956 = tpu.memref_slice %arg4[%add3A, %dma_start3A_2955] : memref<4x64xf32, #tpu.memory_space<hbm>> -> memref<1x64xf32, #tpu.memory_space<hbm>>
        %dma_start3A_2957 = tpu.memref_squeeze %dma_start3A_2956 : memref<1x64xf32, #tpu.memory_space<hbm>> -> memref<64xf32, #tpu.memory_space<hbm>>
        tpu.enqueue_dma source(%arg26 : memref<64xf32, #tpu.memory_space<vmem>>) target(%dma_start3A_2957 : memref<64xf32, #tpu.memory_space<hbm>>) target_semaphore(%run_scoped3A : memref<!tpu.dma_semaphore, #tpu.memory_space<semaphore_mem>>)
        %dma_wait3A = arith.constant 0 : i32
        %dma_wait3A_2958 = tpu.memref_slice %arg4[%add3A, %dma_wait3A] : memref<4x64xf32, #tpu.memory_space<hbm>> -> memref<1x64xf32, #tpu.memory_space<hbm>>
        %dma_wait3A_2959 = tpu.memref_squeeze %dma_wait3A_2958 : memref<1x64xf32, #tpu.memory_space<hbm>> -> memref<64xf32, #tpu.memory_space<hbm>>
        %dma_wait3A_2960 = arith.constant 0 : i32
        %dma_wait3A_2961 = tpu.memref_slice %arg4[%add3A, %dma_wait3A_2960] : memref<4x64xf32, #tpu.memory_space<hbm>> -> memref<1x64xf32, #tpu.memory_space<hbm>>
        %dma_wait3A_2962 = tpu.memref_squeeze %dma_wait3A_2961 : memref<1x64xf32, #tpu.memory_space<hbm>> -> memref<64xf32, #tpu.memory_space<hbm>>
        tpu.wait_dma2 semaphore(%run_scoped3A : memref<!tpu.dma_semaphore, #tpu.memory_space<semaphore_mem>>) src(%arg26 : memref<64xf32, #tpu.memory_space<vmem>>) dst(%dma_wait3A_2962 : memref<64xf32, #tpu.memory_space<hbm>>)
        tpu.yield
      }) : () -> ()
    } else {
    }
    return
  }
}

module attributes {stable_mosaic.version = 14 : i64} {
  func.func @_conv_body(%arg0: i32, %arg1: memref<1x256x4096xf32, #tpu.memory_space<vmem>>, %arg2: memref<4608x256xbf16, #tpu.memory_space<vmem>>, %arg3: memref<8x512xbf16, #tpu.memory_space<vmem>>, %arg4: memref<512x1xf32, #tpu.memory_space<vmem>>, %arg5: memref<8x1xf32, #tpu.memory_space<vmem>>, %arg6: memref<1x8x4608xf32, #tpu.memory_space<vmem>>, %arg7: memref<256x4754xbf16, #tpu.memory_space<vmem>>) attributes {dimension_semantics = [#tpu.dimension_semantics<arbitrary>], iteration_bounds = array<i64: 4>, scalar_prefetch = 0 : i64, scratch_operands = 1 : i64, tpu.core_type = #tpu.core_type<tc>, window_params = [{transform_indices = @transform_0, window_bounds = array<i64: 1, 256, 4096>}, {pipeline_mode = #tpu.pipeline_mode<synchronous>, transform_indices = @transform_1, window_bounds = array<i64: 4608, 256>}, {pipeline_mode = #tpu.pipeline_mode<synchronous>, transform_indices = @transform_2, window_bounds = array<i64: 8, 512>}, {pipeline_mode = #tpu.pipeline_mode<synchronous>, transform_indices = @transform_3, window_bounds = array<i64: 512, 1>}, {pipeline_mode = #tpu.pipeline_mode<synchronous>, transform_indices = @transform_4, window_bounds = array<i64: 8, 1>}, {transform_indices = @transform_5, window_bounds = array<i64: 1, 8, 4608>}]} {
    %get3A = arith.constant 0 : index
    %get3A_0 = arith.constant 0 : index
    %get3A_1 = arith.constant 0 : index
    %get3A_2 = vector.load %arg1[%get3A, %get3A_0, %get3A_1] : memref<1x256x4096xf32, #tpu.memory_space<vmem>>, vector<1x256x4096xf32>
    %get3A_3 = vector.shape_cast %get3A_2 : vector<1x256x4096xf32> to vector<256x4096xf32>
    %convert_element_type3A = arith.truncf %get3A_3 : vector<256x4096xf32> to vector<256x4096xbf16>
    %broadcast_in_dim3A = arith.constant 0.000000e+00 : bf16
    %broadcast_in_dim3A_4 = vector.broadcast %broadcast_in_dim3A : bf16 to vector<256x4754xbf16>
    %swap3A = arith.constant 0 : index
    %swap3A_5 = arith.constant 0 : index
    %swap3A_6 = vector.load %arg7[%swap3A, %swap3A_5] : memref<256x4754xbf16, #tpu.memory_space<vmem>>, vector<256x4754xbf16>
    tpu.vector_store %arg7[%swap3A, %swap3A_5], %broadcast_in_dim3A_4 {strides = array<i32>} : memref<256x4754xbf16, #tpu.memory_space<vmem>>, vector<256x4754xbf16>,
    %slice3A = vector.extract_strided_slice %convert_element_type3A {offsets = [0, 0], sizes = [256, 64], strides = [1, 1]} : vector<256x4096xbf16> to vector<256x64xbf16>
    %swap3A_7 = arith.constant 0 : index
    %swap3A_8 = arith.constant 73 : index
    %swap3A_9 = vector.load %arg7[%swap3A_7, %swap3A_8] : memref<256x4754xbf16, #tpu.memory_space<vmem>>, vector<256x64xbf16>
    tpu.vector_store %arg7[%swap3A_7, %swap3A_8], %slice3A {strides = array<i32>} : memref<256x4754xbf16, #tpu.memory_space<vmem>>, vector<256x64xbf16>,
    %slice3A_10 = vector.extract_strided_slice %convert_element_type3A {offsets = [0, 64], sizes = [256, 64], strides = [1, 1]} : vector<256x4096xbf16> to vector<256x64xbf16>
    %swap3A_11 = arith.constant 0 : index
    %swap3A_12 = arith.constant 145 : index
    %swap3A_13 = vector.load %arg7[%swap3A_11, %swap3A_12] : memref<256x4754xbf16, #tpu.memory_space<vmem>>, vector<256x64xbf16>
    tpu.vector_store %arg7[%swap3A_11, %swap3A_12], %slice3A_10 {strides = array<i32>} : memref<256x4754xbf16, #tpu.memory_space<vmem>>, vector<256x64xbf16>,
    %slice3A_14 = vector.extract_strided_slice %convert_element_type3A {offsets = [0, 128], sizes = [256, 64], strides = [1, 1]} : vector<256x4096xbf16> to vector<256x64xbf16>
    %swap3A_15 = arith.constant 0 : index
    %swap3A_16 = arith.constant 217 : index
    %swap3A_17 = vector.load %arg7[%swap3A_15, %swap3A_16] : memref<256x4754xbf16, #tpu.memory_space<vmem>>, vector<256x64xbf16>
    tpu.vector_store %arg7[%swap3A_15, %swap3A_16], %slice3A_14 {strides = array<i32>} : memref<256x4754xbf16, #tpu.memory_space<vmem>>, vector<256x64xbf16>,
    %slice3A_18 = vector.extract_strided_slice %convert_element_type3A {offsets = [0, 192], sizes = [256, 64], strides = [1, 1]} : vector<256x4096xbf16> to vector<256x64xbf16>
    %swap3A_19 = arith.constant 0 : index
    %swap3A_20 = arith.constant 289 : index
    %swap3A_21 = vector.load %arg7[%swap3A_19, %swap3A_20] : memref<256x4754xbf16, #tpu.memory_space<vmem>>, vector<256x64xbf16>
    tpu.vector_store %arg7[%swap3A_19, %swap3A_20], %slice3A_18 {strides = array<i32>} : memref<256x4754xbf16, #tpu.memory_space<vmem>>, vector<256x64xbf16>,
    %slice3A_22 = vector.extract_strided_slice %convert_element_type3A {offsets = [0, 256], sizes = [256, 64], strides = [1, 1]} : vector<256x4096xbf16> to vector<256x64xbf16>
    %swap3A_23 = arith.constant 0 : index
    %swap3A_24 = arith.constant 361 : index
    %swap3A_25 = vector.load %arg7[%swap3A_23, %swap3A_24] : memref<256x4754xbf16, #tpu.memory_space<vmem>>, vector<256x64xbf16>
    tpu.vector_store %arg7[%swap3A_23, %swap3A_24], %slice3A_22 {strides = array<i32>} : memref<256x4754xbf16, #tpu.memory_space<vmem>>, vector<256x64xbf16>,
    %slice3A_26 = vector.extract_strided_slice %convert_element_type3A {offsets = [0, 320], sizes = [256, 64], strides = [1, 1]} : vector<256x4096xbf16> to vector<256x64xbf16>
    %swap3A_27 = arith.constant 0 : index
    %swap3A_28 = arith.constant 433 : index
    %swap3A_29 = vector.load %arg7[%swap3A_27, %swap3A_28] : memref<256x4754xbf16, #tpu.memory_space<vmem>>, vector<256x64xbf16>
    tpu.vector_store %arg7[%swap3A_27, %swap3A_28], %slice3A_26 {strides = array<i32>} : memref<256x4754xbf16, #tpu.memory_space<vmem>>, vector<256x64xbf16>,
    %slice3A_30 = vector.extract_strided_slice %convert_element_type3A {offsets = [0, 384], sizes = [256, 64], strides = [1, 1]} : vector<256x4096xbf16> to vector<256x64xbf16>
    %swap3A_31 = arith.constant 0 : index
    %swap3A_32 = arith.constant 505 : index
    %swap3A_33 = vector.load %arg7[%swap3A_31, %swap3A_32] : memref<256x4754xbf16, #tpu.memory_space<vmem>>, vector<256x64xbf16>
    tpu.vector_store %arg7[%swap3A_31, %swap3A_32], %slice3A_30 {strides = array<i32>} : memref<256x4754xbf16, #tpu.memory_space<vmem>>, vector<256x64xbf16>,
    %slice3A_34 = vector.extract_strided_slice %convert_element_type3A {offsets = [0, 448], sizes = [256, 64], strides = [1, 1]} : vector<256x4096xbf16> to vector<256x64xbf16>
    %swap3A_35 = arith.constant 0 : index
    %swap3A_36 = arith.constant 577 : index
    %swap3A_37 = vector.load %arg7[%swap3A_35, %swap3A_36] : memref<256x4754xbf16, #tpu.memory_space<vmem>>, vector<256x64xbf16>
    tpu.vector_store %arg7[%swap3A_35, %swap3A_36], %slice3A_34 {strides = array<i32>} : memref<256x4754xbf16, #tpu.memory_space<vmem>>, vector<256x64xbf16>,
    %slice3A_38 = vector.extract_strided_slice %convert_element_type3A {offsets = [0, 512], sizes = [256, 64], strides = [1, 1]} : vector<256x4096xbf16> to vector<256x64xbf16>
    %swap3A_39 = arith.constant 0 : index
    %swap3A_40 = arith.constant 649 : index
    %swap3A_41 = vector.load %arg7[%swap3A_39, %swap3A_40] : memref<256x4754xbf16, #tpu.memory_space<vmem>>, vector<256x64xbf16>
    tpu.vector_store %arg7[%swap3A_39, %swap3A_40], %slice3A_38 {strides = array<i32>} : memref<256x4754xbf16, #tpu.memory_space<vmem>>, vector<256x64xbf16>,
    %slice3A_42 = vector.extract_strided_slice %convert_element_type3A {offsets = [0, 576], sizes = [256, 64], strides = [1, 1]} : vector<256x4096xbf16> to vector<256x64xbf16>
    %swap3A_43 = arith.constant 0 : index
    %swap3A_44 = arith.constant 721 : index
    %swap3A_45 = vector.load %arg7[%swap3A_43, %swap3A_44] : memref<256x4754xbf16, #tpu.memory_space<vmem>>, vector<256x64xbf16>
    tpu.vector_store %arg7[%swap3A_43, %swap3A_44], %slice3A_42 {strides = array<i32>} : memref<256x4754xbf16, #tpu.memory_space<vmem>>, vector<256x64xbf16>,
    %slice3A_46 = vector.extract_strided_slice %convert_element_type3A {offsets = [0, 640], sizes = [256, 64], strides = [1, 1]} : vector<256x4096xbf16> to vector<256x64xbf16>
    %swap3A_47 = arith.constant 0 : index
    %swap3A_48 = arith.constant 793 : index
    %swap3A_49 = vector.load %arg7[%swap3A_47, %swap3A_48] : memref<256x4754xbf16, #tpu.memory_space<vmem>>, vector<256x64xbf16>
    tpu.vector_store %arg7[%swap3A_47, %swap3A_48], %slice3A_46 {strides = array<i32>} : memref<256x4754xbf16, #tpu.memory_space<vmem>>, vector<256x64xbf16>,
    %slice3A_50 = vector.extract_strided_slice %convert_element_type3A {offsets = [0, 704], sizes = [256, 64], strides = [1, 1]} : vector<256x4096xbf16> to vector<256x64xbf16>
    %swap3A_51 = arith.constant 0 : index
    %swap3A_52 = arith.constant 865 : index
    %swap3A_53 = vector.load %arg7[%swap3A_51, %swap3A_52] : memref<256x4754xbf16, #tpu.memory_space<vmem>>, vector<256x64xbf16>
    tpu.vector_store %arg7[%swap3A_51, %swap3A_52], %slice3A_50 {strides = array<i32>} : memref<256x4754xbf16, #tpu.memory_space<vmem>>, vector<256x64xbf16>,
    %slice3A_54 = vector.extract_strided_slice %convert_element_type3A {offsets = [0, 768], sizes = [256, 64], strides = [1, 1]} : vector<256x4096xbf16> to vector<256x64xbf16>
    %swap3A_55 = arith.constant 0 : index
    %swap3A_56 = arith.constant 937 : index
    %swap3A_57 = vector.load %arg7[%swap3A_55, %swap3A_56] : memref<256x4754xbf16, #tpu.memory_space<vmem>>, vector<256x64xbf16>
    tpu.vector_store %arg7[%swap3A_55, %swap3A_56], %slice3A_54 {strides = array<i32>} : memref<256x4754xbf16, #tpu.memory_space<vmem>>, vector<256x64xbf16>,
    %slice3A_58 = vector.extract_strided_slice %convert_element_type3A {offsets = [0, 832], sizes = [256, 64], strides = [1, 1]} : vector<256x4096xbf16> to vector<256x64xbf16>
    %swap3A_59 = arith.constant 0 : index
    %swap3A_60 = arith.constant 1009 : index
    %swap3A_61 = vector.load %arg7[%swap3A_59, %swap3A_60] : memref<256x4754xbf16, #tpu.memory_space<vmem>>, vector<256x64xbf16>
    tpu.vector_store %arg7[%swap3A_59, %swap3A_60], %slice3A_58 {strides = array<i32>} : memref<256x4754xbf16, #tpu.memory_space<vmem>>, vector<256x64xbf16>,
    %slice3A_62 = vector.extract_strided_slice %convert_element_type3A {offsets = [0, 896], sizes = [256, 64], strides = [1, 1]} : vector<256x4096xbf16> to vector<256x64xbf16>
    %swap3A_63 = arith.constant 0 : index
    %swap3A_64 = arith.constant 1081 : index
    %swap3A_65 = vector.load %arg7[%swap3A_63, %swap3A_64] : memref<256x4754xbf16, #tpu.memory_space<vmem>>, vector<256x64xbf16>
    tpu.vector_store %arg7[%swap3A_63, %swap3A_64], %slice3A_62 {strides = array<i32>} : memref<256x4754xbf16, #tpu.memory_space<vmem>>, vector<256x64xbf16>,
    %slice3A_66 = vector.extract_strided_slice %convert_element_type3A {offsets = [0, 960], sizes = [256, 64], strides = [1, 1]} : vector<256x4096xbf16> to vector<256x64xbf16>
    %swap3A_67 = arith.constant 0 : index
    %swap3A_68 = arith.constant 1153 : index
    %swap3A_69 = vector.load %arg7[%swap3A_67, %swap3A_68] : memref<256x4754xbf16, #tpu.memory_space<vmem>>, vector<256x64xbf16>
    tpu.vector_store %arg7[%swap3A_67, %swap3A_68], %slice3A_66 {strides = array<i32>} : memref<256x4754xbf16, #tpu.memory_space<vmem>>, vector<256x64xbf16>,
    %slice3A_70 = vector.extract_strided_slice %convert_element_type3A {offsets = [0, 1024], sizes = [256, 64], strides = [1, 1]} : vector<256x4096xbf16> to vector<256x64xbf16>
    %swap3A_71 = arith.constant 0 : index
    %swap3A_72 = arith.constant 1225 : index
    %swap3A_73 = vector.load %arg7[%swap3A_71, %swap3A_72] : memref<256x4754xbf16, #tpu.memory_space<vmem>>, vector<256x64xbf16>
    tpu.vector_store %arg7[%swap3A_71, %swap3A_72], %slice3A_70 {strides = array<i32>} : memref<256x4754xbf16, #tpu.memory_space<vmem>>, vector<256x64xbf16>,
    %slice3A_74 = vector.extract_strided_slice %convert_element_type3A {offsets = [0, 1088], sizes = [256, 64], strides = [1, 1]} : vector<256x4096xbf16> to vector<256x64xbf16>
    %swap3A_75 = arith.constant 0 : index
    %swap3A_76 = arith.constant 1297 : index
    %swap3A_77 = vector.load %arg7[%swap3A_75, %swap3A_76] : memref<256x4754xbf16, #tpu.memory_space<vmem>>, vector<256x64xbf16>
    tpu.vector_store %arg7[%swap3A_75, %swap3A_76], %slice3A_74 {strides = array<i32>} : memref<256x4754xbf16, #tpu.memory_space<vmem>>, vector<256x64xbf16>,
    %slice3A_78 = vector.extract_strided_slice %convert_element_type3A {offsets = [0, 1152], sizes = [256, 64], strides = [1, 1]} : vector<256x4096xbf16> to vector<256x64xbf16>
    %swap3A_79 = arith.constant 0 : index
    %swap3A_80 = arith.constant 1369 : index
    %swap3A_81 = vector.load %arg7[%swap3A_79, %swap3A_80] : memref<256x4754xbf16, #tpu.memory_space<vmem>>, vector<256x64xbf16>
    tpu.vector_store %arg7[%swap3A_79, %swap3A_80], %slice3A_78 {strides = array<i32>} : memref<256x4754xbf16, #tpu.memory_space<vmem>>, vector<256x64xbf16>,
    %slice3A_82 = vector.extract_strided_slice %convert_element_type3A {offsets = [0, 1216], sizes = [256, 64], strides = [1, 1]} : vector<256x4096xbf16> to vector<256x64xbf16>
    %swap3A_83 = arith.constant 0 : index
    %swap3A_84 = arith.constant 1441 : index
    %swap3A_85 = vector.load %arg7[%swap3A_83, %swap3A_84] : memref<256x4754xbf16, #tpu.memory_space<vmem>>, vector<256x64xbf16>
    tpu.vector_store %arg7[%swap3A_83, %swap3A_84], %slice3A_82 {strides = array<i32>} : memref<256x4754xbf16, #tpu.memory_space<vmem>>, vector<256x64xbf16>,
    %slice3A_86 = vector.extract_strided_slice %convert_element_type3A {offsets = [0, 1280], sizes = [256, 64], strides = [1, 1]} : vector<256x4096xbf16> to vector<256x64xbf16>
    %swap3A_87 = arith.constant 0 : index
    %swap3A_88 = arith.constant 1513 : index
    %swap3A_89 = vector.load %arg7[%swap3A_87, %swap3A_88] : memref<256x4754xbf16, #tpu.memory_space<vmem>>, vector<256x64xbf16>
    tpu.vector_store %arg7[%swap3A_87, %swap3A_88], %slice3A_86 {strides = array<i32>} : memref<256x4754xbf16, #tpu.memory_space<vmem>>, vector<256x64xbf16>,
    %slice3A_90 = vector.extract_strided_slice %convert_element_type3A {offsets = [0, 1344], sizes = [256, 64], strides = [1, 1]} : vector<256x4096xbf16> to vector<256x64xbf16>
    %swap3A_91 = arith.constant 0 : index
    %swap3A_92 = arith.constant 1585 : index
    %swap3A_93 = vector.load %arg7[%swap3A_91, %swap3A_92] : memref<256x4754xbf16, #tpu.memory_space<vmem>>, vector<256x64xbf16>
    tpu.vector_store %arg7[%swap3A_91, %swap3A_92], %slice3A_90 {strides = array<i32>} : memref<256x4754xbf16, #tpu.memory_space<vmem>>, vector<256x64xbf16>,
    %slice3A_94 = vector.extract_strided_slice %convert_element_type3A {offsets = [0, 1408], sizes = [256, 64], strides = [1, 1]} : vector<256x4096xbf16> to vector<256x64xbf16>
    %swap3A_95 = arith.constant 0 : index
    %swap3A_96 = arith.constant 1657 : index
    %swap3A_97 = vector.load %arg7[%swap3A_95, %swap3A_96] : memref<256x4754xbf16, #tpu.memory_space<vmem>>, vector<256x64xbf16>
    tpu.vector_store %arg7[%swap3A_95, %swap3A_96], %slice3A_94 {strides = array<i32>} : memref<256x4754xbf16, #tpu.memory_space<vmem>>, vector<256x64xbf16>,
    %slice3A_98 = vector.extract_strided_slice %convert_element_type3A {offsets = [0, 1472], sizes = [256, 64], strides = [1, 1]} : vector<256x4096xbf16> to vector<256x64xbf16>
    %swap3A_99 = arith.constant 0 : index
    %swap3A_100 = arith.constant 1729 : index
    %swap3A_101 = vector.load %arg7[%swap3A_99, %swap3A_100] : memref<256x4754xbf16, #tpu.memory_space<vmem>>, vector<256x64xbf16>
    tpu.vector_store %arg7[%swap3A_99, %swap3A_100], %slice3A_98 {strides = array<i32>} : memref<256x4754xbf16, #tpu.memory_space<vmem>>, vector<256x64xbf16>,
    %slice3A_102 = vector.extract_strided_slice %convert_element_type3A {offsets = [0, 1536], sizes = [256, 64], strides = [1, 1]} : vector<256x4096xbf16> to vector<256x64xbf16>
    %swap3A_103 = arith.constant 0 : index
    %swap3A_104 = arith.constant 1801 : index
    %swap3A_105 = vector.load %arg7[%swap3A_103, %swap3A_104] : memref<256x4754xbf16, #tpu.memory_space<vmem>>, vector<256x64xbf16>
    tpu.vector_store %arg7[%swap3A_103, %swap3A_104], %slice3A_102 {strides = array<i32>} : memref<256x4754xbf16, #tpu.memory_space<vmem>>, vector<256x64xbf16>,
    %slice3A_106 = vector.extract_strided_slice %convert_element_type3A {offsets = [0, 1600], sizes = [256, 64], strides = [1, 1]} : vector<256x4096xbf16> to vector<256x64xbf16>
    %swap3A_107 = arith.constant 0 : index
    %swap3A_108 = arith.constant 1873 : index
    %swap3A_109 = vector.load %arg7[%swap3A_107, %swap3A_108] : memref<256x4754xbf16, #tpu.memory_space<vmem>>, vector<256x64xbf16>
    tpu.vector_store %arg7[%swap3A_107, %swap3A_108], %slice3A_106 {strides = array<i32>} : memref<256x4754xbf16, #tpu.memory_space<vmem>>, vector<256x64xbf16>,
    %slice3A_110 = vector.extract_strided_slice %convert_element_type3A {offsets = [0, 1664], sizes = [256, 64], strides = [1, 1]} : vector<256x4096xbf16> to vector<256x64xbf16>
    %swap3A_111 = arith.constant 0 : index
    %swap3A_112 = arith.constant 1945 : index
    %swap3A_113 = vector.load %arg7[%swap3A_111, %swap3A_112] : memref<256x4754xbf16, #tpu.memory_space<vmem>>, vector<256x64xbf16>
    tpu.vector_store %arg7[%swap3A_111, %swap3A_112], %slice3A_110 {strides = array<i32>} : memref<256x4754xbf16, #tpu.memory_space<vmem>>, vector<256x64xbf16>,
    %slice3A_114 = vector.extract_strided_slice %convert_element_type3A {offsets = [0, 1728], sizes = [256, 64], strides = [1, 1]} : vector<256x4096xbf16> to vector<256x64xbf16>
    %swap3A_115 = arith.constant 0 : index
    %swap3A_116 = arith.constant 2017 : index
    %swap3A_117 = vector.load %arg7[%swap3A_115, %swap3A_116] : memref<256x4754xbf16, #tpu.memory_space<vmem>>, vector<256x64xbf16>
    tpu.vector_store %arg7[%swap3A_115, %swap3A_116], %slice3A_114 {strides = array<i32>} : memref<256x4754xbf16, #tpu.memory_space<vmem>>, vector<256x64xbf16>,
    %slice3A_118 = vector.extract_strided_slice %convert_element_type3A {offsets = [0, 1792], sizes = [256, 64], strides = [1, 1]} : vector<256x4096xbf16> to vector<256x64xbf16>
    %swap3A_119 = arith.constant 0 : index
    %swap3A_120 = arith.constant 2089 : index
    %swap3A_121 = vector.load %arg7[%swap3A_119, %swap3A_120] : memref<256x4754xbf16, #tpu.memory_space<vmem>>, vector<256x64xbf16>
    tpu.vector_store %arg7[%swap3A_119, %swap3A_120], %slice3A_118 {strides = array<i32>} : memref<256x4754xbf16, #tpu.memory_space<vmem>>, vector<256x64xbf16>,
    %slice3A_122 = vector.extract_strided_slice %convert_element_type3A {offsets = [0, 1856], sizes = [256, 64], strides = [1, 1]} : vector<256x4096xbf16> to vector<256x64xbf16>
    %swap3A_123 = arith.constant 0 : index
    %swap3A_124 = arith.constant 2161 : index
    %swap3A_125 = vector.load %arg7[%swap3A_123, %swap3A_124] : memref<256x4754xbf16, #tpu.memory_space<vmem>>, vector<256x64xbf16>
    tpu.vector_store %arg7[%swap3A_123, %swap3A_124], %slice3A_122 {strides = array<i32>} : memref<256x4754xbf16, #tpu.memory_space<vmem>>, vector<256x64xbf16>,
    %slice3A_126 = vector.extract_strided_slice %convert_element_type3A {offsets = [0, 1920], sizes = [256, 64], strides = [1, 1]} : vector<256x4096xbf16> to vector<256x64xbf16>
    %swap3A_127 = arith.constant 0 : index
    %swap3A_128 = arith.constant 2233 : index
    %swap3A_129 = vector.load %arg7[%swap3A_127, %swap3A_128] : memref<256x4754xbf16, #tpu.memory_space<vmem>>, vector<256x64xbf16>
    tpu.vector_store %arg7[%swap3A_127, %swap3A_128], %slice3A_126 {strides = array<i32>} : memref<256x4754xbf16, #tpu.memory_space<vmem>>, vector<256x64xbf16>,
    %slice3A_130 = vector.extract_strided_slice %convert_element_type3A {offsets = [0, 1984], sizes = [256, 64], strides = [1, 1]} : vector<256x4096xbf16> to vector<256x64xbf16>
    %swap3A_131 = arith.constant 0 : index
    %swap3A_132 = arith.constant 2305 : index
    %swap3A_133 = vector.load %arg7[%swap3A_131, %swap3A_132] : memref<256x4754xbf16, #tpu.memory_space<vmem>>, vector<256x64xbf16>
    tpu.vector_store %arg7[%swap3A_131, %swap3A_132], %slice3A_130 {strides = array<i32>} : memref<256x4754xbf16, #tpu.memory_space<vmem>>, vector<256x64xbf16>,
    %slice3A_134 = vector.extract_strided_slice %convert_element_type3A {offsets = [0, 2048], sizes = [256, 64], strides = [1, 1]} : vector<256x4096xbf16> to vector<256x64xbf16>
    %swap3A_135 = arith.constant 0 : index
    %swap3A_136 = arith.constant 2377 : index
    %swap3A_137 = vector.load %arg7[%swap3A_135, %swap3A_136] : memref<256x4754xbf16, #tpu.memory_space<vmem>>, vector<256x64xbf16>
    tpu.vector_store %arg7[%swap3A_135, %swap3A_136], %slice3A_134 {strides = array<i32>} : memref<256x4754xbf16, #tpu.memory_space<vmem>>, vector<256x64xbf16>,
    %slice3A_138 = vector.extract_strided_slice %convert_element_type3A {offsets = [0, 2112], sizes = [256, 64], strides = [1, 1]} : vector<256x4096xbf16> to vector<256x64xbf16>
    %swap3A_139 = arith.constant 0 : index
    %swap3A_140 = arith.constant 2449 : index
    %swap3A_141 = vector.load %arg7[%swap3A_139, %swap3A_140] : memref<256x4754xbf16, #tpu.memory_space<vmem>>, vector<256x64xbf16>
    tpu.vector_store %arg7[%swap3A_139, %swap3A_140], %slice3A_138 {strides = array<i32>} : memref<256x4754xbf16, #tpu.memory_space<vmem>>, vector<256x64xbf16>,
    %slice3A_142 = vector.extract_strided_slice %convert_element_type3A {offsets = [0, 2176], sizes = [256, 64], strides = [1, 1]} : vector<256x4096xbf16> to vector<256x64xbf16>
    %swap3A_143 = arith.constant 0 : index
    %swap3A_144 = arith.constant 2521 : index
    %swap3A_145 = vector.load %arg7[%swap3A_143, %swap3A_144] : memref<256x4754xbf16, #tpu.memory_space<vmem>>, vector<256x64xbf16>
    tpu.vector_store %arg7[%swap3A_143, %swap3A_144], %slice3A_142 {strides = array<i32>} : memref<256x4754xbf16, #tpu.memory_space<vmem>>, vector<256x64xbf16>,
    %slice3A_146 = vector.extract_strided_slice %convert_element_type3A {offsets = [0, 2240], sizes = [256, 64], strides = [1, 1]} : vector<256x4096xbf16> to vector<256x64xbf16>
    %swap3A_147 = arith.constant 0 : index
    %swap3A_148 = arith.constant 2593 : index
    %swap3A_149 = vector.load %arg7[%swap3A_147, %swap3A_148] : memref<256x4754xbf16, #tpu.memory_space<vmem>>, vector<256x64xbf16>
    tpu.vector_store %arg7[%swap3A_147, %swap3A_148], %slice3A_146 {strides = array<i32>} : memref<256x4754xbf16, #tpu.memory_space<vmem>>, vector<256x64xbf16>,
    %slice3A_150 = vector.extract_strided_slice %convert_element_type3A {offsets = [0, 2304], sizes = [256, 64], strides = [1, 1]} : vector<256x4096xbf16> to vector<256x64xbf16>
    %swap3A_151 = arith.constant 0 : index
    %swap3A_152 = arith.constant 2665 : index
    %swap3A_153 = vector.load %arg7[%swap3A_151, %swap3A_152] : memref<256x4754xbf16, #tpu.memory_space<vmem>>, vector<256x64xbf16>
    tpu.vector_store %arg7[%swap3A_151, %swap3A_152], %slice3A_150 {strides = array<i32>} : memref<256x4754xbf16, #tpu.memory_space<vmem>>, vector<256x64xbf16>,
    %slice3A_154 = vector.extract_strided_slice %convert_element_type3A {offsets = [0, 2368], sizes = [256, 64], strides = [1, 1]} : vector<256x4096xbf16> to vector<256x64xbf16>
    %swap3A_155 = arith.constant 0 : index
    %swap3A_156 = arith.constant 2737 : index
    %swap3A_157 = vector.load %arg7[%swap3A_155, %swap3A_156] : memref<256x4754xbf16, #tpu.memory_space<vmem>>, vector<256x64xbf16>
    tpu.vector_store %arg7[%swap3A_155, %swap3A_156], %slice3A_154 {strides = array<i32>} : memref<256x4754xbf16, #tpu.memory_space<vmem>>, vector<256x64xbf16>,
    %slice3A_158 = vector.extract_strided_slice %convert_element_type3A {offsets = [0, 2432], sizes = [256, 64], strides = [1, 1]} : vector<256x4096xbf16> to vector<256x64xbf16>
    %swap3A_159 = arith.constant 0 : index
    %swap3A_160 = arith.constant 2809 : index
    %swap3A_161 = vector.load %arg7[%swap3A_159, %swap3A_160] : memref<256x4754xbf16, #tpu.memory_space<vmem>>, vector<256x64xbf16>
    tpu.vector_store %arg7[%swap3A_159, %swap3A_160], %slice3A_158 {strides = array<i32>} : memref<256x4754xbf16, #tpu.memory_space<vmem>>, vector<256x64xbf16>,
    %slice3A_162 = vector.extract_strided_slice %convert_element_type3A {offsets = [0, 2496], sizes = [256, 64], strides = [1, 1]} : vector<256x4096xbf16> to vector<256x64xbf16>
    %swap3A_163 = arith.constant 0 : index
    %swap3A_164 = arith.constant 2881 : index
    %swap3A_165 = vector.load %arg7[%swap3A_163, %swap3A_164] : memref<256x4754xbf16, #tpu.memory_space<vmem>>, vector<256x64xbf16>
    tpu.vector_store %arg7[%swap3A_163, %swap3A_164], %slice3A_162 {strides = array<i32>} : memref<256x4754xbf16, #tpu.memory_space<vmem>>, vector<256x64xbf16>,
    %slice3A_166 = vector.extract_strided_slice %convert_element_type3A {offsets = [0, 2560], sizes = [256, 64], strides = [1, 1]} : vector<256x4096xbf16> to vector<256x64xbf16>
    %swap3A_167 = arith.constant 0 : index
    %swap3A_168 = arith.constant 2953 : index
    %swap3A_169 = vector.load %arg7[%swap3A_167, %swap3A_168] : memref<256x4754xbf16, #tpu.memory_space<vmem>>, vector<256x64xbf16>
    tpu.vector_store %arg7[%swap3A_167, %swap3A_168], %slice3A_166 {strides = array<i32>} : memref<256x4754xbf16, #tpu.memory_space<vmem>>, vector<256x64xbf16>,
    %slice3A_170 = vector.extract_strided_slice %convert_element_type3A {offsets = [0, 2624], sizes = [256, 64], strides = [1, 1]} : vector<256x4096xbf16> to vector<256x64xbf16>
    %swap3A_171 = arith.constant 0 : index
    %swap3A_172 = arith.constant 3025 : index
    %swap3A_173 = vector.load %arg7[%swap3A_171, %swap3A_172] : memref<256x4754xbf16, #tpu.memory_space<vmem>>, vector<256x64xbf16>
    tpu.vector_store %arg7[%swap3A_171, %swap3A_172], %slice3A_170 {strides = array<i32>} : memref<256x4754xbf16, #tpu.memory_space<vmem>>, vector<256x64xbf16>,
    %slice3A_174 = vector.extract_strided_slice %convert_element_type3A {offsets = [0, 2688], sizes = [256, 64], strides = [1, 1]} : vector<256x4096xbf16> to vector<256x64xbf16>
    %swap3A_175 = arith.constant 0 : index
    %swap3A_176 = arith.constant 3097 : index
    %swap3A_177 = vector.load %arg7[%swap3A_175, %swap3A_176] : memref<256x4754xbf16, #tpu.memory_space<vmem>>, vector<256x64xbf16>
    tpu.vector_store %arg7[%swap3A_175, %swap3A_176], %slice3A_174 {strides = array<i32>} : memref<256x4754xbf16, #tpu.memory_space<vmem>>, vector<256x64xbf16>,
    %slice3A_178 = vector.extract_strided_slice %convert_element_type3A {offsets = [0, 2752], sizes = [256, 64], strides = [1, 1]} : vector<256x4096xbf16> to vector<256x64xbf16>
    %swap3A_179 = arith.constant 0 : index
    %swap3A_180 = arith.constant 3169 : index
    %swap3A_181 = vector.load %arg7[%swap3A_179, %swap3A_180] : memref<256x4754xbf16, #tpu.memory_space<vmem>>, vector<256x64xbf16>
    tpu.vector_store %arg7[%swap3A_179, %swap3A_180], %slice3A_178 {strides = array<i32>} : memref<256x4754xbf16, #tpu.memory_space<vmem>>, vector<256x64xbf16>,
    %slice3A_182 = vector.extract_strided_slice %convert_element_type3A {offsets = [0, 2816], sizes = [256, 64], strides = [1, 1]} : vector<256x4096xbf16> to vector<256x64xbf16>
    %swap3A_183 = arith.constant 0 : index
    %swap3A_184 = arith.constant 3241 : index
    %swap3A_185 = vector.load %arg7[%swap3A_183, %swap3A_184] : memref<256x4754xbf16, #tpu.memory_space<vmem>>, vector<256x64xbf16>
    tpu.vector_store %arg7[%swap3A_183, %swap3A_184], %slice3A_182 {strides = array<i32>} : memref<256x4754xbf16, #tpu.memory_space<vmem>>, vector<256x64xbf16>,
    %slice3A_186 = vector.extract_strided_slice %convert_element_type3A {offsets = [0, 2880], sizes = [256, 64], strides = [1, 1]} : vector<256x4096xbf16> to vector<256x64xbf16>
    %swap3A_187 = arith.constant 0 : index
    %swap3A_188 = arith.constant 3313 : index
    %swap3A_189 = vector.load %arg7[%swap3A_187, %swap3A_188] : memref<256x4754xbf16, #tpu.memory_space<vmem>>, vector<256x64xbf16>
    tpu.vector_store %arg7[%swap3A_187, %swap3A_188], %slice3A_186 {strides = array<i32>} : memref<256x4754xbf16, #tpu.memory_space<vmem>>, vector<256x64xbf16>,
    %slice3A_190 = vector.extract_strided_slice %convert_element_type3A {offsets = [0, 2944], sizes = [256, 64], strides = [1, 1]} : vector<256x4096xbf16> to vector<256x64xbf16>
    %swap3A_191 = arith.constant 0 : index
    %swap3A_192 = arith.constant 3385 : index
    %swap3A_193 = vector.load %arg7[%swap3A_191, %swap3A_192] : memref<256x4754xbf16, #tpu.memory_space<vmem>>, vector<256x64xbf16>
    tpu.vector_store %arg7[%swap3A_191, %swap3A_192], %slice3A_190 {strides = array<i32>} : memref<256x4754xbf16, #tpu.memory_space<vmem>>, vector<256x64xbf16>,
    %slice3A_194 = vector.extract_strided_slice %convert_element_type3A {offsets = [0, 3008], sizes = [256, 64], strides = [1, 1]} : vector<256x4096xbf16> to vector<256x64xbf16>
    %swap3A_195 = arith.constant 0 : index
    %swap3A_196 = arith.constant 3457 : index
    %swap3A_197 = vector.load %arg7[%swap3A_195, %swap3A_196] : memref<256x4754xbf16, #tpu.memory_space<vmem>>, vector<256x64xbf16>
    tpu.vector_store %arg7[%swap3A_195, %swap3A_196], %slice3A_194 {strides = array<i32>} : memref<256x4754xbf16, #tpu.memory_space<vmem>>, vector<256x64xbf16>,
    %slice3A_198 = vector.extract_strided_slice %convert_element_type3A {offsets = [0, 3072], sizes = [256, 64], strides = [1, 1]} : vector<256x4096xbf16> to vector<256x64xbf16>
    %swap3A_199 = arith.constant 0 : index
    %swap3A_200 = arith.constant 3529 : index
    %swap3A_201 = vector.load %arg7[%swap3A_199, %swap3A_200] : memref<256x4754xbf16, #tpu.memory_space<vmem>>, vector<256x64xbf16>
    tpu.vector_store %arg7[%swap3A_199, %swap3A_200], %slice3A_198 {strides = array<i32>} : memref<256x4754xbf16, #tpu.memory_space<vmem>>, vector<256x64xbf16>,
    %slice3A_202 = vector.extract_strided_slice %convert_element_type3A {offsets = [0, 3136], sizes = [256, 64], strides = [1, 1]} : vector<256x4096xbf16> to vector<256x64xbf16>
    %swap3A_203 = arith.constant 0 : index
    %swap3A_204 = arith.constant 3601 : index
    %swap3A_205 = vector.load %arg7[%swap3A_203, %swap3A_204] : memref<256x4754xbf16, #tpu.memory_space<vmem>>, vector<256x64xbf16>
    tpu.vector_store %arg7[%swap3A_203, %swap3A_204], %slice3A_202 {strides = array<i32>} : memref<256x4754xbf16, #tpu.memory_space<vmem>>, vector<256x64xbf16>,
    %slice3A_206 = vector.extract_strided_slice %convert_element_type3A {offsets = [0, 3200], sizes = [256, 64], strides = [1, 1]} : vector<256x4096xbf16> to vector<256x64xbf16>
    %swap3A_207 = arith.constant 0 : index
    %swap3A_208 = arith.constant 3673 : index
    %swap3A_209 = vector.load %arg7[%swap3A_207, %swap3A_208] : memref<256x4754xbf16, #tpu.memory_space<vmem>>, vector<256x64xbf16>
    tpu.vector_store %arg7[%swap3A_207, %swap3A_208], %slice3A_206 {strides = array<i32>} : memref<256x4754xbf16, #tpu.memory_space<vmem>>, vector<256x64xbf16>,
    %slice3A_210 = vector.extract_strided_slice %convert_element_type3A {offsets = [0, 3264], sizes = [256, 64], strides = [1, 1]} : vector<256x4096xbf16> to vector<256x64xbf16>
    %swap3A_211 = arith.constant 0 : index
    %swap3A_212 = arith.constant 3745 : index
    %swap3A_213 = vector.load %arg7[%swap3A_211, %swap3A_212] : memref<256x4754xbf16, #tpu.memory_space<vmem>>, vector<256x64xbf16>
    tpu.vector_store %arg7[%swap3A_211, %swap3A_212], %slice3A_210 {strides = array<i32>} : memref<256x4754xbf16, #tpu.memory_space<vmem>>, vector<256x64xbf16>,
    %slice3A_214 = vector.extract_strided_slice %convert_element_type3A {offsets = [0, 3328], sizes = [256, 64], strides = [1, 1]} : vector<256x4096xbf16> to vector<256x64xbf16>
    %swap3A_215 = arith.constant 0 : index
    %swap3A_216 = arith.constant 3817 : index
    %swap3A_217 = vector.load %arg7[%swap3A_215, %swap3A_216] : memref<256x4754xbf16, #tpu.memory_space<vmem>>, vector<256x64xbf16>
    tpu.vector_store %arg7[%swap3A_215, %swap3A_216], %slice3A_214 {strides = array<i32>} : memref<256x4754xbf16, #tpu.memory_space<vmem>>, vector<256x64xbf16>,
    %slice3A_218 = vector.extract_strided_slice %convert_element_type3A {offsets = [0, 3392], sizes = [256, 64], strides = [1, 1]} : vector<256x4096xbf16> to vector<256x64xbf16>
    %swap3A_219 = arith.constant 0 : index
    %swap3A_220 = arith.constant 3889 : index
    %swap3A_221 = vector.load %arg7[%swap3A_219, %swap3A_220] : memref<256x4754xbf16, #tpu.memory_space<vmem>>, vector<256x64xbf16>
    tpu.vector_store %arg7[%swap3A_219, %swap3A_220], %slice3A_218 {strides = array<i32>} : memref<256x4754xbf16, #tpu.memory_space<vmem>>, vector<256x64xbf16>,
    %slice3A_222 = vector.extract_strided_slice %convert_element_type3A {offsets = [0, 3456], sizes = [256, 64], strides = [1, 1]} : vector<256x4096xbf16> to vector<256x64xbf16>
    %swap3A_223 = arith.constant 0 : index
    %swap3A_224 = arith.constant 3961 : index
    %swap3A_225 = vector.load %arg7[%swap3A_223, %swap3A_224] : memref<256x4754xbf16, #tpu.memory_space<vmem>>, vector<256x64xbf16>
    tpu.vector_store %arg7[%swap3A_223, %swap3A_224], %slice3A_222 {strides = array<i32>} : memref<256x4754xbf16, #tpu.memory_space<vmem>>, vector<256x64xbf16>,
    %slice3A_226 = vector.extract_strided_slice %convert_element_type3A {offsets = [0, 3520], sizes = [256, 64], strides = [1, 1]} : vector<256x4096xbf16> to vector<256x64xbf16>
    %swap3A_227 = arith.constant 0 : index
    %swap3A_228 = arith.constant 4033 : index
    %swap3A_229 = vector.load %arg7[%swap3A_227, %swap3A_228] : memref<256x4754xbf16, #tpu.memory_space<vmem>>, vector<256x64xbf16>
    tpu.vector_store %arg7[%swap3A_227, %swap3A_228], %slice3A_226 {strides = array<i32>} : memref<256x4754xbf16, #tpu.memory_space<vmem>>, vector<256x64xbf16>,
    %slice3A_230 = vector.extract_strided_slice %convert_element_type3A {offsets = [0, 3584], sizes = [256, 64], strides = [1, 1]} : vector<256x4096xbf16> to vector<256x64xbf16>
    %swap3A_231 = arith.constant 0 : index
    %swap3A_232 = arith.constant 4105 : index
    %swap3A_233 = vector.load %arg7[%swap3A_231, %swap3A_232] : memref<256x4754xbf16, #tpu.memory_space<vmem>>, vector<256x64xbf16>
    tpu.vector_store %arg7[%swap3A_231, %swap3A_232], %slice3A_230 {strides = array<i32>} : memref<256x4754xbf16, #tpu.memory_space<vmem>>, vector<256x64xbf16>,
    %slice3A_234 = vector.extract_strided_slice %convert_element_type3A {offsets = [0, 3648], sizes = [256, 64], strides = [1, 1]} : vector<256x4096xbf16> to vector<256x64xbf16>
    %swap3A_235 = arith.constant 0 : index
    %swap3A_236 = arith.constant 4177 : index
    %swap3A_237 = vector.load %arg7[%swap3A_235, %swap3A_236] : memref<256x4754xbf16, #tpu.memory_space<vmem>>, vector<256x64xbf16>
    tpu.vector_store %arg7[%swap3A_235, %swap3A_236], %slice3A_234 {strides = array<i32>} : memref<256x4754xbf16, #tpu.memory_space<vmem>>, vector<256x64xbf16>,
    %slice3A_238 = vector.extract_strided_slice %convert_element_type3A {offsets = [0, 3712], sizes = [256, 64], strides = [1, 1]} : vector<256x4096xbf16> to vector<256x64xbf16>
    %swap3A_239 = arith.constant 0 : index
    %swap3A_240 = arith.constant 4249 : index
    %swap3A_241 = vector.load %arg7[%swap3A_239, %swap3A_240] : memref<256x4754xbf16, #tpu.memory_space<vmem>>, vector<256x64xbf16>
    tpu.vector_store %arg7[%swap3A_239, %swap3A_240], %slice3A_238 {strides = array<i32>} : memref<256x4754xbf16, #tpu.memory_space<vmem>>, vector<256x64xbf16>,
    %slice3A_242 = vector.extract_strided_slice %convert_element_type3A {offsets = [0, 3776], sizes = [256, 64], strides = [1, 1]} : vector<256x4096xbf16> to vector<256x64xbf16>
    %swap3A_243 = arith.constant 0 : index
    %swap3A_244 = arith.constant 4321 : index
    %swap3A_245 = vector.load %arg7[%swap3A_243, %swap3A_244] : memref<256x4754xbf16, #tpu.memory_space<vmem>>, vector<256x64xbf16>
    tpu.vector_store %arg7[%swap3A_243, %swap3A_244], %slice3A_242 {strides = array<i32>} : memref<256x4754xbf16, #tpu.memory_space<vmem>>, vector<256x64xbf16>,
    %slice3A_246 = vector.extract_strided_slice %convert_element_type3A {offsets = [0, 3840], sizes = [256, 64], strides = [1, 1]} : vector<256x4096xbf16> to vector<256x64xbf16>
    %swap3A_247 = arith.constant 0 : index
    %swap3A_248 = arith.constant 4393 : index
    %swap3A_249 = vector.load %arg7[%swap3A_247, %swap3A_248] : memref<256x4754xbf16, #tpu.memory_space<vmem>>, vector<256x64xbf16>
    tpu.vector_store %arg7[%swap3A_247, %swap3A_248], %slice3A_246 {strides = array<i32>} : memref<256x4754xbf16, #tpu.memory_space<vmem>>, vector<256x64xbf16>,
    %slice3A_250 = vector.extract_strided_slice %convert_element_type3A {offsets = [0, 3904], sizes = [256, 64], strides = [1, 1]} : vector<256x4096xbf16> to vector<256x64xbf16>
    %swap3A_251 = arith.constant 0 : index
    %swap3A_252 = arith.constant 4465 : index
    %swap3A_253 = vector.load %arg7[%swap3A_251, %swap3A_252] : memref<256x4754xbf16, #tpu.memory_space<vmem>>, vector<256x64xbf16>
    tpu.vector_store %arg7[%swap3A_251, %swap3A_252], %slice3A_250 {strides = array<i32>} : memref<256x4754xbf16, #tpu.memory_space<vmem>>, vector<256x64xbf16>,
    %slice3A_254 = vector.extract_strided_slice %convert_element_type3A {offsets = [0, 3968], sizes = [256, 64], strides = [1, 1]} : vector<256x4096xbf16> to vector<256x64xbf16>
    %swap3A_255 = arith.constant 0 : index
    %swap3A_256 = arith.constant 4537 : index
    %swap3A_257 = vector.load %arg7[%swap3A_255, %swap3A_256] : memref<256x4754xbf16, #tpu.memory_space<vmem>>, vector<256x64xbf16>
    tpu.vector_store %arg7[%swap3A_255, %swap3A_256], %slice3A_254 {strides = array<i32>} : memref<256x4754xbf16, #tpu.memory_space<vmem>>, vector<256x64xbf16>,
    %slice3A_258 = vector.extract_strided_slice %convert_element_type3A {offsets = [0, 4032], sizes = [256, 64], strides = [1, 1]} : vector<256x4096xbf16> to vector<256x64xbf16>
    %swap3A_259 = arith.constant 0 : index
    %swap3A_260 = arith.constant 4609 : index
    %swap3A_261 = vector.load %arg7[%swap3A_259, %swap3A_260] : memref<256x4754xbf16, #tpu.memory_space<vmem>>, vector<256x64xbf16>
    tpu.vector_store %arg7[%swap3A_259, %swap3A_260], %slice3A_258 {strides = array<i32>} : memref<256x4754xbf16, #tpu.memory_space<vmem>>, vector<256x64xbf16>,
    %get3A_262 = arith.constant 0 : index
    %get3A_263 = arith.constant 0 : index
    %get3A_264 = vector.load %arg2[%get3A_262, %get3A_263] : memref<4608x256xbf16, #tpu.memory_space<vmem>>, vector<512x256xbf16>
    %get3A_265 = arith.constant 0 : index
    %get3A_266 = arith.constant 0 : index
    %get3A_267 = vector.load %arg7[%get3A_265, %get3A_266] : memref<256x4754xbf16, #tpu.memory_space<vmem>>, vector<256x4608xbf16>
    %dot_general3A = arith.constant dense<0.000000e+00> : vector<512x4608xf32>
    %dot_general3A_268 = tpu.matmul %get3A_264, %get3A_267, %dot_general3A {dimension_numbers = #tpu.dot_dimension_numbers<[1], [0], [0], [1], [0, 0, 1, 1], [], []>, transpose_lhs_hint = false} : vector<512x256xbf16>, vector<256x4608xbf16>, vector<512x4608xf32> -> vector<512x4608xf32>
    %get3A_269 = arith.constant 512 : index
    %get3A_270 = arith.constant 0 : index
    %get3A_271 = vector.load %arg2[%get3A_269, %get3A_270] : memref<4608x256xbf16, #tpu.memory_space<vmem>>, vector<512x256xbf16>
    %get3A_272 = arith.constant 0 : index
    %get3A_273 = arith.constant 1 : index
    %get3A_274 = vector.load %arg7[%get3A_272, %get3A_273] : memref<256x4754xbf16, #tpu.memory_space<vmem>>, vector<256x4608xbf16>
    %dot_general3A_275 = arith.constant dense<0.000000e+00> : vector<512x4608xf32>
    %dot_general3A_276 = tpu.matmul %get3A_271, %get3A_274, %dot_general3A_275 {dimension_numbers = #tpu.dot_dimension_numbers<[1], [0], [0], [1], [0, 0, 1, 1], [], []>, transpose_lhs_hint = false} : vector<512x256xbf16>, vector<256x4608xbf16>, vector<512x4608xf32> -> vector<512x4608xf32>
    %add3A = arith.addf %dot_general3A_268, %dot_general3A_276 : vector<512x4608xf32>
    %get3A_277 = arith.constant 1024 : index
    %get3A_278 = arith.constant 0 : index
    %get3A_279 = vector.load %arg2[%get3A_277, %get3A_278] : memref<4608x256xbf16, #tpu.memory_space<vmem>>, vector<512x256xbf16>
    %get3A_280 = arith.constant 0 : index
    %get3A_281 = arith.constant 2 : index
    %get3A_282 = vector.load %arg7[%get3A_280, %get3A_281] : memref<256x4754xbf16, #tpu.memory_space<vmem>>, vector<256x4608xbf16>
    %dot_general3A_283 = arith.constant dense<0.000000e+00> : vector<512x4608xf32>
    %dot_general3A_284 = tpu.matmul %get3A_279, %get3A_282, %dot_general3A_283 {dimension_numbers = #tpu.dot_dimension_numbers<[1], [0], [0], [1], [0, 0, 1, 1], [], []>, transpose_lhs_hint = false} : vector<512x256xbf16>, vector<256x4608xbf16>, vector<512x4608xf32> -> vector<512x4608xf32>
    %add3A_285 = arith.addf %add3A, %dot_general3A_284 : vector<512x4608xf32>
    %get3A_286 = arith.constant 1536 : index
    %get3A_287 = arith.constant 0 : index
    %get3A_288 = vector.load %arg2[%get3A_286, %get3A_287] : memref<4608x256xbf16, #tpu.memory_space<vmem>>, vector<512x256xbf16>
    %get3A_289 = arith.constant 0 : index
    %get3A_290 = arith.constant 72 : index
    %get3A_291 = vector.load %arg7[%get3A_289, %get3A_290] : memref<256x4754xbf16, #tpu.memory_space<vmem>>, vector<256x4608xbf16>
    %dot_general3A_292 = arith.constant dense<0.000000e+00> : vector<512x4608xf32>
    %dot_general3A_293 = tpu.matmul %get3A_288, %get3A_291, %dot_general3A_292 {dimension_numbers = #tpu.dot_dimension_numbers<[1], [0], [0], [1], [0, 0, 1, 1], [], []>, transpose_lhs_hint = false} : vector<512x256xbf16>, vector<256x4608xbf16>, vector<512x4608xf32> -> vector<512x4608xf32>
    %add3A_294 = arith.addf %add3A_285, %dot_general3A_293 : vector<512x4608xf32>
    %get3A_295 = arith.constant 2048 : index
    %get3A_296 = arith.constant 0 : index
    %get3A_297 = vector.load %arg2[%get3A_295, %get3A_296] : memref<4608x256xbf16, #tpu.memory_space<vmem>>, vector<512x256xbf16>
    %get3A_298 = arith.constant 0 : index
    %get3A_299 = arith.constant 73 : index
    %get3A_300 = vector.load %arg7[%get3A_298, %get3A_299] : memref<256x4754xbf16, #tpu.memory_space<vmem>>, vector<256x4608xbf16>
    %dot_general3A_301 = arith.constant dense<0.000000e+00> : vector<512x4608xf32>
    %dot_general3A_302 = tpu.matmul %get3A_297, %get3A_300, %dot_general3A_301 {dimension_numbers = #tpu.dot_dimension_numbers<[1], [0], [0], [1], [0, 0, 1, 1], [], []>, transpose_lhs_hint = false} : vector<512x256xbf16>, vector<256x4608xbf16>, vector<512x4608xf32> -> vector<512x4608xf32>
    %add3A_303 = arith.addf %add3A_294, %dot_general3A_302 : vector<512x4608xf32>
    %get3A_304 = arith.constant 2560 : index
    %get3A_305 = arith.constant 0 : index
    %get3A_306 = vector.load %arg2[%get3A_304, %get3A_305] : memref<4608x256xbf16, #tpu.memory_space<vmem>>, vector<512x256xbf16>
    %get3A_307 = arith.constant 0 : index
    %get3A_308 = arith.constant 74 : index
    %get3A_309 = vector.load %arg7[%get3A_307, %get3A_308] : memref<256x4754xbf16, #tpu.memory_space<vmem>>, vector<256x4608xbf16>
    %dot_general3A_310 = arith.constant dense<0.000000e+00> : vector<512x4608xf32>
    %dot_general3A_311 = tpu.matmul %get3A_306, %get3A_309, %dot_general3A_310 {dimension_numbers = #tpu.dot_dimension_numbers<[1], [0], [0], [1], [0, 0, 1, 1], [], []>, transpose_lhs_hint = false} : vector<512x256xbf16>, vector<256x4608xbf16>, vector<512x4608xf32> -> vector<512x4608xf32>
    %add3A_312 = arith.addf %add3A_303, %dot_general3A_311 : vector<512x4608xf32>
    %get3A_313 = arith.constant 3072 : index
    %get3A_314 = arith.constant 0 : index
    %get3A_315 = vector.load %arg2[%get3A_313, %get3A_314] : memref<4608x256xbf16, #tpu.memory_space<vmem>>, vector<512x256xbf16>
    %get3A_316 = arith.constant 0 : index
    %get3A_317 = arith.constant 144 : index
    %get3A_318 = vector.load %arg7[%get3A_316, %get3A_317] : memref<256x4754xbf16, #tpu.memory_space<vmem>>, vector<256x4608xbf16>
    %dot_general3A_319 = arith.constant dense<0.000000e+00> : vector<512x4608xf32>
    %dot_general3A_320 = tpu.matmul %get3A_315, %get3A_318, %dot_general3A_319 {dimension_numbers = #tpu.dot_dimension_numbers<[1], [0], [0], [1], [0, 0, 1, 1], [], []>, transpose_lhs_hint = false} : vector<512x256xbf16>, vector<256x4608xbf16>, vector<512x4608xf32> -> vector<512x4608xf32>
    %add3A_321 = arith.addf %add3A_312, %dot_general3A_320 : vector<512x4608xf32>
    %get3A_322 = arith.constant 3584 : index
    %get3A_323 = arith.constant 0 : index
    %get3A_324 = vector.load %arg2[%get3A_322, %get3A_323] : memref<4608x256xbf16, #tpu.memory_space<vmem>>, vector<512x256xbf16>
    %get3A_325 = arith.constant 0 : index
    %get3A_326 = arith.constant 145 : index
    %get3A_327 = vector.load %arg7[%get3A_325, %get3A_326] : memref<256x4754xbf16, #tpu.memory_space<vmem>>, vector<256x4608xbf16>
    %dot_general3A_328 = arith.constant dense<0.000000e+00> : vector<512x4608xf32>
    %dot_general3A_329 = tpu.matmul %get3A_324, %get3A_327, %dot_general3A_328 {dimension_numbers = #tpu.dot_dimension_numbers<[1], [0], [0], [1], [0, 0, 1, 1], [], []>, transpose_lhs_hint = false} : vector<512x256xbf16>, vector<256x4608xbf16>, vector<512x4608xf32> -> vector<512x4608xf32>
    %add3A_330 = arith.addf %add3A_321, %dot_general3A_329 : vector<512x4608xf32>
    %get3A_331 = arith.constant 4096 : index
    %get3A_332 = arith.constant 0 : index
    %get3A_333 = vector.load %arg2[%get3A_331, %get3A_332] : memref<4608x256xbf16, #tpu.memory_space<vmem>>, vector<512x256xbf16>
    %get3A_334 = arith.constant 0 : index
    %get3A_335 = arith.constant 146 : index
    %get3A_336 = vector.load %arg7[%get3A_334, %get3A_335] : memref<256x4754xbf16, #tpu.memory_space<vmem>>, vector<256x4608xbf16>
    %dot_general3A_337 = arith.constant dense<0.000000e+00> : vector<512x4608xf32>
    %dot_general3A_338 = tpu.matmul %get3A_333, %get3A_336, %dot_general3A_337 {dimension_numbers = #tpu.dot_dimension_numbers<[1], [0], [0], [1], [0, 0, 1, 1], [], []>, transpose_lhs_hint = false} : vector<512x256xbf16>, vector<256x4608xbf16>, vector<512x4608xf32> -> vector<512x4608xf32>
    %add3A_339 = arith.addf %add3A_330, %dot_general3A_338 : vector<512x4608xf32>
    %get3A_340 = arith.constant 0 : index
    %get3A_341 = arith.constant 0 : index
    %get3A_342 = vector.load %arg4[%get3A_340, %get3A_341] : memref<512x1xf32, #tpu.memory_space<vmem>>, vector<512x1xf32>
    %add3A_343 = vector.broadcast %get3A_342 : vector<512x1xf32> to vector<512x4608xf32>
    %add3A_344 = arith.addf %add3A_339, %add3A_343 : vector<512x4608xf32>
    %max3A = arith.constant 0.000000e+00 : f32
    %max3A_345 = vector.broadcast %max3A : f32 to vector<512x4608xf32>
    %max3A_346 = arith.maximumf %add3A_344, %max3A_345 : vector<512x4608xf32>
    %convert_element_type3A_347 = arith.truncf %max3A_346 : vector<512x4608xf32> to vector<512x4608xbf16>
    %get3A_348 = arith.constant 0 : index
    %get3A_349 = arith.constant 0 : index
    %get3A_350 = vector.load %arg3[%get3A_348, %get3A_349] : memref<8x512xbf16, #tpu.memory_space<vmem>>, vector<8x512xbf16>
    %dot_general3A_351 = arith.constant dense<0.000000e+00> : vector<8x4608xf32>
    %dot_general3A_352 = tpu.matmul %get3A_350, %convert_element_type3A_347, %dot_general3A_351 {dimension_numbers = #tpu.dot_dimension_numbers<[1], [0], [0], [1], [0, 0, 1, 1], [], []>, transpose_lhs_hint = false} : vector<8x512xbf16>, vector<512x4608xbf16>, vector<8x4608xf32> -> vector<8x4608xf32>
    %get3A_353 = arith.constant 0 : index
    %get3A_354 = arith.constant 0 : index
    %get3A_355 = vector.load %arg5[%get3A_353, %get3A_354] : memref<8x1xf32, #tpu.memory_space<vmem>>, vector<8x1xf32>
    %add3A_356 = vector.broadcast %get3A_355 : vector<8x1xf32> to vector<8x4608xf32>
    %add3A_357 = arith.addf %dot_general3A_352, %add3A_356 : vector<8x4608xf32>
    %logistic3A = arith.negf %add3A_357 : vector<8x4608xf32>
    %logistic3A_358 = math.exp %logistic3A : vector<8x4608xf32>
    %logistic3A_359 = arith.constant 1.000000e+00 : f32
    %logistic3A_360 = vector.broadcast %logistic3A_359 : f32 to vector<8x4608xf32>
    %logistic3A_361 = arith.addf %logistic3A_360, %logistic3A_358 : vector<8x4608xf32>
    %logistic3A_362 = arith.divf %logistic3A_360, %logistic3A_361 : vector<8x4608xf32>
    %swap3A_363 = arith.constant 0 : index
    %swap3A_364 = arith.constant 0 : index
    %swap3A_365 = arith.constant 0 : index
    %swap3A_366 = vector.load %arg6[%swap3A_363, %swap3A_364, %swap3A_365] : memref<1x8x4608xf32, #tpu.memory_space<vmem>>, vector<1x8x4608xf32>
    %swap3A_367 = vector.shape_cast %swap3A_366 : vector<1x8x4608xf32> to vector<8x4608xf32>
    %swap3A_368 = vector.shape_cast %logistic3A_362 : vector<8x4608xf32> to vector<1x8x4608xf32>
    tpu.vector_store %arg6[%swap3A_363, %swap3A_364, %swap3A_365], %swap3A_368 {strides = array<i32>} : memref<1x8x4608xf32, #tpu.memory_space<vmem>>, vector<1x8x4608xf32>,
    return
  }
  func.func @transform_0(%arg0: i32) -> (i32, i32, i32) {
    %c0_i32 = arith.constant 0 : i32
    %c0_i32_0 = arith.constant 0 : i32
    %c0_i32_1 = arith.constant 0 : i32
    return %arg0, %c0_i32, %c0_i32_0 : i32, i32, i32
  }
  func.func @transform_1(%arg0: i32) -> (i32, i32) {
    %c0_i32 = arith.constant 0 : i32
    %c0_i32_0 = arith.constant 0 : i32
    %c0_i32_1 = arith.constant 0 : i32
    return %c0_i32, %c0_i32_0 : i32, i32
  }
  func.func @transform_2(%arg0: i32) -> (i32, i32) {
    %c0_i32 = arith.constant 0 : i32
    %c0_i32_0 = arith.constant 0 : i32
    %c0_i32_1 = arith.constant 0 : i32
    return %c0_i32, %c0_i32_0 : i32, i32
  }
  func.func @transform_3(%arg0: i32) -> (i32, i32) {
    %c0_i32 = arith.constant 0 : i32
    %c0_i32_0 = arith.constant 0 : i32
    %c0_i32_1 = arith.constant 0 : i32
    return %c0_i32, %c0_i32_0 : i32, i32
  }
  func.func @transform_4(%arg0: i32) -> (i32, i32) {
    %c0_i32 = arith.constant 0 : i32
    %c0_i32_0 = arith.constant 0 : i32
    %c0_i32_1 = arith.constant 0 : i32
    return %c0_i32, %c0_i32_0 : i32, i32
  }
  func.func @transform_5(%arg0: i32) -> (i32, i32, i32) {
    %c0_i32 = arith.constant 0 : i32
    %c0_i32_0 = arith.constant 0 : i32
    %c0_i32_1 = arith.constant 0 : i32
    return %arg0, %c0_i32, %c0_i32_0 : i32, i32, i32
  }
}

</mosaic_0001>

<sc_bundles>
// kernel: kernel.4.cloned.1.call-start
scs
__scs_entry_jumppad:
0x0: {  	(pc) =	sbr.rel $0x88, $3  }
0x1: {  	(tag) =	ssettag $0x0;
	lr =	simm.s32 $0x1  }
0x2: {  	[smem:$0x3F98] =	sst lr;
	_ =	strace $0xD0000000  }
0x3: {  	_ = 	snop  }
0x4: {  	_ = 	snop  }
0x5: {  	_ = 	snop  }
0x6: {  	_ = 	snop  }
0x7: {  	_ = 	snop  }
__scs_overlays_trampoline_lowered:
0x8: {  	[smem:$0x3FA7] =	sst s0  }
0x9: {  	[smem:$0x3FA8] =	sst s1  }
0xa: {  	[smem:$0x3FA9] =	sst s2  }
0xb: {  	[smem:$0x3FAA] =	sst s3  }
0xc: {  	[smem:$0x3FAB] =	sst s4  }
0xd: {  	[smem:$0x3FAC] =	sst s5  }
0xe: {  	[smem:$0x3FAD] =	sst s6  }
0xf: {  	[smem:$0x3FAE] =	sst s7  }
0x10: {  	[smem:$0x3FAF] =	sst s8  }
0x11: {  	[smem:$0x3FB0] =	sst s9;
	s0 =	simm.s32 @!p0 $0x0  }
0x12: {  	s1 =	sld [smem:$0x3F96];
	s0 =	simm.s32 @p0 $0x1  }
0x13: {  	[smem:$0x3FB1] =	sst s0;
	s0 =	simm.s32 @!p1 $0x0  }
0x14: {  	s2 =	sld [smem:$0x3F95];
	s0 =	simm.s32 @p1 $0x1  }
0x15: {  	[smem:$0x3FB2] =	sst s0;
	s0 =	simm.s32 @!p2 $0x0  }
0x16: {  	s3 =	sld [smem:$0x3FDB];
	s0 =	simm.s32 @p2 $0x1  }
0x17: {  	s4 =	simm.s32 $0x1BF5;
	[smem:$0x3FB4] =	sst s0  }
0x18: {  	s0 =	sld [smem:$0x3F97];
	_ =	swait.ge [sflag:s4], $0x0  }
0x19: {  	s7 =	sld [smem:$0x3F98]  }
0x1a: {  	s8 =	sadd.s32 $0xFFFFE003, lr  }
0x1b: {  	s9 =	sadd.s32 $0xFFFFFEF7, lr;
	s5 =	simm.s32 $0xFFFFFFFF;
	p2 =	slt.u32 s8, $0xFFFFF086  }
0x1c: {  	p1 =	slt.u32 s9, $0xF7A;
	s5 =	simm.s32 @!p2 $0x0  }
0x1d: {  	s5 =	simm.s32 @p1 $0x1;
	p0 =	seq.s32 s7, s2  }
0x1e: {  	s7 =	smul.u32 @!p0 $0xF7A, s2;
	p2 =	seq.s32 @!p0 s5, $0x0  }
0x1f: {  	s9 =	smul.u32 $0xF7A, s1;
	s8 =	simm.s32 @!p0 $0x1BF5;
	p2 =	por !p2, p0  }
0x20: {  	[sflag:s8] =	ssyncset.s32 @!p0 $0xFFFFF086;
	s6 =	sadd.s32 @!p0 s3, s7;
	s7 =	simm.s32 @!p0 $0x108  }
0x21: {  	s3 =	sadd.s32 s3, s9;
	s6 =	sadd.s32 @!p0 $0x88, s6;
	s7 =	simm.s32 @p2 $0x1082  }
0x22: {  	[simem:s7], [sflag:s8] =	dma.local @!p0 [hbm:s6], $0xF7A  }
0x23: {  	s9 =	sor.u32 $0xD0000000, s2;
	s6 =	simm.s32 $0x108;
	_ =	swait.ge @!p0 [sflag:s8], $0x0  }
0x24: {  	s3 =	sadd.s32 $0x88, s3;
	s6 =	simm.s32 @!p1 $0x1082;
	[sflag:s4] =	ssyncset.s32 $0xFFFFF086  }
0x25: {  	[simem:s6], [sflag:s4] =	dma.local [hbm:s3], $0xF7A  }
0x26: {  	[smem:$0x3F98] =	sst s1;
	(tag) =	ssettag s2;
	_ =	strace s9  }
0x27: {  	s1 =	sld [smem:$0x3FA8]  }
0x28: {  	s2 =	sld [smem:$0x3FA9]  }
0x29: {  	s4 =	sld [smem:$0x3FAB]  }
0x2a: {  	p0 =	seq.s32 s5, $0x0;
	s5 =	sld [smem:$0x3FAC]  }
0x2b: {  	s6 =	sld [smem:$0x3FAD]  }
0x2c: {  	s7 =	sld [smem:$0x3FAE]  }
0x2d: {  	s3 =	simm.s32 $0x108;
	s8 =	sld [smem:$0x3FAF]  }
0x2e: {  	s3 =	simm.s32 @!p0 $0x1082;
	s9 =	sld [smem:$0x3FB0]  }
0x2f: {  	lr =	sadd.s32 s0, s3;
	s0 =	sld [smem:$0x3FA7]  }
0x30: {  	s3 =	sld [smem:$0x3FAA]  }
0x31: {  	[smem:$0x3FB3] =	sst s10  }
0x32: {  	s10 =	sld [smem:$0x3FB1];
	_ =	sdelay $0x3  }
0x33: {  	p0 =	seq.s32 s10, $0x1;
	s10 =	sld [smem:$0x3FB3];
	_ =	sdelay $0x3  }
0x34: {  	[smem:$0x3FB3] =	sst s10  }
0x35: {  	s10 =	sld [smem:$0x3FB2];
	_ =	sdelay $0x3  }
0x36: {  	p1 =	seq.s32 s10, $0x1;
	s10 =	sld [smem:$0x3FB3];
	_ =	sdelay $0x3  }
0x37: {  	[smem:$0x3FB3] =	sst s10  }
0x38: {  	s10 =	sld [smem:$0x3FB4]  }
0x39: {  	_ = 	snop;
	(pc) =	sbr.ind lr, $3  }
0x3a: {  	_ = 	snop  }
0x3b: {  	_ = 	snop  }
0x3c: {  	p2 =	seq.s32 s10, $0x1;
	s10 =	sld [smem:$0x3FB3]  }
0x3d: {  	_ =	shalt  }
0x3e: {  	_ =	shalt  }
0x3f: {  	_ =	shalt  }
0x40: {  	_ =	shalt  }
0x41: {  	_ =	shalt  }
0x42: {  	_ =	shalt  }
0x43: {  	_ =	shalt  }
0x44: {  	_ =	shalt  }
0x45: {  	_ =	shalt  }
0x46: {  	_ =	shalt  }
0x47: {  	_ =	shalt  }
0x48: {  	_ =	shalt  }
0x49: {  	_ =	shalt  }
0x4a: {  	_ =	shalt  }
0x4b: {  	_ =	shalt  }
0x4c: {  	_ =	shalt  }
0x4d: {  	_ =	shalt  }
0x4e: {  	_ =	shalt  }
0x4f: {  	_ =	shalt  }
0x50: {  	_ =	shalt  }
0x51: {  	_ =	shalt  }
0x52: {  	_ =	shalt  }
0x53: {  	_ =	shalt  }
0x54: {  	_ =	shalt  }
0x55: {  	_ =	shalt  }
0x56: {  	_ =	shalt  }
0x57: {  	_ =	shalt  }
0x58: {  	_ =	shalt  }
0x59: {  	_ =	shalt  }
0x5a: {  	_ =	shalt  }
0x5b: {  	_ =	shalt  }
0x5c: {  	_ =	shalt  }
0x5d: {  	_ =	shalt  }
0x5e: {  	_ =	shalt  }
0x5f: {  	_ =	shalt  }
0x60: {  	_ =	shalt  }
0x61: {  	_ =	shalt  }
0x62: {  	_ =	shalt  }
0x63: {  	_ =	shalt  }
0x64: {  	_ =	shalt  }
0x65: {  	_ =	shalt  }
0x66: {  	_ =	shalt  }
0x67: {  	_ =	shalt  }
0x68: {  	_ =	shalt  }
0x69: {  	_ =	shalt  }
0x6a: {  	_ =	shalt  }
0x6b: {  	_ =	shalt  }
0x6c: {  	_ =	shalt  }
0x6d: {  	_ =	shalt  }
0x6e: {  	_ =	shalt  }
0x6f: {  	_ =	shalt  }
0x70: {  	_ =	shalt  }
0x71: {  	_ =	shalt  }
0x72: {  	_ =	shalt  }
0x73: {  	_ =	shalt  }
0x74: {  	_ =	shalt  }
0x75: {  	_ =	shalt  }
0x76: {  	_ =	shalt  }
0x77: {  	_ =	shalt  }
0x78: {  	_ =	shalt  }
0x79: {  	_ =	shalt  }
0x7a: {  	_ =	shalt  }
0x7b: {  	_ =	shalt  }
0x7c: {  	_ =	shalt  }
0x7d: {  	_ =	shalt  }
0x7e: {  	_ =	shalt  }
0x7f: {  	_ =	shalt  }
0x80: {  	_ =	shalt  }
0x81: {  	_ =	shalt  }
0x82: {  	_ =	shalt  }
0x83: {  	_ =	shalt  }
0x84: {  	_ =	shalt  }
0x85: {  	_ =	shalt  }
0x86: {  	_ =	shalt  }
0x87: {  	_ =	shalt  }
.Lfunc_end0:
.L_simem_size_0:
called_computation_lowered:
.L_overlay_start_0:
0x88: {  	s2 =	sld [smem:$0x3FD9]  }
0x89: {  	s3 =	sld [smem:$0x3FFE];
	_ =	sdelay $0x1  }
0x8a: {  	s1 =	srdreg.scid  }
0x8b: {  	s0 =	sand.u32 $0x1, s1  }
0x8c: {  	s14 =	sshll.u32 s0, $0xA;
	s2 =	sadd.s32 s3, s2  }
0x8d: {  	s2 =	sadd.s32 s2, s14  }
0x8e: {  	[smem:$0x3FBF] =	sst s2  }
0x8f: {  	_ = 	snop  }
0x90: {  	s2 =	sld [smem:$0x3FD0];
	_ =	sdelay $0x2  }
0x91: {  	s15 =	simm.s32 $0xA;
	s4 =	simm.s32 $0x10  }
0x92: {  	[smem:s4], [sflag:s15] =	dma.local [hbm:s2], $0x1  }
0x93: {  	_ =	swait.eq [sflag:s15], $0x1  }
0x94: {  	[sflag:s15] =	ssyncset.done $0x0  }
0x95: {  	s16 =	sld [smem:$0x12];
	[sflag:s15] =	ssyncadd.s32 $0xFFFFFFFF  }
0x96: {  	s17 =	sld [smem:$0x13];
	(tm) =	ssettm $0x1  }
0x97: {  	s18 =	sld [smem:$0x3FFB];
	_ =	sdelay $0x3  }
0x98: {  	_ =	strace s18  }
0x99: {  	s4 =	sld [smem:$0x3FFC];
	_ =	sdelay $0x3  }
0x9a: {  	_ =	strace s4  }
0x9b: {  	s4 =	sld [smem:$0x3FFD];
	_ =	sdelay $0x3  }
0x9c: {  	_ =	strace s4  }
0x9d: {  	_ =	strace $0x8FFFFFFF  }
0x9e: {  	s19 =	sld [smem:$0x3FDB];
	_ =	sdelay $0x1  }
0x9f: {  	s5 =	simm.s32 $_scs_section_size  }
0xa0: {  	s6 =	simm.s32 $_size__tile_overlayer_lowered;
	s7 =	simm.s32 $_tile_overlayer_lowered  }
0xa1: {  	s22 =	simm.s32 $0x1BFF;
	s21 =	sshll.u32 s7, $0x1;
	s4 =	sadd.s32 s5, s19  }
0xa2: {  	s8 =	simm.s32 $0x0;
	s20 =	sshll.u32 s6, $0x1;
	s6 =	sadd.s32 s21, s4  }
0xa3: {  	[timem:s8], [sflag:s22] =	dma.local [hbm:s6], s20  }
0xa4: {  	_ =	swait.ge [sflag:s22], s20  }
0xa5: {  	s5 =	ssub.s32 $0x0, s20;
	[sflag:s22] =	ssyncset.done $0x0  }
0xa6: {  	[sflag:s22] =	ssyncadd.s32 s5;
	_ =	sdelay $0x1  }
0xa7: {  	s23 =	simm.s32 $0x1B8B  }
0xa8: {  	_ =	swait.ge [sflag:s23], $0x1  }
0xa9: {  	[sflag:s23] =	ssyncset.done $0x0  }
0xaa: {  	s25 =	simm.s32 $0x1B8E;
	s24 =	sld [smem:$0x3FFE];
	[sflag:s23] =	ssyncadd.s32 $0xFFFFFFFF  }
0xab: {  	s26 =	simm.s32 $execute0_lowered;
	[smem:$0x3FD2] =	sst s25  }
0xac: {  	s6 =	sshll.u32 s26, $0x1;
	_ =	strace $0x80000046;
	[dreg:$0x1] =	wrdreg $0xFFFFFFFF  }
0xad: {  	s28 =	simm.s32 $_size_execute0_lowered;
	s4 =	sadd.s32 s4, s6;
	[dreg:$0x0] =	wrdreg $0x0  }
0xae: {  	s6 =	sshll.u32 s28, $0x1;
	[dreg:$0x2] =	wrdreg s4  }
0xaf: {  	[dreg:$0x3] =	wrdreg s6  }
0xb0: {  	[dreg:$0x4] =	wrdreg $0xC0  }
0xb1: {  	_ =	task [dreg:s8], $0x5FFFF  }
0xb2: {  	[dreg:$0x1] =	wrdreg $0xFFFFFFFF  }
0xb3: {  	[dreg:$0x0] =	wrdreg $0x60  }
0xb4: {  	[dreg:$0x2] =	wrdreg s24  }
0xb5: {  	[dreg:$0x3] =	wrdreg s16  }
0xb6: {  	[dreg:$0x4] =	wrdreg s17  }
0xb7: {  	[dreg:$0x5] =	wrdreg $0x9  }
0xb8: {  	_ =	task.clear_ibuf [dreg:s8], $0x6FFFF;
	_ =	strace $0x90000046  }
0xb9: {  	s29 =	simm.s32 $0x9;
	_ =	strace $0x80000048  }
0xba: {  	_ =	swait.ge [sflag:s29], $0x1  }
0xbb: {  	[sflag:s29] =	ssyncadd.s32 $0xFFFFFFFF  }
0xbc: {  	_ =	strace $0x90000048  }
0xbd: {  	_ =	sfence  }
0xbe: {  	s30 =	sld [smem:$0x0];
	_ =	sdelay $0x2  }
0xbf: {  	s31 =	sshll.u32 s1, $0xD;
	s1 =	sshrl.u32 s1, $0x2  }
0xc0: {  	s3 =	sand.u32 $0x4000, s31;
	s1 =	sadd.s32 s1, s30  }
0xc1: {  	s0 =	sor.u32 s3, s0;
	s1 =	sshll.u32 s1, $0x11  }
0xc2: {  	s0 =	sor.u32 s1, s0  }
0xc3: {  	s0 =	sadd.s32 $0x8F2B, s0  }
0xc4: {  	[sflag:s0] =	ssyncadd.remote.s32 $0x1  }
0xc5: {  	_ =	sfence.sel $0xFFFF  }
0xc6: {  	[dreg:$0x0] =	wrdreg $0xFFFFFFFF;
	(pc) =	sbr.abs _section_cstart, $3  }
0xc7: {  	[dreg:$0x1] =	wrdreg $0xFFFFFFFF  }
0xc8: {  	_ =	task.clear_ibuf [dreg:s8], $0x2FFFF;
	_ =	strace $0x9FFFFFFF  }
0xc9: {  	(tm) =	ssettm $0x7FFFFFFF  }
tec
execute0_lowered:
.L_overlay_start_1:
0x0: {  	(tag) =	ssettag $0x1  }
0x1: {  	s14 =	stileid.u32  }
0x2: {  	v0 =	vlaneseq.u32;
	s0 =	sand.u32 $0x7, s14  }
0x3: {  	v3 =	vimm.f32 $6.300000000e+01;
	vm2 =	vcmask $0x1F10;
	v4 =	vimm.s32 $0x38373635;
	s2 =	sshll.u32 s0, $0x3  }
0x4: {  	v5 =	vimm.s32 $0x4A494847;
	v6 =	vimm.s32 $0x4E4D4C4B;
	v7 =	vimm.s32 $0x42414040;
	s9 =	sor.u32 $0x1, s2  }
0x5: {  	v8 =	vimm.s32 $0x46454443;
	vm4 =	vcmask $0xF00;
	v9 =	vimm.s32 $0xBCBBBAB9;
	s8 =	sor.u32 $0x2, s2;
	s11 =	sshll.u32 s9, $0x6  }
0x6: {  	vm3 =	vcmask $0x2F20;
	vm0 =	vcmask $0x3330;
	s25 =	sor.u32 $0x10, s11;
	s26 =	sor.u32 $0x20, s11;
	v23 =	vor.u32 s11, v0;
	s11 =	sor.u32 $0x30, s11  }
0x7: {  	v10 =	vimm.s32 $0xC6C5C4C3;
	vm1 =	vcmask $0x3734;
	s30 =	sshll.u32 s8, $0x6;
	v1 =	vor.u32 s11, v0  }
0x8: {  	vm13 =	vcmask $0x700;
	vm12 =	vcmask $0xB08;
	s12 =	sor.u32 $0x10, s30;
	[tilespmem:$0x1FEA0] =	vst v1;
	v1 =	vor.u32 s30, v0  }
0x9: {  	vm11 =	vcmask $0xF0C;
	vm10 =	vcmask $0x1310;
	s15 =	sor.u32 $0x20, s30;
	[tilespmem:$0x1FEB0] =	vst v1;
	v1 =	vor.u32 s12, v0  }
0xa: {  	vm9 =	vcmask $0x1714;
	vm8 =	vcmask $0x1B18;
	s5 =	sor.u32 $0x3, s2;
	s16 =	sor.u32 $0x30, s30;
	[tilespmem:$0x1FEC0] =	vst v1;
	v1 =	vor.u32 s15, v0  }
0xb: {  	vm15 =	vcmask $0x300;
	vm7 =	vcmask $0x1F1C;
	s13 =	sshll.u32 s5, $0x6;
	[tilespmem:$0x1FED0] =	vst v1;
	v1 =	vor.u32 s16, v0  }
0xc: {  	vm14 =	vcmask $0x704;
	vm6 =	vcmask $0x2320;
	s17 =	sor.u32 $0x10, s13;
	[tilespmem:$0x1FEE0] =	vst v1;
	v1 =	vor.u32 s13, v0  }
0xd: {  	vm5 =	vcmask $0x3B38;
	v14 =	vimm.f32 $0.0e+00;
	s18 =	sor.u32 $0x20, s13;
	[tilespmem:$0x1FEF0] =	vst v1;
	v1 =	vor.u32 s17, v0  }
0xe: {  	v34 =	vadd.s32 $0x1, v0;
	v35 =	vadd.s32 $0xF, v0;
	s6 =	sor.u32 $0x4, s2;
	s19 =	sor.u32 $0x30, s13;
	[tilespmem:$0x1FF00] =	vst v1;
	v1 =	vor.u32 s18, v0  }
0xf: {  	v36 =	vadd.s32 $0x11, v0;
	v37 =	vadd.s32 $0x1F, v0;
	s20 =	sshll.u32 s6, $0x6;
	[tilespmem:$0x1FF10] =	vst v1;
	v1 =	vor.u32 s19, v0  }
0x10: {  	v38 =	vadd.s32 $0x21, v0;
	v4 =	vunpack.c.0.s8.s32 v4;
	s21 =	sor.u32 $0x10, s20;
	[tilespmem:$0x1FF20] =	vst v1;
	v1 =	vor.u32 s20, v0  }
0x11: {  	v5 =	vunpack.c.0.s8.s32 v5;
	v6 =	vunpack.c.0.s8.s32 v6;
	s22 =	sor.u32 $0x20, s20;
	[tilespmem:$0x1FF30] =	vst v1;
	v1 =	vor.u32 s21, v0  }
0x12: {  	v7 =	vunpack.c.0.s8.s32 v7;
	v8 =	vunpack.c.0.s8.s32 v8;
	s7 =	sor.u32 $0x5, s2;
	s23 =	sor.u32 $0x30, s20;
	[tilespmem:$0x1FF40] =	vst v1;
	v1 =	vor.u32 s22, v0  }
0x13: {  	v39 =	vadd.s32 $0x2F, v0;
	v42 =	vadd.s32 $0x41, v0;
	s12 =	sshll.u32 s7, $0x6;
	[tilespmem:$0x1FF50] =	vst v1;
	v1 =	vor.u32 s23, v0  }
0x14: {  	v43 =	vadd.s32 $0x4F, v0;
	v44 =	vadd.s32 $0x51, v0;
	s1 =	sshll.u32 s0, $0x9;
	s24 =	sor.u32 $0x10, s12;
	[tilespmem:$0x1FF60] =	vst v1;
	v1 =	vor.u32 s12, v0  }
0x15: {  	v45 =	vadd.s32 $0x5F, v0;
	s10 =	sor.u32 $0x20, s1;
	v24 =	vor.u32 s25, v0;
	s25 =	sor.u32 $0x20, s12;
	[tilespmem:$0x1FF70] =	vst v1;
	v1 =	vor.u32 s24, v0  }
0x16: {  	v21 =	vor.u32 s10, v0;
	s10 =	sor.u32 $0x6, s2;
	v25 =	vor.u32 s26, v0;
	s26 =	sor.u32 $0x30, s12;
	[tilespmem:$0x1FF80] =	vst v1;
	v1 =	vor.u32 s25, v0  }
0x17: {  	v46 =	vadd.s32 $0x61, v0;
	v10 =	vunpack.c.0.s8.s32 v10;
	s30 =	sshll.u32 s10, $0x6;
	[tilespmem:$0x1FF90] =	vst v1;
	v1 =	vor.u32 s26, v0  }
0x18: {  	v11 =	vadd.s32 $0xDF, v0;
	v2 =	vor.u32 s30, v0;
	[tilespmem:$0x1FFA0] =	vst v1;
	v1 =	vimm.s32 $0xEDCBA987  }
0x19: {  	s4 =	rddreg [dreg:$0x0];
	s3 =	sor.u32 $0x10, s1;
	v19 =	vor.u32 s1, v0;
	s1 =	sor.u32 $0x30, s1;
	[tilespmem:$0x1FFB0] =	vst v2;
	v2 =	vimm.s32 $0x65432100;
	v1 =	vunpack.c.l.s4.s8 v1  }
0x1a: {  	v13 =	vadd.s32 $0xE1, v0;
	v22 =	vor.u32 s1, v0;
	s1 =	rddreg [dreg:$0x1];
	s2 =	sor.u32 $0x30, s30;
	v2 =	vunpack.c.l.s4.s8 v2;
	s24 =	simm.s32 $0x0  }
0x1b: {  	v20 =	vor.u32 s3, v0;
	s15 =	sor.u32 $0x10, s30;
	v28 =	vor.u32 s2, v0;
	s16 =	sor.u32 $0x20, s30;
	[smem:$0x7FF] =	sst s24;
	v1 =	vunpack.c.0.s8.s32 v1  }
0x1c: {  	v26 =	vor.u32 s15, v0;
	s13 =	rddreg [dreg:$0x2];
	v27 =	vor.u32 s16, v0;
	v2 =	vunpack.c.0.s8.s32 v2;
	_ =	strace $0x80000047  }
0x1d: {  	s12 =	sshllo.u32 s0, $0x3;
	(erf) = vrcp.f32 v3;
	v3 =	vimm.s32 $0x34333231;
	v1 =	vand.u32 $0xF, v1  }
0x1e: {  	s17 =	sshll.u32 s12, $0x6;
	v33 =	vcombine.low v2, v1;
	v1 =	vimm.s32 $0x3C3B3A39;
	v2 =	vimm.s32 $0x3F3F3E3D  }
0x1f: {  	s18 =	sor.u32 $0x10, s17;
	s19 =	sor.u32 $0x20, s17;
	v3 =	vunpack.c.0.s8.s32 v3;
	v1 =	vunpack.c.0.s8.s32 v1;
	v2 =	vunpack.c.0.s8.s32 v2  }
0x20: {  	v29 =	vor.u32 s17, v0;
	s20 =	sor.u32 $0x30, s17;
	v30 =	vor.u32 s18, v0;
	v31 =	vor.u32 s19, v0  }
0x21: {  	v32 =	vor.u32 s20, v0;
	v1 =	vsel vm2, v2, v1;
	v2 =	vsel vm2, v4, v3  }
0x22: {  	v3 =	vimm.s32 $0x8A898887;
	v4 =	vimm.s32 $0x8E8D8C8B;
	v40 =	vcombine.low v2, v1  }
0x23: {  	v1 =	vsel vm2, v6, v5;
	v2 =	vsel vm2, v8, v7;
	v5 =	vimm.s32 $0x74737271  }
0x24: {  	v3 =	vunpack.c.0.s8.s32 v3;
	v4 =	vunpack.c.0.s8.s32 v4;
	v6 =	vimm.s32 $0x86858483  }
0x25: {  	v7 =	vimm.s32 $0xB4B3B2B1;
	v41 =	vcombine.low v2, v1;
	v1 =	vimm.s32 $0x7C7B7A79  }
0x26: {  	v8 =	vimm.s32 $0xB8B7B6B5;
	v2 =	vimm.s32 $0x7F7F7E7D;
	v1 =	vunpack.c.0.s8.s32 v1  }
0x27: {  	v2 =	vunpack.c.0.s8.s32 v2;
	v3 =	vsel vm2, v4, v3;
	v4 =	vimm.s32 $0x82818080  }
0x28: {  	v6 =	vunpack.c.0.s8.s32 v6;
	v7 =	vunpack.c.0.s8.s32 v7;
	v4 =	vunpack.c.0.s8.s32 v4  }
0x29: {  	v1 =	vsel vm2, v2, v1;
	v2 =	vunpack.c.0.s8.s32 v5;
	v5 =	vimm.s32 $0x78777675  }
0x2a: {  	v8 =	vunpack.c.0.s8.s32 v8;
	v5 =	vunpack.c.0.s8.s32 v5;
	v4 =	vsel vm2, v6, v4  }
0x2b: {  	v6 =	vnsel vm4, $0xBF, v7;
	v7 =	vunpack.c.0.s8.s32 v9;
	v9 =	vimm.s32 $0xC2C1C0C0  }
0x2c: {  	v6 =	vsel vm2, v8, v6;
	v8 =	vimm.s32 $0xCAC9C8C7;
	v9 =	vunpack.c.0.s8.s32 v9  }
0x2d: {  	v6 =	vsel vm3, v7, v6;
	v7 =	vunpack.c.0.s8.s32 v8;
	v8 =	vimm.s32 $0xCECDCCCB  }
0x2e: {  	v3 =	vcombine.low v4, v3;
	v2 =	vsel vm2, v5, v2;
	v8 =	vunpack.c.0.s8.s32 v8  }
0x2f: {  	v4 =	vsel vm0, $0xBD, v6;
	v6 =	vsel vm2, v10, v9;
	v47 =	vcombine.low v2, v1  }
0x30: {  	v48 =	vand.u32 $0xFF, v3;
	v2 =	vimm.s32 $0xF8F7F6F5;
	v3 =	vimm.s32 $0x10E  }
0x31: {  	v9 =	vadd.s32 $0xCF, v0;
	v1 =	vsel vm1, $0xBE, v4;
	v2 =	vunpack.c.0.s8.s32 v2  }
0x32: {  	v3 =	vsel vm13, $0x100, v3;
	v5 =	vsel vm2, v8, v7;
	v7 =	vimm.s32 $0xF4F3F2F1  }
0x33: {  	v4 =	vimm.s32 $0xFCFBFAF9;
	v5 =	vcombine.low v6, v5;
	v6 =	vunpack.c.0.s8.s32 v7  }
0x34: {  	v49 =	vand.u32 $0xFF, v1;
	v3 =	vsel vm12, $0x101, v3;
	v4 =	vunpack.c.0.s8.s32 v4  }
0x35: {  	v3 =	vsel vm11, $0x102, v3;
	v7 =	vimm.s32 $0x67452301;
	v1 =	vnsel vm4, $0xFF, v6  }
0x36: {  	v50 =	vand.u32 $0xFF, v5;
	v1 =	vsel vm2, v2, v1;
	v2 =	vsel vm10, $0x103, v3  }
0x37: {  	vm4 =	vcmask $0x2724;
	v3 =	vimm.s32 $0x13F;
	v2 =	vsel vm9, $0x104, v2  }
0x38: {  	v5 =	vimm.s32 $0x32107654;
	v3 =	vsel vm15, $0x131, v3;
	v2 =	vsel vm8, $0x105, v2  }
0x39: {  	v6 =	vimm.s32 $0xEFCDAB89;
	v3 =	vsel vm14, $0x132, v3;
	v2 =	vsel vm7, $0x106, v2  }
0x3a: {  	v1 =	vsel vm3, v4, v1;
	v3 =	vsel vm12, $0x133, v3;
	v2 =	vsel vm6, $0x107, v2  }
0x3b: {  	vm3 =	vcmask $0x2B28;
	v3 =	vsel vm11, $0x134, v3;
	v2 =	vsel vm4, $0x108, v2  }
0x3c: {  	vm2 =	vcmask $0x2F2C;
	v3 =	vsel vm10, $0x135, v3;
	v2 =	vsel vm3, $0x109, v2  }
0x3d: {  	v1 =	vsel vm0, $0xFD, v1;
	v3 =	vsel vm9, $0x136, v3;
	v2 =	vsel vm2, $0x10A, v2  }
0x3e: {  	v1 =	vsel vm1, $0xFE, v1;
	v3 =	vsel vm8, $0x137, v3;
	v2 =	vsel vm0, $0x10B, v2  }
0x3f: {  	v51 =	vand.u32 $0xFF, v1;
	v1 =	vsel vm1, $0x10C, v2;
	v2 =	vsel vm7, $0x138, v3  }
0x40: {  	v5 =	vunpack.c.l.s4.s8 v5;
	v3 =	vimm.s32 $0x14E;
	v2 =	vsel vm6, $0x139, v2  }
0x41: {  	v52 =	vsel vm5, $0x10D, v1;
	v1 =	vsel vm4, $0x13A, v2;
	v2 =	vsel vm13, $0x140, v3  }
0x42: {  	v3 =	vimm.s32 $0x17F;
	v1 =	vsel vm3, $0x13B, v1;
	v2 =	vsel vm12, $0x141, v2  }
0x43: {  	v3 =	vsel vm15, $0x171, v3;
	v1 =	vsel vm2, $0x13C, v1;
	v2 =	vsel vm11, $0x142, v2  }
0x44: {  	v3 =	vsel vm14, $0x172, v3;
	v1 =	vsel vm0, $0x13D, v1;
	v2 =	vsel vm10, $0x143, v2  }
0x45: {  	v53 =	vsel vm1, $0x13E, v1;
	v1 =	vsel vm9, $0x144, v2;
	v2 =	vsel vm12, $0x173, v3  }
0x46: {  	v3 =	vimm.s32 $0x18E;
	v1 =	vsel vm8, $0x145, v1;
	v2 =	vsel vm11, $0x174, v2  }
0x47: {  	v3 =	vsel vm13, $0x180, v3;
	v1 =	vsel vm7, $0x146, v1;
	v2 =	vsel vm10, $0x175, v2  }
0x48: {  	v3 =	vsel vm12, $0x181, v3;
	v1 =	vsel vm6, $0x147, v1;
	v2 =	vsel vm9, $0x176, v2  }
0x49: {  	v3 =	vsel vm11, $0x182, v3;
	v1 =	vsel vm4, $0x148, v1;
	v2 =	vsel vm8, $0x177, v2  }
0x4a: {  	v3 =	vsel vm10, $0x183, v3;
	v1 =	vsel vm3, $0x149, v1;
	v2 =	vsel vm7, $0x178, v2  }
0x4b: {  	v3 =	vsel vm9, $0x184, v3;
	v1 =	vsel vm2, $0x14A, v1;
	v2 =	vsel vm6, $0x179, v2  }
0x4c: {  	v3 =	vsel vm8, $0x185, v3;
	v1 =	vsel vm0, $0x14B, v1;
	v2 =	vsel vm4, $0x17A, v2  }
0x4d: {  	v3 =	vsel vm7, $0x186, v3;
	v1 =	vsel vm1, $0x14C, v1;
	v2 =	vsel vm3, $0x17B, v2  }
0x4e: {  	v54 =	vsel vm5, $0x14D, v1;
	v1 =	vsel vm2, $0x17C, v2;
	v2 =	vsel vm6, $0x187, v3  }
0x4f: {  	v4 =	vimm.s32 $0x76543210;
	v3 =	vimm.s32 $0xFEDCBA98;
	v2 =	vsel vm4, $0x188, v2  }
0x50: {  	v1 =	vsel vm0, $0x17D, v1;
	v3 =	vunpack.c.l.s4.s8 v3;
	v2 =	vsel vm3, $0x189, v2  }
0x51: {  	s28 =	simm.s32 $0x1;
	s29 =	simm.s32 $0x1200;
	s9 =	smul.u32 $0x120, s9;
	v55 =	vsel vm1, $0x17E, v1;
	v1 =	vsel vm2, $0x18A, v2;
	v2 =	vunpack.c.l.s4.s8 v4  }
0x52: {  	s31 =	simm.s32 $0x6680;
	s8 =	smul.u32 $0x120, s8;
	s21 =	srdreg.scid;
	v3 =	vunpack.c.0.s8.s32 v3;
	v4 =	vimm.s32 $0xBA98FEDC;
	v1 =	vsel vm0, $0x18B, v1  }
0x53: {  	p0 =	seq.s32 s0, $0x0;
	s30 =	smul.u32 $0x120, s6;
	s2 =	sand.u32 $0x1, s21;
	v4 =	vunpack.c.l.s4.s8 v4;
	v2 =	vunpack.c.0.s8.s32 v2;
	v1 =	vsel vm1, $0x18C, v1  }
0x54: {  	s6 =	sshrl.u32 s9, $0x2;
	s22 =	sshll.u32 s2, $0x1;
	s23 =	sshrl.u32 s14, $0x3;
	v3 =	vand.u32 $0xF, v3;
	v57 =	vsel vm5, $0x18D, v1;
	v1 =	vunpack.c.l.s4.s8 v6  }
0x55: {  	s15 =	smul.u32 $0x120, s7;
	s7 =	sshrl.u32 s8, $0x2;
	s16 =	sor.u32 s23, s22;
	v6 =	vunpack.c.l.s4.s8 v7;
	v56 =	vcombine.low v3, v2;
	v2 =	vunpack.c.0.s8.s32 v4  }
0x56: {  	s9 =	sshrl.u32 s30, $0x2;
	s2 =	ssub.s32 $0x2, s2;
	s3 =	smul.u32 $0x1200, s16;
	v3 =	vimm.s32 $0xDCFE98BA;
	v4 =	vunpack.c.0.s8.s32 v5;
	v5 =	vimm.s32 $0x54761032  }
0x57: {  	s14 =	sadd.s32 $0x6A00, s4;
	s22 =	sshll.u32 s0, $0x7;
	s21 =	smul.u32 $0x1400, s16;
	v10 =	vadd.s32 $0xD1, v0;
	v3 =	vunpack.c.l.s4.s8 v3;
	v5 =	vunpack.c.l.s4.s8 v5  }
0x58: {  	s12 =	smul.u32 $0x120, s12;
	s23 =	sshll.u32 s16, $0x7;
	s25 =	sshrl.u32 s2, $0x1;
	v8 =	vadd.s32 $0xC1, v0;
	v1 =	vunpack.c.0.s8.s32 v1;
	v6 =	vunpack.c.0.s8.s32 v6  }
0x59: {  	s17 =	sadd.s32 s3, s4;
	s18 =	sadd.s32 $0x5600, s4;
	s3 =	smul.u32 $0x240, s0;
	v2 =	vcombine.low v4, v2;
	v3 =	vunpack.c.0.s8.s32 v3;
	v4 =	vunpack.c.0.s8.s32 v5  }
0x5a: {  	s19 =	sadd.s32 $0x6000, s4;
	s4 =	ssub.s32 s2, s25;
	s26 =	smul.u32 $0x120, s5;
	v5 =	vimm.s32 $0x1BF;
	v1 =	vcombine.low v6, v1;
	v6 =	vimm.s32 $0x1FF  }
0x5b: {  	s20 =	smul.u32 $0x120, s10;
	s10 =	sshrl.u32 s15, $0x2;
	s15 =	sor.u32 s22, s21;
	v7 =	vadd.s32 $0xAF, v0;
	v5 =	vsel vm15, $0x1B1, v5;
	v6 =	vsel vm15, $0x1F1, v6  }
0x5c: {  	s25 =	sadd.s32 $0xE00, s17;
	s15 =	sshrl.u32 s15, $0x3;
	s5 =	sadd.s32 $0xFFFFFFB8, s3;
	v61 =	vand.u32 $0xF, v2;
	v2 =	vadd.s32 $0x81, v0;
	v3 =	vcombine.low v4, v3  }
0x5d: {  	s8 =	sshrl.u32 s26, $0x2;
	s11 =	sshrl.u32 s20, $0x2;
	s20 =	sshll.u32 s16, $0xA;
	v4 =	vimm.s32 $0x1CE;
	v5 =	vsel vm14, $0x1B2, v5;
	v6 =	vsel vm14, $0x1F2, v6  }
0x5e: {  	s26 =	smul.u32 $0x280, s16;
	s30 =	sadd.s32 s18, s15;
	s15 =	sadd.s32 s19, s15;
	v63 =	vand.u32 $0xF, v1;
	v1 =	vadd.s32 $0x6F, v0;
	v4 =	vsel vm13, $0x1C0, v4  }
0x5f: {  	[dreg:$0x4] =	wrdreg s25;
	s5 =	simm.s32 @p0 $0x0;
	s2 =	sor.u32 s22, s20;
	v5 =	vsel vm12, $0x1B3, v5;
	v6 =	vsel vm12, $0x1F3, v6;
	v4 =	vsel vm12, $0x1C1, v4  }
0x60: {  	p0 =	seq.s32 s0, $0x7;
	s20 =	sshll.u32 s16, $0x4;
	s16 =	simm.s32 $0x8A80;
	v5 =	vsel vm11, $0x1B4, v5;
	v6 =	vsel vm11, $0x1F4, v6;
	v4 =	vsel vm11, $0x1C2, v4  }
0x61: {  	s2 =	sshrl.u32 s2, $0x3;
	s18 =	sadd.s32 s18, s26;
	s19 =	sadd.s32 s19, s26;
	v62 =	vand.u32 $0xF, v3;
	v5 =	vsel vm10, $0x1B5, v5;
	v4 =	vsel vm10, $0x1C3, v4  }
0x62: {  	s1 =	sadd.s32 s1, s20;
	s22 =	sadd.s32 s13, s20;
	[dreg:$0x9] =	wrdreg s18;
	v3 =	vadd.s32 $0x8F, v0;
	v5 =	vsel vm9, $0x1B6, v5;
	v4 =	vsel vm9, $0x1C4, v4  }
0x63: {  	s13 =	smov.u32 s15;
	s26 =	sadd.s32 $0xE20, s17;
	[dreg:$0xa] =	wrdreg s19;
	v6 =	vsel vm10, $0x1F5, v6;
	v5 =	vsel vm8, $0x1B7, v5;
	v4 =	vsel vm8, $0x1C5, v4  }
0x64: {  	s20 =	simm.s32 $0x8B80;
	s21 =	sadd.s32 s14, s2;
	[dreg:$0xb] =	wrdreg s1;
	v6 =	vsel vm9, $0x1F6, v6;
	v5 =	vsel vm7, $0x1B8, v5;
	v4 =	vsel vm7, $0x1C6, v4  }
0x65: {  	s2 =	sadd.s32 s14, s23;
	s18 =	sadd.s32 $0x240, s3;
	[dreg:$0xc] =	wrdreg s22;
	v6 =	vsel vm8, $0x1F7, v6;
	v5 =	vsel vm6, $0x1B9, v5;
	v4 =	vsel vm6, $0x1C7, v4  }
0x66: {  	s19 =	sshrl.u32 s12, $0x2;
	s12 =	smov.u32 s30;
	[dreg:$0xe] =	wrdreg s26;
	v6 =	vsel vm7, $0x1F8, v6;
	v5 =	vsel vm4, $0x1BA, v5;
	v4 =	vsel vm4, $0x1C8, v4  }
0x67: {  	s23 =	sadd.s32 $0xE10, s17;
	s30 =	smax.u32 s4, $0x1;
	[dreg:$0x8] =	wrdreg s13;
	v6 =	vsel vm6, $0x1F9, v6;
	v5 =	vsel vm3, $0x1BB, v5;
	v4 =	vsel vm3, $0x1C9, v4  }
.Ltmp0:
0x68: {  	s17 =	simm.s32 $0x8B00;
	[dreg:$0x6] =	wrdreg s2;
	v6 =	vsel vm4, $0x1FA, v6;
	v5 =	vsel vm2, $0x1BC, v5;
	v4 =	vsel vm2, $0x1CA, v4;
	(pc) =	sbr.rel .LBB2_1-.Ltmp0, $4  }
0x69: {  	[tilespmem:$0x1FFC0] =	vst v22;
	s22 =	simm.s32 $0x8C80;
	s26 =	simm.s32 $0x400;
	[dreg:$0xd] =	wrdreg s23;
	v6 =	vsel vm3, $0x1FB, v6;
	v5 =	vsel vm0, $0x1BD, v5;
	v4 =	vsel vm0, $0x1CB, v4  }
0x6a: {  	[tilespmem:$0x1FFD0] =	vst v23;
	s18 =	simm.s32 @p0 $0x11B8;
	[dreg:$0xf] =	wrdreg s30;
	s4 =	smov.u32 s21;
	v6 =	vsel vm2, $0x1FC, v6;
	v58 =	vsel vm1, $0x1BE, v5;
	v4 =	vsel vm1, $0x1CC, v4  }
0x6b: {  	[tilespmem:$0x1FFE0] =	vst v24;
	p0 =	sne.s32 s0, $0x0;
	s21 =	simm.s32 $0x8C00;
	[dreg:$0x7] =	wrdreg s12;
	v5 =	vadd.s32 $0x9F, v0;
	v59 =	vsel vm5, $0x1CD, v4;
	v4 =	vsel vm0, $0x1FD, v6  }
0x6c: {  	[tilespmem:$0x1FFF0] =	vst v25;
	s23 =	simm.s32 $0x4580;
	s0 =	simm.s32 $0x0;
	[dreg:$0x5] =	wrdreg s4;
	v12 =	vpop (erf);
	v6 =	vadd.s32 $0xA1, v0;
	v60 =	vsel vm1, $0x1FE, v4;
	v4 =	vadd.s32 $0x91, v0  }
.LBB2_68:
0x6d: {  	v15 =	vld [tilespmem:$0x8C00]  }
0x6e: {  	v16 =	vld [tilespmem:$0x8C80];
	_ =	sdelay $0x3  }
0x6f: {  	vm0 =	vgt.f32 v15, $0.0e+00  }
0x70: {  	v16 =	vnsel vm0, $0x0, v16  }
0x71: {  	v17 =	vshra.s32 v16, $0x1F;
	v18 =	vand.u32 $0x3F, v16  }
0x72: {  	vm0 =	vlt.s32 v16, $0x1;
	v17 =	vshrl.u32 v17, $0x1A;
	vm1 =	vne.s32 v18, $0x0  }
0x73: {  	v21 =	vimm.s32 $0x0;
	v17 =	vadd.s32 v17, v16;
	vm0 =	vmand vm0, vm1  }
0x74: {  	v17 =	vshra.s32 v17, $0x6;
	v18 =	vsel vm0, $0xFFFFFFFF, v21  }
0x75: {  	v17 =	vadd.s32 v18, v17  }
0x76: {  	v18 =	vshll.u32 v17, $0x3  }
0x77: {  	v18 =	vadd.s32 v16, v18;
	_ =	sdelay $0x3  }
0x78: {  	s1 =	simm.s32 $0x6680  }
0x79: {  	s2 =	simm.s32 $0x7880;
	v19 =	vld.idx.msk [tilespmem:v18+s1+$0x0], $0xffff  }
0x7a: {  	v18 =	vld.idx.msk [tilespmem:v18+s2+$0x0], $0xffff  }
0x7b: {  	v20 =	vshll.u32 v17, $0x6  }
0x7c: {  	v17 =	vcvt.s32.f32 v17;
	v16 =	vsub.s32 v16, v20;
	v20 =	vmul.u32 $0x2, v0  }
0x7d: {  	v16 =	vcvt.s32.f32 v16  }
0x7e: {  	v17 =	vadd.f32 v17, v19;
	v19 =	vor.u32 $0x1, v20  }
0x7f: {  	v16 =	vadd.f32 v16, v18  }
0x80: {  	v17 =	vmul.f32 v17, v12  }
0x81: {  	s4 =	simm.s32 $0x8D80;
	[tilespmem:$0x8D00] =	vst v15;
	v15 =	vmul.f32 v16, v12  }
0x82: {  	[tilespmem:v20+s4+$0x0] =	vst.idx.msk $0xffff, v17  }
0x83: {  	[tilespmem:v19+s4+$0x0] =	vst.idx.msk $0xffff, v15  }
0x84: {  	v15 =	vld [tilespmem:$0x8C10]  }
0x85: {  	v16 =	vld [tilespmem:$0x8C90];
	_ =	sdelay $0x3  }
0x86: {  	vm14 =	vgt.f32 v15, $0.0e+00  }
0x87: {  	v16 =	vnsel vm14, $0x0, v16  }
0x88: {  	v17 =	vshra.s32 v16, $0x1F;
	v18 =	vand.u32 $0x3F, v16  }
0x89: {  	vm0 =	vlt.s32 v16, $0x1;
	v17 =	vshrl.u32 v17, $0x1A;
	vm15 =	vne.s32 v18, $0x0  }
0x8a: {  	v17 =	vadd.s32 v17, v16;
	vm0 =	vmand vm0, vm15  }
0x8b: {  	v17 =	vshra.s32 v17, $0x6;
	v18 =	vsel vm0, $0xFFFFFFFF, v21  }
0x8c: {  	v17 =	vadd.s32 v18, v17  }
0x8d: {  	v18 =	vshll.u32 v17, $0x3  }
0x8e: {  	v18 =	vadd.s32 v16, v18;
	_ =	sdelay $0x4  }
0x8f: {  	v19 =	vld.idx.msk [tilespmem:v18+s1+$0x0], $0xffff  }
0x90: {  	v18 =	vld.idx.msk [tilespmem:v18+s2+$0x0], $0xffff  }
0x91: {  	v21 =	vshll.u32 v17, $0x6  }
0x92: {  	v17 =	vcvt.s32.f32 v17;
	v16 =	vsub.s32 v16, v21  }
0x93: {  	v21 =	vor.u32 $0x20, v20;
	v16 =	vcvt.s32.f32 v16  }
0x94: {  	v17 =	vadd.f32 v17, v19;
	v19 =	vor.u32 $0x21, v20  }
0x95: {  	v16 =	vadd.f32 v16, v18  }
0x96: {  	v17 =	vmul.f32 v17, v12  }
0x97: {  	[tilespmem:$0x8D10] =	vst v15;
	v15 =	vmul.f32 v16, v12  }
0x98: {  	[tilespmem:v21+s4+$0x0] =	vst.idx.msk $0xffff, v17  }
0x99: {  	s14 =	rddreg [dreg:$0xb];
	s15 =	simm.s32 $0x8D00;
	[tilespmem:v19+s4+$0x0] =	vst.idx.msk $0xffff, v15  }
0x9a: {  	[hbm4b:s14+s24] =	stream.linear.scatter [tilespmem:s15], [sflag:$0x1], $0x80, $0x38;
	[tilespmem:$0x8E00] =	vst v63  }
0x9b: {  	_ =	swait.ge [sflag:s28], $0x80  }
0x9c: {  	[sflag:s28] =	ssyncset.done $0x0  }
0x9d: {  	s30 =	rddreg [dreg:$0xc];
	[sflag:s28] =	ssyncadd.s32 $0xFFFFFF80  }
0x9e: {  	[hbm4b:s30+s24] =	stream.linear.scatter [tilespmem:s4], [sflag:$0x1], $0x80, $0x38;
	[tilespmem:$0x8E00] =	vst v63  }
0x9f: {  	_ =	swait.ge [sflag:s28], $0x80  }
0xa0: {  	v22 =	vld [tilespmem:$0x1FFC0]  }
0xa1: {  	v19 =	vmov v23;
	v23 =	vld [tilespmem:$0x1FFD0];
	s4 =	rddreg [dreg:$0x5]  }
0xa2: {  	v20 =	vmov v24;
	[sflag:s28] =	ssyncset.done $0x0;
	v24 =	vld [tilespmem:$0x1FFE0];
	s12 =	rddreg [dreg:$0x7]  }
0xa3: {  	s31 =	simm.s32 $0x6680;
	v21 =	vmov v25;
	v25 =	vld [tilespmem:$0x1FFF0];
	s13 =	rddreg [dreg:$0x8];
	[sflag:s28] =	ssyncadd.s32 $0xFFFFFF80  }
.LBB2_69:
0xa4: {  	s0 =	sadd.s32 $0x1, s0;
	s1 =	rddreg [dreg:$0xf]  }
0xa5: {  	p1 =	sne.s32 s0, s1  }
.Ltmp1:
0xa6: {  	_ = 	snop;
	(pc) =	sbr.rel @!p1 .LBB2_70-.Ltmp1, $1  }
0xa7: {  	_ =	sdelay $0x3  }
.LBB2_1:
0xa8: {  	s14 =	simm.s32 $0x80  }
0xa9: {  	[tilespmem:s24], [sflag:$0x1] =	stream.strided.gather [hbm4b:s25+s14], $0x1200, s26, s14, $0x38;
	[tilespmem:$0x8E00] =	vst v63  }
0xaa: {  	_ =	swait.ge [sflag:s28], $0x1200  }
0xab: {  	[sflag:s28] =	ssyncset.done $0x0  }
0xac: {  	[sflag:s28] =	ssyncadd.s32 $0xFFFFEE00  }
0xad: {  	v15 =	vld [tilespmem:s5+$0x0]  }
0xae: {  	v16 =	vld [tilespmem:s3+$0x0]  }
0xaf: {  	v17 =	vld [tilespmem:s6+$0x0];
	_ =	sdelay $0x3  }
0xb0: {  	v15 =	vmax.f32 v15, v16  }
0xb1: {  	v15 =	vmax.f32 v15, v17  }
0xb2: {  	[tilespmem:$0x1200] =	vst v15  }
0xb3: {  	v16 =	vld [tilespmem:s5+$0x10]  }
0xb4: {  	v17 =	vld [tilespmem:s3+$0x10]  }
0xb5: {  	v18 =	vld [tilespmem:s6+$0x10];
	_ =	sdelay $0x3  }
0xb6: {  	v16 =	vmax.f32 v16, v17  }
0xb7: {  	v16 =	vmax.f32 v16, v18  }
0xb8: {  	[tilespmem:$0x1210] =	vst v16  }
0xb9: {  	v16 =	vld [tilespmem:s5+$0x20]  }
0xba: {  	v17 =	vld [tilespmem:s3+$0x20]  }
0xbb: {  	v18 =	vld [tilespmem:s6+$0x20];
	_ =	sdelay $0x3  }
0xbc: {  	v16 =	vmax.f32 v16, v17  }
0xbd: {  	v16 =	vmax.f32 v16, v18  }
0xbe: {  	[tilespmem:$0x1220] =	vst v16  }
0xbf: {  	v16 =	vld [tilespmem:s5+$0x30]  }
0xc0: {  	v17 =	vld [tilespmem:s3+$0x30]  }
0xc1: {  	v18 =	vld [tilespmem:s6+$0x30];
	_ =	sdelay $0x3  }
0xc2: {  	v16 =	vmax.f32 v16, v17  }
0xc3: {  	v16 =	vmax.f32 v16, v18  }
0xc4: {  	[tilespmem:$0x1230] =	vst v16  }
0xc5: {  	v16 =	vld [tilespmem:s3+$0x0]  }
0xc6: {  	v17 =	vld [tilespmem:s6+$0x0]  }
0xc7: {  	v18 =	vld [tilespmem:s7+$0x0];
	_ =	sdelay $0x3  }
0xc8: {  	v16 =	vmax.f32 v16, v17  }
0xc9: {  	v16 =	vmax.f32 v16, v18  }
0xca: {  	[tilespmem:$0x1240] =	vst v16  }
0xcb: {  	v16 =	vld [tilespmem:s3+$0x10]  }
0xcc: {  	v17 =	vld [tilespmem:s6+$0x10]  }
0xcd: {  	v18 =	vld [tilespmem:s7+$0x10];
	_ =	sdelay $0x3  }
0xce: {  	v16 =	vmax.f32 v16, v17  }
0xcf: {  	v16 =	vmax.f32 v16, v18  }
0xd0: {  	[tilespmem:$0x1250] =	vst v16  }
0xd1: {  	v16 =	vld [tilespmem:s3+$0x20]  }
0xd2: {  	v17 =	vld [tilespmem:s6+$0x20]  }
0xd3: {  	v18 =	vld [tilespmem:s7+$0x20];
	_ =	sdelay $0x3  }
0xd4: {  	v16 =	vmax.f32 v16, v17  }
0xd5: {  	v16 =	vmax.f32 v16, v18  }
0xd6: {  	[tilespmem:$0x1260] =	vst v16  }
0xd7: {  	v16 =	vld [tilespmem:s3+$0x30]  }
0xd8: {  	v17 =	vld [tilespmem:s6+$0x30]  }
0xd9: {  	v18 =	vld [tilespmem:s7+$0x30];
	_ =	sdelay $0x3  }
0xda: {  	v16 =	vmax.f32 v16, v17  }
0xdb: {  	v16 =	vmax.f32 v16, v18  }
0xdc: {  	[tilespmem:$0x1270] =	vst v16  }
0xdd: {  	v16 =	vld [tilespmem:s6+$0x0]  }
0xde: {  	v17 =	vld [tilespmem:s7+$0x0]  }
0xdf: {  	v18 =	vld [tilespmem:s8+$0x0];
	_ =	sdelay $0x3  }
0xe0: {  	v16 =	vmax.f32 v16, v17  }
0xe1: {  	v16 =	vmax.f32 v16, v18  }
0xe2: {  	[tilespmem:$0x1280] =	vst v16  }
0xe3: {  	v16 =	vld [tilespmem:s6+$0x10]  }
0xe4: {  	v17 =	vld [tilespmem:s7+$0x10]  }
0xe5: {  	v18 =	vld [tilespmem:s8+$0x10];
	_ =	sdelay $0x3  }
0xe6: {  	v16 =	vmax.f32 v16, v17  }
0xe7: {  	v16 =	vmax.f32 v16, v18  }
0xe8: {  	[tilespmem:$0x1290] =	vst v16  }
0xe9: {  	v16 =	vld [tilespmem:s6+$0x20]  }
0xea: {  	v17 =	vld [tilespmem:s7+$0x20]  }
0xeb: {  	v18 =	vld [tilespmem:s8+$0x20];
	_ =	sdelay $0x3  }
0xec: {  	v16 =	vmax.f32 v16, v17  }
0xed: {  	v16 =	vmax.f32 v16, v18  }
0xee: {  	[tilespmem:$0x12A0] =	vst v16  }
0xef: {  	v16 =	vld [tilespmem:s6+$0x30]  }
0xf0: {  	v17 =	vld [tilespmem:s7+$0x30]  }
0xf1: {  	v18 =	vld [tilespmem:s8+$0x30];
	_ =	sdelay $0x3  }
0xf2: {  	v16 =	vmax.f32 v16, v17  }
0xf3: {  	v16 =	vmax.f32 v16, v18  }
0xf4: {  	[tilespmem:$0x12B0] =	vst v16  }
0xf5: {  	v16 =	vld [tilespmem:s7+$0x0]  }
0xf6: {  	v17 =	vld [tilespmem:s8+$0x0]  }
0xf7: {  	v18 =	vld [tilespmem:s9+$0x0];
	_ =	sdelay $0x3  }
0xf8: {  	v16 =	vmax.f32 v16, v17  }
0xf9: {  	v16 =	vmax.f32 v16, v18  }
0xfa: {  	[tilespmem:$0x12C0] =	vst v16  }
0xfb: {  	v16 =	vld [tilespmem:s7+$0x10]  }
0xfc: {  	v17 =	vld [tilespmem:s8+$0x10]  }
0xfd: {  	v18 =	vld [tilespmem:s9+$0x10];
	_ =	sdelay $0x3  }
0xfe: {  	v16 =	vmax.f32 v16, v17  }
0xff: {  	v16 =	vmax.f32 v16, v18  }
0x100: {  	[tilespmem:$0x12D0] =	vst v16  }
0x101: {  	v16 =	vld [tilespmem:s7+$0x20]  }
0x102: {  	v17 =	vld [tilespmem:s8+$0x20]  }
0x103: {  	v18 =	vld [tilespmem:s9+$0x20];
	_ =	sdelay $0x3  }
0x104: {  	v16 =	vmax.f32 v16, v17  }
0x105: {  	v16 =	vmax.f32 v16, v18  }
0x106: {  	[tilespmem:$0x12E0] =	vst v16  }
0x107: {  	v16 =	vld [tilespmem:s7+$0x30]  }
0x108: {  	v17 =	vld [tilespmem:s8+$0x30]  }
0x109: {  	v18 =	vld [tilespmem:s9+$0x30];
	_ =	sdelay $0x3  }
0x10a: {  	v16 =	vmax.f32 v16, v17  }
0x10b: {  	v16 =	vmax.f32 v16, v18  }
0x10c: {  	[tilespmem:$0x12F0] =	vst v16  }
0x10d: {  	v16 =	vld [tilespmem:s8+$0x0]  }
0x10e: {  	v17 =	vld [tilespmem:s9+$0x0]  }
0x10f: {  	v18 =	vld [tilespmem:s10+$0x0];
	_ =	sdelay $0x3  }
0x110: {  	v16 =	vmax.f32 v16, v17  }
0x111: {  	v16 =	vmax.f32 v16, v18  }
0x112: {  	[tilespmem:$0x1300] =	vst v16  }
0x113: {  	v16 =	vld [tilespmem:s8+$0x10]  }
0x114: {  	v17 =	vld [tilespmem:s9+$0x10]  }
0x115: {  	v18 =	vld [tilespmem:s10+$0x10];
	_ =	sdelay $0x3  }
0x116: {  	v16 =	vmax.f32 v16, v17  }
0x117: {  	v16 =	vmax.f32 v16, v18  }
0x118: {  	[tilespmem:$0x1310] =	vst v16  }
0x119: {  	v16 =	vld [tilespmem:s8+$0x20]  }
0x11a: {  	v17 =	vld [tilespmem:s9+$0x20]  }
0x11b: {  	v18 =	vld [tilespmem:s10+$0x20];
	_ =	sdelay $0x3  }
0x11c: {  	v16 =	vmax.f32 v16, v17  }
0x11d: {  	v16 =	vmax.f32 v16, v18  }
0x11e: {  	[tilespmem:$0x1320] =	vst v16  }
0x11f: {  	v16 =	vld [tilespmem:s8+$0x30]  }
0x120: {  	v17 =	vld [tilespmem:s9+$0x30]  }
0x121: {  	v18 =	vld [tilespmem:s10+$0x30];
	_ =	sdelay $0x3  }
0x122: {  	v16 =	vmax.f32 v16, v17  }
0x123: {  	v16 =	vmax.f32 v16, v18  }
0x124: {  	[tilespmem:$0x1330] =	vst v16  }
0x125: {  	v16 =	vld [tilespmem:s9+$0x0]  }
0x126: {  	v17 =	vld [tilespmem:s10+$0x0]  }
0x127: {  	v18 =	vld [tilespmem:s11+$0x0];
	_ =	sdelay $0x3  }
0x128: {  	v16 =	vmax.f32 v16, v17  }
0x129: {  	v16 =	vmax.f32 v16, v18  }
0x12a: {  	[tilespmem:$0x1340] =	vst v16  }
0x12b: {  	v16 =	vld [tilespmem:s9+$0x10]  }
0x12c: {  	v17 =	vld [tilespmem:s10+$0x10]  }
0x12d: {  	v18 =	vld [tilespmem:s11+$0x10];
	_ =	sdelay $0x3  }
0x12e: {  	v16 =	vmax.f32 v16, v17  }
0x12f: {  	v16 =	vmax.f32 v16, v18  }
0x130: {  	[tilespmem:$0x1350] =	vst v16  }
0x131: {  	v16 =	vld [tilespmem:s9+$0x20]  }
0x132: {  	v17 =	vld [tilespmem:s10+$0x20]  }
0x133: {  	v18 =	vld [tilespmem:s11+$0x20];
	_ =	sdelay $0x3  }
0x134: {  	v16 =	vmax.f32 v16, v17  }
0x135: {  	v16 =	vmax.f32 v16, v18  }
0x136: {  	[tilespmem:$0x1360] =	vst v16  }
0x137: {  	v16 =	vld [tilespmem:s9+$0x30]  }
0x138: {  	v17 =	vld [tilespmem:s10+$0x30]  }
0x139: {  	v18 =	vld [tilespmem:s11+$0x30];
	_ =	sdelay $0x3  }
0x13a: {  	v16 =	vmax.f32 v16, v17  }
0x13b: {  	v16 =	vmax.f32 v16, v18  }
0x13c: {  	[tilespmem:$0x1370] =	vst v16  }
0x13d: {  	v16 =	vld [tilespmem:s10+$0x0]  }
0x13e: {  	v17 =	vld [tilespmem:s11+$0x0]  }
0x13f: {  	v18 =	vld [tilespmem:s19+$0x0];
	_ =	sdelay $0x3  }
0x140: {  	v16 =	vmax.f32 v16, v17  }
0x141: {  	v16 =	vmax.f32 v16, v18  }
0x142: {  	[tilespmem:$0x1380] =	vst v16  }
0x143: {  	v16 =	vld [tilespmem:s10+$0x10]  }
0x144: {  	v17 =	vld [tilespmem:s11+$0x10]  }
0x145: {  	v18 =	vld [tilespmem:s19+$0x10];
	_ =	sdelay $0x3  }
0x146: {  	v16 =	vmax.f32 v16, v17  }
0x147: {  	v16 =	vmax.f32 v16, v18  }
0x148: {  	[tilespmem:$0x1390] =	vst v16  }
0x149: {  	v16 =	vld [tilespmem:s10+$0x20]  }
0x14a: {  	v17 =	vld [tilespmem:s11+$0x20]  }
0x14b: {  	v18 =	vld [tilespmem:s19+$0x20];
	_ =	sdelay $0x3  }
0x14c: {  	v16 =	vmax.f32 v16, v17  }
0x14d: {  	v16 =	vmax.f32 v16, v18  }
0x14e: {  	[tilespmem:$0x13A0] =	vst v16  }
0x14f: {  	v16 =	vld [tilespmem:s10+$0x30]  }
0x150: {  	v17 =	vld [tilespmem:s11+$0x30]  }
0x151: {  	v18 =	vld [tilespmem:s19+$0x30];
	_ =	sdelay $0x3  }
0x152: {  	v16 =	vmax.f32 v16, v17  }
0x153: {  	v16 =	vmax.f32 v16, v18  }
0x154: {  	[tilespmem:$0x13B0] =	vst v16  }
0x155: {  	v16 =	vld [tilespmem:s11+$0x0]  }
0x156: {  	v17 =	vld [tilespmem:s19+$0x0]  }
0x157: {  	v18 =	vld [tilespmem:s18+$0x0];
	_ =	sdelay $0x3  }
0x158: {  	v16 =	vmax.f32 v16, v17  }
0x159: {  	v16 =	vmax.f32 v16, v18  }
0x15a: {  	[tilespmem:$0x13C0] =	vst v16  }
0x15b: {  	v16 =	vld [tilespmem:s11+$0x10]  }
0x15c: {  	v17 =	vld [tilespmem:s19+$0x10]  }
0x15d: {  	v18 =	vld [tilespmem:s18+$0x10];
	_ =	sdelay $0x3  }
0x15e: {  	v16 =	vmax.f32 v16, v17  }
0x15f: {  	v16 =	vmax.f32 v16, v18  }
0x160: {  	[tilespmem:$0x13D0] =	vst v16  }
0x161: {  	v16 =	vld [tilespmem:s11+$0x20]  }
0x162: {  	v17 =	vld [tilespmem:s19+$0x20]  }
0x163: {  	v18 =	vld [tilespmem:s18+$0x20];
	_ =	sdelay $0x3  }
0x164: {  	v16 =	vmax.f32 v16, v17  }
0x165: {  	v16 =	vmax.f32 v16, v18  }
0x166: {  	[tilespmem:$0x13E0] =	vst v16  }
0x167: {  	v16 =	vld [tilespmem:s11+$0x30]  }
0x168: {  	v17 =	vld [tilespmem:s19+$0x30]  }
0x169: {  	v18 =	vld [tilespmem:s18+$0x30];
	_ =	sdelay $0x3  }
0x16a: {  	v16 =	vmax.f32 v16, v17  }
0x16b: {  	v16 =	vmax.f32 v16, v18  }
0x16c: {  	[tilespmem:$0x13F0] =	vst v16  }
0x16d: {  	v16 =	vld.idx.msk [tilespmem:v33+s29+$0x0], $0xffff  }
0x16e: {  	v17 =	vld.idx.msk [tilespmem:v34+s29+$0x0], $0xffff  }
0x16f: {  	v18 =	vld [tilespmem:s3+$0x0];
	_ =	sdelay $0x2  }
0x170: {  	v15 =	vmax.f32 v16, v15  }
0x171: {  	v15 =	vmax.f32 v15, v17  }
0x172: {  	vm1 =	vgt.f32 v18, $9.999999770e-03;
	vm0 =	veq.f32 v18, v15  }
0x173: {  	s15 =	simm.s32 $0x1400;
	vm0 =	vmand vm1, vm0  }
0x174: {  	s30 =	simm.s32 $0x1680;
	[tilespmem:s15+$0x0] =	vst.msk vm0, v18;
	v15 =	vmpcnt.ones.xlane vm0  }
0x175: {  	[tilespmem:s30+$0x0] =	vst.msk vm0, v19  }
0x176: {  	v16 =	vld [tilespmem:$0x1210];
	(v2sf) =	vpush v15, $0x0  }
0x177: {  	v15 =	vld.idx.msk [tilespmem:v35+s29+$0x0], $0xffff  }
0x178: {  	v17 =	vld.idx.msk [tilespmem:v36+s29+$0x0], $0xffff  }
0x179: {  	v18 =	vld [tilespmem:s3+$0x10];
	_ =	sdelay $0x2  }
0x17a: {  	v15 =	vmax.f32 v15, v16  }
0x17b: {  	v15 =	vmax.f32 v15, v17  }
0x17c: {  	vm15 =	vgt.f32 v18, $9.999999770e-03;
	vm14 =	veq.f32 v18, v15  }
0x17d: {  	vm0 =	vmand vm15, vm14  }
0x17e: {  	v15 =	vmpcnt.ones.xlane vm0;
	_ =	sdelay $0x1  }
0x17f: {  	(v2sf) =	vpush v15, $0x0;
	_ =	sdelay $0x2  }
0x180: {  	s1 =	spop (v2sf)  }
0x181: {  	[tilespmem:s1+$0x1400] =	vst.msk vm0, v18  }
0x182: {  	[tilespmem:s1+$0x1680] =	vst.msk vm0, v20  }
0x183: {  	v15 =	vld [tilespmem:$0x1220]  }
0x184: {  	v16 =	vld.idx.msk [tilespmem:v37+s29+$0x0], $0xffff  }
0x185: {  	v17 =	vld.idx.msk [tilespmem:v38+s29+$0x0], $0xffff  }
0x186: {  	v18 =	vld [tilespmem:s3+$0x20];
	_ =	sdelay $0x2  }
0x187: {  	v15 =	vmax.f32 v16, v15  }
0x188: {  	v15 =	vmax.f32 v15, v17  }
0x189: {  	vm5 =	vgt.f32 v18, $9.999999770e-03;
	vm4 =	veq.f32 v18, v15  }
0x18a: {  	s2 =	spop (v2sf);
	vm0 =	vmand vm5, vm4  }
0x18b: {  	s1 =	sadd.s32 s1, s2;
	v15 =	vmpcnt.ones.xlane vm0  }
0x18c: {  	[tilespmem:s1+$0x1400] =	vst.msk vm0, v18  }
0x18d: {  	[tilespmem:s1+$0x1680] =	vst.msk vm0, v21;
	(v2sf) =	vpush v15, $0x0  }
0x18e: {  	v15 =	vld [tilespmem:$0x1230]  }
0x18f: {  	v16 =	vld.idx.msk [tilespmem:v39+s29+$0x0], $0xffff  }
0x190: {  	v17 =	vld.idx.msk [tilespmem:v40+s29+$0x0], $0xffff  }
0x191: {  	v18 =	vld [tilespmem:s3+$0x30];
	_ =	sdelay $0x2  }
0x192: {  	v15 =	vmax.f32 v16, v15  }
0x193: {  	v15 =	vmax.f32 v15, v17  }
0x194: {  	vm7 =	vgt.f32 v18, $9.999999770e-03;
	vm6 =	veq.f32 v18, v15  }
0x195: {  	vm0 =	vmand vm7, vm6  }
0x196: {  	v15 =	vmpcnt.ones.xlane vm0;
	_ =	sdelay $0x1  }
0x197: {  	(v2sf) =	vpush v15, $0x0;
	_ =	sdelay $0x1  }
0x198: {  	s2 =	spop (v2sf)  }
0x199: {  	s1 =	sadd.s32 s1, s2  }
0x19a: {  	[tilespmem:s1+$0x1400] =	vst.msk vm0, v18  }
0x19b: {  	[tilespmem:s1+$0x1680] =	vst.msk vm0, v22  }
0x19c: {  	v15 =	vld [tilespmem:$0x1240]  }
0x19d: {  	v16 =	vld.idx.msk [tilespmem:v41+s29+$0x0], $0xffff  }
0x19e: {  	v17 =	vld.idx.msk [tilespmem:v42+s29+$0x0], $0xffff  }
0x19f: {  	v18 =	vld [tilespmem:s6+$0x0];
	_ =	sdelay $0x2  }
0x1a0: {  	v15 =	vmax.f32 v16, v15  }
0x1a1: {  	v15 =	vmax.f32 v15, v17  }
0x1a2: {  	vm9 =	vgt.f32 v18, $9.999999770e-03;
	vm8 =	veq.f32 v18, v15  }
0x1a3: {  	s2 =	spop (v2sf);
	vm0 =	vmand vm9, vm8  }
0x1a4: {  	s1 =	sadd.s32 s1, s2;
	v15 =	vmpcnt.ones.xlane vm0  }
0x1a5: {  	[tilespmem:s1+$0x1400] =	vst.msk vm0, v18  }
0x1a6: {  	[tilespmem:s1+$0x1680] =	vst.msk vm0, v23;
	(v2sf) =	vpush v15, $0x0  }
0x1a7: {  	v15 =	vld [tilespmem:$0x1250]  }
0x1a8: {  	v16 =	vld.idx.msk [tilespmem:v43+s29+$0x0], $0xffff  }
0x1a9: {  	v17 =	vld.idx.msk [tilespmem:v44+s29+$0x0], $0xffff  }
0x1aa: {  	v18 =	vld [tilespmem:s6+$0x10];
	_ =	sdelay $0x2  }
0x1ab: {  	v15 =	vmax.f32 v16, v15  }
0x1ac: {  	v15 =	vmax.f32 v15, v17  }
0x1ad: {  	vm11 =	vgt.f32 v18, $9.999999770e-03;
	vm10 =	veq.f32 v18, v15  }
0x1ae: {  	vm0 =	vmand vm11, vm10  }
0x1af: {  	v15 =	vmpcnt.ones.xlane vm0;
	_ =	sdelay $0x1  }
0x1b0: {  	(v2sf) =	vpush v15, $0x0;
	_ =	sdelay $0x1  }
0x1b1: {  	s2 =	spop (v2sf)  }
0x1b2: {  	s1 =	sadd.s32 s1, s2  }
0x1b3: {  	[tilespmem:s1+$0x1400] =	vst.msk vm0, v18  }
0x1b4: {  	[tilespmem:s1+$0x1680] =	vst.msk vm0, v24  }
0x1b5: {  	v15 =	vld [tilespmem:$0x1260]  }
0x1b6: {  	v16 =	vld.idx.msk [tilespmem:v45+s29+$0x0], $0xffff  }
0x1b7: {  	v17 =	vld.idx.msk [tilespmem:v46+s29+$0x0], $0xffff  }
0x1b8: {  	v18 =	vld [tilespmem:s6+$0x20];
	_ =	sdelay $0x2  }
0x1b9: {  	v15 =	vmax.f32 v16, v15  }
0x1ba: {  	v15 =	vmax.f32 v15, v17  }
0x1bb: {  	vm13 =	vgt.f32 v18, $9.999999770e-03;
	vm12 =	veq.f32 v18, v15  }
0x1bc: {  	s2 =	spop (v2sf);
	vm0 =	vmand vm13, vm12  }
0x1bd: {  	s1 =	sadd.s32 s1, s2;
	v15 =	vmpcnt.ones.xlane vm0  }
0x1be: {  	[tilespmem:s1+$0x1400] =	vst.msk vm0, v18  }
0x1bf: {  	[tilespmem:s1+$0x1680] =	vst.msk vm0, v25;
	(v2sf) =	vpush v15, $0x0  }
0x1c0: {  	v15 =	vld [tilespmem:$0x1270]  }
0x1c1: {  	v16 =	vld.idx.msk [tilespmem:v1+s29+$0x0], $0xffff  }
0x1c2: {  	v17 =	vld.idx.msk [tilespmem:v47+s29+$0x0], $0xffff  }
0x1c3: {  	v18 =	vld [tilespmem:s6+$0x30];
	_ =	sdelay $0x2  }
0x1c4: {  	v15 =	vmax.f32 v16, v15  }
0x1c5: {  	v15 =	vmax.f32 v15, v17  }
0x1c6: {  	vm15 =	vgt.f32 v18, $9.999999770e-03;
	vm14 =	veq.f32 v18, v15  }
0x1c7: {  	vm0 =	vmand vm15, vm14  }
0x1c8: {  	v15 =	vmpcnt.ones.xlane vm0;
	_ =	sdelay $0x1  }
0x1c9: {  	(v2sf) =	vpush v15, $0x0;
	v15 =	vld [tilespmem:$0x1FEA0];
	_ =	sdelay $0x1  }
0x1ca: {  	s2 =	spop (v2sf)  }
0x1cb: {  	s1 =	sadd.s32 s1, s2  }
0x1cc: {  	[tilespmem:s1+$0x1400] =	vst.msk vm0, v18  }
0x1cd: {  	[tilespmem:s1+$0x1680] =	vst.msk vm0, v15  }
0x1ce: {  	v15 =	vld [tilespmem:$0x1280]  }
0x1cf: {  	v16 =	vld.idx.msk [tilespmem:v48+s29+$0x0], $0xffff  }
0x1d0: {  	v17 =	vld.idx.msk [tilespmem:v2+s29+$0x0], $0xffff  }
0x1d1: {  	v18 =	vld [tilespmem:s7+$0x0];
	_ =	sdelay $0x2  }
0x1d2: {  	v15 =	vmax.f32 v16, v15  }
0x1d3: {  	v16 =	vld [tilespmem:$0x1FEB0];
	v15 =	vmax.f32 v15, v17  }
0x1d4: {  	vm5 =	vgt.f32 v18, $9.999999770e-03;
	vm4 =	veq.f32 v18, v15  }
0x1d5: {  	s2 =	spop (v2sf);
	vm0 =	vmand vm5, vm4  }
0x1d6: {  	s1 =	sadd.s32 s1, s2;
	v15 =	vmpcnt.ones.xlane vm0  }
0x1d7: {  	[tilespmem:s1+$0x1400] =	vst.msk vm0, v18  }
0x1d8: {  	[tilespmem:s1+$0x1680] =	vst.msk vm0, v16;
	(v2sf) =	vpush v15, $0x0  }
0x1d9: {  	v15 =	vld [tilespmem:$0x1290]  }
0x1da: {  	v16 =	vld.idx.msk [tilespmem:v3+s29+$0x0], $0xffff  }
0x1db: {  	v17 =	vld.idx.msk [tilespmem:v4+s29+$0x0], $0xffff  }
0x1dc: {  	v18 =	vld [tilespmem:s7+$0x10];
	_ =	sdelay $0x2  }
0x1dd: {  	v15 =	vmax.f32 v16, v15  }
0x1de: {  	v15 =	vmax.f32 v15, v17  }
0x1df: {  	vm7 =	vgt.f32 v18, $9.999999770e-03;
	vm6 =	veq.f32 v18, v15  }
0x1e0: {  	vm0 =	vmand vm7, vm6  }
0x1e1: {  	v15 =	vmpcnt.ones.xlane vm0;
	_ =	sdelay $0x1  }
0x1e2: {  	(v2sf) =	vpush v15, $0x0;
	v15 =	vld [tilespmem:$0x1FEC0];
	_ =	sdelay $0x1  }
0x1e3: {  	s2 =	spop (v2sf)  }
0x1e4: {  	s1 =	sadd.s32 s1, s2  }
0x1e5: {  	[tilespmem:s1+$0x1400] =	vst.msk vm0, v18  }
0x1e6: {  	[tilespmem:s1+$0x1680] =	vst.msk vm0, v15  }
0x1e7: {  	v15 =	vld [tilespmem:$0x12A0]  }
0x1e8: {  	v16 =	vld.idx.msk [tilespmem:v5+s29+$0x0], $0xffff  }
0x1e9: {  	v17 =	vld.idx.msk [tilespmem:v6+s29+$0x0], $0xffff  }
0x1ea: {  	v18 =	vld [tilespmem:s7+$0x20];
	_ =	sdelay $0x2  }
0x1eb: {  	v15 =	vmax.f32 v16, v15  }
0x1ec: {  	v16 =	vld [tilespmem:$0x1FED0];
	v15 =	vmax.f32 v15, v17  }
0x1ed: {  	vm9 =	vgt.f32 v18, $9.999999770e-03;
	vm8 =	veq.f32 v18, v15  }
0x1ee: {  	s2 =	spop (v2sf);
	vm0 =	vmand vm9, vm8  }
0x1ef: {  	s1 =	sadd.s32 s1, s2;
	v15 =	vmpcnt.ones.xlane vm0  }
0x1f0: {  	[tilespmem:s1+$0x1400] =	vst.msk vm0, v18  }
0x1f1: {  	[tilespmem:s1+$0x1680] =	vst.msk vm0, v16;
	(v2sf) =	vpush v15, $0x0  }
0x1f2: {  	v15 =	vld [tilespmem:$0x12B0]  }
0x1f3: {  	v16 =	vld.idx.msk [tilespmem:v7+s29+$0x0], $0xffff  }
0x1f4: {  	v17 =	vld.idx.msk [tilespmem:v49+s29+$0x0], $0xffff  }
0x1f5: {  	v18 =	vld [tilespmem:s7+$0x30];
	_ =	sdelay $0x2  }
0x1f6: {  	v15 =	vmax.f32 v16, v15  }
0x1f7: {  	v15 =	vmax.f32 v15, v17  }
0x1f8: {  	vm11 =	vgt.f32 v18, $9.999999770e-03;
	vm10 =	veq.f32 v18, v15  }
0x1f9: {  	vm0 =	vmand vm11, vm10  }
0x1fa: {  	v15 =	vmpcnt.ones.xlane vm0;
	_ =	sdelay $0x1  }
0x1fb: {  	(v2sf) =	vpush v15, $0x0;
	v15 =	vld [tilespmem:$0x1FEE0];
	_ =	sdelay $0x1  }
0x1fc: {  	s2 =	spop (v2sf)  }
0x1fd: {  	s1 =	sadd.s32 s1, s2  }
0x1fe: {  	[tilespmem:s1+$0x1400] =	vst.msk vm0, v18  }
0x1ff: {  	[tilespmem:s1+$0x1680] =	vst.msk vm0, v15  }
0x200: {  	v15 =	vld [tilespmem:$0x12C0]  }
0x201: {  	v16 =	vld.idx.msk [tilespmem:v50+s29+$0x0], $0xffff  }
0x202: {  	v17 =	vld.idx.msk [tilespmem:v8+s29+$0x0], $0xffff  }
0x203: {  	v18 =	vld [tilespmem:s8+$0x0];
	_ =	sdelay $0x2  }
0x204: {  	v15 =	vmax.f32 v16, v15  }
0x205: {  	v16 =	vld [tilespmem:$0x1FEF0];
	v15 =	vmax.f32 v15, v17  }
0x206: {  	vm13 =	vgt.f32 v18, $9.999999770e-03;
	vm12 =	veq.f32 v18, v15  }
0x207: {  	s2 =	spop (v2sf);
	vm0 =	vmand vm13, vm12  }
0x208: {  	s1 =	sadd.s32 s1, s2;
	v15 =	vmpcnt.ones.xlane vm0  }
0x209: {  	[tilespmem:s1+$0x1400] =	vst.msk vm0, v18  }
0x20a: {  	[tilespmem:s1+$0x1680] =	vst.msk vm0, v16;
	(v2sf) =	vpush v15, $0x0  }
0x20b: {  	v15 =	vld [tilespmem:$0x12D0]  }
0x20c: {  	v16 =	vld.idx.msk [tilespmem:v9+s29+$0x0], $0xffff  }
0x20d: {  	v17 =	vld.idx.msk [tilespmem:v10+s29+$0x0], $0xffff  }
0x20e: {  	v18 =	vld [tilespmem:s8+$0x10];
	_ =	sdelay $0x2  }
0x20f: {  	v15 =	vmax.f32 v16, v15  }
0x210: {  	v15 =	vmax.f32 v15, v17  }
0x211: {  	vm15 =	vgt.f32 v18, $9.999999770e-03;
	vm14 =	veq.f32 v18, v15  }
0x212: {  	vm0 =	vmand vm15, vm14  }
0x213: {  	v15 =	vmpcnt.ones.xlane vm0;
	_ =	sdelay $0x1  }
0x214: {  	(v2sf) =	vpush v15, $0x0;
	v15 =	vld [tilespmem:$0x1FF00];
	_ =	sdelay $0x1  }
0x215: {  	s2 =	spop (v2sf)  }
0x216: {  	s1 =	sadd.s32 s1, s2  }
0x217: {  	[tilespmem:s1+$0x1400] =	vst.msk vm0, v18  }
0x218: {  	[tilespmem:s1+$0x1680] =	vst.msk vm0, v15  }
0x219: {  	v15 =	vld [tilespmem:$0x12E0]  }
0x21a: {  	v16 =	vld.idx.msk [tilespmem:v11+s29+$0x0], $0xffff  }
0x21b: {  	v17 =	vld.idx.msk [tilespmem:v13+s29+$0x0], $0xffff;
	_ =	sdelay $0x1  }
0x21c: {  	v18 =	vld [tilespmem:s8+$0x20];
	_ =	sdelay $0x1  }
0x21d: {  	v15 =	vmax.f32 v16, v15  }
0x21e: {  	v15 =	vmax.f32 v15, v17;
	v17 =	vld [tilespmem:$0x1FF10];
	_ =	sdelay $0x1  }
0x21f: {  	vm5 =	vgt.f32 v18, $9.999999770e-03;
	vm4 =	veq.f32 v18, v15;
	v15 =	vadd.s32 $0xEF, v0;
	s2 =	spop (v2sf)  }
0x220: {  	vm0 =	vmand vm5, vm4;
	s1 =	sadd.s32 s1, s2  }
0x221: {  	v16 =	vmpcnt.ones.xlane vm0;
	[tilespmem:s1+$0x1400] =	vst.msk vm0, v18  }
0x222: {  	[tilespmem:s1+$0x1680] =	vst.msk vm0, v17  }
0x223: {  	(v2sf) =	vpush v16, $0x0;
	v16 =	vld [tilespmem:$0x12F0]  }
0x224: {  	v15 =	vld.idx.msk [tilespmem:v15+s29+$0x0], $0xffff  }
0x225: {  	v17 =	vld.idx.msk [tilespmem:v51+s29+$0x0], $0xffff  }
0x226: {  	v18 =	vld [tilespmem:s8+$0x30];
	_ =	sdelay $0x2  }
0x227: {  	v15 =	vmax.f32 v15, v16  }
0x228: {  	v15 =	vmax.f32 v15, v17  }
0x229: {  	vm7 =	vgt.f32 v18, $9.999999770e-03;
	vm6 =	veq.f32 v18, v15  }
0x22a: {  	vm0 =	vmand vm7, vm6  }
0x22b: {  	v15 =	vmpcnt.ones.xlane vm0;
	_ =	sdelay $0x1  }
0x22c: {  	(v2sf) =	vpush v15, $0x0  }
0x22d: {  	v16 =	vld [tilespmem:$0x1FF20];
	_ =	sdelay $0x1  }
0x22e: {  	s2 =	spop (v2sf)  }
0x22f: {  	v15 =	vadd.s32 $0x101, v0;
	s1 =	sadd.s32 s1, s2  }
0x230: {  	[tilespmem:s1+$0x1400] =	vst.msk vm0, v18  }
0x231: {  	[tilespmem:s1+$0x1680] =	vst.msk vm0, v16  }
0x232: {  	v16 =	vld [tilespmem:$0x1300]  }
0x233: {  	v17 =	vld.idx.msk [tilespmem:v52+s29+$0x0], $0xffff  }
0x234: {  	v15 =	vld.idx.msk [tilespmem:v15+s29+$0x0], $0xffff  }
0x235: {  	v18 =	vld [tilespmem:s9+$0x0];
	_ =	sdelay $0x2  }
0x236: {  	v16 =	vmax.f32 v17, v16  }
0x237: {  	v15 =	vmax.f32 v16, v15  }
0x238: {  	vm9 =	vgt.f32 v18, $9.999999770e-03;
	vm8 =	veq.f32 v18, v15;
	s2 =	spop (v2sf)  }
0x239: {  	vm0 =	vmand vm9, vm8;
	s1 =	sadd.s32 s1, s2  }
0x23a: {  	[tilespmem:s1+$0x1400] =	vst.msk vm0, v18;
	v18 =	vld [tilespmem:$0x1FF30];
	_ =	sdelay $0x1  }
0x23b: {  	v15 =	vadd.s32 $0x10F, v0  }
0x23c: {  	v16 =	vadd.s32 $0x111, v0  }
0x23d: {  	v17 =	vmpcnt.ones.xlane vm0  }
0x23e: {  	[tilespmem:s1+$0x1680] =	vst.msk vm0, v18  }
0x23f: {  	(v2sf) =	vpush v17, $0x0;
	v17 =	vld [tilespmem:$0x1310]  }
0x240: {  	v15 =	vld.idx.msk [tilespmem:v15+s29+$0x0], $0xffff  }
0x241: {  	v16 =	vld.idx.msk [tilespmem:v16+s29+$0x0], $0xffff  }
0x242: {  	v18 =	vld [tilespmem:s9+$0x10];
	_ =	sdelay $0x2  }
0x243: {  	v15 =	vmax.f32 v15, v17  }
0x244: {  	v15 =	vmax.f32 v15, v16  }
0x245: {  	vm11 =	vgt.f32 v18, $9.999999770e-03;
	vm10 =	veq.f32 v18, v15  }
0x246: {  	vm0 =	vmand vm11, vm10  }
0x247: {  	v15 =	vmpcnt.ones.xlane vm0;
	_ =	sdelay $0x1  }
0x248: {  	(v2sf) =	vpush v15, $0x0  }
0x249: {  	v17 =	vld [tilespmem:$0x1FF40];
	_ =	sdelay $0x1  }
0x24a: {  	s2 =	spop (v2sf);
	v15 =	vadd.s32 $0x11F, v0  }
0x24b: {  	v16 =	vadd.s32 $0x121, v0;
	s1 =	sadd.s32 s1, s2  }
0x24c: {  	[tilespmem:s1+$0x1400] =	vst.msk vm0, v18  }
0x24d: {  	[tilespmem:s1+$0x1680] =	vst.msk vm0, v17  }
0x24e: {  	v17 =	vld [tilespmem:$0x1320]  }
0x24f: {  	v15 =	vld.idx.msk [tilespmem:v15+s29+$0x0], $0xffff  }
0x250: {  	v16 =	vld.idx.msk [tilespmem:v16+s29+$0x0], $0xffff  }
0x251: {  	v18 =	vld [tilespmem:s9+$0x20];
	_ =	sdelay $0x2  }
0x252: {  	v15 =	vmax.f32 v15, v17;
	v17 =	vld [tilespmem:$0x1FF50]  }
0x253: {  	v15 =	vmax.f32 v15, v16  }
0x254: {  	vm13 =	vgt.f32 v18, $9.999999770e-03;
	vm12 =	veq.f32 v18, v15;
	v15 =	vadd.s32 $0x12F, v0;
	s2 =	spop (v2sf)  }
0x255: {  	vm0 =	vmand vm13, vm12;
	s1 =	sadd.s32 s1, s2  }
0x256: {  	v16 =	vmpcnt.ones.xlane vm0;
	[tilespmem:s1+$0x1400] =	vst.msk vm0, v18  }
0x257: {  	[tilespmem:s1+$0x1680] =	vst.msk vm0, v17  }
0x258: {  	(v2sf) =	vpush v16, $0x0;
	v16 =	vld [tilespmem:$0x1330]  }
0x259: {  	v15 =	vld.idx.msk [tilespmem:v15+s29+$0x0], $0xffff  }
0x25a: {  	v17 =	vld.idx.msk [tilespmem:v53+s29+$0x0], $0xffff  }
0x25b: {  	v18 =	vld [tilespmem:s9+$0x30];
	_ =	sdelay $0x2  }
0x25c: {  	v15 =	vmax.f32 v15, v16  }
0x25d: {  	v15 =	vmax.f32 v15, v17  }
0x25e: {  	vm15 =	vgt.f32 v18, $9.999999770e-03;
	vm14 =	veq.f32 v18, v15  }
0x25f: {  	vm0 =	vmand vm15, vm14  }
0x260: {  	v15 =	vmpcnt.ones.xlane vm0;
	_ =	sdelay $0x1  }
0x261: {  	(v2sf) =	vpush v15, $0x0  }
0x262: {  	v16 =	vld [tilespmem:$0x1FF60];
	_ =	sdelay $0x1  }
0x263: {  	s2 =	spop (v2sf)  }
0x264: {  	v15 =	vadd.s32 $0x141, v0;
	s1 =	sadd.s32 s1, s2  }
0x265: {  	[tilespmem:s1+$0x1400] =	vst.msk vm0, v18  }
0x266: {  	[tilespmem:s1+$0x1680] =	vst.msk vm0, v16  }
0x267: {  	v16 =	vld [tilespmem:$0x1340]  }
0x268: {  	v17 =	vld.idx.msk [tilespmem:v54+s29+$0x0], $0xffff  }
0x269: {  	v15 =	vld.idx.msk [tilespmem:v15+s29+$0x0], $0xffff  }
0x26a: {  	v18 =	vld [tilespmem:s10+$0x0];
	_ =	sdelay $0x2  }
0x26b: {  	v16 =	vmax.f32 v17, v16  }
0x26c: {  	v15 =	vmax.f32 v16, v15  }
0x26d: {  	vm5 =	vgt.f32 v18, $9.999999770e-03;
	vm4 =	veq.f32 v18, v15;
	s2 =	spop (v2sf)  }
0x26e: {  	vm0 =	vmand vm5, vm4;
	s1 =	sadd.s32 s1, s2  }
0x26f: {  	[tilespmem:s1+$0x1400] =	vst.msk vm0, v18;
	v18 =	vld [tilespmem:$0x1FF70];
	_ =	sdelay $0x1  }
0x270: {  	v15 =	vadd.s32 $0x14F, v0  }
0x271: {  	v16 =	vadd.s32 $0x151, v0  }
0x272: {  	v17 =	vmpcnt.ones.xlane vm0  }
0x273: {  	[tilespmem:s1+$0x1680] =	vst.msk vm0, v18  }
0x274: {  	(v2sf) =	vpush v17, $0x0;
	v17 =	vld [tilespmem:$0x1350]  }
0x275: {  	v15 =	vld.idx.msk [tilespmem:v15+s29+$0x0], $0xffff  }
0x276: {  	v16 =	vld.idx.msk [tilespmem:v16+s29+$0x0], $0xffff  }
0x277: {  	v18 =	vld [tilespmem:s10+$0x10];
	_ =	sdelay $0x2  }
0x278: {  	v15 =	vmax.f32 v15, v17  }
0x279: {  	v15 =	vmax.f32 v15, v16  }
0x27a: {  	vm7 =	vgt.f32 v18, $9.999999770e-03;
	vm6 =	veq.f32 v18, v15  }
0x27b: {  	vm0 =	vmand vm7, vm6  }
0x27c: {  	v15 =	vmpcnt.ones.xlane vm0;
	_ =	sdelay $0x1  }
0x27d: {  	(v2sf) =	vpush v15, $0x0  }
0x27e: {  	v17 =	vld [tilespmem:$0x1FF80];
	_ =	sdelay $0x1  }
0x27f: {  	s2 =	spop (v2sf);
	v15 =	vadd.s32 $0x15F, v0  }
0x280: {  	v16 =	vadd.s32 $0x161, v0;
	s1 =	sadd.s32 s1, s2  }
0x281: {  	[tilespmem:s1+$0x1400] =	vst.msk vm0, v18  }
0x282: {  	[tilespmem:s1+$0x1680] =	vst.msk vm0, v17  }
0x283: {  	v17 =	vld [tilespmem:$0x1360]  }
0x284: {  	v15 =	vld.idx.msk [tilespmem:v15+s29+$0x0], $0xffff  }
0x285: {  	v16 =	vld.idx.msk [tilespmem:v16+s29+$0x0], $0xffff  }
0x286: {  	v18 =	vld [tilespmem:s10+$0x20];
	_ =	sdelay $0x2  }
0x287: {  	v15 =	vmax.f32 v15, v17;
	v17 =	vld [tilespmem:$0x1FF90]  }
0x288: {  	v15 =	vmax.f32 v15, v16  }
0x289: {  	vm9 =	vgt.f32 v18, $9.999999770e-03;
	vm8 =	veq.f32 v18, v15;
	v15 =	vadd.s32 $0x16F, v0;
	s2 =	spop (v2sf)  }
0x28a: {  	vm0 =	vmand vm9, vm8;
	s1 =	sadd.s32 s1, s2  }
0x28b: {  	v16 =	vmpcnt.ones.xlane vm0;
	[tilespmem:s1+$0x1400] =	vst.msk vm0, v18  }
0x28c: {  	[tilespmem:s1+$0x1680] =	vst.msk vm0, v17  }
0x28d: {  	(v2sf) =	vpush v16, $0x0;
	v16 =	vld [tilespmem:$0x1370]  }
0x28e: {  	v15 =	vld.idx.msk [tilespmem:v15+s29+$0x0], $0xffff  }
0x28f: {  	v17 =	vld.idx.msk [tilespmem:v55+s29+$0x0], $0xffff  }
0x290: {  	v18 =	vld [tilespmem:s10+$0x30];
	_ =	sdelay $0x2  }
0x291: {  	v15 =	vmax.f32 v15, v16  }
0x292: {  	v15 =	vmax.f32 v15, v17  }
0x293: {  	vm11 =	vgt.f32 v18, $9.999999770e-03;
	vm10 =	veq.f32 v18, v15  }
0x294: {  	vm0 =	vmand vm11, vm10  }
0x295: {  	v15 =	vmpcnt.ones.xlane vm0;
	_ =	sdelay $0x1  }
0x296: {  	(v2sf) =	vpush v15, $0x0  }
0x297: {  	v16 =	vld [tilespmem:$0x1FFA0];
	_ =	sdelay $0x1  }
0x298: {  	s2 =	spop (v2sf)  }
0x299: {  	v15 =	vadd.s32 $0x181, v0;
	s1 =	sadd.s32 s1, s2  }
0x29a: {  	[tilespmem:s1+$0x1400] =	vst.msk vm0, v18  }
0x29b: {  	[tilespmem:s1+$0x1680] =	vst.msk vm0, v16  }
0x29c: {  	v16 =	vld [tilespmem:$0x1380]  }
0x29d: {  	v17 =	vld.idx.msk [tilespmem:v57+s29+$0x0], $0xffff  }
0x29e: {  	v15 =	vld.idx.msk [tilespmem:v15+s29+$0x0], $0xffff  }
0x29f: {  	v18 =	vld [tilespmem:s11+$0x0];
	_ =	sdelay $0x2  }
0x2a0: {  	v16 =	vmax.f32 v17, v16  }
0x2a1: {  	v15 =	vmax.f32 v16, v15  }
0x2a2: {  	vm13 =	vgt.f32 v18, $9.999999770e-03;
	vm12 =	veq.f32 v18, v15;
	s2 =	spop (v2sf)  }
0x2a3: {  	vm0 =	vmand vm13, vm12;
	s1 =	sadd.s32 s1, s2  }
0x2a4: {  	[tilespmem:s1+$0x1400] =	vst.msk vm0, v18;
	v18 =	vld [tilespmem:$0x1FFB0];
	_ =	sdelay $0x1  }
0x2a5: {  	v15 =	vadd.s32 $0x18F, v0  }
0x2a6: {  	v16 =	vadd.s32 $0x191, v0  }
0x2a7: {  	v17 =	vmpcnt.ones.xlane vm0  }
0x2a8: {  	[tilespmem:s1+$0x1680] =	vst.msk vm0, v18  }
0x2a9: {  	(v2sf) =	vpush v17, $0x0;
	v17 =	vld [tilespmem:$0x1390]  }
0x2aa: {  	v15 =	vld.idx.msk [tilespmem:v15+s29+$0x0], $0xffff  }
0x2ab: {  	v16 =	vld.idx.msk [tilespmem:v16+s29+$0x0], $0xffff  }
0x2ac: {  	v18 =	vld [tilespmem:s11+$0x10];
	_ =	sdelay $0x2  }
0x2ad: {  	v15 =	vmax.f32 v15, v17  }
0x2ae: {  	v15 =	vmax.f32 v15, v16  }
0x2af: {  	vm15 =	vgt.f32 v18, $9.999999770e-03;
	vm14 =	veq.f32 v18, v15  }
0x2b0: {  	vm0 =	vmand vm15, vm14  }
0x2b1: {  	v15 =	vmpcnt.ones.xlane vm0;
	_ =	sdelay $0x1  }
0x2b2: {  	(v2sf) =	vpush v15, $0x0;
	_ =	sdelay $0x2  }
0x2b3: {  	s2 =	spop (v2sf);
	v15 =	vadd.s32 $0x19F, v0  }
0x2b4: {  	v16 =	vadd.s32 $0x1A1, v0;
	s1 =	sadd.s32 s1, s2  }
0x2b5: {  	[tilespmem:s1+$0x1400] =	vst.msk vm0, v18  }
0x2b6: {  	[tilespmem:s1+$0x1680] =	vst.msk vm0, v26  }
0x2b7: {  	v17 =	vld [tilespmem:$0x13A0]  }
0x2b8: {  	v15 =	vld.idx.msk [tilespmem:v15+s29+$0x0], $0xffff  }
0x2b9: {  	v16 =	vld.idx.msk [tilespmem:v16+s29+$0x0], $0xffff  }
0x2ba: {  	v18 =	vld [tilespmem:s11+$0x20];
	_ =	sdelay $0x2  }
0x2bb: {  	v15 =	vmax.f32 v15, v17  }
0x2bc: {  	v15 =	vmax.f32 v15, v16  }
0x2bd: {  	vm5 =	vgt.f32 v18, $9.999999770e-03;
	vm4 =	veq.f32 v18, v15;
	v15 =	vadd.s32 $0x1AF, v0;
	s2 =	spop (v2sf)  }
0x2be: {  	vm0 =	vmand vm5, vm4;
	s1 =	sadd.s32 s1, s2  }
0x2bf: {  	v16 =	vmpcnt.ones.xlane vm0;
	[tilespmem:s1+$0x1400] =	vst.msk vm0, v18  }
0x2c0: {  	[tilespmem:s1+$0x1680] =	vst.msk vm0, v27  }
0x2c1: {  	(v2sf) =	vpush v16, $0x0;
	v16 =	vld [tilespmem:$0x13B0]  }
0x2c2: {  	v15 =	vld.idx.msk [tilespmem:v15+s29+$0x0], $0xffff  }
0x2c3: {  	v17 =	vld.idx.msk [tilespmem:v58+s29+$0x0], $0xffff  }
0x2c4: {  	v18 =	vld [tilespmem:s11+$0x30];
	_ =	sdelay $0x2  }
0x2c5: {  	v15 =	vmax.f32 v15, v16  }
0x2c6: {  	v15 =	vmax.f32 v15, v17  }
0x2c7: {  	vm7 =	vgt.f32 v18, $9.999999770e-03;
	vm6 =	veq.f32 v18, v15  }
0x2c8: {  	vm0 =	vmand vm7, vm6  }
0x2c9: {  	v15 =	vmpcnt.ones.xlane vm0;
	_ =	sdelay $0x1  }
0x2ca: {  	(v2sf) =	vpush v15, $0x0;
	_ =	sdelay $0x2  }
0x2cb: {  	s2 =	spop (v2sf)  }
0x2cc: {  	v15 =	vadd.s32 $0x1C1, v0;
	s1 =	sadd.s32 s1, s2  }
0x2cd: {  	[tilespmem:s1+$0x1400] =	vst.msk vm0, v18  }
0x2ce: {  	[tilespmem:s1+$0x1680] =	vst.msk vm0, v28  }
0x2cf: {  	v16 =	vld [tilespmem:$0x13C0]  }
0x2d0: {  	v17 =	vld.idx.msk [tilespmem:v59+s29+$0x0], $0xffff  }
0x2d1: {  	v15 =	vld.idx.msk [tilespmem:v15+s29+$0x0], $0xffff  }
0x2d2: {  	v18 =	vld [tilespmem:s19+$0x0];
	_ =	sdelay $0x2  }
0x2d3: {  	v16 =	vmax.f32 v17, v16  }
0x2d4: {  	v15 =	vmax.f32 v16, v15  }
0x2d5: {  	vm9 =	vgt.f32 v18, $9.999999770e-03;
	vm8 =	veq.f32 v18, v15;
	v15 =	vadd.s32 $0x1CF, v0;
	s2 =	spop (v2sf)  }
0x2d6: {  	v16 =	vadd.s32 $0x1D1, v0;
	vm0 =	vmand vm9, vm8;
	s1 =	sadd.s32 s1, s2  }
0x2d7: {  	v17 =	vmpcnt.ones.xlane vm0;
	[tilespmem:s1+$0x1400] =	vst.msk vm0, v18  }
0x2d8: {  	[tilespmem:s1+$0x1680] =	vst.msk vm0, v29  }
0x2d9: {  	(v2sf) =	vpush v17, $0x0;
	v17 =	vld [tilespmem:$0x13D0]  }
0x2da: {  	v15 =	vld.idx.msk [tilespmem:v15+s29+$0x0], $0xffff  }
0x2db: {  	v16 =	vld.idx.msk [tilespmem:v16+s29+$0x0], $0xffff  }
0x2dc: {  	v18 =	vld [tilespmem:s19+$0x10];
	_ =	sdelay $0x2  }
0x2dd: {  	v15 =	vmax.f32 v15, v17  }
0x2de: {  	v15 =	vmax.f32 v15, v16  }
0x2df: {  	vm11 =	vgt.f32 v18, $9.999999770e-03;
	vm10 =	veq.f32 v18, v15  }
0x2e0: {  	vm0 =	vmand vm11, vm10  }
0x2e1: {  	v15 =	vmpcnt.ones.xlane vm0;
	_ =	sdelay $0x1  }
0x2e2: {  	(v2sf) =	vpush v15, $0x0;
	_ =	sdelay $0x2  }
0x2e3: {  	v15 =	vadd.s32 $0x1DF, v0;
	s2 =	spop (v2sf)  }
0x2e4: {  	v16 =	vadd.s32 $0x1E1, v0;
	s1 =	sadd.s32 s1, s2  }
0x2e5: {  	[tilespmem:s1+$0x1400] =	vst.msk vm0, v18  }
0x2e6: {  	[tilespmem:s1+$0x1680] =	vst.msk vm0, v30  }
0x2e7: {  	v17 =	vld [tilespmem:$0x13E0]  }
0x2e8: {  	v15 =	vld.idx.msk [tilespmem:v15+s29+$0x0], $0xffff  }
0x2e9: {  	v16 =	vld.idx.msk [tilespmem:v16+s29+$0x0], $0xffff  }
0x2ea: {  	v18 =	vld [tilespmem:s19+$0x20];
	_ =	sdelay $0x2  }
0x2eb: {  	v15 =	vmax.f32 v15, v17  }
0x2ec: {  	v15 =	vmax.f32 v15, v16  }
0x2ed: {  	vm13 =	vgt.f32 v18, $9.999999770e-03;
	vm12 =	veq.f32 v18, v15;
	v15 =	vadd.s32 $0x1EF, v0;
	s2 =	spop (v2sf)  }
0x2ee: {  	vm0 =	vmand vm13, vm12;
	s1 =	sadd.s32 s1, s2  }
0x2ef: {  	[tilespmem:s1+$0x1400] =	vst.msk vm0, v18  }
0x2f0: {  	[tilespmem:s1+$0x1680] =	vst.msk vm0, v31  }
0x2f1: {  	v16 =	vld [tilespmem:$0x13F0]  }
0x2f2: {  	v15 =	vld.idx.msk [tilespmem:v15+s29+$0x0], $0xffff  }
0x2f3: {  	v17 =	vld.idx.msk [tilespmem:v60+s29+$0x0], $0xffff  }
0x2f4: {  	v18 =	vld [tilespmem:s19+$0x30];
	_ =	sdelay $0x2  }
0x2f5: {  	v15 =	vmax.f32 v15, v16  }
0x2f6: {  	v15 =	vmax.f32 v15, v17  }
0x2f7: {  	vm2 =	vgt.f32 v18, $9.999999770e-03;
	vm14 =	veq.f32 v18, v15  }
0x2f8: {  	v15 =	vmpcnt.ones.xlane vm0;
	vm15 =	vmand vm2, vm14  }
0x2f9: {  	v16 =	vmpcnt.ones.xlane vm15  }
0x2fa: {  	(v2sf) =	vpush v15, $0x0  }
0x2fb: {  	(v2sf) =	vpush v16, $0x0;
	_ =	sdelay $0xd  }
0x2fc: {  	s2 =	spop (v2sf)  }
0x2fd: {  	s1 =	sadd.s32 s1, s2;
	s2 =	spop (v2sf)  }
0x2fe: {  	[tilespmem:s1+$0x1400] =	vst.msk vm15, v18;
	s2 =	sadd.s32 s1, s2  }
0x2ff: {  	[tilespmem:s1+$0x1680] =	vst.msk vm15, v32;
	v15 =	vmov s2  }
0x300: {  	[tilespmem:$0x1900] =	vst v15  }
0x301: {  	[hbm4b:s12+s14] =	stream.strided.scatter [tilespmem:s15], [sflag:$0x1], $0x280, s26, s14, $0x38;
	[tilespmem:$0x8E00] =	vst v63  }
0x302: {  	_ =	swait.ge [sflag:s28], $0x280  }
0x303: {  	[sflag:s28] =	ssyncset.done $0x0  }
0x304: {  	[sflag:s28] =	ssyncadd.s32 $0xFFFFFD80  }
0x305: {  	[hbm4b:s13+s14] =	stream.strided.scatter [tilespmem:s30], [sflag:$0x1], $0x280, s26, s14, $0x38;
	[tilespmem:$0x8E00] =	vst v63  }
0x306: {  	_ =	swait.ge [sflag:s28], $0x280  }
0x307: {  	[sflag:s28] =	ssyncset.done $0x0  }
0x308: {  	s30 =	simm.s32 $0x1900;
	[sflag:s28] =	ssyncadd.s32 $0xFFFFFD80  }
0x309: {  	[hbm4b:s4+s24] =	stream.linear.scatter [tilespmem:s30], [sflag:$0x1], $0x80, $0x38;
	[tilespmem:$0x8E00] =	vst v63  }
.Ltmp2:
0x30a: {  	_ =	swait.ge [sflag:s28], $0x80;
	(pc) =	sbr.rel @p0 .LBB2_69-.Ltmp2, $3  }
0x30b: {  	[sflag:s28] =	ssyncset.done $0x0  }
0x30c: {  	[sflag:s28] =	ssyncadd.s32 $0xFFFFFF80  }
0x30d: {  	[bflag:$0x0] =	sbarrier.arrive $0xFFFF;
	_ =	sdelay $0x1  }
0x30e: {  	s1 =	rddreg [dreg:$0xd];
	s2 =	simm.s32 $0x80;
	s12 =	simm.s32 $0x400  }
0x30f: {  	[tilespmem:s31], [sflag:$0x1] =	stream.strided.gather [hbm4b:s1+s2], $0x1200, s12, s2, $0x38;
	[tilespmem:$0x8E00] =	vst v63  }
0x310: {  	_ =	swait.ge [sflag:s28], $0x1200  }
0x311: {  	[sflag:s28] =	ssyncset.done $0x0  }
0x312: {  	s4 =	simm.s32 $0x7880;
	s31 =	rddreg [dreg:$0xe];
	[sflag:s28] =	ssyncadd.s32 $0xFFFFEE00  }
0x313: {  	[tilespmem:s4], [sflag:$0x1] =	stream.strided.gather [hbm4b:s31+s2], $0x1200, s12, s2, $0x38;
	[tilespmem:$0x8E00] =	vst v63  }
0x314: {  	_ =	swait.ge [sflag:s28], $0x1200  }
0x315: {  	s1 =	simm.s32 $0x0;
	[sflag:s28] =	ssyncset.done $0x0  }
0x316: {  	s12 =	simm.s32 $0x4180;
	s4 =	rddreg [dreg:$0x6];
	[sflag:s28] =	ssyncadd.s32 $0xFFFFEE00  }
0x317: {  	[tilespmem:s12], [sflag:$0x1] =	stream.linear.gather [hbm4b:s4+s1], $0x400, $0x38;
	[tilespmem:$0x8E00] =	vst v63  }
0x318: {  	_ =	swait.ge [sflag:s28], $0x400  }
0x319: {  	[sflag:s28] =	ssyncset.done $0x0  }
0x31a: {  	s14 =	simm.s32 $0x1980;
	s13 =	rddreg [dreg:$0x9];
	[sflag:s28] =	ssyncadd.s32 $0xFFFFFC00  }
0x31b: {  	[tilespmem:s14], [sflag:$0x1] =	stream.linear.gather [hbm4b:s13+s1], $0x1400, $0x38;
	[tilespmem:$0x8E00] =	vst v63  }
0x31c: {  	_ =	swait.ge [sflag:s28], $0x1400  }
0x31d: {  	[sflag:s28] =	ssyncset.done $0x0  }
0x31e: {  	s24 =	simm.s32 $0x2D80;
	s15 =	rddreg [dreg:$0xa];
	[sflag:s28] =	ssyncadd.s32 $0xFFFFEC00  }
0x31f: {  	[tilespmem:s24], [sflag:$0x1] =	stream.linear.gather [hbm4b:s15+s1], $0x1400, $0x38;
	[tilespmem:$0x8E00] =	vst v63  }
0x320: {  	_ =	swait.ge [sflag:s28], $0x1400  }
0x321: {  	[sflag:s28] =	ssyncset.done $0x0  }
0x322: {  	[sflag:s28] =	ssyncadd.s32 $0xFFFFEC00  }
0x323: {  	v15 =	vld [tilespmem:$0x4180];
	_ =	sdelay $0x4  }
0x324: {  	(v2sf) =	vpush v15, $0x0;
	_ =	sdelay $0xe  }
0x325: {  	s4 =	spop (v2sf)  }
0x326: {  	s25 =	sadd.s32 $0xF, s4  }
0x327: {  	s30 =	sand.u32 $0xF, s25  }
0x328: {  	s31 =	sshra.s32 s25, $0x1F;
	p2 =	slt.s32 s25, $0x1;
	p1 =	sne.s32 s30, $0x0  }
0x329: {  	s12 =	sshrl.u32 s31, $0x1C;
	p1 =	por !p2, !p1  }
0x32a: {  	s2 =	sadd.s32 s12, s25;
	s12 =	simm.s32 $0x1;
	p1 =	por !p1, !p1  }
0x32b: {  	s2 =	sshra.s32 s2, $0x4;
	s12 =	simm.s32 @!p1 $0x0  }
0x32c: {  	s13 =	ssub.s32 s2, s12  }
0x32d: {  	p1 =	slt.s32 s13, $0x1  }
.Ltmp3:
0x32e: {  	_ = 	snop;
	(pc) =	sbr.rel @p1 .LBB2_9-.Ltmp3, $2  }
0x32f: {  	_ =	sdelay $0x2  }
0x330: {  	s12 =	simm.s32 $0x0  }
0x331: {  	p2 =	sne.s32 s13, $0x1  }
.Ltmp4:
0x332: {  	_ = 	snop;
	(pc) =	sbr.rel @!p2 .LBB2_4-.Ltmp4, $3  }
0x333: {  	_ =	sdelay $0x1  }
0x334: {  	s2 =	sand.u32 $0x70, s1  }
0x335: {  	s31 =	sand.u32 $0xFFFFFC00, s1;
	s12 =	sadd.s32 $0xFFFFFFFF, s13;
	p1 =	por $0x0, $0x0  }
0x336: {  	s13 =	sor.u32 s2, s31  }
0x337: {  	v15 =	vld [tilespmem:s13+$0x1980];
	_ =	sdelay $0x2  }
0x338: {  	v16 =	vmov s4  }
0x339: {  	vm0 =	vgt.s32 v16, v0  }
0x33a: {  	p2 =	sne.s32 s12, $0x1;
	[tilespmem:s1+$0x4580] =	vst.msk vm0, v15  }
.Ltmp5:
0x33b: {  	v15 =	vld [tilespmem:s13+$0x2D80];
	(pc) =	sbr.rel @!p2 .LBB2_6-.Ltmp5, $4  }
0x33c: {  	_ = 	snop  }
0x33d: {  	s14 =	simm.s32 $0x80;
	s15 =	simm.s32 $0x10;
	s24 =	sadd.s32 $0xFFFFFFFF, s12  }
0x33e: {  	p1 =	por $0x1, $0x1;
	s12 =	simm.s32 $0x0;
	s30 =	smov.u32 s4  }
0x33f: {  	s2 =	sand.u32 $0x70, s15;
	s31 =	sand.u32 $0xFFFFFC00, s14;
	s13 =	smov.u32 s4  }
.LBB2_7:
0x340: {  	p2 =	sne.s32 s24, $0x1;
	s2 =	sor.u32 s2, s31;
	[tilespmem:s12+$0x5600] =	vst.msk vm0, v15  }
0x341: {  	v15 =	vld [tilespmem:s2+$0x1980];
	_ =	sdelay $0x1  }
0x342: {  	p3 =	slt.s32 s13, $0x10;
	s30 =	sadd.s32 $0xFFFFFFF0, s30;
	s31 =	smov.u32 s13  }
0x343: {  	v16 =	vmov s30;
	s31 =	simm.s32 @!p3 $0x10;
	s13 =	smov.u32 s30  }
0x344: {  	vm0 =	vgt.s32 v16, v0;
	s12 =	sadd.s32 s12, s31  }
0x345: {  	[tilespmem:s12+$0x4580] =	vst.msk vm0, v15  }
.Ltmp6:
0x346: {  	v15 =	vld [tilespmem:s2+$0x2D80];
	(pc) =	sbr.rel @p2 .LBB2_7-.Ltmp6, $3  }
0x347: {  	_ =	sdelay $0x1  }
0x348: {  	s14 =	sadd.s32 $0x80, s14;
	s15 =	sadd.s32 $0x10, s15  }
0x349: {  	s24 =	sadd.s32 $0xFFFFFFFF, s24;
	s31 =	sand.u32 $0xFFFFFC00, s14;
	s2 =	sand.u32 $0x70, s15  }
.LBB2_8:
0x34a: {  	s2 =	sor.u32 s2, s31;
	[tilespmem:s12+$0x5600] =	vst.msk @p1 vm0, v15  }
0x34b: {  	p2 =	slt.s32 @p1 s13, $0x10;
	v15 =	vld [tilespmem:s2+$0x1980]  }
0x34c: {  	s14 =	sadd.s32 @p1 $0xFFFFFFF0, s30;
	p2 =	por !p2, !p1  }
0x34d: {  	s4 =	smov.u32 @p1 s14;
	s13 =	simm.s32 @p2 $0x10  }
0x34e: {  	v16 =	vmov s4;
	s12 =	sadd.s32 @p1 s12, s13;
	s13 =	simm.s32 $0x0  }
0x34f: {  	vm15 =	vgt.s32 v16, v0;
	s13 =	smov.u32 @p1 s12  }
0x350: {  	[tilespmem:s13+$0x4580] =	vst.msk vm15, v15  }
0x351: {  	v15 =	vld [tilespmem:s2+$0x2D80];
	_ =	sdelay $0x2  }
0x352: {  	p1 =	slt.s32 s4, $0x10  }
0x353: {  	s4 =	simm.s32 @!p1 $0x10  }
0x354: {  	s12 =	sadd.s32 s13, s4;
	[tilespmem:s13+$0x5600] =	vst.msk vm15, v15  }
.LBB2_9:
0x355: {  	v15 =	vld [tilespmem:$0x4200];
	_ =	sdelay $0x4  }
0x356: {  	(v2sf) =	vpush v15, $0x0;
	_ =	sdelay $0xe  }
0x357: {  	s4 =	spop (v2sf)  }
0x358: {  	s2 =	sadd.s32 $0xF, s4  }
0x359: {  	s13 =	sand.u32 $0xF, s2  }
0x35a: {  	s31 =	sshra.s32 s2, $0x1F;
	p2 =	slt.s32 s2, $0x1;
	p1 =	sne.s32 s13, $0x0  }
0x35b: {  	s13 =	sshrl.u32 s31, $0x1C;
	p1 =	por !p2, !p1  }
0x35c: {  	s2 =	sadd.s32 s13, s2;
	s13 =	simm.s32 $0x1;
	p1 =	por !p1, !p1  }
0x35d: {  	s2 =	sshra.s32 s2, $0x4;
	s13 =	simm.s32 @!p1 $0x0  }
0x35e: {  	s13 =	ssub.s32 s2, s13  }
0x35f: {  	p1 =	slt.s32 s13, $0x1  }
.Ltmp7:
0x360: {  	_ = 	snop;
	(pc) =	sbr.rel @p1 .LBB2_16-.Ltmp7, $1  }
0x361: {  	_ =	sdelay $0x3  }
0x362: {  	p2 =	sne.s32 s13, $0x1  }
.Ltmp8:
0x363: {  	_ = 	snop;
	(pc) =	sbr.rel @!p2 .LBB2_11-.Ltmp8, $3  }
0x364: {  	_ =	sdelay $0x1  }
0x365: {  	s2 =	sand.u32 $0x70, s1  }
0x366: {  	s31 =	sand.u32 $0xFFFFFC00, s1;
	s1 =	sadd.s32 $0xFFFFFFFF, s13;
	p1 =	por $0x0, $0x0  }
0x367: {  	s13 =	sor.u32 s31, s2  }
0x368: {  	v15 =	vld [tilespmem:s13+$0x1A00];
	_ =	sdelay $0x2  }
0x369: {  	v16 =	vmov s4  }
0x36a: {  	vm0 =	vgt.s32 v16, v0  }
0x36b: {  	p2 =	sne.s32 s1, $0x1;
	[tilespmem:s12+$0x4580] =	vst.msk vm0, v15  }
.Ltmp9:
0x36c: {  	v15 =	vld [tilespmem:s13+$0x2E00];
	(pc) =	sbr.rel @!p2 .LBB2_13-.Ltmp9, $4  }
0x36d: {  	_ = 	snop  }
0x36e: {  	s14 =	simm.s32 $0x10;
	s30 =	simm.s32 $0x80;
	s24 =	sadd.s32 $0xFFFFFFFF, s1  }
0x36f: {  	p1 =	por $0x1, $0x1;
	s1 =	smov.u32 s12;
	s15 =	smov.u32 s4  }
0x370: {  	s2 =	sand.u32 $0x70, s14;
	s31 =	sand.u32 $0xFFFFFC00, s30;
	s13 =	smov.u32 s4  }
.LBB2_14:
0x371: {  	p2 =	sne.s32 s24, $0x1;
	s2 =	sor.u32 s31, s2;
	[tilespmem:s1+$0x5600] =	vst.msk vm0, v15  }
0x372: {  	v15 =	vld [tilespmem:s2+$0x1A00];
	_ =	sdelay $0x1  }
0x373: {  	p3 =	slt.s32 s13, $0x10;
	s15 =	sadd.s32 $0xFFFFFFF0, s15;
	s31 =	smov.u32 s13  }
0x374: {  	v16 =	vmov s15;
	s31 =	simm.s32 @!p3 $0x10;
	s13 =	smov.u32 s15  }
0x375: {  	vm0 =	vgt.s32 v16, v0;
	s1 =	sadd.s32 s1, s31  }
0x376: {  	[tilespmem:s1+$0x4580] =	vst.msk vm0, v15  }
.Ltmp10:
0x377: {  	v15 =	vld [tilespmem:s2+$0x2E00];
	(pc) =	sbr.rel @p2 .LBB2_14-.Ltmp10, $3  }
0x378: {  	_ =	sdelay $0x1  }
0x379: {  	s30 =	sadd.s32 $0x80, s30;
	s14 =	sadd.s32 $0x10, s14  }
0x37a: {  	s24 =	sadd.s32 $0xFFFFFFFF, s24;
	s31 =	sand.u32 $0xFFFFFC00, s30;
	s2 =	sand.u32 $0x70, s14  }
.LBB2_15:
0x37b: {  	s2 =	sor.u32 s31, s2;
	[tilespmem:s1+$0x5600] =	vst.msk @p1 vm0, v15  }
0x37c: {  	p2 =	slt.s32 @p1 s13, $0x10;
	v15 =	vld [tilespmem:s2+$0x1A00]  }
0x37d: {  	s14 =	sadd.s32 @p1 $0xFFFFFFF0, s15;
	p2 =	por !p2, !p1  }
0x37e: {  	s4 =	smov.u32 @p1 s14;
	s13 =	simm.s32 @p2 $0x10  }
0x37f: {  	v16 =	vmov s4;
	s1 =	sadd.s32 @p1 s1, s13  }
0x380: {  	vm15 =	vgt.s32 v16, v0;
	s12 =	smov.u32 @p1 s1  }
0x381: {  	[tilespmem:s12+$0x4580] =	vst.msk vm15, v15  }
0x382: {  	v15 =	vld [tilespmem:s2+$0x2E00];
	_ =	sdelay $0x2  }
0x383: {  	p1 =	slt.s32 s4, $0x10  }
0x384: {  	s4 =	simm.s32 @!p1 $0x10  }
0x385: {  	[tilespmem:s12+$0x5600] =	vst.msk vm15, v15;
	s12 =	sadd.s32 s12, s4  }
.LBB2_16:
0x386: {  	v15 =	vld [tilespmem:$0x4280];
	_ =	sdelay $0x4  }
0x387: {  	(v2sf) =	vpush v15, $0x0;
	_ =	sdelay $0xe  }
0x388: {  	s1 =	spop (v2sf)  }
0x389: {  	s2 =	sadd.s32 $0xF, s1  }
0x38a: {  	s4 =	sand.u32 $0xF, s2  }
0x38b: {  	s31 =	sshra.s32 s2, $0x1F;
	p2 =	slt.s32 s2, $0x1;
	p1 =	sne.s32 s4, $0x0  }
0x38c: {  	s4 =	sshrl.u32 s31, $0x1C;
	p1 =	por !p2, !p1  }
0x38d: {  	s2 =	sadd.s32 s4, s2;
	s4 =	simm.s32 $0x1;
	p1 =	por !p1, !p1  }
0x38e: {  	s2 =	sshra.s32 s2, $0x4;
	s4 =	simm.s32 @!p1 $0x0  }
0x38f: {  	s4 =	ssub.s32 s2, s4  }
0x390: {  	p1 =	slt.s32 s4, $0x1  }
.Ltmp11:
0x391: {  	_ = 	snop;
	(pc) =	sbr.rel @p1 .LBB2_23-.Ltmp11, $2  }
0x392: {  	_ =	sdelay $0x2  }
0x393: {  	s13 =	simm.s32 $0x0  }
0x394: {  	p2 =	sne.s32 s4, $0x1  }
.Ltmp12:
0x395: {  	_ = 	snop;
	(pc) =	sbr.rel @!p2 .LBB2_18-.Ltmp12, $3  }
0x396: {  	_ =	sdelay $0x1  }
0x397: {  	s2 =	sand.u32 $0x70, s13  }
0x398: {  	s31 =	sand.u32 $0xFFFFFC00, s13;
	s4 =	sadd.s32 $0xFFFFFFFF, s4;
	p1 =	por $0x0, $0x0  }
0x399: {  	s13 =	sor.u32 s31, s2  }
0x39a: {  	v15 =	vld [tilespmem:s13+$0x1A80];
	_ =	sdelay $0x2  }
0x39b: {  	v16 =	vmov s1  }
0x39c: {  	vm0 =	vgt.s32 v16, v0  }
0x39d: {  	p2 =	sne.s32 s4, $0x1;
	[tilespmem:s12+$0x4580] =	vst.msk vm0, v15  }
.Ltmp13:
0x39e: {  	v15 =	vld [tilespmem:s13+$0x2E80];
	(pc) =	sbr.rel @!p2 .LBB2_20-.Ltmp13, $4  }
0x39f: {  	_ = 	snop  }
0x3a0: {  	s14 =	simm.s32 $0x10;
	s30 =	simm.s32 $0x80;
	s24 =	sadd.s32 $0xFFFFFFFF, s4  }
0x3a1: {  	p1 =	por $0x1, $0x1;
	s4 =	smov.u32 s12;
	s15 =	smov.u32 s1  }
0x3a2: {  	s2 =	sand.u32 $0x70, s14;
	s31 =	sand.u32 $0xFFFFFC00, s30;
	s13 =	smov.u32 s1  }
.LBB2_21:
0x3a3: {  	p2 =	sne.s32 s24, $0x1;
	s2 =	sor.u32 s31, s2;
	[tilespmem:s4+$0x5600] =	vst.msk vm0, v15  }
0x3a4: {  	v15 =	vld [tilespmem:s2+$0x1A80];
	_ =	sdelay $0x1  }
0x3a5: {  	p3 =	slt.s32 s13, $0x10;
	s15 =	sadd.s32 $0xFFFFFFF0, s15;
	s31 =	smov.u32 s13  }
0x3a6: {  	v16 =	vmov s15;
	s31 =	simm.s32 @!p3 $0x10;
	s13 =	smov.u32 s15  }
0x3a7: {  	vm0 =	vgt.s32 v16, v0;
	s4 =	sadd.s32 s4, s31  }
0x3a8: {  	[tilespmem:s4+$0x4580] =	vst.msk vm0, v15  }
.Ltmp14:
0x3a9: {  	v15 =	vld [tilespmem:s2+$0x2E80];
	(pc) =	sbr.rel @p2 .LBB2_21-.Ltmp14, $3  }
0x3aa: {  	_ =	sdelay $0x1  }
0x3ab: {  	s30 =	sadd.s32 $0x80, s30;
	s14 =	sadd.s32 $0x10, s14  }
0x3ac: {  	s24 =	sadd.s32 $0xFFFFFFFF, s24;
	s31 =	sand.u32 $0xFFFFFC00, s30;
	s2 =	sand.u32 $0x70, s14  }
.LBB2_22:
0x3ad: {  	s2 =	sor.u32 s31, s2;
	[tilespmem:s4+$0x5600] =	vst.msk @p1 vm0, v15  }
0x3ae: {  	p2 =	slt.s32 @p1 s13, $0x10;
	v15 =	vld [tilespmem:s2+$0x1A80]  }
0x3af: {  	s14 =	sadd.s32 @p1 $0xFFFFFFF0, s15;
	p2 =	por !p2, !p1  }
0x3b0: {  	s1 =	smov.u32 @p1 s14;
	s13 =	simm.s32 @p2 $0x10  }
0x3b1: {  	v16 =	vmov s1;
	s4 =	sadd.s32 @p1 s4, s13  }
0x3b2: {  	vm15 =	vgt.s32 v16, v0;
	s12 =	smov.u32 @p1 s4  }
0x3b3: {  	[tilespmem:s12+$0x4580] =	vst.msk vm15, v15  }
0x3b4: {  	v15 =	vld [tilespmem:s2+$0x2E80];
	_ =	sdelay $0x2  }
0x3b5: {  	p1 =	slt.s32 s1, $0x10  }
0x3b6: {  	s1 =	simm.s32 @!p1 $0x10  }
0x3b7: {  	[tilespmem:s12+$0x5600] =	vst.msk vm15, v15;
	s12 =	sadd.s32 s12, s1  }
.LBB2_23:
0x3b8: {  	v15 =	vld [tilespmem:$0x4300];
	_ =	sdelay $0x4  }
0x3b9: {  	(v2sf) =	vpush v15, $0x0;
	_ =	sdelay $0xe  }
0x3ba: {  	s1 =	spop (v2sf)  }
0x3bb: {  	s2 =	sadd.s32 $0xF, s1  }
0x3bc: {  	s4 =	sand.u32 $0xF, s2  }
0x3bd: {  	s31 =	sshra.s32 s2, $0x1F;
	p2 =	slt.s32 s2, $0x1;
	p1 =	sne.s32 s4, $0x0  }
0x3be: {  	s4 =	sshrl.u32 s31, $0x1C;
	p1 =	por !p2, !p1  }
0x3bf: {  	s2 =	sadd.s32 s4, s2;
	s4 =	simm.s32 $0x1;
	p1 =	por !p1, !p1  }
0x3c0: {  	s2 =	sshra.s32 s2, $0x4;
	s4 =	simm.s32 @!p1 $0x0  }
0x3c1: {  	s4 =	ssub.s32 s2, s4  }
0x3c2: {  	p1 =	slt.s32 s4, $0x1  }
.Ltmp15:
0x3c3: {  	_ = 	snop;
	(pc) =	sbr.rel @p1 .LBB2_30-.Ltmp15, $2  }
0x3c4: {  	_ =	sdelay $0x2  }
0x3c5: {  	s13 =	simm.s32 $0x0  }
0x3c6: {  	p2 =	sne.s32 s4, $0x1  }
.Ltmp16:
0x3c7: {  	_ = 	snop;
	(pc) =	sbr.rel @!p2 .LBB2_25-.Ltmp16, $3  }
0x3c8: {  	_ =	sdelay $0x1  }
0x3c9: {  	s2 =	sand.u32 $0x70, s13  }
0x3ca: {  	s31 =	sand.u32 $0xFFFFFC00, s13;
	s4 =	sadd.s32 $0xFFFFFFFF, s4;
	p1 =	por $0x0, $0x0  }
0x3cb: {  	s13 =	sor.u32 s31, s2  }
0x3cc: {  	v15 =	vld [tilespmem:s13+$0x1B00];
	_ =	sdelay $0x2  }
0x3cd: {  	v16 =	vmov s1  }
0x3ce: {  	vm0 =	vgt.s32 v16, v0  }
0x3cf: {  	p2 =	sne.s32 s4, $0x1;
	[tilespmem:s12+$0x4580] =	vst.msk vm0, v15  }
.Ltmp17:
0x3d0: {  	v15 =	vld [tilespmem:s13+$0x2F00];
	(pc) =	sbr.rel @!p2 .LBB2_27-.Ltmp17, $4  }
0x3d1: {  	_ = 	snop  }
0x3d2: {  	s14 =	simm.s32 $0x10;
	s30 =	simm.s32 $0x80;
	s24 =	sadd.s32 $0xFFFFFFFF, s4  }
0x3d3: {  	p1 =	por $0x1, $0x1;
	s4 =	smov.u32 s12;
	s15 =	smov.u32 s1  }
0x3d4: {  	s2 =	sand.u32 $0x70, s14;
	s31 =	sand.u32 $0xFFFFFC00, s30;
	s13 =	smov.u32 s1  }
.LBB2_28:
0x3d5: {  	p2 =	sne.s32 s24, $0x1;
	s2 =	sor.u32 s31, s2;
	[tilespmem:s4+$0x5600] =	vst.msk vm0, v15  }
0x3d6: {  	v15 =	vld [tilespmem:s2+$0x1B00];
	_ =	sdelay $0x1  }
0x3d7: {  	p3 =	slt.s32 s13, $0x10;
	s15 =	sadd.s32 $0xFFFFFFF0, s15;
	s31 =	smov.u32 s13  }
0x3d8: {  	v16 =	vmov s15;
	s31 =	simm.s32 @!p3 $0x10;
	s13 =	smov.u32 s15  }
0x3d9: {  	vm0 =	vgt.s32 v16, v0;
	s4 =	sadd.s32 s4, s31  }
0x3da: {  	[tilespmem:s4+$0x4580] =	vst.msk vm0, v15  }
.Ltmp18:
0x3db: {  	v15 =	vld [tilespmem:s2+$0x2F00];
	(pc) =	sbr.rel @p2 .LBB2_28-.Ltmp18, $3  }
0x3dc: {  	_ =	sdelay $0x1  }
0x3dd: {  	s30 =	sadd.s32 $0x80, s30;
	s14 =	sadd.s32 $0x10, s14  }
0x3de: {  	s24 =	sadd.s32 $0xFFFFFFFF, s24;
	s31 =	sand.u32 $0xFFFFFC00, s30;
	s2 =	sand.u32 $0x70, s14  }
.LBB2_29:
0x3df: {  	s2 =	sor.u32 s31, s2;
	[tilespmem:s4+$0x5600] =	vst.msk @p1 vm0, v15  }
0x3e0: {  	p2 =	slt.s32 @p1 s13, $0x10;
	v15 =	vld [tilespmem:s2+$0x1B00]  }
0x3e1: {  	s14 =	sadd.s32 @p1 $0xFFFFFFF0, s15;
	p2 =	por !p2, !p1  }
0x3e2: {  	s1 =	smov.u32 @p1 s14;
	s13 =	simm.s32 @p2 $0x10  }
0x3e3: {  	v16 =	vmov s1;
	s4 =	sadd.s32 @p1 s4, s13  }
0x3e4: {  	vm15 =	vgt.s32 v16, v0;
	s12 =	smov.u32 @p1 s4  }
0x3e5: {  	[tilespmem:s12+$0x4580] =	vst.msk vm15, v15  }
0x3e6: {  	v15 =	vld [tilespmem:s2+$0x2F00];
	_ =	sdelay $0x2  }
0x3e7: {  	p1 =	slt.s32 s1, $0x10  }
0x3e8: {  	s1 =	simm.s32 @!p1 $0x10  }
0x3e9: {  	[tilespmem:s12+$0x5600] =	vst.msk vm15, v15;
	s12 =	sadd.s32 s12, s1  }
.LBB2_30:
0x3ea: {  	v15 =	vld [tilespmem:$0x4380];
	_ =	sdelay $0x4  }
0x3eb: {  	(v2sf) =	vpush v15, $0x0;
	_ =	sdelay $0xe  }
0x3ec: {  	s1 =	spop (v2sf)  }
0x3ed: {  	s2 =	sadd.s32 $0xF, s1  }
0x3ee: {  	s4 =	sand.u32 $0xF, s2  }
0x3ef: {  	s31 =	sshra.s32 s2, $0x1F;
	p2 =	slt.s32 s2, $0x1;
	p1 =	sne.s32 s4, $0x0  }
0x3f0: {  	s4 =	sshrl.u32 s31, $0x1C;
	p1 =	por !p2, !p1  }
0x3f1: {  	s2 =	sadd.s32 s4, s2;
	s4 =	simm.s32 $0x1;
	p1 =	por !p1, !p1  }
0x3f2: {  	s2 =	sshra.s32 s2, $0x4;
	s4 =	simm.s32 @!p1 $0x0  }
0x3f3: {  	s4 =	ssub.s32 s2, s4  }
0x3f4: {  	p1 =	slt.s32 s4, $0x1  }
.Ltmp19:
0x3f5: {  	_ = 	snop;
	(pc) =	sbr.rel @p1 .LBB2_37-.Ltmp19, $2  }
0x3f6: {  	_ =	sdelay $0x2  }
0x3f7: {  	s13 =	simm.s32 $0x0  }
0x3f8: {  	p2 =	sne.s32 s4, $0x1  }
.Ltmp20:
0x3f9: {  	_ = 	snop;
	(pc) =	sbr.rel @!p2 .LBB2_32-.Ltmp20, $3  }
0x3fa: {  	_ =	sdelay $0x1  }
0x3fb: {  	s2 =	sand.u32 $0x70, s13  }
0x3fc: {  	s31 =	sand.u32 $0xFFFFFC00, s13;
	s4 =	sadd.s32 $0xFFFFFFFF, s4;
	p1 =	por $0x0, $0x0  }
0x3fd: {  	s13 =	sor.u32 s31, s2  }
0x3fe: {  	v15 =	vld [tilespmem:s13+$0x1B80];
	_ =	sdelay $0x2  }
0x3ff: {  	v16 =	vmov s1  }
0x400: {  	vm0 =	vgt.s32 v16, v0  }
0x401: {  	p2 =	sne.s32 s4, $0x1;
	[tilespmem:s12+$0x4580] =	vst.msk vm0, v15  }
.Ltmp21:
0x402: {  	v15 =	vld [tilespmem:s13+$0x2F80];
	(pc) =	sbr.rel @!p2 .LBB2_34-.Ltmp21, $4  }
0x403: {  	_ = 	snop  }
0x404: {  	s14 =	simm.s32 $0x10;
	s30 =	simm.s32 $0x80;
	s24 =	sadd.s32 $0xFFFFFFFF, s4  }
0x405: {  	p1 =	por $0x1, $0x1;
	s4 =	smov.u32 s12;
	s15 =	smov.u32 s1  }
0x406: {  	s2 =	sand.u32 $0x70, s14;
	s31 =	sand.u32 $0xFFFFFC00, s30;
	s13 =	smov.u32 s1  }
.LBB2_35:
0x407: {  	p2 =	sne.s32 s24, $0x1;
	s2 =	sor.u32 s31, s2;
	[tilespmem:s4+$0x5600] =	vst.msk vm0, v15  }
0x408: {  	v15 =	vld [tilespmem:s2+$0x1B80];
	_ =	sdelay $0x1  }
0x409: {  	p3 =	slt.s32 s13, $0x10;
	s15 =	sadd.s32 $0xFFFFFFF0, s15;
	s31 =	smov.u32 s13  }
0x40a: {  	v16 =	vmov s15;
	s31 =	simm.s32 @!p3 $0x10;
	s13 =	smov.u32 s15  }
0x40b: {  	vm0 =	vgt.s32 v16, v0;
	s4 =	sadd.s32 s4, s31  }
0x40c: {  	[tilespmem:s4+$0x4580] =	vst.msk vm0, v15  }
.Ltmp22:
0x40d: {  	v15 =	vld [tilespmem:s2+$0x2F80];
	(pc) =	sbr.rel @p2 .LBB2_35-.Ltmp22, $3  }
0x40e: {  	_ =	sdelay $0x1  }
0x40f: {  	s30 =	sadd.s32 $0x80, s30;
	s14 =	sadd.s32 $0x10, s14  }
0x410: {  	s24 =	sadd.s32 $0xFFFFFFFF, s24;
	s31 =	sand.u32 $0xFFFFFC00, s30;
	s2 =	sand.u32 $0x70, s14  }
.LBB2_36:
0x411: {  	s2 =	sor.u32 s31, s2;
	[tilespmem:s4+$0x5600] =	vst.msk @p1 vm0, v15  }
0x412: {  	p2 =	slt.s32 @p1 s13, $0x10;
	v15 =	vld [tilespmem:s2+$0x1B80]  }
0x413: {  	s14 =	sadd.s32 @p1 $0xFFFFFFF0, s15;
	p2 =	por !p2, !p1  }
0x414: {  	s1 =	smov.u32 @p1 s14;
	s13 =	simm.s32 @p2 $0x10  }
0x415: {  	v16 =	vmov s1;
	s4 =	sadd.s32 @p1 s4, s13  }
0x416: {  	vm15 =	vgt.s32 v16, v0;
	s12 =	smov.u32 @p1 s4  }
0x417: {  	[tilespmem:s12+$0x4580] =	vst.msk vm15, v15  }
0x418: {  	v15 =	vld [tilespmem:s2+$0x2F80];
	_ =	sdelay $0x2  }
0x419: {  	p1 =	slt.s32 s1, $0x10  }
0x41a: {  	s1 =	simm.s32 @!p1 $0x10  }
0x41b: {  	[tilespmem:s12+$0x5600] =	vst.msk vm15, v15;
	s12 =	sadd.s32 s12, s1  }
.LBB2_37:
0x41c: {  	v15 =	vld [tilespmem:$0x4400];
	_ =	sdelay $0x4  }
0x41d: {  	(v2sf) =	vpush v15, $0x0;
	_ =	sdelay $0xe  }
0x41e: {  	s1 =	spop (v2sf)  }
0x41f: {  	s2 =	sadd.s32 $0xF, s1  }
0x420: {  	s4 =	sand.u32 $0xF, s2  }
0x421: {  	s31 =	sshra.s32 s2, $0x1F;
	p2 =	slt.s32 s2, $0x1;
	p1 =	sne.s32 s4, $0x0  }
0x422: {  	s4 =	sshrl.u32 s31, $0x1C;
	p1 =	por !p2, !p1  }
0x423: {  	s2 =	sadd.s32 s4, s2;
	s4 =	simm.s32 $0x1;
	p1 =	por !p1, !p1  }
0x424: {  	s2 =	sshra.s32 s2, $0x4;
	s4 =	simm.s32 @!p1 $0x0  }
0x425: {  	s4 =	ssub.s32 s2, s4  }
0x426: {  	p1 =	slt.s32 s4, $0x1  }
.Ltmp23:
0x427: {  	_ = 	snop;
	(pc) =	sbr.rel @p1 .LBB2_44-.Ltmp23, $2  }
0x428: {  	_ =	sdelay $0x2  }
0x429: {  	s13 =	simm.s32 $0x0  }
0x42a: {  	p2 =	sne.s32 s4, $0x1  }
.Ltmp24:
0x42b: {  	_ = 	snop;
	(pc) =	sbr.rel @!p2 .LBB2_39-.Ltmp24, $3  }
0x42c: {  	_ =	sdelay $0x1  }
0x42d: {  	s2 =	sand.u32 $0x70, s13  }
0x42e: {  	s31 =	sand.u32 $0xFFFFFC00, s13;
	s4 =	sadd.s32 $0xFFFFFFFF, s4;
	p1 =	por $0x0, $0x0  }
0x42f: {  	s13 =	sor.u32 s31, s2  }
0x430: {  	v15 =	vld [tilespmem:s13+$0x1C00];
	_ =	sdelay $0x2  }
0x431: {  	v16 =	vmov s1  }
0x432: {  	vm0 =	vgt.s32 v16, v0  }
0x433: {  	p2 =	sne.s32 s4, $0x1;
	[tilespmem:s12+$0x4580] =	vst.msk vm0, v15  }
.Ltmp25:
0x434: {  	v15 =	vld [tilespmem:s13+$0x3000];
	(pc) =	sbr.rel @!p2 .LBB2_41-.Ltmp25, $4  }
0x435: {  	_ = 	snop  }
0x436: {  	s14 =	simm.s32 $0x10;
	s30 =	simm.s32 $0x80;
	s24 =	sadd.s32 $0xFFFFFFFF, s4  }
0x437: {  	p1 =	por $0x1, $0x1;
	s4 =	smov.u32 s12;
	s15 =	smov.u32 s1  }
0x438: {  	s2 =	sand.u32 $0x70, s14;
	s31 =	sand.u32 $0xFFFFFC00, s30;
	s13 =	smov.u32 s1  }
.LBB2_42:
0x439: {  	p2 =	sne.s32 s24, $0x1;
	s2 =	sor.u32 s31, s2;
	[tilespmem:s4+$0x5600] =	vst.msk vm0, v15  }
0x43a: {  	v15 =	vld [tilespmem:s2+$0x1C00];
	_ =	sdelay $0x1  }
0x43b: {  	p3 =	slt.s32 s13, $0x10;
	s15 =	sadd.s32 $0xFFFFFFF0, s15;
	s31 =	smov.u32 s13  }
0x43c: {  	v16 =	vmov s15;
	s31 =	simm.s32 @!p3 $0x10;
	s13 =	smov.u32 s15  }
0x43d: {  	vm0 =	vgt.s32 v16, v0;
	s4 =	sadd.s32 s4, s31  }
0x43e: {  	[tilespmem:s4+$0x4580] =	vst.msk vm0, v15  }
.Ltmp26:
0x43f: {  	v15 =	vld [tilespmem:s2+$0x3000];
	(pc) =	sbr.rel @p2 .LBB2_42-.Ltmp26, $3  }
0x440: {  	_ =	sdelay $0x1  }
0x441: {  	s30 =	sadd.s32 $0x80, s30;
	s14 =	sadd.s32 $0x10, s14  }
0x442: {  	s24 =	sadd.s32 $0xFFFFFFFF, s24;
	s31 =	sand.u32 $0xFFFFFC00, s30;
	s2 =	sand.u32 $0x70, s14  }
.LBB2_43:
0x443: {  	s2 =	sor.u32 s31, s2;
	[tilespmem:s4+$0x5600] =	vst.msk @p1 vm0, v15  }
0x444: {  	p2 =	slt.s32 @p1 s13, $0x10;
	v15 =	vld [tilespmem:s2+$0x1C00]  }
0x445: {  	s14 =	sadd.s32 @p1 $0xFFFFFFF0, s15;
	p2 =	por !p2, !p1  }
0x446: {  	s1 =	smov.u32 @p1 s14;
	s13 =	simm.s32 @p2 $0x10  }
0x447: {  	v16 =	vmov s1;
	s4 =	sadd.s32 @p1 s4, s13  }
0x448: {  	vm15 =	vgt.s32 v16, v0;
	s12 =	smov.u32 @p1 s4  }
0x449: {  	[tilespmem:s12+$0x4580] =	vst.msk vm15, v15  }
0x44a: {  	v15 =	vld [tilespmem:s2+$0x3000];
	_ =	sdelay $0x2  }
0x44b: {  	p1 =	slt.s32 s1, $0x10  }
0x44c: {  	s1 =	simm.s32 @!p1 $0x10  }
0x44d: {  	[tilespmem:s12+$0x5600] =	vst.msk vm15, v15;
	s12 =	sadd.s32 s12, s1  }
.LBB2_44:
0x44e: {  	v15 =	vld [tilespmem:$0x4480];
	_ =	sdelay $0x4  }
0x44f: {  	(v2sf) =	vpush v15, $0x0;
	_ =	sdelay $0xe  }
0x450: {  	s1 =	spop (v2sf)  }
0x451: {  	s2 =	sadd.s32 $0xF, s1  }
0x452: {  	s4 =	sand.u32 $0xF, s2  }
0x453: {  	s31 =	sshra.s32 s2, $0x1F;
	p2 =	slt.s32 s2, $0x1;
	p1 =	sne.s32 s4, $0x0  }
0x454: {  	s4 =	sshrl.u32 s31, $0x1C;
	p1 =	por !p2, !p1  }
0x455: {  	s2 =	sadd.s32 s4, s2;
	s4 =	simm.s32 $0x1;
	p1 =	por !p1, !p1  }
0x456: {  	s2 =	sshra.s32 s2, $0x4;
	s4 =	simm.s32 @!p1 $0x0  }
0x457: {  	s4 =	ssub.s32 s2, s4  }
0x458: {  	p1 =	slt.s32 s4, $0x1  }
.Ltmp27:
0x459: {  	_ = 	snop;
	(pc) =	sbr.rel @p1 .LBB2_51-.Ltmp27, $2  }
0x45a: {  	_ =	sdelay $0x2  }
0x45b: {  	s13 =	simm.s32 $0x0  }
0x45c: {  	p2 =	sne.s32 s4, $0x1  }
.Ltmp28:
0x45d: {  	_ = 	snop;
	(pc) =	sbr.rel @!p2 .LBB2_46-.Ltmp28, $3  }
0x45e: {  	_ =	sdelay $0x1  }
0x45f: {  	s2 =	sand.u32 $0x70, s13  }
0x460: {  	s31 =	sand.u32 $0xFFFFFC00, s13;
	s4 =	sadd.s32 $0xFFFFFFFF, s4;
	p1 =	por $0x0, $0x0  }
0x461: {  	s13 =	sor.u32 s31, s2  }
0x462: {  	v15 =	vld [tilespmem:s13+$0x1C80];
	_ =	sdelay $0x2  }
0x463: {  	v16 =	vmov s1  }
0x464: {  	vm0 =	vgt.s32 v16, v0  }
0x465: {  	p2 =	sne.s32 s4, $0x1;
	[tilespmem:s12+$0x4580] =	vst.msk vm0, v15  }
.Ltmp29:
0x466: {  	v15 =	vld [tilespmem:s13+$0x3080];
	(pc) =	sbr.rel @!p2 .LBB2_48-.Ltmp29, $4  }
0x467: {  	_ = 	snop  }
0x468: {  	s14 =	simm.s32 $0x10;
	s30 =	simm.s32 $0x80;
	s24 =	sadd.s32 $0xFFFFFFFF, s4  }
0x469: {  	p1 =	por $0x1, $0x1;
	s4 =	smov.u32 s12;
	s15 =	smov.u32 s1  }
0x46a: {  	s2 =	sand.u32 $0x70, s14;
	s31 =	sand.u32 $0xFFFFFC00, s30;
	s13 =	smov.u32 s1  }
.LBB2_49:
0x46b: {  	p2 =	sne.s32 s24, $0x1;
	s2 =	sor.u32 s31, s2;
	[tilespmem:s4+$0x5600] =	vst.msk vm0, v15  }
0x46c: {  	v15 =	vld [tilespmem:s2+$0x1C80];
	_ =	sdelay $0x1  }
0x46d: {  	p3 =	slt.s32 s13, $0x10;
	s15 =	sadd.s32 $0xFFFFFFF0, s15;
	s31 =	smov.u32 s13  }
0x46e: {  	v16 =	vmov s15;
	s31 =	simm.s32 @!p3 $0x10;
	s13 =	smov.u32 s15  }
0x46f: {  	vm0 =	vgt.s32 v16, v0;
	s4 =	sadd.s32 s4, s31  }
0x470: {  	[tilespmem:s4+$0x4580] =	vst.msk vm0, v15  }
.Ltmp30:
0x471: {  	v15 =	vld [tilespmem:s2+$0x3080];
	(pc) =	sbr.rel @p2 .LBB2_49-.Ltmp30, $3  }
0x472: {  	_ =	sdelay $0x1  }
0x473: {  	s30 =	sadd.s32 $0x80, s30;
	s14 =	sadd.s32 $0x10, s14  }
0x474: {  	s24 =	sadd.s32 $0xFFFFFFFF, s24;
	s31 =	sand.u32 $0xFFFFFC00, s30;
	s2 =	sand.u32 $0x70, s14  }
.LBB2_50:
0x475: {  	s2 =	sor.u32 s31, s2;
	[tilespmem:s4+$0x5600] =	vst.msk @p1 vm0, v15  }
0x476: {  	p2 =	slt.s32 @p1 s13, $0x10;
	v15 =	vld [tilespmem:s2+$0x1C80]  }
0x477: {  	s14 =	sadd.s32 @p1 $0xFFFFFFF0, s15;
	p2 =	por !p2, !p1  }
0x478: {  	s1 =	smov.u32 @p1 s14;
	s13 =	simm.s32 @p2 $0x10  }
0x479: {  	v16 =	vmov s1;
	s4 =	sadd.s32 @p1 s4, s13  }
0x47a: {  	vm15 =	vgt.s32 v16, v0;
	s12 =	smov.u32 @p1 s4  }
0x47b: {  	[tilespmem:s12+$0x4580] =	vst.msk vm15, v15  }
0x47c: {  	v15 =	vld [tilespmem:s2+$0x3080];
	_ =	sdelay $0x2  }
0x47d: {  	p1 =	slt.s32 s1, $0x10  }
0x47e: {  	s1 =	simm.s32 @!p1 $0x10  }
0x47f: {  	[tilespmem:s12+$0x5600] =	vst.msk vm15, v15;
	s12 =	sadd.s32 s12, s1  }
.LBB2_51:
0x480: {  	v15 =	vld [tilespmem:$0x4500];
	_ =	sdelay $0x4  }
0x481: {  	(v2sf) =	vpush v15, $0x0;
	_ =	sdelay $0xe  }
0x482: {  	s25 =	spop (v2sf)  }
0x483: {  	s1 =	sadd.s32 $0xF, s25  }
0x484: {  	s2 =	sand.u32 $0xF, s1  }
0x485: {  	s31 =	sshra.s32 s1, $0x1F;
	p2 =	slt.s32 s1, $0x1;
	p1 =	sne.s32 s2, $0x0  }
0x486: {  	s2 =	sshrl.u32 s31, $0x1C;
	p1 =	por !p2, !p1  }
0x487: {  	s1 =	sadd.s32 s2, s1;
	s2 =	simm.s32 $0x1;
	p1 =	por !p1, !p1  }
0x488: {  	s1 =	sshra.s32 s1, $0x4;
	s2 =	simm.s32 @!p1 $0x0  }
0x489: {  	s1 =	ssub.s32 s1, s2  }
0x48a: {  	p1 =	slt.s32 s1, $0x1  }
.Ltmp31:
0x48b: {  	_ = 	snop;
	(pc) =	sbr.rel @p1 .LBB2_58-.Ltmp31, $2  }
0x48c: {  	_ =	sdelay $0x2  }
0x48d: {  	s4 =	simm.s32 $0x0  }
0x48e: {  	p2 =	sne.s32 s1, $0x1  }
.Ltmp32:
0x48f: {  	_ = 	snop;
	(pc) =	sbr.rel @!p2 .LBB2_53-.Ltmp32, $2  }
0x490: {  	_ =	sdelay $0x2  }
0x491: {  	s2 =	sand.u32 $0x7, s4;
	s1 =	sadd.s32 $0xFFFFFFFF, s1;
	p1 =	por $0x0, $0x0  }
0x492: {  	s2 =	sshll.u32 s2, $0x4  }
0x493: {  	s2 =	sadd.s32 $0x0, s2  }
0x494: {  	s13 =	sor.u32 $0x380, s2  }
0x495: {  	v15 =	vld [tilespmem:s13+$0x1980];
	_ =	sdelay $0x2  }
0x496: {  	v16 =	vmov s25;
	p2 =	sne.s32 s1, $0x1  }
.Ltmp33:
0x497: {  	vm0 =	vgt.s32 v16, v0;
	(pc) =	sbr.rel @!p2 .LBB2_55-.Ltmp33, $4  }
0x498: {  	[tilespmem:s12+$0x4580] =	vst.msk vm0, v15  }
0x499: {  	s31 =	simm.s32 $0x1;
	s24 =	sadd.s32 $0xFFFFFFFF, s1;
	v15 =	vld [tilespmem:s13+$0x2D80]  }
0x49a: {  	p1 =	por $0x1, $0x1;
	s15 =	simm.s32 $0x0;
	s30 =	smov.u32 s25  }
0x49b: {  	s14 =	smov.u32 s25;
	s2 =	sand.u32 $0x7, s31;
	s13 =	smov.u32 s12  }
.LBB2_56:
0x49c: {  	p2 =	sne.s32 s24, $0x1;
	s2 =	sshll.u32 s2, $0x4;
	s15 =	sadd.s32 $0x80, s15  }
0x49d: {  	s2 =	sadd.s32 s2, s15  }
0x49e: {  	s2 =	sor.u32 $0x380, s2;
	[tilespmem:s13+$0x5600] =	vst.msk vm0, v15  }
0x49f: {  	v15 =	vld [tilespmem:s2+$0x1980];
	_ =	sdelay $0x1  }
0x4a0: {  	p3 =	slt.s32 s30, $0x10;
	s14 =	sadd.s32 $0xFFFFFFF0, s14;
	s1 =	smov.u32 s30  }
0x4a1: {  	v16 =	vmov s14;
	s1 =	simm.s32 @!p3 $0x10;
	s30 =	smov.u32 s14  }
.Ltmp34:
0x4a2: {  	vm0 =	vgt.s32 v16, v0;
	s13 =	sadd.s32 s13, s1;
	(pc) =	sbr.rel @p2 .LBB2_56-.Ltmp34, $4  }
0x4a3: {  	[tilespmem:s13+$0x4580] =	vst.msk vm0, v15  }
0x4a4: {  	v15 =	vld [tilespmem:s2+$0x2D80]  }
0x4a5: {  	s31 =	sadd.s32 $0x1, s31  }
0x4a6: {  	s24 =	sadd.s32 $0xFFFFFFFF, s24;
	s2 =	sand.u32 $0x7, s31  }
.LBB2_57:
0x4a7: {  	s1 =	sadd.s32 @p1 $0x80, s15  }
0x4a8: {  	s2 =	sshll.u32 s2, $0x4;
	s4 =	smov.u32 @p1 s1  }
0x4a9: {  	s1 =	sadd.s32 s2, s4  }
0x4aa: {  	[tilespmem:s13+$0x5600] =	vst.msk @p1 vm0, v15;
	s1 =	sor.u32 $0x380, s1  }
0x4ab: {  	p2 =	slt.s32 @p1 s30, $0x10;
	v15 =	vld [tilespmem:s1+$0x1980]  }
0x4ac: {  	p2 =	por !p2, !p1;
	s2 =	sadd.s32 @p1 $0xFFFFFFF0, s14  }
0x4ad: {  	s30 =	simm.s32 @p2 $0x10;
	s25 =	smov.u32 @p1 s2  }
0x4ae: {  	s2 =	sadd.s32 @p1 s13, s30;
	v16 =	vmov s25  }
0x4af: {  	s12 =	smov.u32 @p1 s2;
	vm15 =	vgt.s32 v16, v0  }
0x4b0: {  	[tilespmem:s12+$0x4580] =	vst.msk vm15, v15  }
0x4b1: {  	v15 =	vld [tilespmem:s1+$0x2D80];
	_ =	sdelay $0x2  }
0x4b2: {  	p1 =	slt.s32 s25, $0x10  }
0x4b3: {  	s25 =	simm.s32 @!p1 $0x10  }
0x4b4: {  	[tilespmem:s12+$0x5600] =	vst.msk vm15, v15;
	s12 =	sadd.s32 s12, s25  }
.LBB2_58:
0x4b5: {  	s1 =	sadd.s32 $0xF, s12  }
0x4b6: {  	s2 =	sand.u32 $0xF, s1  }
0x4b7: {  	s31 =	sshra.s32 s1, $0x1F;
	p2 =	slt.s32 s1, $0x1;
	p1 =	sne.s32 s2, $0x0  }
.Ltmp35:
0x4b8: {  	s2 =	sshrl.u32 s31, $0x1C;
	p1 =	por !p2, !p1;
	(pc) =	sbr.rel .LBB2_59-.Ltmp35, $4  }
0x4b9: {  	s1 =	sadd.s32 s2, s1;
	s2 =	simm.s32 $0x1;
	p1 =	por !p1, !p1  }
0x4ba: {  	s1 =	sshra.s32 s1, $0x4;
	s2 =	simm.s32 @!p1 $0x0  }
0x4bb: {  	s13 =	simm.s32 $0x0;
	s4 =	simm.s32 $0x0;
	s1 =	ssub.s32 s1, s2  }
0x4bc: {  	v25 =	vmov v21;
	v24 =	vmov v20;
	v23 =	vmov v19;
	[tilespmem:s12+$0x4580] =	vst v14;
	s24 =	simm.s32 $0x0;
	s25 =	rddreg [dreg:$0x4];
	p1 =	slt.s32 s1, $0x1  }
.LBB2_61:
0x4bd: {  	s14 =	simm.s32 $0x0  }
.LBB2_66:
0x4be: {  	vm0 =	veq.f32 v19, v16;
	vm1 =	vlt.s32 v21, v17;
	s2 =	sadd.s32 @p2 $0x10, s14;
	s12 =	simm.s32 $0x0  }
0x4bf: {  	vm2 =	vgt.f32 v19, v16;
	vm0 =	vmand vm0, vm1;
	s12 =	smov.u32 @p2 s2  }
0x4c0: {  	v18 =	vor.u32 s12, v0;
	vm0 =	vmor vm2, vm0  }
0x4c1: {  	v16 =	vsel vm0, v19, v16;
	v17 =	vsel vm0, v21, v17;
	v15 =	vsel vm0, v18, v15  }
.LBB2_67:
0x4c2: {  	_ = 	snop  }
0x4c3: {  	[tilespmem:$0x8A80] =	vst v16  }
0x4c4: {  	[tilespmem:$0x8B00] =	vst v17  }
0x4c5: {  	[tilespmem:$0x8B80] =	vst v15  }
0x4c6: {  	v18 =	vld.idx.msk [tilespmem:v56+s16+$0x0], $0xffff  }
0x4c7: {  	v19 =	vld.idx.msk [tilespmem:v56+s17+$0x0], $0xffff;
	_ =	sdelay $0x4  }
0x4c8: {  	v20 =	vld.idx.msk [tilespmem:v56+s20+$0x0], $0xffff;
	vm0 =	veq.f32 v18, v16;
	vm1 =	vlt.s32 v19, v17  }
0x4c9: {  	vm2 =	vgt.f32 v18, v16;
	vm0 =	vmand vm0, vm1  }
0x4ca: {  	vm0 =	vmor vm2, vm0  }
0x4cb: {  	v16 =	vsel vm0, v18, v16  }
0x4cc: {  	v17 =	vsel vm0, v19, v17;
	[tilespmem:$0x8A80] =	vst v16  }
0x4cd: {  	v15 =	vsel vm0, v20, v15;
	[tilespmem:$0x8B00] =	vst v17  }
0x4ce: {  	[tilespmem:$0x8B80] =	vst v15  }
0x4cf: {  	v18 =	vld.idx.msk [tilespmem:v61+s16+$0x0], $0xffff  }
0x4d0: {  	v19 =	vld.idx.msk [tilespmem:v61+s17+$0x0], $0xffff;
	_ =	sdelay $0x4  }
0x4d1: {  	v20 =	vld.idx.msk [tilespmem:v61+s20+$0x0], $0xffff;
	vm7 =	veq.f32 v18, v16;
	vm8 =	vlt.s32 v19, v17  }
0x4d2: {  	vm9 =	vgt.f32 v18, v16;
	vm0 =	vmand vm7, vm8  }
0x4d3: {  	vm0 =	vmor vm9, vm0  }
0x4d4: {  	v16 =	vsel vm0, v18, v16  }
0x4d5: {  	v17 =	vsel vm0, v19, v17;
	[tilespmem:$0x8A80] =	vst v16  }
0x4d6: {  	v15 =	vsel vm0, v20, v15;
	[tilespmem:$0x8B00] =	vst v17  }
0x4d7: {  	[tilespmem:$0x8B80] =	vst v15  }
0x4d8: {  	v18 =	vld.idx.msk [tilespmem:v62+s16+$0x0], $0xffff  }
0x4d9: {  	v19 =	vld.idx.msk [tilespmem:v62+s17+$0x0], $0xffff;
	_ =	sdelay $0x4  }
0x4da: {  	v20 =	vld.idx.msk [tilespmem:v62+s20+$0x0], $0xffff;
	vm10 =	veq.f32 v18, v16;
	vm11 =	vlt.s32 v19, v17  }
0x4db: {  	vm12 =	vgt.f32 v18, v16;
	vm0 =	vmand vm10, vm11  }
0x4dc: {  	vm0 =	vmor vm12, vm0  }
0x4dd: {  	v16 =	vsel vm0, v18, v16  }
0x4de: {  	v17 =	vsel vm0, v19, v17;
	[tilespmem:$0x8A80] =	vst v16  }
0x4df: {  	v15 =	vsel vm0, v20, v15;
	[tilespmem:$0x8B00] =	vst v17  }
0x4e0: {  	[tilespmem:$0x8B80] =	vst v15  }
0x4e1: {  	v18 =	vld.idx.msk [tilespmem:v63+s16+$0x0], $0xffff  }
0x4e2: {  	v19 =	vld.idx.msk [tilespmem:v63+s17+$0x0], $0xffff;
	_ =	sdelay $0x2  }
0x4e3: {  	v20 =	vld.idx.msk [tilespmem:v63+s20+$0x0], $0xffff;
	_ =	sdelay $0x1  }
0x4e4: {  	vm13 =	veq.f32 v18, v16;
	vm14 =	vlt.s32 v19, v17  }
0x4e5: {  	v21 =	vmov s4;
	vm15 =	vgt.f32 v18, v16;
	vm0 =	vmand vm13, vm14  }
0x4e6: {  	s4 =	sadd.s32 $0x1, s4;
	vm0 =	vmor vm15, vm0  }
0x4e7: {  	p2 =	sne.s32 s4, $0x20;
	v15 =	vsel vm0, v20, v15  }
.Ltmp36:
0x4e8: {  	_ = 	snop;
	(pc) =	sbr.rel @!p2 .LBB2_68-.Ltmp36, $4  }
0x4e9: {  	v16 =	vsel vm0, v18, v16  }
0x4ea: {  	v17 =	vsel vm0, v19, v17;
	[tilespmem:v21+s21+$0x0] =	vst.idx.msk $0x1, v16  }
0x4eb: {  	[tilespmem:v21+s22+$0x0] =	vst.idx.msk $0x1, v17  }
0x4ec: {  	[tilespmem:v15+s23+$0x0] =	vst.idx.msk $0x1, v14  }
.LBB2_59:
.Ltmp37:
0x4ed: {  	(pc) =	sbr.rel @p1 .LBB2_67-.Ltmp37, $2  }
0x4ee: {  	_ =	sdelay $0x2  }
0x4ef: {  	v16 =	vimm.f32 $0.0e+00;
	v17 =	vimm.s32 $0x40000000;
	v15 =	vimm.s32 $0x0  }
0x4f0: {  	s2 =	simm.s32 $0x4580  }
0x4f1: {  	s12 =	simm.s32 $0x5600;
	p3 =	sne.s32 s1, $0x1;
	v19 =	vld [tilespmem:s2+$0x0]  }
.Ltmp38:
0x4f2: {  	v21 =	vld [tilespmem:s12+$0x0];
	(pc) =	sbr.rel @!p3 .LBB2_61-.Ltmp38, $2  }
0x4f3: {  	_ =	sdelay $0x2  }
0x4f4: {  	p2 =	por $0x0, $0x0;
	s2 =	sadd.s32 $0xFFFFFFFF, s1;
	s12 =	simm.s32 $0x4590  }
0x4f5: {  	v18 =	vld [tilespmem:s12+$0x0];
	s12 =	simm.s32 $0x5610;
	p3 =	sne.s32 s2, $0x1  }
.Ltmp39:
0x4f6: {  	v20 =	vld [tilespmem:s12+$0x0];
	(pc) =	sbr.rel @!p3 .LBB2_63-.Ltmp39, $4  }
0x4f7: {  	vm0 =	veq.f32 v19, v16;
	vm1 =	vlt.s32 v21, v17  }
0x4f8: {  	vm2 =	vgt.f32 v19, v16;
	vm0 =	vmand vm0, vm1  }
0x4f9: {  	s2 =	sadd.s32 $0xFFFFFFFF, s2;
	v22 =	vor.u32 s13, v0;
	vm0 =	vmor vm2, vm0  }
0x4fa: {  	s15 =	simm.s32 $0x45A0;
	p2 =	por $0x1, $0x1;
	s14 =	simm.s32 $0x0;
	v16 =	vsel vm0, v19, v16;
	v17 =	vsel vm0, v21, v17;
	v15 =	vsel vm0, v22, v15  }
.LBB2_64:
0x4fb: {  	v19 =	vld [tilespmem:s15+$0x0];
	vm0 =	veq.f32 v18, v16;
	vm1 =	vlt.s32 v20, v17;
	s12 =	sadd.s32 $0x10, s12;
	v21 =	vmov v20;
	p3 =	sne.s32 s2, $0x1  }
.Ltmp40:
0x4fc: {  	s2 =	sadd.s32 $0xFFFFFFFF, s2;
	vm2 =	vgt.f32 v18, v16;
	s14 =	sadd.s32 $0x10, s14;
	v20 =	vld [tilespmem:s12+$0x0];
	vm0 =	vmand vm0, vm1;
	(pc) =	sbr.rel @p3 .LBB2_64-.Ltmp40, $3  }
0x4fd: {  	v22 =	vor.u32 s14, v0;
	vm0 =	vmor vm2, vm0  }
0x4fe: {  	v16 =	vsel vm0, v18, v16;
	v17 =	vsel vm0, v21, v17;
	v15 =	vsel vm0, v22, v15;
	_ =	sdelay $0x1  }
0x4ff: {  	s15 =	sadd.s32 $0x10, s15;
	v18 =	vmov v19  }
.Ltmp41:
0x500: {  	(pc) =	sbr.rel .LBB2_66-.Ltmp41, $2  }
0x501: {  	_ =	sdelay $0x2  }
0x502: {  	v19 =	vmov v18;
	v21 =	vmov v20  }
.LBB2_63:
.Ltmp42:
0x503: {  	(pc) =	sbr.rel .LBB2_66-.Ltmp42, $2  }
0x504: {  	_ =	sdelay $0x2  }
0x505: {  	v19 =	vmov v18;
	v21 =	vmov v20;
	s14 =	simm.s32 $0x0  }
.LBB2_4:
.Ltmp43:
0x506: {  	(pc) =	sbr.rel .LBB2_8-.Ltmp43, $2  }
0x507: {  	_ =	sdelay $0x2  }
0x508: {  	s12 =	simm.s32 $0x0;
	s30 =	smov.u32 s4  }
.LBB2_11:
.Ltmp44:
0x509: {  	(pc) =	sbr.rel .LBB2_15-.Ltmp44, $2  }
0x50a: {  	_ =	sdelay $0x2  }
0x50b: {  	s1 =	smov.u32 s12;
	s15 =	smov.u32 s4  }
.LBB2_18:
.Ltmp45:
0x50c: {  	(pc) =	sbr.rel .LBB2_22-.Ltmp45, $2  }
0x50d: {  	_ =	sdelay $0x2  }
0x50e: {  	s4 =	smov.u32 s12;
	s15 =	smov.u32 s1  }
.LBB2_25:
.Ltmp46:
0x50f: {  	(pc) =	sbr.rel .LBB2_29-.Ltmp46, $2  }
0x510: {  	_ =	sdelay $0x2  }
0x511: {  	s4 =	smov.u32 s12;
	s15 =	smov.u32 s1  }
.LBB2_32:
.Ltmp47:
0x512: {  	(pc) =	sbr.rel .LBB2_36-.Ltmp47, $2  }
0x513: {  	_ =	sdelay $0x2  }
0x514: {  	s4 =	smov.u32 s12;
	s15 =	smov.u32 s1  }
.LBB2_39:
.Ltmp48:
0x515: {  	(pc) =	sbr.rel .LBB2_43-.Ltmp48, $2  }
0x516: {  	_ =	sdelay $0x2  }
0x517: {  	s4 =	smov.u32 s12;
	s15 =	smov.u32 s1  }
.LBB2_46:
.Ltmp49:
0x518: {  	(pc) =	sbr.rel .LBB2_50-.Ltmp49, $2  }
0x519: {  	_ =	sdelay $0x2  }
0x51a: {  	s4 =	smov.u32 s12;
	s15 =	smov.u32 s1  }
.LBB2_53:
.Ltmp50:
0x51b: {  	(pc) =	sbr.rel .LBB2_57-.Ltmp50, $2  }
0x51c: {  	_ =	sdelay $0x2  }
0x51d: {  	s15 =	simm.s32 $0x0;
	s13 =	smov.u32 s12;
	s14 =	smov.u32 s25  }
.LBB2_6:
.Ltmp51:
0x51e: {  	(pc) =	sbr.rel .LBB2_8-.Ltmp51, $2  }
0x51f: {  	_ =	sdelay $0x2  }
0x520: {  	s12 =	simm.s32 $0x0;
	s13 =	smov.u32 s4;
	s30 =	smov.u32 s4  }
.LBB2_13:
.Ltmp52:
0x521: {  	(pc) =	sbr.rel .LBB2_15-.Ltmp52, $2  }
0x522: {  	_ =	sdelay $0x2  }
0x523: {  	s1 =	smov.u32 s12;
	s13 =	smov.u32 s4;
	s15 =	smov.u32 s4  }
.LBB2_20:
.Ltmp53:
0x524: {  	(pc) =	sbr.rel .LBB2_22-.Ltmp53, $2  }
0x525: {  	_ =	sdelay $0x2  }
0x526: {  	s4 =	smov.u32 s12;
	s13 =	smov.u32 s1;
	s15 =	smov.u32 s1  }
.LBB2_27:
.Ltmp54:
0x527: {  	(pc) =	sbr.rel .LBB2_29-.Ltmp54, $2  }
0x528: {  	_ =	sdelay $0x2  }
0x529: {  	s4 =	smov.u32 s12;
	s13 =	smov.u32 s1;
	s15 =	smov.u32 s1  }
.LBB2_34:
.Ltmp55:
0x52a: {  	(pc) =	sbr.rel .LBB2_36-.Ltmp55, $2  }
0x52b: {  	_ =	sdelay $0x2  }
0x52c: {  	s4 =	smov.u32 s12;
	s13 =	smov.u32 s1;
	s15 =	smov.u32 s1  }
.LBB2_41:
.Ltmp56:
0x52d: {  	(pc) =	sbr.rel .LBB2_43-.Ltmp56, $2  }
0x52e: {  	_ =	sdelay $0x2  }
0x52f: {  	s4 =	smov.u32 s12;
	s13 =	smov.u32 s1;
	s15 =	smov.u32 s1  }
.LBB2_48:
.Ltmp57:
0x530: {  	(pc) =	sbr.rel .LBB2_50-.Ltmp57, $2  }
0x531: {  	_ =	sdelay $0x2  }
0x532: {  	s4 =	smov.u32 s12;
	s13 =	smov.u32 s1;
	s15 =	smov.u32 s1  }
.LBB2_55:
.Ltmp58:
0x533: {  	(pc) =	sbr.rel .LBB2_57-.Ltmp58, $3  }
0x534: {  	_ =	sdelay $0x1  }
0x535: {  	s15 =	simm.s32 $0x0  }
0x536: {  	s13 =	smov.u32 s12;
	s30 =	smov.u32 s25;
	s14 =	smov.u32 s25  }
.LBB2_70:
0x537: {  	_ =	sfence.sel $0x180000  }
0x538: {  	[bflag:$0x0] =	sbarrier.arrive $0xFFFF  }
0x539: {  	_ =	strace $0x90000047  }
0x53a: {  	s0 =	stileid.u32;
	[bflag:$0x2] =	sbarrier.arrive $0xFFFF  }
0x53b: {  	p0 =	sne.s32 s0, $0x0;
	s0 =	rddreg [dreg:$0x3]  }
0x53c: {  	s0 =	sadd.s32 @!p0 $0x100000, s0  }
0x53d: {  	[sflag:s0] =	ssyncadd.tile.s32 @!p0 $0x1;
	_ =	shalt  }
.Lfunc_end2:
_tile_overlayer_lowered:
.L_overlay_start_2:
0x53e: {  	(tag) =	ssettag $0x2  }
0x53f: {  	s0 =	rddreg [dreg:$0x0];
	s2 =	stileid.u32  }
0x540: {  	s1 =	rddreg [dreg:$0x1];
	p0 =	sne.s32 s2, $0x0  }
0x541: {  	s3 =	rddreg [dreg:$0x2];
	[bflag:$0x3] =	sbarrier.arrive $0xFFFF;
	s2 =	simm.s32 @!p0 $0x1C01  }
0x542: {  	[timem:s3], [sflag:s2] =	dma.local @!p0 [hbm:s0], s1  }
0x543: {  	s0 =	simm.s32 @!p0 $0x1  }
0x544: {  	_ =	swait.ge @!p0 [sflag:s0], s1  }
0x545: {  	s1 =	ssub.s32 @!p0 $0x0, s1;
	[sflag:s0] =	ssyncset.done @!p0 $0x0  }
0x546: {  	[sflag:s0] =	ssyncadd.s32 @!p0 s1  }
0x547: {  	[bflag:$0x3] =	sbarrier.arrive $0xFFFF  }
0x548: {  	_ =	shalt  }

</sc_bundles>
